<compile_context>
chip_gen: v7x
topology: tpu7x:2x2x1
jax: 0.10.2.dev20260603
libtpu: 0.0.44.dev20260713+nightly
codegen_flags: <defaults>
</compile_context>

<pallas_src>
import functools

import jax
import jax.numpy as jnp
import numpy as np
from jax import lax
from jax.experimental import pallas as pl
from jax.experimental.pallas import tpu as pltpu
from jax.experimental.pallas import tpu_sc as plsc

B = 16384
C = 128
T = 1000
EPS = 0.0001

_NC = 2
_NS = 16
_NW = _NC * _NS
_BPW = B // _NW
_TPS = 64
_L = 16
_NG = _TPS // _L

_COS_COEFFS = (0.9999616146087646, -19.73118019104004, 64.67359161376953,
               -82.38470458984375, 45.564125061035156)
_INV2PI = np.float32(1.0 / (2.0 * np.pi))
_RB = np.float32(1.5 * 2.0 ** 23)
_SQRT2 = np.float32(np.sqrt(2.0))
_EPS_SCALED = np.float32(np.sqrt(C) * EPS)


def _lane(v, j):
    return jnp.take_along_axis(v, jnp.full((_L,), j, jnp.int32), axis=0)


def _cos_turns(rf):
    k = (rf + _RB) - _RB
    t = rf - k
    s = t * t
    p = jnp.full((_L,), _COS_COEFFS[-1], jnp.float32)
    for c in _COS_COEFFS[-2::-1]:
        p = p * s + np.float32(c)
    return p


def _sc_body(t_hbm, loss_hbm, ab_hbm, lam_hbm, iw_hbm, fq_hbm, ph_hbm,
             w_hbm, mean_hbm, std_hbm, out_hbm, scaled_hbm,
             idx_v, loss_v, f1g_v, f2g_v, o1_v, o2_v, fq_v, ph_v, w_v,
             ms_v, ab_v, lam_v, iw_v, f1loc, f2loc, f1_sh, f2_sh,
             *sems):
    cid = lax.axis_index("c")
    sid = lax.axis_index("s")
    wid = sid * _NC + cid
    base = wid * _BPW
    tbase = jnp.minimum(sid * _TPS, T - _TPS)

    copies = [
        pltpu.async_copy(fq_hbm, fq_v, sems[0]),
        pltpu.async_copy(ph_hbm, ph_v, sems[1]),
        pltpu.async_copy(w_hbm, w_v, sems[2]),
        pltpu.async_copy(mean_hbm, ms_v.at[pl.ds(0, 1)], sems[3]),
        pltpu.async_copy(std_hbm, ms_v.at[pl.ds(8, 1)], sems[4]),
        pltpu.async_copy(ab_hbm.at[pl.ds(tbase, _TPS)], ab_v, sems[5]),
        pltpu.async_copy(lam_hbm.at[pl.ds(tbase, _TPS)], lam_v, sems[6]),
        pltpu.async_copy(iw_hbm.at[pl.ds(tbase, _TPS)], iw_v, sems[7]),
        pltpu.async_copy(t_hbm.at[pl.ds(base, _BPW)], idx_v, sems[8]),
        pltpu.async_copy(loss_hbm.at[pl.ds(base, _BPW)], loss_v, sems[9]),
    ]
    copies[2].wait()

    acc = jnp.zeros((_L,), jnp.float32)
    for v in range(C // _L):
        wv = w_v[pl.ds(v * _L, _L)]
        acc = acc + wv * wv
    svec = jnp.zeros((_L,), jnp.float32) + jnp.sum(acc)
    seed = jnp.full((_L,), np.int32(0x5F3759DF), jnp.int32) - \
        lax.shift_right_logical(plsc.bitcast(svec, jnp.int32), 1)
    y = plsc.bitcast(seed, jnp.float32)
    for _ in range(3):
        y = y * (np.float32(1.5) - (np.float32(0.5) * svec) * y * y)
    normv = svec * y
    scalev = _SQRT2 / (_EPS_SCALED + normv)

    copies[3].wait()
    copies[4].wait()
    copies[5].wait()
    msv = ms_v[pl.ds(0, _L)]
    meanv = _lane(msv, 0)
    stdv = _lane(msv, 8)
    cns = [(ab_v[pl.ds(g * _L, _L)] - meanv) / stdv for g in range(_NG)]

    copies[0].wait()
    copies[1].wait()

    def cbody(c16, accs):
        accs = list(accs)
        coff = c16 * _L
        ft = fq_v[pl.ds(coff, _L)] * _INV2PI
        pt = ph_v[pl.ds(coff, _L)] * _INV2PI
        w16 = w_v[pl.ds(coff, _L)]
        for j in range(_L):
            fb = _lane(ft, j)
            pb = _lane(pt, j)
            wb = _lane(w16, j)
            for g in range(_NG):
                accs[g] = accs[g] + _cos_turns(cns[g] * fb + pb) * wb
        return tuple(accs)

    zero = jnp.zeros((_L,), jnp.float32)
    accs = lax.fori_loop(0, C // _L, cbody, (zero,) * _NG)

    copies[6].wait()
    copies[7].wait()
    for g in range(_NG):
        alw = accs[g] * scalev
        sl = pl.ds(g * _L, _L)
        f1loc[sl] = lam_v[sl] * jnp.exp(-alw)
        f2loc[sl] = iw_v[sl] * alw

    pltpu.sync_copy(f1loc, f1_sh.at[pl.ds(tbase, _TPS)])
    pltpu.sync_copy(f2loc, f2_sh.at[pl.ds(tbase, _TPS)])
    copies[8].wait()
    plsc.subcore_barrier()

    gathers = [
        pltpu.async_copy(f1_sh.at[idx_v], f1g_v, sems[10]),
        pltpu.async_copy(f2_sh.at[idx_v], f2g_v, sems[11]),
    ]
    copies[9].wait()
    for g_ in gathers:
        g_.wait()
    half = _BPW // 2
    outs = []
    for h in range(2):
        for i in range(half // _L):
            sl = pl.ds(h * half + i * _L, _L)
            ls = loss_v[sl] * f1g_v[sl]
            o2_v[sl] = ls
            o1_v[sl] = ls + f2g_v[sl]
        hs = pl.ds(h * half, half)
        outs.append(pltpu.async_copy(
            o1_v.at[hs], out_hbm.at[pl.ds(base + h * half, half)],
            sems[12 + h]))
        outs.append(pltpu.async_copy(
            o2_v.at[hs], scaled_hbm.at[pl.ds(base + h * half, half)],
            sems[14 + h]))
    for o_ in outs:
        o_.wait()


@functools.cache
def _get_sc_kernel():
    return pl.kernel(
        _sc_body,
        out_type=(jax.ShapeDtypeStruct((B,), jnp.float32),
                  jax.ShapeDtypeStruct((B,), jnp.float32)),
        mesh=plsc.VectorSubcoreMesh(core_axis_name="c",
                                    subcore_axis_name="s",
                                    num_cores=_NC, num_subcores=_NS),
        compiler_params=pltpu.CompilerParams(needs_layout_passes=False),
        scratch_types=[
            pltpu.VMEM((_BPW,), jnp.int32),
            pltpu.VMEM((_BPW,), jnp.float32),
            pltpu.VMEM((_BPW,), jnp.float32),
            pltpu.VMEM((_BPW,), jnp.float32),
            pltpu.VMEM((_BPW,), jnp.float32),
            pltpu.VMEM((_BPW,), jnp.float32),
            pltpu.VMEM((C,), jnp.float32),
            pltpu.VMEM((C,), jnp.float32),
            pltpu.VMEM((C,), jnp.float32),
            pltpu.VMEM((_L,), jnp.float32),
            pltpu.VMEM((_TPS,), jnp.float32),
            pltpu.VMEM((_TPS,), jnp.float32),
            pltpu.VMEM((_TPS,), jnp.float32),
            pltpu.VMEM((_TPS,), jnp.float32),
            pltpu.VMEM((_TPS,), jnp.float32),
            pltpu.VMEM_SHARED((T,), jnp.float32),
            pltpu.VMEM_SHARED((T,), jnp.float32),
        ] + [pltpu.SemaphoreType.DMA] * 18,
    )


def kernel(loss, timesteps, freqs, phases, weight, alphas_cumprod,
           a_bar_mean, a_bar_std, lambda_weights, importance_weights):
    loss_out, loss_scaled = _get_sc_kernel()(
        timesteps.astype(jnp.int32), loss, alphas_cumprod, lambda_weights,
        importance_weights, freqs, phases, weight.reshape(C),
        a_bar_mean.reshape(1), a_bar_std.reshape(1))
    return (loss_out, loss_scaled)

# --- scband reference (transcript-rebuilt; emitter-appended) ---
"""Pipeline reference for scband-adaptive-loss-weight-mlp-58059367907621 (READ-ONLY COPY).

The authoritative reference and input builder live on the scoring server;
editing this copy changes nothing except your own understanding.
"""

import jax, jax.numpy as jnp
import numpy as np

B = 16384
C = 128
T = 1000
EPS = 0.0001


def setup_inputs(seed: int = 0) -> dict:
    key = jax.random.key(seed)
    ks = jax.random.split(key, 6)
    loss = jax.random.uniform(ks[0], (B,), dtype=jnp.float32)
    timesteps = jax.random.randint(ks[1], (B,), 0, T).astype(jnp.int64)
    # FourierFeatureExtractor buffers
    freqs = 2.0 * np.pi * jax.random.normal(ks[2], (C,), dtype=jnp.float32)  # bandwidth=1
    phases = 2.0 * np.pi * jax.random.uniform(ks[3], (C,), dtype=jnp.float32)
    # NormalizedLinearLayer weight [out=1, in=C]
    weight = jax.random.normal(ks[4], (1, C), dtype=jnp.float32)
    # DDPM scheduler defaults: betas linspace(1e-4, 0.02, 1000), alphas_cumprod = cumprod(1-betas)
    betas = jnp.linspace(1e-4, 0.02, T, dtype=jnp.float32)
    alphas_cumprod = jnp.cumprod(1.0 - betas)
    a_bar_mean = alphas_cumprod.mean()
    a_bar_std = jnp.std(alphas_cumprod, ddof=1)  # torch .std() is unbiased
    lambda_weights = jnp.ones((T,), dtype=jnp.float32)
    # importance weights: snr = a_bar/(1-a_bar); min_snr_gamma = 10*(1+1/1)*min(snr,1)/(snr+1)
    snr = alphas_cumprod / (1.0 - alphas_cumprod)
    min_snr_gamma = 10.0 * (1.0 + 1.0 / 1.0) * jnp.minimum(snr, jnp.full_like(snr, 1.0))
    min_snr_gamma = min_snr_gamma / (snr + 1.0)
    iw = jnp.ones((T,), dtype=jnp.float32)
    importance_weights = jnp.where(iw > min_snr_gamma, iw, min_snr_gamma)
    return {
        "loss": loss,
        "timesteps": timesteps,
        "freqs": freqs,
        "phases": phases,
        "weight": weight,
        "alphas_cumprod": alphas_cumprod,
        "a_bar_mean": a_bar_mean,
        "a_bar_std": a_bar_std,
        "lambda_weights": lambda_weights,
        "importance_weights": importance_weights,
    }


def _normalize_w(w):
    # normalize(x, dim=[1], eps=1e-4): norm = ||w||_2 over dim 1 keepdim; norm = eps + sqrt(norm.numel()/w.numel())*norm
    norm = jnp.linalg.norm(w.astype(jnp.float32), axis=1, keepdims=True)
    alpha = np.sqrt(norm.size / w.size)
    norm = EPS + alpha * norm
    return w / norm


def reference(loss, timesteps, freqs, phases, weight, alphas_cumprod, a_bar_mean, a_bar_std, lambda_weights, importance_weights):
    t = timesteps.astype(jnp.int32)
    # _forward: c_noise from standardized alphas_cumprod (embedding lookup)
    a_bar = jnp.take(alphas_cumprod, t, axis=0)
    c_noise = (a_bar - a_bar_mean) / a_bar_std
    # FourierFeatureExtractor: ger + phases, cos * sqrt(2)
    y = jnp.outer(c_noise, freqs) + phases
    y = jnp.cos(y) * np.sqrt(2.0)
    # NormalizedLinearLayer (eval mode), gain=1
    w = _normalize_w(weight)
    w = w * (1.0 / np.sqrt(w.shape[1]))
    adaptive_loss_weights = (y @ w.T).squeeze(-1)  # [B]
    lam = jnp.take(lambda_weights, t, axis=0)
    iw = jnp.take(importance_weights, t, axis=0)
    loss_scaled = loss * (lam / jnp.exp(adaptive_loss_weights))
    loss_out = loss_scaled + iw * adaptive_loss_weights
    return (loss_out, loss_scaled)

if __name__ == "__main__":
    import jax
    _d = setup_inputs()
    print(jax.jit(kernel)(*tuple(_d.values())))

</pallas_src>

<mosaic_0001>
#map = affine_map<(d0, d1) -> (0)>
module attributes {stable_mosaic.version = 14 : i64} {
  func.func @_sc_body(%arg0: i32, %arg1: i32, %arg2: memref<16384xi32, #tpu.memory_space<hbm>>, %arg3: memref<16384xf32, #tpu.memory_space<hbm>>, %arg4: memref<1000xf32, #tpu.memory_space<hbm>>, %arg5: memref<1000xf32, #tpu.memory_space<hbm>>, %arg6: memref<1000xf32, #tpu.memory_space<hbm>>, %arg7: memref<128xf32, #tpu.memory_space<hbm>>, %arg8: memref<128xf32, #tpu.memory_space<hbm>>, %arg9: memref<128xf32, #tpu.memory_space<hbm>>, %arg10: memref<1xf32, #tpu.memory_space<hbm>>, %arg11: memref<1xf32, #tpu.memory_space<hbm>>, %arg12: memref<16384xf32, #tpu.memory_space<hbm>>, %arg13: memref<16384xf32, #tpu.memory_space<hbm>>, %arg14: memref<512xi32, #tpu.memory_space<vmem>>, %arg15: memref<512xf32, #tpu.memory_space<vmem>>, %arg16: memref<512xf32, #tpu.memory_space<vmem>>, %arg17: memref<512xf32, #tpu.memory_space<vmem>>, %arg18: memref<512xf32, #tpu.memory_space<vmem>>, %arg19: memref<512xf32, #tpu.memory_space<vmem>>, %arg20: memref<128xf32, #tpu.memory_space<vmem>>, %arg21: memref<128xf32, #tpu.memory_space<vmem>>, %arg22: memref<128xf32, #tpu.memory_space<vmem>>, %arg23: memref<16xf32, #tpu.memory_space<vmem>>, %arg24: memref<64xf32, #tpu.memory_space<vmem>>, %arg25: memref<64xf32, #tpu.memory_space<vmem>>, %arg26: memref<64xf32, #tpu.memory_space<vmem>>, %arg27: memref<64xf32, #tpu.memory_space<vmem>>, %arg28: memref<64xf32, #tpu.memory_space<vmem>>, %arg29: memref<1000xf32, #tpu.memory_space<vmem_shared>>, %arg30: memref<1000xf32, #tpu.memory_space<vmem_shared>>, %arg31: memref<!tpu.dma_semaphore, #tpu.memory_space<semaphore_mem>>, %arg32: memref<!tpu.dma_semaphore, #tpu.memory_space<semaphore_mem>>, %arg33: memref<!tpu.dma_semaphore, #tpu.memory_space<semaphore_mem>>, %arg34: memref<!tpu.dma_semaphore, #tpu.memory_space<semaphore_mem>>, %arg35: memref<!tpu.dma_semaphore, #tpu.memory_space<semaphore_mem>>, %arg36: memref<!tpu.dma_semaphore, #tpu.memory_space<semaphore_mem>>, %arg37: memref<!tpu.dma_semaphore, #tpu.memory_space<semaphore_mem>>, %arg38: memref<!tpu.dma_semaphore, #tpu.memory_space<semaphore_mem>>, %arg39: memref<!tpu.dma_semaphore, #tpu.memory_space<semaphore_mem>>, %arg40: memref<!tpu.dma_semaphore, #tpu.memory_space<semaphore_mem>>, %arg41: memref<!tpu.dma_semaphore, #tpu.memory_space<semaphore_mem>>, %arg42: memref<!tpu.dma_semaphore, #tpu.memory_space<semaphore_mem>>, %arg43: memref<!tpu.dma_semaphore, #tpu.memory_space<semaphore_mem>>, %arg44: memref<!tpu.dma_semaphore, #tpu.memory_space<semaphore_mem>>, %arg45: memref<!tpu.dma_semaphore, #tpu.memory_space<semaphore_mem>>, %arg46: memref<!tpu.dma_semaphore, #tpu.memory_space<semaphore_mem>>, %arg47: memref<!tpu.dma_semaphore, #tpu.memory_space<semaphore_mem>>, %arg48: memref<!tpu.dma_semaphore, #tpu.memory_space<semaphore_mem>>) attributes {dimension_semantics = [#tpu.dimension_semantics<core_parallel>, #tpu.dimension_semantics<subcore_parallel>], iteration_bounds = array<i64: 2, 16>, scalar_prefetch = 0 : i64, scratch_operands = 35 : i64, tpu.core_type = #tpu.core_type<sc_vector_subcore>, window_params = [{transform_indices = #map}, {transform_indices = #map}, {transform_indices = #map}, {transform_indices = #map}, {transform_indices = #map}, {transform_indices = #map}, {transform_indices = #map}, {transform_indices = #map}, {transform_indices = #map}, {transform_indices = #map}, {transform_indices = #map}, {transform_indices = #map}]} {
    %mul3A = arith.constant 2 : i32
    %mul3A_0 = arith.muli %arg1, %mul3A : i32
    %add3A = arith.addi %mul3A_0, %arg0 : i32
    %mul3A_1 = arith.constant 512 : i32
    %mul3A_2 = arith.muli %add3A, %mul3A_1 : i32
    %mul3A_3 = arith.constant 64 : i32
    %mul3A_4 = arith.muli %arg1, %mul3A_3 : i32
    %min3A = arith.constant 936 : i32
    %min3A_5 = arith.minsi %mul3A_4, %min3A : i32
    tpu.enqueue_dma source(%arg7 : memref<128xf32, #tpu.memory_space<hbm>>) target(%arg20 : memref<128xf32, #tpu.memory_space<vmem>>) target_semaphore(%arg31 : memref<!tpu.dma_semaphore, #tpu.memory_space<semaphore_mem>>)
    tpu.enqueue_dma source(%arg8 : memref<128xf32, #tpu.memory_space<hbm>>) target(%arg21 : memref<128xf32, #tpu.memory_space<vmem>>) target_semaphore(%arg32 : memref<!tpu.dma_semaphore, #tpu.memory_space<semaphore_mem>>)
    tpu.enqueue_dma source(%arg9 : memref<128xf32, #tpu.memory_space<hbm>>) target(%arg22 : memref<128xf32, #tpu.memory_space<vmem>>) target_semaphore(%arg33 : memref<!tpu.dma_semaphore, #tpu.memory_space<semaphore_mem>>)
    %dma_start3A = arith.constant 0 : i32
    %dma_start3A_6 = tpu.memref_slice %arg23[%dma_start3A] : memref<16xf32, #tpu.memory_space<vmem>> -> memref<1xf32, #tpu.memory_space<vmem>>
    %dma_start3A_7 = arith.constant 0 : i32
    %dma_start3A_8 = tpu.memref_slice %arg23[%dma_start3A_7] : memref<16xf32, #tpu.memory_space<vmem>> -> memref<1xf32, #tpu.memory_space<vmem>>
    tpu.enqueue_dma source(%arg10 : memref<1xf32, #tpu.memory_space<hbm>>) target(%dma_start3A_8 : memref<1xf32, #tpu.memory_space<vmem>>) target_semaphore(%arg34 : memref<!tpu.dma_semaphore, #tpu.memory_space<semaphore_mem>>)
    %dma_start3A_9 = arith.constant 8 : i32
    %dma_start3A_10 = tpu.memref_slice %arg23[%dma_start3A_9] : memref<16xf32, #tpu.memory_space<vmem>> -> memref<1xf32, #tpu.memory_space<vmem>>
    %dma_start3A_11 = arith.constant 8 : i32
    %dma_start3A_12 = tpu.memref_slice %arg23[%dma_start3A_11] : memref<16xf32, #tpu.memory_space<vmem>> -> memref<1xf32, #tpu.memory_space<vmem>>
    tpu.enqueue_dma source(%arg11 : memref<1xf32, #tpu.memory_space<hbm>>) target(%dma_start3A_12 : memref<1xf32, #tpu.memory_space<vmem>>) target_semaphore(%arg35 : memref<!tpu.dma_semaphore, #tpu.memory_space<semaphore_mem>>)
    %dma_start3A_13 = tpu.memref_slice %arg4[%min3A_5] : memref<1000xf32, #tpu.memory_space<hbm>> -> memref<64xf32, #tpu.memory_space<hbm>>
    %dma_start3A_14 = tpu.memref_slice %arg4[%min3A_5] : memref<1000xf32, #tpu.memory_space<hbm>> -> memref<64xf32, #tpu.memory_space<hbm>>
    tpu.enqueue_dma source(%dma_start3A_14 : memref<64xf32, #tpu.memory_space<hbm>>) target(%arg24 : memref<64xf32, #tpu.memory_space<vmem>>) target_semaphore(%arg36 : memref<!tpu.dma_semaphore, #tpu.memory_space<semaphore_mem>>)
    %dma_start3A_15 = tpu.memref_slice %arg5[%min3A_5] : memref<1000xf32, #tpu.memory_space<hbm>> -> memref<64xf32, #tpu.memory_space<hbm>>
    %dma_start3A_16 = tpu.memref_slice %arg5[%min3A_5] : memref<1000xf32, #tpu.memory_space<hbm>> -> memref<64xf32, #tpu.memory_space<hbm>>
    tpu.enqueue_dma source(%dma_start3A_16 : memref<64xf32, #tpu.memory_space<hbm>>) target(%arg25 : memref<64xf32, #tpu.memory_space<vmem>>) target_semaphore(%arg37 : memref<!tpu.dma_semaphore, #tpu.memory_space<semaphore_mem>>)
    %dma_start3A_17 = tpu.memref_slice %arg6[%min3A_5] : memref<1000xf32, #tpu.memory_space<hbm>> -> memref<64xf32, #tpu.memory_space<hbm>>
    %dma_start3A_18 = tpu.memref_slice %arg6[%min3A_5] : memref<1000xf32, #tpu.memory_space<hbm>> -> memref<64xf32, #tpu.memory_space<hbm>>
    tpu.enqueue_dma source(%dma_start3A_18 : memref<64xf32, #tpu.memory_space<hbm>>) target(%arg26 : memref<64xf32, #tpu.memory_space<vmem>>) target_semaphore(%arg38 : memref<!tpu.dma_semaphore, #tpu.memory_space<semaphore_mem>>)
    %dma_start3A_19 = tpu.memref_slice %arg2[%mul3A_2] : memref<16384xi32, #tpu.memory_space<hbm>> -> memref<512xi32, #tpu.memory_space<hbm>>
    %dma_start3A_20 = tpu.memref_slice %arg2[%mul3A_2] : memref<16384xi32, #tpu.memory_space<hbm>> -> memref<512xi32, #tpu.memory_space<hbm>>
    tpu.enqueue_dma source(%dma_start3A_20 : memref<512xi32, #tpu.memory_space<hbm>>) target(%arg14 : memref<512xi32, #tpu.memory_space<vmem>>) target_semaphore(%arg39 : memref<!tpu.dma_semaphore, #tpu.memory_space<semaphore_mem>>)
    %dma_start3A_21 = tpu.memref_slice %arg3[%mul3A_2] : memref<16384xf32, #tpu.memory_space<hbm>> -> memref<512xf32, #tpu.memory_space<hbm>>
    %dma_start3A_22 = tpu.memref_slice %arg3[%mul3A_2] : memref<16384xf32, #tpu.memory_space<hbm>> -> memref<512xf32, #tpu.memory_space<hbm>>
    tpu.enqueue_dma source(%dma_start3A_22 : memref<512xf32, #tpu.memory_space<hbm>>) target(%arg15 : memref<512xf32, #tpu.memory_space<vmem>>) target_semaphore(%arg40 : memref<!tpu.dma_semaphore, #tpu.memory_space<semaphore_mem>>)
    tpu.wait_dma2 semaphore(%arg33 : memref<!tpu.dma_semaphore, #tpu.memory_space<semaphore_mem>>) src(%arg9 : memref<128xf32, #tpu.memory_space<hbm>>) dst(%arg22 : memref<128xf32, #tpu.memory_space<vmem>>)
    %broadcast_in_dim3A = arith.constant 0.000000e+00 : f32
    %broadcast_in_dim3A_23 = vector.broadcast %broadcast_in_dim3A : f32 to vector<16xf32>
    %get3A = arith.constant 0 : index
    %get3A_24 = tpu.vector_load %arg22[%get3A] {strides = array<i32>} : memref<128xf32, #tpu.memory_space<vmem>>, vector<16xf32>,
    %mul3A_25 = arith.mulf %get3A_24, %get3A_24 : vector<16xf32>
    %add3A_26 = arith.addf %broadcast_in_dim3A_23, %mul3A_25 : vector<16xf32>
    %get3A_27 = arith.constant 16 : index
    %get3A_28 = tpu.vector_load %arg22[%get3A_27] {strides = array<i32>} : memref<128xf32, #tpu.memory_space<vmem>>, vector<16xf32>,
    %mul3A_29 = arith.mulf %get3A_28, %get3A_28 : vector<16xf32>
    %add3A_30 = arith.addf %add3A_26, %mul3A_29 : vector<16xf32>
    %get3A_31 = arith.constant 32 : index
    %get3A_32 = tpu.vector_load %arg22[%get3A_31] {strides = array<i32>} : memref<128xf32, #tpu.memory_space<vmem>>, vector<16xf32>,
    %mul3A_33 = arith.mulf %get3A_32, %get3A_32 : vector<16xf32>
    %add3A_34 = arith.addf %add3A_30, %mul3A_33 : vector<16xf32>
    %get3A_35 = arith.constant 48 : index
    %get3A_36 = tpu.vector_load %arg22[%get3A_35] {strides = array<i32>} : memref<128xf32, #tpu.memory_space<vmem>>, vector<16xf32>,
    %mul3A_37 = arith.mulf %get3A_36, %get3A_36 : vector<16xf32>
    %add3A_38 = arith.addf %add3A_34, %mul3A_37 : vector<16xf32>
    %get3A_39 = arith.constant 64 : index
    %get3A_40 = tpu.vector_load %arg22[%get3A_39] {strides = array<i32>} : memref<128xf32, #tpu.memory_space<vmem>>, vector<16xf32>,
    %mul3A_41 = arith.mulf %get3A_40, %get3A_40 : vector<16xf32>
    %add3A_42 = arith.addf %add3A_38, %mul3A_41 : vector<16xf32>
    %get3A_43 = arith.constant 80 : index
    %get3A_44 = tpu.vector_load %arg22[%get3A_43] {strides = array<i32>} : memref<128xf32, #tpu.memory_space<vmem>>, vector<16xf32>,
    %mul3A_45 = arith.mulf %get3A_44, %get3A_44 : vector<16xf32>
    %add3A_46 = arith.addf %add3A_42, %mul3A_45 : vector<16xf32>
    %get3A_47 = arith.constant 96 : index
    %get3A_48 = tpu.vector_load %arg22[%get3A_47] {strides = array<i32>} : memref<128xf32, #tpu.memory_space<vmem>>, vector<16xf32>,
    %mul3A_49 = arith.mulf %get3A_48, %get3A_48 : vector<16xf32>
    %add3A_50 = arith.addf %add3A_46, %mul3A_49 : vector<16xf32>
    %get3A_51 = arith.constant 112 : index
    %get3A_52 = tpu.vector_load %arg22[%get3A_51] {strides = array<i32>} : memref<128xf32, #tpu.memory_space<vmem>>, vector<16xf32>,
    %mul3A_53 = arith.mulf %get3A_52, %get3A_52 : vector<16xf32>
    %add3A_54 = arith.addf %add3A_50, %mul3A_53 : vector<16xf32>
    %broadcast_in_dim3A_55 = arith.constant 0.000000e+00 : f32
    %broadcast_in_dim3A_56 = vector.broadcast %broadcast_in_dim3A_55 : f32 to vector<16xf32>
    %reduce_sum3A = arith.constant true
    %reduce_sum3A_57 = vector.broadcast %reduce_sum3A : i1 to vector<16xi1>
    %reduce_sum3A_58 = tpu.scan <sum>, %add3A_54 masked %reduce_sum3A_57 : vector<16xf32>, vector<16xi1> -> vector<16xf32>
    %reduce_sum3A_59 = vector.extract %reduce_sum3A_58[15] : f32 from vector<16xf32>
    %add3A_60 = vector.broadcast %reduce_sum3A_59 : f32 to vector<16xf32>
    %add3A_61 = arith.addf %broadcast_in_dim3A_56, %add3A_60 : vector<16xf32>
    %broadcast_in_dim3A_62 = arith.constant 1597463007 : i32
    %broadcast_in_dim3A_63 = vector.broadcast %broadcast_in_dim3A_62 : i32 to vector<16xi32>
    %bitcast3A = vector.bitcast %add3A_61 : vector<16xf32> to vector<16xi32>
    %shift_right_logical3A = arith.constant 1 : i32
    %shift_right_logical3A_64 = vector.broadcast %shift_right_logical3A : i32 to vector<16xi32>
    %shift_right_logical3A_65 = arith.shrui %bitcast3A, %shift_right_logical3A_64 : vector<16xi32>
    %sub3A = arith.subi %broadcast_in_dim3A_63, %shift_right_logical3A_65 : vector<16xi32>
    %bitcast3A_66 = vector.bitcast %sub3A : vector<16xi32> to vector<16xf32>
    %mul3A_67 = arith.constant 5.000000e-01 : f32
    %mul3A_68 = vector.broadcast %mul3A_67 : f32 to vector<16xf32>
    %mul3A_69 = arith.mulf %mul3A_68, %add3A_61 : vector<16xf32>
    %mul3A_70 = arith.mulf %mul3A_69, %bitcast3A_66 : vector<16xf32>
    %mul3A_71 = arith.mulf %mul3A_70, %bitcast3A_66 : vector<16xf32>
    %sub3A_72 = arith.constant 1.500000e+00 : f32
    %sub3A_73 = vector.broadcast %sub3A_72 : f32 to vector<16xf32>
    %sub3A_74 = arith.subf %sub3A_73, %mul3A_71 : vector<16xf32>
    %mul3A_75 = arith.mulf %bitcast3A_66, %sub3A_74 : vector<16xf32>
    %mul3A_76 = arith.constant 5.000000e-01 : f32
    %mul3A_77 = vector.broadcast %mul3A_76 : f32 to vector<16xf32>
    %mul3A_78 = arith.mulf %mul3A_77, %add3A_61 : vector<16xf32>
    %mul3A_79 = arith.mulf %mul3A_78, %mul3A_75 : vector<16xf32>
    %mul3A_80 = arith.mulf %mul3A_79, %mul3A_75 : vector<16xf32>
    %sub3A_81 = arith.constant 1.500000e+00 : f32
    %sub3A_82 = vector.broadcast %sub3A_81 : f32 to vector<16xf32>
    %sub3A_83 = arith.subf %sub3A_82, %mul3A_80 : vector<16xf32>
    %mul3A_84 = arith.mulf %mul3A_75, %sub3A_83 : vector<16xf32>
    %mul3A_85 = arith.constant 5.000000e-01 : f32
    %mul3A_86 = vector.broadcast %mul3A_85 : f32 to vector<16xf32>
    %mul3A_87 = arith.mulf %mul3A_86, %add3A_61 : vector<16xf32>
    %mul3A_88 = arith.mulf %mul3A_87, %mul3A_84 : vector<16xf32>
    %mul3A_89 = arith.mulf %mul3A_88, %mul3A_84 : vector<16xf32>
    %sub3A_90 = arith.constant 1.500000e+00 : f32
    %sub3A_91 = vector.broadcast %sub3A_90 : f32 to vector<16xf32>
    %sub3A_92 = arith.subf %sub3A_91, %mul3A_89 : vector<16xf32>
    %mul3A_93 = arith.mulf %mul3A_84, %sub3A_92 : vector<16xf32>
    %mul3A_94 = arith.mulf %add3A_61, %mul3A_93 : vector<16xf32>
    %add3A_95 = arith.constant 0.0011313709 : f32
    %add3A_96 = vector.broadcast %add3A_95 : f32 to vector<16xf32>
    %add3A_97 = arith.addf %add3A_96, %mul3A_94 : vector<16xf32>
    %div3A = arith.constant 1.41421354 : f32
    %div3A_98 = vector.broadcast %div3A : f32 to vector<16xf32>
    %div3A_99 = arith.divf %div3A_98, %add3A_97 : vector<16xf32>
    %dma_wait3A = arith.constant 0 : i32
    %dma_wait3A_100 = tpu.memref_slice %arg23[%dma_wait3A] : memref<16xf32, #tpu.memory_space<vmem>> -> memref<1xf32, #tpu.memory_space<vmem>>
    %dma_wait3A_101 = arith.constant 0 : i32
    %dma_wait3A_102 = tpu.memref_slice %arg23[%dma_wait3A_101] : memref<16xf32, #tpu.memory_space<vmem>> -> memref<1xf32, #tpu.memory_space<vmem>>
    tpu.wait_dma2 semaphore(%arg34 : memref<!tpu.dma_semaphore, #tpu.memory_space<semaphore_mem>>) src(%arg10 : memref<1xf32, #tpu.memory_space<hbm>>) dst(%dma_wait3A_102 : memref<1xf32, #tpu.memory_space<vmem>>)
    %dma_wait3A_103 = arith.constant 8 : i32
    %dma_wait3A_104 = tpu.memref_slice %arg23[%dma_wait3A_103] : memref<16xf32, #tpu.memory_space<vmem>> -> memref<1xf32, #tpu.memory_space<vmem>>
    %dma_wait3A_105 = arith.constant 8 : i32
    %dma_wait3A_106 = tpu.memref_slice %arg23[%dma_wait3A_105] : memref<16xf32, #tpu.memory_space<vmem>> -> memref<1xf32, #tpu.memory_space<vmem>>
    tpu.wait_dma2 semaphore(%arg35 : memref<!tpu.dma_semaphore, #tpu.memory_space<semaphore_mem>>) src(%arg11 : memref<1xf32, #tpu.memory_space<hbm>>) dst(%dma_wait3A_106 : memref<1xf32, #tpu.memory_space<vmem>>)
    %dma_wait3A_107 = tpu.memref_slice %arg4[%min3A_5] : memref<1000xf32, #tpu.memory_space<hbm>> -> memref<64xf32, #tpu.memory_space<hbm>>
    %dma_wait3A_108 = tpu.memref_slice %arg4[%min3A_5] : memref<1000xf32, #tpu.memory_space<hbm>> -> memref<64xf32, #tpu.memory_space<hbm>>
    tpu.wait_dma2 semaphore(%arg36 : memref<!tpu.dma_semaphore, #tpu.memory_space<semaphore_mem>>) src(%dma_wait3A_108 : memref<64xf32, #tpu.memory_space<hbm>>) dst(%arg24 : memref<64xf32, #tpu.memory_space<vmem>>)
    %get3A_109 = arith.constant 0 : index
    %get3A_110 = tpu.vector_load %arg23[%get3A_109] {strides = array<i32>} : memref<16xf32, #tpu.memory_space<vmem>>, vector<16xf32>,
    %broadcast_in_dim3A_111 = arith.constant 0 : i32
    %broadcast_in_dim3A_112 = vector.broadcast %broadcast_in_dim3A_111 : i32 to vector<16xi32>
    %lt3A = arith.constant 0 : i32
    %lt3A_113 = vector.broadcast %lt3A : i32 to vector<16xi32>
    %lt3A_114 = arith.cmpi slt, %broadcast_in_dim3A_112, %lt3A_113 : vector<16xi32>
    %add3A_115 = arith.constant 16 : i32
    %add3A_116 = vector.broadcast %add3A_115 : i32 to vector<16xi32>
    %add3A_117 = arith.addi %broadcast_in_dim3A_112, %add3A_116 : vector<16xi32>
    %select_n3A = arith.select %lt3A_114, %add3A_117, %broadcast_in_dim3A_112 : vector<16xi1>, vector<16xi32>
    %reshape3A = vector.shape_cast %select_n3A : vector<16xi32> to vector<16x1xi32>
    %gather3A = vector.shape_cast %reshape3A : vector<16x1xi32> to vector<16xi32>
    %gather3A_118 = tpu.dynamic_gather %get3A_110[%gather3A] in [0] : vector<16xf32>, vector<16xi32> -> vector<16xf32>
    %broadcast_in_dim3A_119 = arith.constant 8 : i32
    %broadcast_in_dim3A_120 = vector.broadcast %broadcast_in_dim3A_119 : i32 to vector<16xi32>
    %lt3A_121 = arith.constant 0 : i32
    %lt3A_122 = vector.broadcast %lt3A_121 : i32 to vector<16xi32>
    %lt3A_123 = arith.cmpi slt, %broadcast_in_dim3A_120, %lt3A_122 : vector<16xi32>
    %add3A_124 = arith.constant 16 : i32
    %add3A_125 = vector.broadcast %add3A_124 : i32 to vector<16xi32>
    %add3A_126 = arith.addi %broadcast_in_dim3A_120, %add3A_125 : vector<16xi32>
    %select_n3A_127 = arith.select %lt3A_123, %add3A_126, %broadcast_in_dim3A_120 : vector<16xi1>, vector<16xi32>
    %reshape3A_128 = vector.shape_cast %select_n3A_127 : vector<16xi32> to vector<16x1xi32>
    %gather3A_129 = vector.shape_cast %reshape3A_128 : vector<16x1xi32> to vector<16xi32>
    %gather3A_130 = tpu.dynamic_gather %get3A_110[%gather3A_129] in [0] : vector<16xf32>, vector<16xi32> -> vector<16xf32>
    %get3A_131 = arith.constant 0 : index
    %get3A_132 = tpu.vector_load %arg24[%get3A_131] {strides = array<i32>} : memref<64xf32, #tpu.memory_space<vmem>>, vector<16xf32>,
    %sub3A_133 = arith.subf %get3A_132, %gather3A_118 : vector<16xf32>
    %div3A_134 = arith.divf %sub3A_133, %gather3A_130 : vector<16xf32>
    %get3A_135 = arith.constant 16 : index
    %get3A_136 = tpu.vector_load %arg24[%get3A_135] {strides = array<i32>} : memref<64xf32, #tpu.memory_space<vmem>>, vector<16xf32>,
    %sub3A_137 = arith.subf %get3A_136, %gather3A_118 : vector<16xf32>
    %div3A_138 = arith.divf %sub3A_137, %gather3A_130 : vector<16xf32>
    %get3A_139 = arith.constant 32 : index
    %get3A_140 = tpu.vector_load %arg24[%get3A_139] {strides = array<i32>} : memref<64xf32, #tpu.memory_space<vmem>>, vector<16xf32>,
    %sub3A_141 = arith.subf %get3A_140, %gather3A_118 : vector<16xf32>
    %div3A_142 = arith.divf %sub3A_141, %gather3A_130 : vector<16xf32>
    %get3A_143 = arith.constant 48 : index
    %get3A_144 = tpu.vector_load %arg24[%get3A_143] {strides = array<i32>} : memref<64xf32, #tpu.memory_space<vmem>>, vector<16xf32>,
    %sub3A_145 = arith.subf %get3A_144, %gather3A_118 : vector<16xf32>
    %div3A_146 = arith.divf %sub3A_145, %gather3A_130 : vector<16xf32>
    tpu.wait_dma2 semaphore(%arg31 : memref<!tpu.dma_semaphore, #tpu.memory_space<semaphore_mem>>) src(%arg7 : memref<128xf32, #tpu.memory_space<hbm>>) dst(%arg20 : memref<128xf32, #tpu.memory_space<vmem>>)
    tpu.wait_dma2 semaphore(%arg32 : memref<!tpu.dma_semaphore, #tpu.memory_space<semaphore_mem>>) src(%arg8 : memref<128xf32, #tpu.memory_space<hbm>>) dst(%arg21 : memref<128xf32, #tpu.memory_space<vmem>>)
    %broadcast_in_dim3A_147 = arith.constant 0.000000e+00 : f32
    %broadcast_in_dim3A_148 = vector.broadcast %broadcast_in_dim3A_147 : f32 to vector<16xf32>
    %scan3A = arith.constant 0 : i32
    %scan3A_149 = arith.constant 8 : i32
    %scan3A_150 = arith.addi %scan3A, %scan3A_149 : i32
    %scan3A_151 = arith.constant 1 : i32
    %scan3A_152:4 = scf.for %scan3A_667 = %scan3A to %scan3A_150 step %scan3A_151 iter_args(%scan3A_668 = %broadcast_in_dim3A_148, %scan3A_669 = %broadcast_in_dim3A_148, %scan3A_670 = %broadcast_in_dim3A_148, %scan3A_671 = %broadcast_in_dim3A_148) -> (vector<16xf32>, vector<16xf32>, vector<16xf32>, vector<16xf32>)  : i32 {
      %mul3A_672 = arith.constant 16 : i32
      %mul3A_673 = arith.muli %scan3A_667, %mul3A_672 : i32
      %get3A_674 = arith.index_cast %mul3A_673 : i32 to index
      %get3A_675 = tpu.vector_load %arg20[%get3A_674] {strides = array<i32>} : memref<128xf32, #tpu.memory_space<vmem>>, vector<16xf32>,
      %mul3A_676 = arith.constant 0.159154937 : f32
      %mul3A_677 = vector.broadcast %mul3A_676 : f32 to vector<16xf32>
      %mul3A_678 = arith.mulf %get3A_675, %mul3A_677 : vector<16xf32>
      %get3A_679 = arith.index_cast %mul3A_673 : i32 to index
      %get3A_680 = tpu.vector_load %arg21[%get3A_679] {strides = array<i32>} : memref<128xf32, #tpu.memory_space<vmem>>, vector<16xf32>,
      %mul3A_681 = arith.constant 0.159154937 : f32
      %mul3A_682 = vector.broadcast %mul3A_681 : f32 to vector<16xf32>
      %mul3A_683 = arith.mulf %get3A_680, %mul3A_682 : vector<16xf32>
      %get3A_684 = arith.index_cast %mul3A_673 : i32 to index
      %get3A_685 = tpu.vector_load %arg22[%get3A_684] {strides = array<i32>} : memref<128xf32, #tpu.memory_space<vmem>>, vector<16xf32>,
      %broadcast_in_dim3A_686 = arith.constant 0 : i32
      %broadcast_in_dim3A_687 = vector.broadcast %broadcast_in_dim3A_686 : i32 to vector<16xi32>
      %lt3A_688 = arith.constant 0 : i32
      %lt3A_689 = vector.broadcast %lt3A_688 : i32 to vector<16xi32>
      %lt3A_690 = arith.cmpi slt, %broadcast_in_dim3A_687, %lt3A_689 : vector<16xi32>
      %add3A_691 = arith.constant 16 : i32
      %add3A_692 = vector.broadcast %add3A_691 : i32 to vector<16xi32>
      %add3A_693 = arith.addi %broadcast_in_dim3A_687, %add3A_692 : vector<16xi32>
      %select_n3A_694 = arith.select %lt3A_690, %add3A_693, %broadcast_in_dim3A_687 : vector<16xi1>, vector<16xi32>
      %reshape3A_695 = vector.shape_cast %select_n3A_694 : vector<16xi32> to vector<16x1xi32>
      %gather3A_696 = vector.shape_cast %reshape3A_695 : vector<16x1xi32> to vector<16xi32>
      %gather3A_697 = tpu.dynamic_gather %mul3A_678[%gather3A_696] in [0] : vector<16xf32>, vector<16xi32> -> vector<16xf32>
      %broadcast_in_dim3A_698 = arith.constant 0 : i32
      %broadcast_in_dim3A_699 = vector.broadcast %broadcast_in_dim3A_698 : i32 to vector<16xi32>
      %lt3A_700 = arith.constant 0 : i32
      %lt3A_701 = vector.broadcast %lt3A_700 : i32 to vector<16xi32>
      %lt3A_702 = arith.cmpi slt, %broadcast_in_dim3A_699, %lt3A_701 : vector<16xi32>
      %add3A_703 = arith.constant 16 : i32
      %add3A_704 = vector.broadcast %add3A_703 : i32 to vector<16xi32>
      %add3A_705 = arith.addi %broadcast_in_dim3A_699, %add3A_704 : vector<16xi32>
      %select_n3A_706 = arith.select %lt3A_702, %add3A_705, %broadcast_in_dim3A_699 : vector<16xi1>, vector<16xi32>
      %reshape3A_707 = vector.shape_cast %select_n3A_706 : vector<16xi32> to vector<16x1xi32>
      %gather3A_708 = vector.shape_cast %reshape3A_707 : vector<16x1xi32> to vector<16xi32>
      %gather3A_709 = tpu.dynamic_gather %mul3A_683[%gather3A_708] in [0] : vector<16xf32>, vector<16xi32> -> vector<16xf32>
      %broadcast_in_dim3A_710 = arith.constant 0 : i32
      %broadcast_in_dim3A_711 = vector.broadcast %broadcast_in_dim3A_710 : i32 to vector<16xi32>
      %lt3A_712 = arith.constant 0 : i32
      %lt3A_713 = vector.broadcast %lt3A_712 : i32 to vector<16xi32>
      %lt3A_714 = arith.cmpi slt, %broadcast_in_dim3A_711, %lt3A_713 : vector<16xi32>
      %add3A_715 = arith.constant 16 : i32
      %add3A_716 = vector.broadcast %add3A_715 : i32 to vector<16xi32>
      %add3A_717 = arith.addi %broadcast_in_dim3A_711, %add3A_716 : vector<16xi32>
      %select_n3A_718 = arith.select %lt3A_714, %add3A_717, %broadcast_in_dim3A_711 : vector<16xi1>, vector<16xi32>
      %reshape3A_719 = vector.shape_cast %select_n3A_718 : vector<16xi32> to vector<16x1xi32>
      %gather3A_720 = vector.shape_cast %reshape3A_719 : vector<16x1xi32> to vector<16xi32>
      %gather3A_721 = tpu.dynamic_gather %get3A_685[%gather3A_720] in [0] : vector<16xf32>, vector<16xi32> -> vector<16xf32>
      %mul3A_722 = arith.mulf %div3A_134, %gather3A_697 : vector<16xf32>
      %add3A_723 = arith.addf %mul3A_722, %gather3A_709 : vector<16xf32>
      %add3A_724 = arith.constant 0x4B400000 : f32
      %add3A_725 = vector.broadcast %add3A_724 : f32 to vector<16xf32>
      %add3A_726 = arith.addf %add3A_723, %add3A_725 : vector<16xf32>
      %sub3A_727 = arith.constant 0x4B400000 : f32
      %sub3A_728 = vector.broadcast %sub3A_727 : f32 to vector<16xf32>
      %sub3A_729 = arith.subf %add3A_726, %sub3A_728 : vector<16xf32>
      %sub3A_730 = arith.subf %add3A_723, %sub3A_729 : vector<16xf32>
      %mul3A_731 = arith.mulf %sub3A_730, %sub3A_730 : vector<16xf32>
      %broadcast_in_dim3A_732 = arith.constant 45.5641251 : f32
      %broadcast_in_dim3A_733 = vector.broadcast %broadcast_in_dim3A_732 : f32 to vector<16xf32>
      %mul3A_734 = arith.mulf %broadcast_in_dim3A_733, %mul3A_731 : vector<16xf32>
      %add3A_735 = arith.constant -82.3847046 : f32
      %add3A_736 = vector.broadcast %add3A_735 : f32 to vector<16xf32>
      %add3A_737 = arith.addf %mul3A_734, %add3A_736 : vector<16xf32>
      %mul3A_738 = arith.mulf %add3A_737, %mul3A_731 : vector<16xf32>
      %add3A_739 = arith.constant 64.6735916 : f32
      %add3A_740 = vector.broadcast %add3A_739 : f32 to vector<16xf32>
      %add3A_741 = arith.addf %mul3A_738, %add3A_740 : vector<16xf32>
      %mul3A_742 = arith.mulf %add3A_741, %mul3A_731 : vector<16xf32>
      %add3A_743 = arith.constant -19.7311802 : f32
      %add3A_744 = vector.broadcast %add3A_743 : f32 to vector<16xf32>
      %add3A_745 = arith.addf %mul3A_742, %add3A_744 : vector<16xf32>
      %mul3A_746 = arith.mulf %add3A_745, %mul3A_731 : vector<16xf32>
      %add3A_747 = arith.constant 0.999961614 : f32
      %add3A_748 = vector.broadcast %add3A_747 : f32 to vector<16xf32>
      %add3A_749 = arith.addf %mul3A_746, %add3A_748 : vector<16xf32>
      %mul3A_750 = arith.mulf %add3A_749, %gather3A_721 : vector<16xf32>
      %add3A_751 = arith.addf %scan3A_668, %mul3A_750 : vector<16xf32>
      %mul3A_752 = arith.mulf %div3A_138, %gather3A_697 : vector<16xf32>
      %add3A_753 = arith.addf %mul3A_752, %gather3A_709 : vector<16xf32>
      %add3A_754 = arith.constant 0x4B400000 : f32
      %add3A_755 = vector.broadcast %add3A_754 : f32 to vector<16xf32>
      %add3A_756 = arith.addf %add3A_753, %add3A_755 : vector<16xf32>
      %sub3A_757 = arith.constant 0x4B400000 : f32
      %sub3A_758 = vector.broadcast %sub3A_757 : f32 to vector<16xf32>
      %sub3A_759 = arith.subf %add3A_756, %sub3A_758 : vector<16xf32>
      %sub3A_760 = arith.subf %add3A_753, %sub3A_759 : vector<16xf32>
      %mul3A_761 = arith.mulf %sub3A_760, %sub3A_760 : vector<16xf32>
      %broadcast_in_dim3A_762 = arith.constant 45.5641251 : f32
      %broadcast_in_dim3A_763 = vector.broadcast %broadcast_in_dim3A_762 : f32 to vector<16xf32>
      %mul3A_764 = arith.mulf %broadcast_in_dim3A_763, %mul3A_761 : vector<16xf32>
      %add3A_765 = arith.constant -82.3847046 : f32
      %add3A_766 = vector.broadcast %add3A_765 : f32 to vector<16xf32>
      %add3A_767 = arith.addf %mul3A_764, %add3A_766 : vector<16xf32>
      %mul3A_768 = arith.mulf %add3A_767, %mul3A_761 : vector<16xf32>
      %add3A_769 = arith.constant 64.6735916 : f32
      %add3A_770 = vector.broadcast %add3A_769 : f32 to vector<16xf32>
      %add3A_771 = arith.addf %mul3A_768, %add3A_770 : vector<16xf32>
      %mul3A_772 = arith.mulf %add3A_771, %mul3A_761 : vector<16xf32>
      %add3A_773 = arith.constant -19.7311802 : f32
      %add3A_774 = vector.broadcast %add3A_773 : f32 to vector<16xf32>
      %add3A_775 = arith.addf %mul3A_772, %add3A_774 : vector<16xf32>
      %mul3A_776 = arith.mulf %add3A_775, %mul3A_761 : vector<16xf32>
      %add3A_777 = arith.constant 0.999961614 : f32
      %add3A_778 = vector.broadcast %add3A_777 : f32 to vector<16xf32>
      %add3A_779 = arith.addf %mul3A_776, %add3A_778 : vector<16xf32>
      %mul3A_780 = arith.mulf %add3A_779, %gather3A_721 : vector<16xf32>
      %add3A_781 = arith.addf %scan3A_669, %mul3A_780 : vector<16xf32>
      %mul3A_782 = arith.mulf %div3A_142, %gather3A_697 : vector<16xf32>
      %add3A_783 = arith.addf %mul3A_782, %gather3A_709 : vector<16xf32>
      %add3A_784 = arith.constant 0x4B400000 : f32
      %add3A_785 = vector.broadcast %add3A_784 : f32 to vector<16xf32>
      %add3A_786 = arith.addf %add3A_783, %add3A_785 : vector<16xf32>
      %sub3A_787 = arith.constant 0x4B400000 : f32
      %sub3A_788 = vector.broadcast %sub3A_787 : f32 to vector<16xf32>
      %sub3A_789 = arith.subf %add3A_786, %sub3A_788 : vector<16xf32>
      %sub3A_790 = arith.subf %add3A_783, %sub3A_789 : vector<16xf32>
      %mul3A_791 = arith.mulf %sub3A_790, %sub3A_790 : vector<16xf32>
      %broadcast_in_dim3A_792 = arith.constant 45.5641251 : f32
      %broadcast_in_dim3A_793 = vector.broadcast %broadcast_in_dim3A_792 : f32 to vector<16xf32>
      %mul3A_794 = arith.mulf %broadcast_in_dim3A_793, %mul3A_791 : vector<16xf32>
      %add3A_795 = arith.constant -82.3847046 : f32
      %add3A_796 = vector.broadcast %add3A_795 : f32 to vector<16xf32>
      %add3A_797 = arith.addf %mul3A_794, %add3A_796 : vector<16xf32>
      %mul3A_798 = arith.mulf %add3A_797, %mul3A_791 : vector<16xf32>
      %add3A_799 = arith.constant 64.6735916 : f32
      %add3A_800 = vector.broadcast %add3A_799 : f32 to vector<16xf32>
      %add3A_801 = arith.addf %mul3A_798, %add3A_800 : vector<16xf32>
      %mul3A_802 = arith.mulf %add3A_801, %mul3A_791 : vector<16xf32>
      %add3A_803 = arith.constant -19.7311802 : f32
      %add3A_804 = vector.broadcast %add3A_803 : f32 to vector<16xf32>
      %add3A_805 = arith.addf %mul3A_802, %add3A_804 : vector<16xf32>
      %mul3A_806 = arith.mulf %add3A_805, %mul3A_791 : vector<16xf32>
      %add3A_807 = arith.constant 0.999961614 : f32
      %add3A_808 = vector.broadcast %add3A_807 : f32 to vector<16xf32>
      %add3A_809 = arith.addf %mul3A_806, %add3A_808 : vector<16xf32>
      %mul3A_810 = arith.mulf %add3A_809, %gather3A_721 : vector<16xf32>
      %add3A_811 = arith.addf %scan3A_670, %mul3A_810 : vector<16xf32>
      %mul3A_812 = arith.mulf %div3A_146, %gather3A_697 : vector<16xf32>
      %add3A_813 = arith.addf %mul3A_812, %gather3A_709 : vector<16xf32>
      %add3A_814 = arith.constant 0x4B400000 : f32
      %add3A_815 = vector.broadcast %add3A_814 : f32 to vector<16xf32>
      %add3A_816 = arith.addf %add3A_813, %add3A_815 : vector<16xf32>
      %sub3A_817 = arith.constant 0x4B400000 : f32
      %sub3A_818 = vector.broadcast %sub3A_817 : f32 to vector<16xf32>
      %sub3A_819 = arith.subf %add3A_816, %sub3A_818 : vector<16xf32>
      %sub3A_820 = arith.subf %add3A_813, %sub3A_819 : vector<16xf32>
      %mul3A_821 = arith.mulf %sub3A_820, %sub3A_820 : vector<16xf32>
      %broadcast_in_dim3A_822 = arith.constant 45.5641251 : f32
      %broadcast_in_dim3A_823 = vector.broadcast %broadcast_in_dim3A_822 : f32 to vector<16xf32>
      %mul3A_824 = arith.mulf %broadcast_in_dim3A_823, %mul3A_821 : vector<16xf32>
      %add3A_825 = arith.constant -82.3847046 : f32
      %add3A_826 = vector.broadcast %add3A_825 : f32 to vector<16xf32>
      %add3A_827 = arith.addf %mul3A_824, %add3A_826 : vector<16xf32>
      %mul3A_828 = arith.mulf %add3A_827, %mul3A_821 : vector<16xf32>
      %add3A_829 = arith.constant 64.6735916 : f32
      %add3A_830 = vector.broadcast %add3A_829 : f32 to vector<16xf32>
      %add3A_831 = arith.addf %mul3A_828, %add3A_830 : vector<16xf32>
      %mul3A_832 = arith.mulf %add3A_831, %mul3A_821 : vector<16xf32>
      %add3A_833 = arith.constant -19.7311802 : f32
      %add3A_834 = vector.broadcast %add3A_833 : f32 to vector<16xf32>
      %add3A_835 = arith.addf %mul3A_832, %add3A_834 : vector<16xf32>
      %mul3A_836 = arith.mulf %add3A_835, %mul3A_821 : vector<16xf32>
      %add3A_837 = arith.constant 0.999961614 : f32
      %add3A_838 = vector.broadcast %add3A_837 : f32 to vector<16xf32>
      %add3A_839 = arith.addf %mul3A_836, %add3A_838 : vector<16xf32>
      %mul3A_840 = arith.mulf %add3A_839, %gather3A_721 : vector<16xf32>
      %add3A_841 = arith.addf %scan3A_671, %mul3A_840 : vector<16xf32>
      %broadcast_in_dim3A_842 = arith.constant 1 : i32
      %broadcast_in_dim3A_843 = vector.broadcast %broadcast_in_dim3A_842 : i32 to vector<16xi32>
      %lt3A_844 = arith.constant 0 : i32
      %lt3A_845 = vector.broadcast %lt3A_844 : i32 to vector<16xi32>
      %lt3A_846 = arith.cmpi slt, %broadcast_in_dim3A_843, %lt3A_845 : vector<16xi32>
      %add3A_847 = arith.constant 16 : i32
      %add3A_848 = vector.broadcast %add3A_847 : i32 to vector<16xi32>
      %add3A_849 = arith.addi %broadcast_in_dim3A_843, %add3A_848 : vector<16xi32>
      %select_n3A_850 = arith.select %lt3A_846, %add3A_849, %broadcast_in_dim3A_843 : vector<16xi1>, vector<16xi32>
      %reshape3A_851 = vector.shape_cast %select_n3A_850 : vector<16xi32> to vector<16x1xi32>
      %gather3A_852 = vector.shape_cast %reshape3A_851 : vector<16x1xi32> to vector<16xi32>
      %gather3A_853 = tpu.dynamic_gather %mul3A_678[%gather3A_852] in [0] : vector<16xf32>, vector<16xi32> -> vector<16xf32>
      %broadcast_in_dim3A_854 = arith.constant 1 : i32
      %broadcast_in_dim3A_855 = vector.broadcast %broadcast_in_dim3A_854 : i32 to vector<16xi32>
      %lt3A_856 = arith.constant 0 : i32
      %lt3A_857 = vector.broadcast %lt3A_856 : i32 to vector<16xi32>
      %lt3A_858 = arith.cmpi slt, %broadcast_in_dim3A_855, %lt3A_857 : vector<16xi32>
      %add3A_859 = arith.constant 16 : i32
      %add3A_860 = vector.broadcast %add3A_859 : i32 to vector<16xi32>
      %add3A_861 = arith.addi %broadcast_in_dim3A_855, %add3A_860 : vector<16xi32>
      %select_n3A_862 = arith.select %lt3A_858, %add3A_861, %broadcast_in_dim3A_855 : vector<16xi1>, vector<16xi32>
      %reshape3A_863 = vector.shape_cast %select_n3A_862 : vector<16xi32> to vector<16x1xi32>
      %gather3A_864 = vector.shape_cast %reshape3A_863 : vector<16x1xi32> to vector<16xi32>
      %gather3A_865 = tpu.dynamic_gather %mul3A_683[%gather3A_864] in [0] : vector<16xf32>, vector<16xi32> -> vector<16xf32>
      %broadcast_in_dim3A_866 = arith.constant 1 : i32
      %broadcast_in_dim3A_867 = vector.broadcast %broadcast_in_dim3A_866 : i32 to vector<16xi32>
      %lt3A_868 = arith.constant 0 : i32
      %lt3A_869 = vector.broadcast %lt3A_868 : i32 to vector<16xi32>
      %lt3A_870 = arith.cmpi slt, %broadcast_in_dim3A_867, %lt3A_869 : vector<16xi32>
      %add3A_871 = arith.constant 16 : i32
      %add3A_872 = vector.broadcast %add3A_871 : i32 to vector<16xi32>
      %add3A_873 = arith.addi %broadcast_in_dim3A_867, %add3A_872 : vector<16xi32>
      %select_n3A_874 = arith.select %lt3A_870, %add3A_873, %broadcast_in_dim3A_867 : vector<16xi1>, vector<16xi32>
      %reshape3A_875 = vector.shape_cast %select_n3A_874 : vector<16xi32> to vector<16x1xi32>
      %gather3A_876 = vector.shape_cast %reshape3A_875 : vector<16x1xi32> to vector<16xi32>
      %gather3A_877 = tpu.dynamic_gather %get3A_685[%gather3A_876] in [0] : vector<16xf32>, vector<16xi32> -> vector<16xf32>
      %mul3A_878 = arith.mulf %div3A_134, %gather3A_853 : vector<16xf32>
      %add3A_879 = arith.addf %mul3A_878, %gather3A_865 : vector<16xf32>
      %add3A_880 = arith.constant 0x4B400000 : f32
      %add3A_881 = vector.broadcast %add3A_880 : f32 to vector<16xf32>
      %add3A_882 = arith.addf %add3A_879, %add3A_881 : vector<16xf32>
      %sub3A_883 = arith.constant 0x4B400000 : f32
      %sub3A_884 = vector.broadcast %sub3A_883 : f32 to vector<16xf32>
      %sub3A_885 = arith.subf %add3A_882, %sub3A_884 : vector<16xf32>
      %sub3A_886 = arith.subf %add3A_879, %sub3A_885 : vector<16xf32>
      %mul3A_887 = arith.mulf %sub3A_886, %sub3A_886 : vector<16xf32>
      %broadcast_in_dim3A_888 = arith.constant 45.5641251 : f32
      %broadcast_in_dim3A_889 = vector.broadcast %broadcast_in_dim3A_888 : f32 to vector<16xf32>
      %mul3A_890 = arith.mulf %broadcast_in_dim3A_889, %mul3A_887 : vector<16xf32>
      %add3A_891 = arith.constant -82.3847046 : f32
      %add3A_892 = vector.broadcast %add3A_891 : f32 to vector<16xf32>
      %add3A_893 = arith.addf %mul3A_890, %add3A_892 : vector<16xf32>
      %mul3A_894 = arith.mulf %add3A_893, %mul3A_887 : vector<16xf32>
      %add3A_895 = arith.constant 64.6735916 : f32
      %add3A_896 = vector.broadcast %add3A_895 : f32 to vector<16xf32>
      %add3A_897 = arith.addf %mul3A_894, %add3A_896 : vector<16xf32>
      %mul3A_898 = arith.mulf %add3A_897, %mul3A_887 : vector<16xf32>
      %add3A_899 = arith.constant -19.7311802 : f32
      %add3A_900 = vector.broadcast %add3A_899 : f32 to vector<16xf32>
      %add3A_901 = arith.addf %mul3A_898, %add3A_900 : vector<16xf32>
      %mul3A_902 = arith.mulf %add3A_901, %mul3A_887 : vector<16xf32>
      %add3A_903 = arith.constant 0.999961614 : f32
      %add3A_904 = vector.broadcast %add3A_903 : f32 to vector<16xf32>
      %add3A_905 = arith.addf %mul3A_902, %add3A_904 : vector<16xf32>
      %mul3A_906 = arith.mulf %add3A_905, %gather3A_877 : vector<16xf32>
      %add3A_907 = arith.addf %add3A_751, %mul3A_906 : vector<16xf32>
      %mul3A_908 = arith.mulf %div3A_138, %gather3A_853 : vector<16xf32>
      %add3A_909 = arith.addf %mul3A_908, %gather3A_865 : vector<16xf32>
      %add3A_910 = arith.constant 0x4B400000 : f32
      %add3A_911 = vector.broadcast %add3A_910 : f32 to vector<16xf32>
      %add3A_912 = arith.addf %add3A_909, %add3A_911 : vector<16xf32>
      %sub3A_913 = arith.constant 0x4B400000 : f32
      %sub3A_914 = vector.broadcast %sub3A_913 : f32 to vector<16xf32>
      %sub3A_915 = arith.subf %add3A_912, %sub3A_914 : vector<16xf32>
      %sub3A_916 = arith.subf %add3A_909, %sub3A_915 : vector<16xf32>
      %mul3A_917 = arith.mulf %sub3A_916, %sub3A_916 : vector<16xf32>
      %broadcast_in_dim3A_918 = arith.constant 45.5641251 : f32
      %broadcast_in_dim3A_919 = vector.broadcast %broadcast_in_dim3A_918 : f32 to vector<16xf32>
      %mul3A_920 = arith.mulf %broadcast_in_dim3A_919, %mul3A_917 : vector<16xf32>
      %add3A_921 = arith.constant -82.3847046 : f32
      %add3A_922 = vector.broadcast %add3A_921 : f32 to vector<16xf32>
      %add3A_923 = arith.addf %mul3A_920, %add3A_922 : vector<16xf32>
      %mul3A_924 = arith.mulf %add3A_923, %mul3A_917 : vector<16xf32>
      %add3A_925 = arith.constant 64.6735916 : f32
      %add3A_926 = vector.broadcast %add3A_925 : f32 to vector<16xf32>
      %add3A_927 = arith.addf %mul3A_924, %add3A_926 : vector<16xf32>
      %mul3A_928 = arith.mulf %add3A_927, %mul3A_917 : vector<16xf32>
      %add3A_929 = arith.constant -19.7311802 : f32
      %add3A_930 = vector.broadcast %add3A_929 : f32 to vector<16xf32>
      %add3A_931 = arith.addf %mul3A_928, %add3A_930 : vector<16xf32>
      %mul3A_932 = arith.mulf %add3A_931, %mul3A_917 : vector<16xf32>
      %add3A_933 = arith.constant 0.999961614 : f32
      %add3A_934 = vector.broadcast %add3A_933 : f32 to vector<16xf32>
      %add3A_935 = arith.addf %mul3A_932, %add3A_934 : vector<16xf32>
      %mul3A_936 = arith.mulf %add3A_935, %gather3A_877 : vector<16xf32>
      %add3A_937 = arith.addf %add3A_781, %mul3A_936 : vector<16xf32>
      %mul3A_938 = arith.mulf %div3A_142, %gather3A_853 : vector<16xf32>
      %add3A_939 = arith.addf %mul3A_938, %gather3A_865 : vector<16xf32>
      %add3A_940 = arith.constant 0x4B400000 : f32
      %add3A_941 = vector.broadcast %add3A_940 : f32 to vector<16xf32>
      %add3A_942 = arith.addf %add3A_939, %add3A_941 : vector<16xf32>
      %sub3A_943 = arith.constant 0x4B400000 : f32
      %sub3A_944 = vector.broadcast %sub3A_943 : f32 to vector<16xf32>
      %sub3A_945 = arith.subf %add3A_942, %sub3A_944 : vector<16xf32>
      %sub3A_946 = arith.subf %add3A_939, %sub3A_945 : vector<16xf32>
      %mul3A_947 = arith.mulf %sub3A_946, %sub3A_946 : vector<16xf32>
      %broadcast_in_dim3A_948 = arith.constant 45.5641251 : f32
      %broadcast_in_dim3A_949 = vector.broadcast %broadcast_in_dim3A_948 : f32 to vector<16xf32>
      %mul3A_950 = arith.mulf %broadcast_in_dim3A_949, %mul3A_947 : vector<16xf32>
      %add3A_951 = arith.constant -82.3847046 : f32
      %add3A_952 = vector.broadcast %add3A_951 : f32 to vector<16xf32>
      %add3A_953 = arith.addf %mul3A_950, %add3A_952 : vector<16xf32>
      %mul3A_954 = arith.mulf %add3A_953, %mul3A_947 : vector<16xf32>
      %add3A_955 = arith.constant 64.6735916 : f32
      %add3A_956 = vector.broadcast %add3A_955 : f32 to vector<16xf32>
      %add3A_957 = arith.addf %mul3A_954, %add3A_956 : vector<16xf32>
      %mul3A_958 = arith.mulf %add3A_957, %mul3A_947 : vector<16xf32>
      %add3A_959 = arith.constant -19.7311802 : f32
      %add3A_960 = vector.broadcast %add3A_959 : f32 to vector<16xf32>
      %add3A_961 = arith.addf %mul3A_958, %add3A_960 : vector<16xf32>
      %mul3A_962 = arith.mulf %add3A_961, %mul3A_947 : vector<16xf32>
      %add3A_963 = arith.constant 0.999961614 : f32
      %add3A_964 = vector.broadcast %add3A_963 : f32 to vector<16xf32>
      %add3A_965 = arith.addf %mul3A_962, %add3A_964 : vector<16xf32>
      %mul3A_966 = arith.mulf %add3A_965, %gather3A_877 : vector<16xf32>
      %add3A_967 = arith.addf %add3A_811, %mul3A_966 : vector<16xf32>
      %mul3A_968 = arith.mulf %div3A_146, %gather3A_853 : vector<16xf32>
      %add3A_969 = arith.addf %mul3A_968, %gather3A_865 : vector<16xf32>
      %add3A_970 = arith.constant 0x4B400000 : f32
      %add3A_971 = vector.broadcast %add3A_970 : f32 to vector<16xf32>
      %add3A_972 = arith.addf %add3A_969, %add3A_971 : vector<16xf32>
      %sub3A_973 = arith.constant 0x4B400000 : f32
      %sub3A_974 = vector.broadcast %sub3A_973 : f32 to vector<16xf32>
      %sub3A_975 = arith.subf %add3A_972, %sub3A_974 : vector<16xf32>
      %sub3A_976 = arith.subf %add3A_969, %sub3A_975 : vector<16xf32>
      %mul3A_977 = arith.mulf %sub3A_976, %sub3A_976 : vector<16xf32>
      %broadcast_in_dim3A_978 = arith.constant 45.5641251 : f32
      %broadcast_in_dim3A_979 = vector.broadcast %broadcast_in_dim3A_978 : f32 to vector<16xf32>
      %mul3A_980 = arith.mulf %broadcast_in_dim3A_979, %mul3A_977 : vector<16xf32>
      %add3A_981 = arith.constant -82.3847046 : f32
      %add3A_982 = vector.broadcast %add3A_981 : f32 to vector<16xf32>
      %add3A_983 = arith.addf %mul3A_980, %add3A_982 : vector<16xf32>
      %mul3A_984 = arith.mulf %add3A_983, %mul3A_977 : vector<16xf32>
      %add3A_985 = arith.constant 64.6735916 : f32
      %add3A_986 = vector.broadcast %add3A_985 : f32 to vector<16xf32>
      %add3A_987 = arith.addf %mul3A_984, %add3A_986 : vector<16xf32>
      %mul3A_988 = arith.mulf %add3A_987, %mul3A_977 : vector<16xf32>
      %add3A_989 = arith.constant -19.7311802 : f32
      %add3A_990 = vector.broadcast %add3A_989 : f32 to vector<16xf32>
      %add3A_991 = arith.addf %mul3A_988, %add3A_990 : vector<16xf32>
      %mul3A_992 = arith.mulf %add3A_991, %mul3A_977 : vector<16xf32>
      %add3A_993 = arith.constant 0.999961614 : f32
      %add3A_994 = vector.broadcast %add3A_993 : f32 to vector<16xf32>
      %add3A_995 = arith.addf %mul3A_992, %add3A_994 : vector<16xf32>
      %mul3A_996 = arith.mulf %add3A_995, %gather3A_877 : vector<16xf32>
      %add3A_997 = arith.addf %add3A_841, %mul3A_996 : vector<16xf32>
      %broadcast_in_dim3A_998 = arith.constant 2 : i32
      %broadcast_in_dim3A_999 = vector.broadcast %broadcast_in_dim3A_998 : i32 to vector<16xi32>
      %lt3A_1000 = arith.constant 0 : i32
      %lt3A_1001 = vector.broadcast %lt3A_1000 : i32 to vector<16xi32>
      %lt3A_1002 = arith.cmpi slt, %broadcast_in_dim3A_999, %lt3A_1001 : vector<16xi32>
      %add3A_1003 = arith.constant 16 : i32
      %add3A_1004 = vector.broadcast %add3A_1003 : i32 to vector<16xi32>
      %add3A_1005 = arith.addi %broadcast_in_dim3A_999, %add3A_1004 : vector<16xi32>
      %select_n3A_1006 = arith.select %lt3A_1002, %add3A_1005, %broadcast_in_dim3A_999 : vector<16xi1>, vector<16xi32>
      %reshape3A_1007 = vector.shape_cast %select_n3A_1006 : vector<16xi32> to vector<16x1xi32>
      %gather3A_1008 = vector.shape_cast %reshape3A_1007 : vector<16x1xi32> to vector<16xi32>
      %gather3A_1009 = tpu.dynamic_gather %mul3A_678[%gather3A_1008] in [0] : vector<16xf32>, vector<16xi32> -> vector<16xf32>
      %broadcast_in_dim3A_1010 = arith.constant 2 : i32
      %broadcast_in_dim3A_1011 = vector.broadcast %broadcast_in_dim3A_1010 : i32 to vector<16xi32>
      %lt3A_1012 = arith.constant 0 : i32
      %lt3A_1013 = vector.broadcast %lt3A_1012 : i32 to vector<16xi32>
      %lt3A_1014 = arith.cmpi slt, %broadcast_in_dim3A_1011, %lt3A_1013 : vector<16xi32>
      %add3A_1015 = arith.constant 16 : i32
      %add3A_1016 = vector.broadcast %add3A_1015 : i32 to vector<16xi32>
      %add3A_1017 = arith.addi %broadcast_in_dim3A_1011, %add3A_1016 : vector<16xi32>
      %select_n3A_1018 = arith.select %lt3A_1014, %add3A_1017, %broadcast_in_dim3A_1011 : vector<16xi1>, vector<16xi32>
      %reshape3A_1019 = vector.shape_cast %select_n3A_1018 : vector<16xi32> to vector<16x1xi32>
      %gather3A_1020 = vector.shape_cast %reshape3A_1019 : vector<16x1xi32> to vector<16xi32>
      %gather3A_1021 = tpu.dynamic_gather %mul3A_683[%gather3A_1020] in [0] : vector<16xf32>, vector<16xi32> -> vector<16xf32>
      %broadcast_in_dim3A_1022 = arith.constant 2 : i32
      %broadcast_in_dim3A_1023 = vector.broadcast %broadcast_in_dim3A_1022 : i32 to vector<16xi32>
      %lt3A_1024 = arith.constant 0 : i32
      %lt3A_1025 = vector.broadcast %lt3A_1024 : i32 to vector<16xi32>
      %lt3A_1026 = arith.cmpi slt, %broadcast_in_dim3A_1023, %lt3A_1025 : vector<16xi32>
      %add3A_1027 = arith.constant 16 : i32
      %add3A_1028 = vector.broadcast %add3A_1027 : i32 to vector<16xi32>
      %add3A_1029 = arith.addi %broadcast_in_dim3A_1023, %add3A_1028 : vector<16xi32>
      %select_n3A_1030 = arith.select %lt3A_1026, %add3A_1029, %broadcast_in_dim3A_1023 : vector<16xi1>, vector<16xi32>
      %reshape3A_1031 = vector.shape_cast %select_n3A_1030 : vector<16xi32> to vector<16x1xi32>
      %gather3A_1032 = vector.shape_cast %reshape3A_1031 : vector<16x1xi32> to vector<16xi32>
      %gather3A_1033 = tpu.dynamic_gather %get3A_685[%gather3A_1032] in [0] : vector<16xf32>, vector<16xi32> -> vector<16xf32>
      %mul3A_1034 = arith.mulf %div3A_134, %gather3A_1009 : vector<16xf32>
      %add3A_1035 = arith.addf %mul3A_1034, %gather3A_1021 : vector<16xf32>
      %add3A_1036 = arith.constant 0x4B400000 : f32
      %add3A_1037 = vector.broadcast %add3A_1036 : f32 to vector<16xf32>
      %add3A_1038 = arith.addf %add3A_1035, %add3A_1037 : vector<16xf32>
      %sub3A_1039 = arith.constant 0x4B400000 : f32
      %sub3A_1040 = vector.broadcast %sub3A_1039 : f32 to vector<16xf32>
      %sub3A_1041 = arith.subf %add3A_1038, %sub3A_1040 : vector<16xf32>
      %sub3A_1042 = arith.subf %add3A_1035, %sub3A_1041 : vector<16xf32>
      %mul3A_1043 = arith.mulf %sub3A_1042, %sub3A_1042 : vector<16xf32>
      %broadcast_in_dim3A_1044 = arith.constant 45.5641251 : f32
      %broadcast_in_dim3A_1045 = vector.broadcast %broadcast_in_dim3A_1044 : f32 to vector<16xf32>
      %mul3A_1046 = arith.mulf %broadcast_in_dim3A_1045, %mul3A_1043 : vector<16xf32>
      %add3A_1047 = arith.constant -82.3847046 : f32
      %add3A_1048 = vector.broadcast %add3A_1047 : f32 to vector<16xf32>
      %add3A_1049 = arith.addf %mul3A_1046, %add3A_1048 : vector<16xf32>
      %mul3A_1050 = arith.mulf %add3A_1049, %mul3A_1043 : vector<16xf32>
      %add3A_1051 = arith.constant 64.6735916 : f32
      %add3A_1052 = vector.broadcast %add3A_1051 : f32 to vector<16xf32>
      %add3A_1053 = arith.addf %mul3A_1050, %add3A_1052 : vector<16xf32>
      %mul3A_1054 = arith.mulf %add3A_1053, %mul3A_1043 : vector<16xf32>
      %add3A_1055 = arith.constant -19.7311802 : f32
      %add3A_1056 = vector.broadcast %add3A_1055 : f32 to vector<16xf32>
      %add3A_1057 = arith.addf %mul3A_1054, %add3A_1056 : vector<16xf32>
      %mul3A_1058 = arith.mulf %add3A_1057, %mul3A_1043 : vector<16xf32>
      %add3A_1059 = arith.constant 0.999961614 : f32
      %add3A_1060 = vector.broadcast %add3A_1059 : f32 to vector<16xf32>
      %add3A_1061 = arith.addf %mul3A_1058, %add3A_1060 : vector<16xf32>
      %mul3A_1062 = arith.mulf %add3A_1061, %gather3A_1033 : vector<16xf32>
      %add3A_1063 = arith.addf %add3A_907, %mul3A_1062 : vector<16xf32>
      %mul3A_1064 = arith.mulf %div3A_138, %gather3A_1009 : vector<16xf32>
      %add3A_1065 = arith.addf %mul3A_1064, %gather3A_1021 : vector<16xf32>
      %add3A_1066 = arith.constant 0x4B400000 : f32
      %add3A_1067 = vector.broadcast %add3A_1066 : f32 to vector<16xf32>
      %add3A_1068 = arith.addf %add3A_1065, %add3A_1067 : vector<16xf32>
      %sub3A_1069 = arith.constant 0x4B400000 : f32
      %sub3A_1070 = vector.broadcast %sub3A_1069 : f32 to vector<16xf32>
      %sub3A_1071 = arith.subf %add3A_1068, %sub3A_1070 : vector<16xf32>
      %sub3A_1072 = arith.subf %add3A_1065, %sub3A_1071 : vector<16xf32>
      %mul3A_1073 = arith.mulf %sub3A_1072, %sub3A_1072 : vector<16xf32>
      %broadcast_in_dim3A_1074 = arith.constant 45.5641251 : f32
      %broadcast_in_dim3A_1075 = vector.broadcast %broadcast_in_dim3A_1074 : f32 to vector<16xf32>
      %mul3A_1076 = arith.mulf %broadcast_in_dim3A_1075, %mul3A_1073 : vector<16xf32>
      %add3A_1077 = arith.constant -82.3847046 : f32
      %add3A_1078 = vector.broadcast %add3A_1077 : f32 to vector<16xf32>
      %add3A_1079 = arith.addf %mul3A_1076, %add3A_1078 : vector<16xf32>
      %mul3A_1080 = arith.mulf %add3A_1079, %mul3A_1073 : vector<16xf32>
      %add3A_1081 = arith.constant 64.6735916 : f32
      %add3A_1082 = vector.broadcast %add3A_1081 : f32 to vector<16xf32>
      %add3A_1083 = arith.addf %mul3A_1080, %add3A_1082 : vector<16xf32>
      %mul3A_1084 = arith.mulf %add3A_1083, %mul3A_1073 : vector<16xf32>
      %add3A_1085 = arith.constant -19.7311802 : f32
      %add3A_1086 = vector.broadcast %add3A_1085 : f32 to vector<16xf32>
      %add3A_1087 = arith.addf %mul3A_1084, %add3A_1086 : vector<16xf32>
      %mul3A_1088 = arith.mulf %add3A_1087, %mul3A_1073 : vector<16xf32>
      %add3A_1089 = arith.constant 0.999961614 : f32
      %add3A_1090 = vector.broadcast %add3A_1089 : f32 to vector<16xf32>
      %add3A_1091 = arith.addf %mul3A_1088, %add3A_1090 : vector<16xf32>
      %mul3A_1092 = arith.mulf %add3A_1091, %gather3A_1033 : vector<16xf32>
      %add3A_1093 = arith.addf %add3A_937, %mul3A_1092 : vector<16xf32>
      %mul3A_1094 = arith.mulf %div3A_142, %gather3A_1009 : vector<16xf32>
      %add3A_1095 = arith.addf %mul3A_1094, %gather3A_1021 : vector<16xf32>
      %add3A_1096 = arith.constant 0x4B400000 : f32
      %add3A_1097 = vector.broadcast %add3A_1096 : f32 to vector<16xf32>
      %add3A_1098 = arith.addf %add3A_1095, %add3A_1097 : vector<16xf32>
      %sub3A_1099 = arith.constant 0x4B400000 : f32
      %sub3A_1100 = vector.broadcast %sub3A_1099 : f32 to vector<16xf32>
      %sub3A_1101 = arith.subf %add3A_1098, %sub3A_1100 : vector<16xf32>
      %sub3A_1102 = arith.subf %add3A_1095, %sub3A_1101 : vector<16xf32>
      %mul3A_1103 = arith.mulf %sub3A_1102, %sub3A_1102 : vector<16xf32>
      %broadcast_in_dim3A_1104 = arith.constant 45.5641251 : f32
      %broadcast_in_dim3A_1105 = vector.broadcast %broadcast_in_dim3A_1104 : f32 to vector<16xf32>
      %mul3A_1106 = arith.mulf %broadcast_in_dim3A_1105, %mul3A_1103 : vector<16xf32>
      %add3A_1107 = arith.constant -82.3847046 : f32
      %add3A_1108 = vector.broadcast %add3A_1107 : f32 to vector<16xf32>
      %add3A_1109 = arith.addf %mul3A_1106, %add3A_1108 : vector<16xf32>
      %mul3A_1110 = arith.mulf %add3A_1109, %mul3A_1103 : vector<16xf32>
      %add3A_1111 = arith.constant 64.6735916 : f32
      %add3A_1112 = vector.broadcast %add3A_1111 : f32 to vector<16xf32>
      %add3A_1113 = arith.addf %mul3A_1110, %add3A_1112 : vector<16xf32>
      %mul3A_1114 = arith.mulf %add3A_1113, %mul3A_1103 : vector<16xf32>
      %add3A_1115 = arith.constant -19.7311802 : f32
      %add3A_1116 = vector.broadcast %add3A_1115 : f32 to vector<16xf32>
      %add3A_1117 = arith.addf %mul3A_1114, %add3A_1116 : vector<16xf32>
      %mul3A_1118 = arith.mulf %add3A_1117, %mul3A_1103 : vector<16xf32>
      %add3A_1119 = arith.constant 0.999961614 : f32
      %add3A_1120 = vector.broadcast %add3A_1119 : f32 to vector<16xf32>
      %add3A_1121 = arith.addf %mul3A_1118, %add3A_1120 : vector<16xf32>
      %mul3A_1122 = arith.mulf %add3A_1121, %gather3A_1033 : vector<16xf32>
      %add3A_1123 = arith.addf %add3A_967, %mul3A_1122 : vector<16xf32>
      %mul3A_1124 = arith.mulf %div3A_146, %gather3A_1009 : vector<16xf32>
      %add3A_1125 = arith.addf %mul3A_1124, %gather3A_1021 : vector<16xf32>
      %add3A_1126 = arith.constant 0x4B400000 : f32
      %add3A_1127 = vector.broadcast %add3A_1126 : f32 to vector<16xf32>
      %add3A_1128 = arith.addf %add3A_1125, %add3A_1127 : vector<16xf32>
      %sub3A_1129 = arith.constant 0x4B400000 : f32
      %sub3A_1130 = vector.broadcast %sub3A_1129 : f32 to vector<16xf32>
      %sub3A_1131 = arith.subf %add3A_1128, %sub3A_1130 : vector<16xf32>
      %sub3A_1132 = arith.subf %add3A_1125, %sub3A_1131 : vector<16xf32>
      %mul3A_1133 = arith.mulf %sub3A_1132, %sub3A_1132 : vector<16xf32>
      %broadcast_in_dim3A_1134 = arith.constant 45.5641251 : f32
      %broadcast_in_dim3A_1135 = vector.broadcast %broadcast_in_dim3A_1134 : f32 to vector<16xf32>
      %mul3A_1136 = arith.mulf %broadcast_in_dim3A_1135, %mul3A_1133 : vector<16xf32>
      %add3A_1137 = arith.constant -82.3847046 : f32
      %add3A_1138 = vector.broadcast %add3A_1137 : f32 to vector<16xf32>
      %add3A_1139 = arith.addf %mul3A_1136, %add3A_1138 : vector<16xf32>
      %mul3A_1140 = arith.mulf %add3A_1139, %mul3A_1133 : vector<16xf32>
      %add3A_1141 = arith.constant 64.6735916 : f32
      %add3A_1142 = vector.broadcast %add3A_1141 : f32 to vector<16xf32>
      %add3A_1143 = arith.addf %mul3A_1140, %add3A_1142 : vector<16xf32>
      %mul3A_1144 = arith.mulf %add3A_1143, %mul3A_1133 : vector<16xf32>
      %add3A_1145 = arith.constant -19.7311802 : f32
      %add3A_1146 = vector.broadcast %add3A_1145 : f32 to vector<16xf32>
      %add3A_1147 = arith.addf %mul3A_1144, %add3A_1146 : vector<16xf32>
      %mul3A_1148 = arith.mulf %add3A_1147, %mul3A_1133 : vector<16xf32>
      %add3A_1149 = arith.constant 0.999961614 : f32
      %add3A_1150 = vector.broadcast %add3A_1149 : f32 to vector<16xf32>
      %add3A_1151 = arith.addf %mul3A_1148, %add3A_1150 : vector<16xf32>
      %mul3A_1152 = arith.mulf %add3A_1151, %gather3A_1033 : vector<16xf32>
      %add3A_1153 = arith.addf %add3A_997, %mul3A_1152 : vector<16xf32>
      %broadcast_in_dim3A_1154 = arith.constant 3 : i32
      %broadcast_in_dim3A_1155 = vector.broadcast %broadcast_in_dim3A_1154 : i32 to vector<16xi32>
      %lt3A_1156 = arith.constant 0 : i32
      %lt3A_1157 = vector.broadcast %lt3A_1156 : i32 to vector<16xi32>
      %lt3A_1158 = arith.cmpi slt, %broadcast_in_dim3A_1155, %lt3A_1157 : vector<16xi32>
      %add3A_1159 = arith.constant 16 : i32
      %add3A_1160 = vector.broadcast %add3A_1159 : i32 to vector<16xi32>
      %add3A_1161 = arith.addi %broadcast_in_dim3A_1155, %add3A_1160 : vector<16xi32>
      %select_n3A_1162 = arith.select %lt3A_1158, %add3A_1161, %broadcast_in_dim3A_1155 : vector<16xi1>, vector<16xi32>
      %reshape3A_1163 = vector.shape_cast %select_n3A_1162 : vector<16xi32> to vector<16x1xi32>
      %gather3A_1164 = vector.shape_cast %reshape3A_1163 : vector<16x1xi32> to vector<16xi32>
      %gather3A_1165 = tpu.dynamic_gather %mul3A_678[%gather3A_1164] in [0] : vector<16xf32>, vector<16xi32> -> vector<16xf32>
      %broadcast_in_dim3A_1166 = arith.constant 3 : i32
      %broadcast_in_dim3A_1167 = vector.broadcast %broadcast_in_dim3A_1166 : i32 to vector<16xi32>
      %lt3A_1168 = arith.constant 0 : i32
      %lt3A_1169 = vector.broadcast %lt3A_1168 : i32 to vector<16xi32>
      %lt3A_1170 = arith.cmpi slt, %broadcast_in_dim3A_1167, %lt3A_1169 : vector<16xi32>
      %add3A_1171 = arith.constant 16 : i32
      %add3A_1172 = vector.broadcast %add3A_1171 : i32 to vector<16xi32>
      %add3A_1173 = arith.addi %broadcast_in_dim3A_1167, %add3A_1172 : vector<16xi32>
      %select_n3A_1174 = arith.select %lt3A_1170, %add3A_1173, %broadcast_in_dim3A_1167 : vector<16xi1>, vector<16xi32>
      %reshape3A_1175 = vector.shape_cast %select_n3A_1174 : vector<16xi32> to vector<16x1xi32>
      %gather3A_1176 = vector.shape_cast %reshape3A_1175 : vector<16x1xi32> to vector<16xi32>
      %gather3A_1177 = tpu.dynamic_gather %mul3A_683[%gather3A_1176] in [0] : vector<16xf32>, vector<16xi32> -> vector<16xf32>
      %broadcast_in_dim3A_1178 = arith.constant 3 : i32
      %broadcast_in_dim3A_1179 = vector.broadcast %broadcast_in_dim3A_1178 : i32 to vector<16xi32>
      %lt3A_1180 = arith.constant 0 : i32
      %lt3A_1181 = vector.broadcast %lt3A_1180 : i32 to vector<16xi32>
      %lt3A_1182 = arith.cmpi slt, %broadcast_in_dim3A_1179, %lt3A_1181 : vector<16xi32>
      %add3A_1183 = arith.constant 16 : i32
      %add3A_1184 = vector.broadcast %add3A_1183 : i32 to vector<16xi32>
      %add3A_1185 = arith.addi %broadcast_in_dim3A_1179, %add3A_1184 : vector<16xi32>
      %select_n3A_1186 = arith.select %lt3A_1182, %add3A_1185, %broadcast_in_dim3A_1179 : vector<16xi1>, vector<16xi32>
      %reshape3A_1187 = vector.shape_cast %select_n3A_1186 : vector<16xi32> to vector<16x1xi32>
      %gather3A_1188 = vector.shape_cast %reshape3A_1187 : vector<16x1xi32> to vector<16xi32>
      %gather3A_1189 = tpu.dynamic_gather %get3A_685[%gather3A_1188] in [0] : vector<16xf32>, vector<16xi32> -> vector<16xf32>
      %mul3A_1190 = arith.mulf %div3A_134, %gather3A_1165 : vector<16xf32>
      %add3A_1191 = arith.addf %mul3A_1190, %gather3A_1177 : vector<16xf32>
      %add3A_1192 = arith.constant 0x4B400000 : f32
      %add3A_1193 = vector.broadcast %add3A_1192 : f32 to vector<16xf32>
      %add3A_1194 = arith.addf %add3A_1191, %add3A_1193 : vector<16xf32>
      %sub3A_1195 = arith.constant 0x4B400000 : f32
      %sub3A_1196 = vector.broadcast %sub3A_1195 : f32 to vector<16xf32>
      %sub3A_1197 = arith.subf %add3A_1194, %sub3A_1196 : vector<16xf32>
      %sub3A_1198 = arith.subf %add3A_1191, %sub3A_1197 : vector<16xf32>
      %mul3A_1199 = arith.mulf %sub3A_1198, %sub3A_1198 : vector<16xf32>
      %broadcast_in_dim3A_1200 = arith.constant 45.5641251 : f32
      %broadcast_in_dim3A_1201 = vector.broadcast %broadcast_in_dim3A_1200 : f32 to vector<16xf32>
      %mul3A_1202 = arith.mulf %broadcast_in_dim3A_1201, %mul3A_1199 : vector<16xf32>
      %add3A_1203 = arith.constant -82.3847046 : f32
      %add3A_1204 = vector.broadcast %add3A_1203 : f32 to vector<16xf32>
      %add3A_1205 = arith.addf %mul3A_1202, %add3A_1204 : vector<16xf32>
      %mul3A_1206 = arith.mulf %add3A_1205, %mul3A_1199 : vector<16xf32>
      %add3A_1207 = arith.constant 64.6735916 : f32
      %add3A_1208 = vector.broadcast %add3A_1207 : f32 to vector<16xf32>
      %add3A_1209 = arith.addf %mul3A_1206, %add3A_1208 : vector<16xf32>
      %mul3A_1210 = arith.mulf %add3A_1209, %mul3A_1199 : vector<16xf32>
      %add3A_1211 = arith.constant -19.7311802 : f32
      %add3A_1212 = vector.broadcast %add3A_1211 : f32 to vector<16xf32>
      %add3A_1213 = arith.addf %mul3A_1210, %add3A_1212 : vector<16xf32>
      %mul3A_1214 = arith.mulf %add3A_1213, %mul3A_1199 : vector<16xf32>
      %add3A_1215 = arith.constant 0.999961614 : f32
      %add3A_1216 = vector.broadcast %add3A_1215 : f32 to vector<16xf32>
      %add3A_1217 = arith.addf %mul3A_1214, %add3A_1216 : vector<16xf32>
      %mul3A_1218 = arith.mulf %add3A_1217, %gather3A_1189 : vector<16xf32>
      %add3A_1219 = arith.addf %add3A_1063, %mul3A_1218 : vector<16xf32>
      %mul3A_1220 = arith.mulf %div3A_138, %gather3A_1165 : vector<16xf32>
      %add3A_1221 = arith.addf %mul3A_1220, %gather3A_1177 : vector<16xf32>
      %add3A_1222 = arith.constant 0x4B400000 : f32
      %add3A_1223 = vector.broadcast %add3A_1222 : f32 to vector<16xf32>
      %add3A_1224 = arith.addf %add3A_1221, %add3A_1223 : vector<16xf32>
      %sub3A_1225 = arith.constant 0x4B400000 : f32
      %sub3A_1226 = vector.broadcast %sub3A_1225 : f32 to vector<16xf32>
      %sub3A_1227 = arith.subf %add3A_1224, %sub3A_1226 : vector<16xf32>
      %sub3A_1228 = arith.subf %add3A_1221, %sub3A_1227 : vector<16xf32>
      %mul3A_1229 = arith.mulf %sub3A_1228, %sub3A_1228 : vector<16xf32>
      %broadcast_in_dim3A_1230 = arith.constant 45.5641251 : f32
      %broadcast_in_dim3A_1231 = vector.broadcast %broadcast_in_dim3A_1230 : f32 to vector<16xf32>
      %mul3A_1232 = arith.mulf %broadcast_in_dim3A_1231, %mul3A_1229 : vector<16xf32>
      %add3A_1233 = arith.constant -82.3847046 : f32
      %add3A_1234 = vector.broadcast %add3A_1233 : f32 to vector<16xf32>
      %add3A_1235 = arith.addf %mul3A_1232, %add3A_1234 : vector<16xf32>
      %mul3A_1236 = arith.mulf %add3A_1235, %mul3A_1229 : vector<16xf32>
      %add3A_1237 = arith.constant 64.6735916 : f32
      %add3A_1238 = vector.broadcast %add3A_1237 : f32 to vector<16xf32>
      %add3A_1239 = arith.addf %mul3A_1236, %add3A_1238 : vector<16xf32>
      %mul3A_1240 = arith.mulf %add3A_1239, %mul3A_1229 : vector<16xf32>
      %add3A_1241 = arith.constant -19.7311802 : f32
      %add3A_1242 = vector.broadcast %add3A_1241 : f32 to vector<16xf32>
      %add3A_1243 = arith.addf %mul3A_1240, %add3A_1242 : vector<16xf32>
      %mul3A_1244 = arith.mulf %add3A_1243, %mul3A_1229 : vector<16xf32>
      %add3A_1245 = arith.constant 0.999961614 : f32
      %add3A_1246 = vector.broadcast %add3A_1245 : f32 to vector<16xf32>
      %add3A_1247 = arith.addf %mul3A_1244, %add3A_1246 : vector<16xf32>
      %mul3A_1248 = arith.mulf %add3A_1247, %gather3A_1189 : vector<16xf32>
      %add3A_1249 = arith.addf %add3A_1093, %mul3A_1248 : vector<16xf32>
      %mul3A_1250 = arith.mulf %div3A_142, %gather3A_1165 : vector<16xf32>
      %add3A_1251 = arith.addf %mul3A_1250, %gather3A_1177 : vector<16xf32>
      %add3A_1252 = arith.constant 0x4B400000 : f32
      %add3A_1253 = vector.broadcast %add3A_1252 : f32 to vector<16xf32>
      %add3A_1254 = arith.addf %add3A_1251, %add3A_1253 : vector<16xf32>
      %sub3A_1255 = arith.constant 0x4B400000 : f32
      %sub3A_1256 = vector.broadcast %sub3A_1255 : f32 to vector<16xf32>
      %sub3A_1257 = arith.subf %add3A_1254, %sub3A_1256 : vector<16xf32>
      %sub3A_1258 = arith.subf %add3A_1251, %sub3A_1257 : vector<16xf32>
      %mul3A_1259 = arith.mulf %sub3A_1258, %sub3A_1258 : vector<16xf32>
      %broadcast_in_dim3A_1260 = arith.constant 45.5641251 : f32
      %broadcast_in_dim3A_1261 = vector.broadcast %broadcast_in_dim3A_1260 : f32 to vector<16xf32>
      %mul3A_1262 = arith.mulf %broadcast_in_dim3A_1261, %mul3A_1259 : vector<16xf32>
      %add3A_1263 = arith.constant -82.3847046 : f32
      %add3A_1264 = vector.broadcast %add3A_1263 : f32 to vector<16xf32>
      %add3A_1265 = arith.addf %mul3A_1262, %add3A_1264 : vector<16xf32>
      %mul3A_1266 = arith.mulf %add3A_1265, %mul3A_1259 : vector<16xf32>
      %add3A_1267 = arith.constant 64.6735916 : f32
      %add3A_1268 = vector.broadcast %add3A_1267 : f32 to vector<16xf32>
      %add3A_1269 = arith.addf %mul3A_1266, %add3A_1268 : vector<16xf32>
      %mul3A_1270 = arith.mulf %add3A_1269, %mul3A_1259 : vector<16xf32>
      %add3A_1271 = arith.constant -19.7311802 : f32
      %add3A_1272 = vector.broadcast %add3A_1271 : f32 to vector<16xf32>
      %add3A_1273 = arith.addf %mul3A_1270, %add3A_1272 : vector<16xf32>
      %mul3A_1274 = arith.mulf %add3A_1273, %mul3A_1259 : vector<16xf32>
      %add3A_1275 = arith.constant 0.999961614 : f32
      %add3A_1276 = vector.broadcast %add3A_1275 : f32 to vector<16xf32>
      %add3A_1277 = arith.addf %mul3A_1274, %add3A_1276 : vector<16xf32>
      %mul3A_1278 = arith.mulf %add3A_1277, %gather3A_1189 : vector<16xf32>
      %add3A_1279 = arith.addf %add3A_1123, %mul3A_1278 : vector<16xf32>
      %mul3A_1280 = arith.mulf %div3A_146, %gather3A_1165 : vector<16xf32>
      %add3A_1281 = arith.addf %mul3A_1280, %gather3A_1177 : vector<16xf32>
      %add3A_1282 = arith.constant 0x4B400000 : f32
      %add3A_1283 = vector.broadcast %add3A_1282 : f32 to vector<16xf32>
      %add3A_1284 = arith.addf %add3A_1281, %add3A_1283 : vector<16xf32>
      %sub3A_1285 = arith.constant 0x4B400000 : f32
      %sub3A_1286 = vector.broadcast %sub3A_1285 : f32 to vector<16xf32>
      %sub3A_1287 = arith.subf %add3A_1284, %sub3A_1286 : vector<16xf32>
      %sub3A_1288 = arith.subf %add3A_1281, %sub3A_1287 : vector<16xf32>
      %mul3A_1289 = arith.mulf %sub3A_1288, %sub3A_1288 : vector<16xf32>
      %broadcast_in_dim3A_1290 = arith.constant 45.5641251 : f32
      %broadcast_in_dim3A_1291 = vector.broadcast %broadcast_in_dim3A_1290 : f32 to vector<16xf32>
      %mul3A_1292 = arith.mulf %broadcast_in_dim3A_1291, %mul3A_1289 : vector<16xf32>
      %add3A_1293 = arith.constant -82.3847046 : f32
      %add3A_1294 = vector.broadcast %add3A_1293 : f32 to vector<16xf32>
      %add3A_1295 = arith.addf %mul3A_1292, %add3A_1294 : vector<16xf32>
      %mul3A_1296 = arith.mulf %add3A_1295, %mul3A_1289 : vector<16xf32>
      %add3A_1297 = arith.constant 64.6735916 : f32
      %add3A_1298 = vector.broadcast %add3A_1297 : f32 to vector<16xf32>
      %add3A_1299 = arith.addf %mul3A_1296, %add3A_1298 : vector<16xf32>
      %mul3A_1300 = arith.mulf %add3A_1299, %mul3A_1289 : vector<16xf32>
      %add3A_1301 = arith.constant -19.7311802 : f32
      %add3A_1302 = vector.broadcast %add3A_1301 : f32 to vector<16xf32>
      %add3A_1303 = arith.addf %mul3A_1300, %add3A_1302 : vector<16xf32>
      %mul3A_1304 = arith.mulf %add3A_1303, %mul3A_1289 : vector<16xf32>
      %add3A_1305 = arith.constant 0.999961614 : f32
      %add3A_1306 = vector.broadcast %add3A_1305 : f32 to vector<16xf32>
      %add3A_1307 = arith.addf %mul3A_1304, %add3A_1306 : vector<16xf32>
      %mul3A_1308 = arith.mulf %add3A_1307, %gather3A_1189 : vector<16xf32>
      %add3A_1309 = arith.addf %add3A_1153, %mul3A_1308 : vector<16xf32>
      %broadcast_in_dim3A_1310 = arith.constant 4 : i32
      %broadcast_in_dim3A_1311 = vector.broadcast %broadcast_in_dim3A_1310 : i32 to vector<16xi32>
      %lt3A_1312 = arith.constant 0 : i32
      %lt3A_1313 = vector.broadcast %lt3A_1312 : i32 to vector<16xi32>
      %lt3A_1314 = arith.cmpi slt, %broadcast_in_dim3A_1311, %lt3A_1313 : vector<16xi32>
      %add3A_1315 = arith.constant 16 : i32
      %add3A_1316 = vector.broadcast %add3A_1315 : i32 to vector<16xi32>
      %add3A_1317 = arith.addi %broadcast_in_dim3A_1311, %add3A_1316 : vector<16xi32>
      %select_n3A_1318 = arith.select %lt3A_1314, %add3A_1317, %broadcast_in_dim3A_1311 : vector<16xi1>, vector<16xi32>
      %reshape3A_1319 = vector.shape_cast %select_n3A_1318 : vector<16xi32> to vector<16x1xi32>
      %gather3A_1320 = vector.shape_cast %reshape3A_1319 : vector<16x1xi32> to vector<16xi32>
      %gather3A_1321 = tpu.dynamic_gather %mul3A_678[%gather3A_1320] in [0] : vector<16xf32>, vector<16xi32> -> vector<16xf32>
      %broadcast_in_dim3A_1322 = arith.constant 4 : i32
      %broadcast_in_dim3A_1323 = vector.broadcast %broadcast_in_dim3A_1322 : i32 to vector<16xi32>
      %lt3A_1324 = arith.constant 0 : i32
      %lt3A_1325 = vector.broadcast %lt3A_1324 : i32 to vector<16xi32>
      %lt3A_1326 = arith.cmpi slt, %broadcast_in_dim3A_1323, %lt3A_1325 : vector<16xi32>
      %add3A_1327 = arith.constant 16 : i32
      %add3A_1328 = vector.broadcast %add3A_1327 : i32 to vector<16xi32>
      %add3A_1329 = arith.addi %broadcast_in_dim3A_1323, %add3A_1328 : vector<16xi32>
      %select_n3A_1330 = arith.select %lt3A_1326, %add3A_1329, %broadcast_in_dim3A_1323 : vector<16xi1>, vector<16xi32>
      %reshape3A_1331 = vector.shape_cast %select_n3A_1330 : vector<16xi32> to vector<16x1xi32>
      %gather3A_1332 = vector.shape_cast %reshape3A_1331 : vector<16x1xi32> to vector<16xi32>
      %gather3A_1333 = tpu.dynamic_gather %mul3A_683[%gather3A_1332] in [0] : vector<16xf32>, vector<16xi32> -> vector<16xf32>
      %broadcast_in_dim3A_1334 = arith.constant 4 : i32
      %broadcast_in_dim3A_1335 = vector.broadcast %broadcast_in_dim3A_1334 : i32 to vector<16xi32>
      %lt3A_1336 = arith.constant 0 : i32
      %lt3A_1337 = vector.broadcast %lt3A_1336 : i32 to vector<16xi32>
      %lt3A_1338 = arith.cmpi slt, %broadcast_in_dim3A_1335, %lt3A_1337 : vector<16xi32>
      %add3A_1339 = arith.constant 16 : i32
      %add3A_1340 = vector.broadcast %add3A_1339 : i32 to vector<16xi32>
      %add3A_1341 = arith.addi %broadcast_in_dim3A_1335, %add3A_1340 : vector<16xi32>
      %select_n3A_1342 = arith.select %lt3A_1338, %add3A_1341, %broadcast_in_dim3A_1335 : vector<16xi1>, vector<16xi32>
      %reshape3A_1343 = vector.shape_cast %select_n3A_1342 : vector<16xi32> to vector<16x1xi32>
      %gather3A_1344 = vector.shape_cast %reshape3A_1343 : vector<16x1xi32> to vector<16xi32>
      %gather3A_1345 = tpu.dynamic_gather %get3A_685[%gather3A_1344] in [0] : vector<16xf32>, vector<16xi32> -> vector<16xf32>
      %mul3A_1346 = arith.mulf %div3A_134, %gather3A_1321 : vector<16xf32>
      %add3A_1347 = arith.addf %mul3A_1346, %gather3A_1333 : vector<16xf32>
      %add3A_1348 = arith.constant 0x4B400000 : f32
      %add3A_1349 = vector.broadcast %add3A_1348 : f32 to vector<16xf32>
      %add3A_1350 = arith.addf %add3A_1347, %add3A_1349 : vector<16xf32>
      %sub3A_1351 = arith.constant 0x4B400000 : f32
      %sub3A_1352 = vector.broadcast %sub3A_1351 : f32 to vector<16xf32>
      %sub3A_1353 = arith.subf %add3A_1350, %sub3A_1352 : vector<16xf32>
      %sub3A_1354 = arith.subf %add3A_1347, %sub3A_1353 : vector<16xf32>
      %mul3A_1355 = arith.mulf %sub3A_1354, %sub3A_1354 : vector<16xf32>
      %broadcast_in_dim3A_1356 = arith.constant 45.5641251 : f32
      %broadcast_in_dim3A_1357 = vector.broadcast %broadcast_in_dim3A_1356 : f32 to vector<16xf32>
      %mul3A_1358 = arith.mulf %broadcast_in_dim3A_1357, %mul3A_1355 : vector<16xf32>
      %add3A_1359 = arith.constant -82.3847046 : f32
      %add3A_1360 = vector.broadcast %add3A_1359 : f32 to vector<16xf32>
      %add3A_1361 = arith.addf %mul3A_1358, %add3A_1360 : vector<16xf32>
      %mul3A_1362 = arith.mulf %add3A_1361, %mul3A_1355 : vector<16xf32>
      %add3A_1363 = arith.constant 64.6735916 : f32
      %add3A_1364 = vector.broadcast %add3A_1363 : f32 to vector<16xf32>
      %add3A_1365 = arith.addf %mul3A_1362, %add3A_1364 : vector<16xf32>
      %mul3A_1366 = arith.mulf %add3A_1365, %mul3A_1355 : vector<16xf32>
      %add3A_1367 = arith.constant -19.7311802 : f32
      %add3A_1368 = vector.broadcast %add3A_1367 : f32 to vector<16xf32>
      %add3A_1369 = arith.addf %mul3A_1366, %add3A_1368 : vector<16xf32>
      %mul3A_1370 = arith.mulf %add3A_1369, %mul3A_1355 : vector<16xf32>
      %add3A_1371 = arith.constant 0.999961614 : f32
      %add3A_1372 = vector.broadcast %add3A_1371 : f32 to vector<16xf32>
      %add3A_1373 = arith.addf %mul3A_1370, %add3A_1372 : vector<16xf32>
      %mul3A_1374 = arith.mulf %add3A_1373, %gather3A_1345 : vector<16xf32>
      %add3A_1375 = arith.addf %add3A_1219, %mul3A_1374 : vector<16xf32>
      %mul3A_1376 = arith.mulf %div3A_138, %gather3A_1321 : vector<16xf32>
      %add3A_1377 = arith.addf %mul3A_1376, %gather3A_1333 : vector<16xf32>
      %add3A_1378 = arith.constant 0x4B400000 : f32
      %add3A_1379 = vector.broadcast %add3A_1378 : f32 to vector<16xf32>
      %add3A_1380 = arith.addf %add3A_1377, %add3A_1379 : vector<16xf32>
      %sub3A_1381 = arith.constant 0x4B400000 : f32
      %sub3A_1382 = vector.broadcast %sub3A_1381 : f32 to vector<16xf32>
      %sub3A_1383 = arith.subf %add3A_1380, %sub3A_1382 : vector<16xf32>
      %sub3A_1384 = arith.subf %add3A_1377, %sub3A_1383 : vector<16xf32>
      %mul3A_1385 = arith.mulf %sub3A_1384, %sub3A_1384 : vector<16xf32>
      %broadcast_in_dim3A_1386 = arith.constant 45.5641251 : f32
      %broadcast_in_dim3A_1387 = vector.broadcast %broadcast_in_dim3A_1386 : f32 to vector<16xf32>
      %mul3A_1388 = arith.mulf %broadcast_in_dim3A_1387, %mul3A_1385 : vector<16xf32>
      %add3A_1389 = arith.constant -82.3847046 : f32
      %add3A_1390 = vector.broadcast %add3A_1389 : f32 to vector<16xf32>
      %add3A_1391 = arith.addf %mul3A_1388, %add3A_1390 : vector<16xf32>
      %mul3A_1392 = arith.mulf %add3A_1391, %mul3A_1385 : vector<16xf32>
      %add3A_1393 = arith.constant 64.6735916 : f32
      %add3A_1394 = vector.broadcast %add3A_1393 : f32 to vector<16xf32>
      %add3A_1395 = arith.addf %mul3A_1392, %add3A_1394 : vector<16xf32>
      %mul3A_1396 = arith.mulf %add3A_1395, %mul3A_1385 : vector<16xf32>
      %add3A_1397 = arith.constant -19.7311802 : f32
      %add3A_1398 = vector.broadcast %add3A_1397 : f32 to vector<16xf32>
      %add3A_1399 = arith.addf %mul3A_1396, %add3A_1398 : vector<16xf32>
      %mul3A_1400 = arith.mulf %add3A_1399, %mul3A_1385 : vector<16xf32>
      %add3A_1401 = arith.constant 0.999961614 : f32
      %add3A_1402 = vector.broadcast %add3A_1401 : f32 to vector<16xf32>
      %add3A_1403 = arith.addf %mul3A_1400, %add3A_1402 : vector<16xf32>
      %mul3A_1404 = arith.mulf %add3A_1403, %gather3A_1345 : vector<16xf32>
      %add3A_1405 = arith.addf %add3A_1249, %mul3A_1404 : vector<16xf32>
      %mul3A_1406 = arith.mulf %div3A_142, %gather3A_1321 : vector<16xf32>
      %add3A_1407 = arith.addf %mul3A_1406, %gather3A_1333 : vector<16xf32>
      %add3A_1408 = arith.constant 0x4B400000 : f32
      %add3A_1409 = vector.broadcast %add3A_1408 : f32 to vector<16xf32>
      %add3A_1410 = arith.addf %add3A_1407, %add3A_1409 : vector<16xf32>
      %sub3A_1411 = arith.constant 0x4B400000 : f32
      %sub3A_1412 = vector.broadcast %sub3A_1411 : f32 to vector<16xf32>
      %sub3A_1413 = arith.subf %add3A_1410, %sub3A_1412 : vector<16xf32>
      %sub3A_1414 = arith.subf %add3A_1407, %sub3A_1413 : vector<16xf32>
      %mul3A_1415 = arith.mulf %sub3A_1414, %sub3A_1414 : vector<16xf32>
      %broadcast_in_dim3A_1416 = arith.constant 45.5641251 : f32
      %broadcast_in_dim3A_1417 = vector.broadcast %broadcast_in_dim3A_1416 : f32 to vector<16xf32>
      %mul3A_1418 = arith.mulf %broadcast_in_dim3A_1417, %mul3A_1415 : vector<16xf32>
      %add3A_1419 = arith.constant -82.3847046 : f32
      %add3A_1420 = vector.broadcast %add3A_1419 : f32 to vector<16xf32>
      %add3A_1421 = arith.addf %mul3A_1418, %add3A_1420 : vector<16xf32>
      %mul3A_1422 = arith.mulf %add3A_1421, %mul3A_1415 : vector<16xf32>
      %add3A_1423 = arith.constant 64.6735916 : f32
      %add3A_1424 = vector.broadcast %add3A_1423 : f32 to vector<16xf32>
      %add3A_1425 = arith.addf %mul3A_1422, %add3A_1424 : vector<16xf32>
      %mul3A_1426 = arith.mulf %add3A_1425, %mul3A_1415 : vector<16xf32>
      %add3A_1427 = arith.constant -19.7311802 : f32
      %add3A_1428 = vector.broadcast %add3A_1427 : f32 to vector<16xf32>
      %add3A_1429 = arith.addf %mul3A_1426, %add3A_1428 : vector<16xf32>
      %mul3A_1430 = arith.mulf %add3A_1429, %mul3A_1415 : vector<16xf32>
      %add3A_1431 = arith.constant 0.999961614 : f32
      %add3A_1432 = vector.broadcast %add3A_1431 : f32 to vector<16xf32>
      %add3A_1433 = arith.addf %mul3A_1430, %add3A_1432 : vector<16xf32>
      %mul3A_1434 = arith.mulf %add3A_1433, %gather3A_1345 : vector<16xf32>
      %add3A_1435 = arith.addf %add3A_1279, %mul3A_1434 : vector<16xf32>
      %mul3A_1436 = arith.mulf %div3A_146, %gather3A_1321 : vector<16xf32>
      %add3A_1437 = arith.addf %mul3A_1436, %gather3A_1333 : vector<16xf32>
      %add3A_1438 = arith.constant 0x4B400000 : f32
      %add3A_1439 = vector.broadcast %add3A_1438 : f32 to vector<16xf32>
      %add3A_1440 = arith.addf %add3A_1437, %add3A_1439 : vector<16xf32>
      %sub3A_1441 = arith.constant 0x4B400000 : f32
      %sub3A_1442 = vector.broadcast %sub3A_1441 : f32 to vector<16xf32>
      %sub3A_1443 = arith.subf %add3A_1440, %sub3A_1442 : vector<16xf32>
      %sub3A_1444 = arith.subf %add3A_1437, %sub3A_1443 : vector<16xf32>
      %mul3A_1445 = arith.mulf %sub3A_1444, %sub3A_1444 : vector<16xf32>
      %broadcast_in_dim3A_1446 = arith.constant 45.5641251 : f32
      %broadcast_in_dim3A_1447 = vector.broadcast %broadcast_in_dim3A_1446 : f32 to vector<16xf32>
      %mul3A_1448 = arith.mulf %broadcast_in_dim3A_1447, %mul3A_1445 : vector<16xf32>
      %add3A_1449 = arith.constant -82.3847046 : f32
      %add3A_1450 = vector.broadcast %add3A_1449 : f32 to vector<16xf32>
      %add3A_1451 = arith.addf %mul3A_1448, %add3A_1450 : vector<16xf32>
      %mul3A_1452 = arith.mulf %add3A_1451, %mul3A_1445 : vector<16xf32>
      %add3A_1453 = arith.constant 64.6735916 : f32
      %add3A_1454 = vector.broadcast %add3A_1453 : f32 to vector<16xf32>
      %add3A_1455 = arith.addf %mul3A_1452, %add3A_1454 : vector<16xf32>
      %mul3A_1456 = arith.mulf %add3A_1455, %mul3A_1445 : vector<16xf32>
      %add3A_1457 = arith.constant -19.7311802 : f32
      %add3A_1458 = vector.broadcast %add3A_1457 : f32 to vector<16xf32>
      %add3A_1459 = arith.addf %mul3A_1456, %add3A_1458 : vector<16xf32>
      %mul3A_1460 = arith.mulf %add3A_1459, %mul3A_1445 : vector<16xf32>
      %add3A_1461 = arith.constant 0.999961614 : f32
      %add3A_1462 = vector.broadcast %add3A_1461 : f32 to vector<16xf32>
      %add3A_1463 = arith.addf %mul3A_1460, %add3A_1462 : vector<16xf32>
      %mul3A_1464 = arith.mulf %add3A_1463, %gather3A_1345 : vector<16xf32>
      %add3A_1465 = arith.addf %add3A_1309, %mul3A_1464 : vector<16xf32>
      %broadcast_in_dim3A_1466 = arith.constant 5 : i32
      %broadcast_in_dim3A_1467 = vector.broadcast %broadcast_in_dim3A_1466 : i32 to vector<16xi32>
      %lt3A_1468 = arith.constant 0 : i32
      %lt3A_1469 = vector.broadcast %lt3A_1468 : i32 to vector<16xi32>
      %lt3A_1470 = arith.cmpi slt, %broadcast_in_dim3A_1467, %lt3A_1469 : vector<16xi32>
      %add3A_1471 = arith.constant 16 : i32
      %add3A_1472 = vector.broadcast %add3A_1471 : i32 to vector<16xi32>
      %add3A_1473 = arith.addi %broadcast_in_dim3A_1467, %add3A_1472 : vector<16xi32>
      %select_n3A_1474 = arith.select %lt3A_1470, %add3A_1473, %broadcast_in_dim3A_1467 : vector<16xi1>, vector<16xi32>
      %reshape3A_1475 = vector.shape_cast %select_n3A_1474 : vector<16xi32> to vector<16x1xi32>
      %gather3A_1476 = vector.shape_cast %reshape3A_1475 : vector<16x1xi32> to vector<16xi32>
      %gather3A_1477 = tpu.dynamic_gather %mul3A_678[%gather3A_1476] in [0] : vector<16xf32>, vector<16xi32> -> vector<16xf32>
      %broadcast_in_dim3A_1478 = arith.constant 5 : i32
      %broadcast_in_dim3A_1479 = vector.broadcast %broadcast_in_dim3A_1478 : i32 to vector<16xi32>
      %lt3A_1480 = arith.constant 0 : i32
      %lt3A_1481 = vector.broadcast %lt3A_1480 : i32 to vector<16xi32>
      %lt3A_1482 = arith.cmpi slt, %broadcast_in_dim3A_1479, %lt3A_1481 : vector<16xi32>
      %add3A_1483 = arith.constant 16 : i32
      %add3A_1484 = vector.broadcast %add3A_1483 : i32 to vector<16xi32>
      %add3A_1485 = arith.addi %broadcast_in_dim3A_1479, %add3A_1484 : vector<16xi32>
      %select_n3A_1486 = arith.select %lt3A_1482, %add3A_1485, %broadcast_in_dim3A_1479 : vector<16xi1>, vector<16xi32>
      %reshape3A_1487 = vector.shape_cast %select_n3A_1486 : vector<16xi32> to vector<16x1xi32>
      %gather3A_1488 = vector.shape_cast %reshape3A_1487 : vector<16x1xi32> to vector<16xi32>
      %gather3A_1489 = tpu.dynamic_gather %mul3A_683[%gather3A_1488] in [0] : vector<16xf32>, vector<16xi32> -> vector<16xf32>
      %broadcast_in_dim3A_1490 = arith.constant 5 : i32
      %broadcast_in_dim3A_1491 = vector.broadcast %broadcast_in_dim3A_1490 : i32 to vector<16xi32>
      %lt3A_1492 = arith.constant 0 : i32
      %lt3A_1493 = vector.broadcast %lt3A_1492 : i32 to vector<16xi32>
      %lt3A_1494 = arith.cmpi slt, %broadcast_in_dim3A_1491, %lt3A_1493 : vector<16xi32>
      %add3A_1495 = arith.constant 16 : i32
      %add3A_1496 = vector.broadcast %add3A_1495 : i32 to vector<16xi32>
      %add3A_1497 = arith.addi %broadcast_in_dim3A_1491, %add3A_1496 : vector<16xi32>
      %select_n3A_1498 = arith.select %lt3A_1494, %add3A_1497, %broadcast_in_dim3A_1491 : vector<16xi1>, vector<16xi32>
      %reshape3A_1499 = vector.shape_cast %select_n3A_1498 : vector<16xi32> to vector<16x1xi32>
      %gather3A_1500 = vector.shape_cast %reshape3A_1499 : vector<16x1xi32> to vector<16xi32>
      %gather3A_1501 = tpu.dynamic_gather %get3A_685[%gather3A_1500] in [0] : vector<16xf32>, vector<16xi32> -> vector<16xf32>
      %mul3A_1502 = arith.mulf %div3A_134, %gather3A_1477 : vector<16xf32>
      %add3A_1503 = arith.addf %mul3A_1502, %gather3A_1489 : vector<16xf32>
      %add3A_1504 = arith.constant 0x4B400000 : f32
      %add3A_1505 = vector.broadcast %add3A_1504 : f32 to vector<16xf32>
      %add3A_1506 = arith.addf %add3A_1503, %add3A_1505 : vector<16xf32>
      %sub3A_1507 = arith.constant 0x4B400000 : f32
      %sub3A_1508 = vector.broadcast %sub3A_1507 : f32 to vector<16xf32>
      %sub3A_1509 = arith.subf %add3A_1506, %sub3A_1508 : vector<16xf32>
      %sub3A_1510 = arith.subf %add3A_1503, %sub3A_1509 : vector<16xf32>
      %mul3A_1511 = arith.mulf %sub3A_1510, %sub3A_1510 : vector<16xf32>
      %broadcast_in_dim3A_1512 = arith.constant 45.5641251 : f32
      %broadcast_in_dim3A_1513 = vector.broadcast %broadcast_in_dim3A_1512 : f32 to vector<16xf32>
      %mul3A_1514 = arith.mulf %broadcast_in_dim3A_1513, %mul3A_1511 : vector<16xf32>
      %add3A_1515 = arith.constant -82.3847046 : f32
      %add3A_1516 = vector.broadcast %add3A_1515 : f32 to vector<16xf32>
      %add3A_1517 = arith.addf %mul3A_1514, %add3A_1516 : vector<16xf32>
      %mul3A_1518 = arith.mulf %add3A_1517, %mul3A_1511 : vector<16xf32>
      %add3A_1519 = arith.constant 64.6735916 : f32
      %add3A_1520 = vector.broadcast %add3A_1519 : f32 to vector<16xf32>
      %add3A_1521 = arith.addf %mul3A_1518, %add3A_1520 : vector<16xf32>
      %mul3A_1522 = arith.mulf %add3A_1521, %mul3A_1511 : vector<16xf32>
      %add3A_1523 = arith.constant -19.7311802 : f32
      %add3A_1524 = vector.broadcast %add3A_1523 : f32 to vector<16xf32>
      %add3A_1525 = arith.addf %mul3A_1522, %add3A_1524 : vector<16xf32>
      %mul3A_1526 = arith.mulf %add3A_1525, %mul3A_1511 : vector<16xf32>
      %add3A_1527 = arith.constant 0.999961614 : f32
      %add3A_1528 = vector.broadcast %add3A_1527 : f32 to vector<16xf32>
      %add3A_1529 = arith.addf %mul3A_1526, %add3A_1528 : vector<16xf32>
      %mul3A_1530 = arith.mulf %add3A_1529, %gather3A_1501 : vector<16xf32>
      %add3A_1531 = arith.addf %add3A_1375, %mul3A_1530 : vector<16xf32>
      %mul3A_1532 = arith.mulf %div3A_138, %gather3A_1477 : vector<16xf32>
      %add3A_1533 = arith.addf %mul3A_1532, %gather3A_1489 : vector<16xf32>
      %add3A_1534 = arith.constant 0x4B400000 : f32
      %add3A_1535 = vector.broadcast %add3A_1534 : f32 to vector<16xf32>
      %add3A_1536 = arith.addf %add3A_1533, %add3A_1535 : vector<16xf32>
      %sub3A_1537 = arith.constant 0x4B400000 : f32
      %sub3A_1538 = vector.broadcast %sub3A_1537 : f32 to vector<16xf32>
      %sub3A_1539 = arith.subf %add3A_1536, %sub3A_1538 : vector<16xf32>
      %sub3A_1540 = arith.subf %add3A_1533, %sub3A_1539 : vector<16xf32>
      %mul3A_1541 = arith.mulf %sub3A_1540, %sub3A_1540 : vector<16xf32>
      %broadcast_in_dim3A_1542 = arith.constant 45.5641251 : f32
      %broadcast_in_dim3A_1543 = vector.broadcast %broadcast_in_dim3A_1542 : f32 to vector<16xf32>
      %mul3A_1544 = arith.mulf %broadcast_in_dim3A_1543, %mul3A_1541 : vector<16xf32>
      %add3A_1545 = arith.constant -82.3847046 : f32
      %add3A_1546 = vector.broadcast %add3A_1545 : f32 to vector<16xf32>
      %add3A_1547 = arith.addf %mul3A_1544, %add3A_1546 : vector<16xf32>
      %mul3A_1548 = arith.mulf %add3A_1547, %mul3A_1541 : vector<16xf32>
      %add3A_1549 = arith.constant 64.6735916 : f32
      %add3A_1550 = vector.broadcast %add3A_1549 : f32 to vector<16xf32>
      %add3A_1551 = arith.addf %mul3A_1548, %add3A_1550 : vector<16xf32>
      %mul3A_1552 = arith.mulf %add3A_1551, %mul3A_1541 : vector<16xf32>
      %add3A_1553 = arith.constant -19.7311802 : f32
      %add3A_1554 = vector.broadcast %add3A_1553 : f32 to vector<16xf32>
      %add3A_1555 = arith.addf %mul3A_1552, %add3A_1554 : vector<16xf32>
      %mul3A_1556 = arith.mulf %add3A_1555, %mul3A_1541 : vector<16xf32>
      %add3A_1557 = arith.constant 0.999961614 : f32
      %add3A_1558 = vector.broadcast %add3A_1557 : f32 to vector<16xf32>
      %add3A_1559 = arith.addf %mul3A_1556, %add3A_1558 : vector<16xf32>
      %mul3A_1560 = arith.mulf %add3A_1559, %gather3A_1501 : vector<16xf32>
      %add3A_1561 = arith.addf %add3A_1405, %mul3A_1560 : vector<16xf32>
      %mul3A_1562 = arith.mulf %div3A_142, %gather3A_1477 : vector<16xf32>
      %add3A_1563 = arith.addf %mul3A_1562, %gather3A_1489 : vector<16xf32>
      %add3A_1564 = arith.constant 0x4B400000 : f32
      %add3A_1565 = vector.broadcast %add3A_1564 : f32 to vector<16xf32>
      %add3A_1566 = arith.addf %add3A_1563, %add3A_1565 : vector<16xf32>
      %sub3A_1567 = arith.constant 0x4B400000 : f32
      %sub3A_1568 = vector.broadcast %sub3A_1567 : f32 to vector<16xf32>
      %sub3A_1569 = arith.subf %add3A_1566, %sub3A_1568 : vector<16xf32>
      %sub3A_1570 = arith.subf %add3A_1563, %sub3A_1569 : vector<16xf32>
      %mul3A_1571 = arith.mulf %sub3A_1570, %sub3A_1570 : vector<16xf32>
      %broadcast_in_dim3A_1572 = arith.constant 45.5641251 : f32
      %broadcast_in_dim3A_1573 = vector.broadcast %broadcast_in_dim3A_1572 : f32 to vector<16xf32>
      %mul3A_1574 = arith.mulf %broadcast_in_dim3A_1573, %mul3A_1571 : vector<16xf32>
      %add3A_1575 = arith.constant -82.3847046 : f32
      %add3A_1576 = vector.broadcast %add3A_1575 : f32 to vector<16xf32>
      %add3A_1577 = arith.addf %mul3A_1574, %add3A_1576 : vector<16xf32>
      %mul3A_1578 = arith.mulf %add3A_1577, %mul3A_1571 : vector<16xf32>
      %add3A_1579 = arith.constant 64.6735916 : f32
      %add3A_1580 = vector.broadcast %add3A_1579 : f32 to vector<16xf32>
      %add3A_1581 = arith.addf %mul3A_1578, %add3A_1580 : vector<16xf32>
      %mul3A_1582 = arith.mulf %add3A_1581, %mul3A_1571 : vector<16xf32>
      %add3A_1583 = arith.constant -19.7311802 : f32
      %add3A_1584 = vector.broadcast %add3A_1583 : f32 to vector<16xf32>
      %add3A_1585 = arith.addf %mul3A_1582, %add3A_1584 : vector<16xf32>
      %mul3A_1586 = arith.mulf %add3A_1585, %mul3A_1571 : vector<16xf32>
      %add3A_1587 = arith.constant 0.999961614 : f32
      %add3A_1588 = vector.broadcast %add3A_1587 : f32 to vector<16xf32>
      %add3A_1589 = arith.addf %mul3A_1586, %add3A_1588 : vector<16xf32>
      %mul3A_1590 = arith.mulf %add3A_1589, %gather3A_1501 : vector<16xf32>
      %add3A_1591 = arith.addf %add3A_1435, %mul3A_1590 : vector<16xf32>
      %mul3A_1592 = arith.mulf %div3A_146, %gather3A_1477 : vector<16xf32>
      %add3A_1593 = arith.addf %mul3A_1592, %gather3A_1489 : vector<16xf32>
      %add3A_1594 = arith.constant 0x4B400000 : f32
      %add3A_1595 = vector.broadcast %add3A_1594 : f32 to vector<16xf32>
      %add3A_1596 = arith.addf %add3A_1593, %add3A_1595 : vector<16xf32>
      %sub3A_1597 = arith.constant 0x4B400000 : f32
      %sub3A_1598 = vector.broadcast %sub3A_1597 : f32 to vector<16xf32>
      %sub3A_1599 = arith.subf %add3A_1596, %sub3A_1598 : vector<16xf32>
      %sub3A_1600 = arith.subf %add3A_1593, %sub3A_1599 : vector<16xf32>
      %mul3A_1601 = arith.mulf %sub3A_1600, %sub3A_1600 : vector<16xf32>
      %broadcast_in_dim3A_1602 = arith.constant 45.5641251 : f32
      %broadcast_in_dim3A_1603 = vector.broadcast %broadcast_in_dim3A_1602 : f32 to vector<16xf32>
      %mul3A_1604 = arith.mulf %broadcast_in_dim3A_1603, %mul3A_1601 : vector<16xf32>
      %add3A_1605 = arith.constant -82.3847046 : f32
      %add3A_1606 = vector.broadcast %add3A_1605 : f32 to vector<16xf32>
      %add3A_1607 = arith.addf %mul3A_1604, %add3A_1606 : vector<16xf32>
      %mul3A_1608 = arith.mulf %add3A_1607, %mul3A_1601 : vector<16xf32>
      %add3A_1609 = arith.constant 64.6735916 : f32
      %add3A_1610 = vector.broadcast %add3A_1609 : f32 to vector<16xf32>
      %add3A_1611 = arith.addf %mul3A_1608, %add3A_1610 : vector<16xf32>
      %mul3A_1612 = arith.mulf %add3A_1611, %mul3A_1601 : vector<16xf32>
      %add3A_1613 = arith.constant -19.7311802 : f32
      %add3A_1614 = vector.broadcast %add3A_1613 : f32 to vector<16xf32>
      %add3A_1615 = arith.addf %mul3A_1612, %add3A_1614 : vector<16xf32>
      %mul3A_1616 = arith.mulf %add3A_1615, %mul3A_1601 : vector<16xf32>
      %add3A_1617 = arith.constant 0.999961614 : f32
      %add3A_1618 = vector.broadcast %add3A_1617 : f32 to vector<16xf32>
      %add3A_1619 = arith.addf %mul3A_1616, %add3A_1618 : vector<16xf32>
      %mul3A_1620 = arith.mulf %add3A_1619, %gather3A_1501 : vector<16xf32>
      %add3A_1621 = arith.addf %add3A_1465, %mul3A_1620 : vector<16xf32>
      %broadcast_in_dim3A_1622 = arith.constant 6 : i32
      %broadcast_in_dim3A_1623 = vector.broadcast %broadcast_in_dim3A_1622 : i32 to vector<16xi32>
      %lt3A_1624 = arith.constant 0 : i32
      %lt3A_1625 = vector.broadcast %lt3A_1624 : i32 to vector<16xi32>
      %lt3A_1626 = arith.cmpi slt, %broadcast_in_dim3A_1623, %lt3A_1625 : vector<16xi32>
      %add3A_1627 = arith.constant 16 : i32
      %add3A_1628 = vector.broadcast %add3A_1627 : i32 to vector<16xi32>
      %add3A_1629 = arith.addi %broadcast_in_dim3A_1623, %add3A_1628 : vector<16xi32>
      %select_n3A_1630 = arith.select %lt3A_1626, %add3A_1629, %broadcast_in_dim3A_1623 : vector<16xi1>, vector<16xi32>
      %reshape3A_1631 = vector.shape_cast %select_n3A_1630 : vector<16xi32> to vector<16x1xi32>
      %gather3A_1632 = vector.shape_cast %reshape3A_1631 : vector<16x1xi32> to vector<16xi32>
      %gather3A_1633 = tpu.dynamic_gather %mul3A_678[%gather3A_1632] in [0] : vector<16xf32>, vector<16xi32> -> vector<16xf32>
      %broadcast_in_dim3A_1634 = arith.constant 6 : i32
      %broadcast_in_dim3A_1635 = vector.broadcast %broadcast_in_dim3A_1634 : i32 to vector<16xi32>
      %lt3A_1636 = arith.constant 0 : i32
      %lt3A_1637 = vector.broadcast %lt3A_1636 : i32 to vector<16xi32>
      %lt3A_1638 = arith.cmpi slt, %broadcast_in_dim3A_1635, %lt3A_1637 : vector<16xi32>
      %add3A_1639 = arith.constant 16 : i32
      %add3A_1640 = vector.broadcast %add3A_1639 : i32 to vector<16xi32>
      %add3A_1641 = arith.addi %broadcast_in_dim3A_1635, %add3A_1640 : vector<16xi32>
      %select_n3A_1642 = arith.select %lt3A_1638, %add3A_1641, %broadcast_in_dim3A_1635 : vector<16xi1>, vector<16xi32>
      %reshape3A_1643 = vector.shape_cast %select_n3A_1642 : vector<16xi32> to vector<16x1xi32>
      %gather3A_1644 = vector.shape_cast %reshape3A_1643 : vector<16x1xi32> to vector<16xi32>
      %gather3A_1645 = tpu.dynamic_gather %mul3A_683[%gather3A_1644] in [0] : vector<16xf32>, vector<16xi32> -> vector<16xf32>
      %broadcast_in_dim3A_1646 = arith.constant 6 : i32
      %broadcast_in_dim3A_1647 = vector.broadcast %broadcast_in_dim3A_1646 : i32 to vector<16xi32>
      %lt3A_1648 = arith.constant 0 : i32
      %lt3A_1649 = vector.broadcast %lt3A_1648 : i32 to vector<16xi32>
      %lt3A_1650 = arith.cmpi slt, %broadcast_in_dim3A_1647, %lt3A_1649 : vector<16xi32>
      %add3A_1651 = arith.constant 16 : i32
      %add3A_1652 = vector.broadcast %add3A_1651 : i32 to vector<16xi32>
      %add3A_1653 = arith.addi %broadcast_in_dim3A_1647, %add3A_1652 : vector<16xi32>
      %select_n3A_1654 = arith.select %lt3A_1650, %add3A_1653, %broadcast_in_dim3A_1647 : vector<16xi1>, vector<16xi32>
      %reshape3A_1655 = vector.shape_cast %select_n3A_1654 : vector<16xi32> to vector<16x1xi32>
      %gather3A_1656 = vector.shape_cast %reshape3A_1655 : vector<16x1xi32> to vector<16xi32>
      %gather3A_1657 = tpu.dynamic_gather %get3A_685[%gather3A_1656] in [0] : vector<16xf32>, vector<16xi32> -> vector<16xf32>
      %mul3A_1658 = arith.mulf %div3A_134, %gather3A_1633 : vector<16xf32>
      %add3A_1659 = arith.addf %mul3A_1658, %gather3A_1645 : vector<16xf32>
      %add3A_1660 = arith.constant 0x4B400000 : f32
      %add3A_1661 = vector.broadcast %add3A_1660 : f32 to vector<16xf32>
      %add3A_1662 = arith.addf %add3A_1659, %add3A_1661 : vector<16xf32>
      %sub3A_1663 = arith.constant 0x4B400000 : f32
      %sub3A_1664 = vector.broadcast %sub3A_1663 : f32 to vector<16xf32>
      %sub3A_1665 = arith.subf %add3A_1662, %sub3A_1664 : vector<16xf32>
      %sub3A_1666 = arith.subf %add3A_1659, %sub3A_1665 : vector<16xf32>
      %mul3A_1667 = arith.mulf %sub3A_1666, %sub3A_1666 : vector<16xf32>
      %broadcast_in_dim3A_1668 = arith.constant 45.5641251 : f32
      %broadcast_in_dim3A_1669 = vector.broadcast %broadcast_in_dim3A_1668 : f32 to vector<16xf32>
      %mul3A_1670 = arith.mulf %broadcast_in_dim3A_1669, %mul3A_1667 : vector<16xf32>
      %add3A_1671 = arith.constant -82.3847046 : f32
      %add3A_1672 = vector.broadcast %add3A_1671 : f32 to vector<16xf32>
      %add3A_1673 = arith.addf %mul3A_1670, %add3A_1672 : vector<16xf32>
      %mul3A_1674 = arith.mulf %add3A_1673, %mul3A_1667 : vector<16xf32>
      %add3A_1675 = arith.constant 64.6735916 : f32
      %add3A_1676 = vector.broadcast %add3A_1675 : f32 to vector<16xf32>
      %add3A_1677 = arith.addf %mul3A_1674, %add3A_1676 : vector<16xf32>
      %mul3A_1678 = arith.mulf %add3A_1677, %mul3A_1667 : vector<16xf32>
      %add3A_1679 = arith.constant -19.7311802 : f32
      %add3A_1680 = vector.broadcast %add3A_1679 : f32 to vector<16xf32>
      %add3A_1681 = arith.addf %mul3A_1678, %add3A_1680 : vector<16xf32>
      %mul3A_1682 = arith.mulf %add3A_1681, %mul3A_1667 : vector<16xf32>
      %add3A_1683 = arith.constant 0.999961614 : f32
      %add3A_1684 = vector.broadcast %add3A_1683 : f32 to vector<16xf32>
      %add3A_1685 = arith.addf %mul3A_1682, %add3A_1684 : vector<16xf32>
      %mul3A_1686 = arith.mulf %add3A_1685, %gather3A_1657 : vector<16xf32>
      %add3A_1687 = arith.addf %add3A_1531, %mul3A_1686 : vector<16xf32>
      %mul3A_1688 = arith.mulf %div3A_138, %gather3A_1633 : vector<16xf32>
      %add3A_1689 = arith.addf %mul3A_1688, %gather3A_1645 : vector<16xf32>
      %add3A_1690 = arith.constant 0x4B400000 : f32
      %add3A_1691 = vector.broadcast %add3A_1690 : f32 to vector<16xf32>
      %add3A_1692 = arith.addf %add3A_1689, %add3A_1691 : vector<16xf32>
      %sub3A_1693 = arith.constant 0x4B400000 : f32
      %sub3A_1694 = vector.broadcast %sub3A_1693 : f32 to vector<16xf32>
      %sub3A_1695 = arith.subf %add3A_1692, %sub3A_1694 : vector<16xf32>
      %sub3A_1696 = arith.subf %add3A_1689, %sub3A_1695 : vector<16xf32>
      %mul3A_1697 = arith.mulf %sub3A_1696, %sub3A_1696 : vector<16xf32>
      %broadcast_in_dim3A_1698 = arith.constant 45.5641251 : f32
      %broadcast_in_dim3A_1699 = vector.broadcast %broadcast_in_dim3A_1698 : f32 to vector<16xf32>
      %mul3A_1700 = arith.mulf %broadcast_in_dim3A_1699, %mul3A_1697 : vector<16xf32>
      %add3A_1701 = arith.constant -82.3847046 : f32
      %add3A_1702 = vector.broadcast %add3A_1701 : f32 to vector<16xf32>
      %add3A_1703 = arith.addf %mul3A_1700, %add3A_1702 : vector<16xf32>
      %mul3A_1704 = arith.mulf %add3A_1703, %mul3A_1697 : vector<16xf32>
      %add3A_1705 = arith.constant 64.6735916 : f32
      %add3A_1706 = vector.broadcast %add3A_1705 : f32 to vector<16xf32>
      %add3A_1707 = arith.addf %mul3A_1704, %add3A_1706 : vector<16xf32>
      %mul3A_1708 = arith.mulf %add3A_1707, %mul3A_1697 : vector<16xf32>
      %add3A_1709 = arith.constant -19.7311802 : f32
      %add3A_1710 = vector.broadcast %add3A_1709 : f32 to vector<16xf32>
      %add3A_1711 = arith.addf %mul3A_1708, %add3A_1710 : vector<16xf32>
      %mul3A_1712 = arith.mulf %add3A_1711, %mul3A_1697 : vector<16xf32>
      %add3A_1713 = arith.constant 0.999961614 : f32
      %add3A_1714 = vector.broadcast %add3A_1713 : f32 to vector<16xf32>
      %add3A_1715 = arith.addf %mul3A_1712, %add3A_1714 : vector<16xf32>
      %mul3A_1716 = arith.mulf %add3A_1715, %gather3A_1657 : vector<16xf32>
      %add3A_1717 = arith.addf %add3A_1561, %mul3A_1716 : vector<16xf32>
      %mul3A_1718 = arith.mulf %div3A_142, %gather3A_1633 : vector<16xf32>
      %add3A_1719 = arith.addf %mul3A_1718, %gather3A_1645 : vector<16xf32>
      %add3A_1720 = arith.constant 0x4B400000 : f32
      %add3A_1721 = vector.broadcast %add3A_1720 : f32 to vector<16xf32>
      %add3A_1722 = arith.addf %add3A_1719, %add3A_1721 : vector<16xf32>
      %sub3A_1723 = arith.constant 0x4B400000 : f32
      %sub3A_1724 = vector.broadcast %sub3A_1723 : f32 to vector<16xf32>
      %sub3A_1725 = arith.subf %add3A_1722, %sub3A_1724 : vector<16xf32>
      %sub3A_1726 = arith.subf %add3A_1719, %sub3A_1725 : vector<16xf32>
      %mul3A_1727 = arith.mulf %sub3A_1726, %sub3A_1726 : vector<16xf32>
      %broadcast_in_dim3A_1728 = arith.constant 45.5641251 : f32
      %broadcast_in_dim3A_1729 = vector.broadcast %broadcast_in_dim3A_1728 : f32 to vector<16xf32>
      %mul3A_1730 = arith.mulf %broadcast_in_dim3A_1729, %mul3A_1727 : vector<16xf32>
      %add3A_1731 = arith.constant -82.3847046 : f32
      %add3A_1732 = vector.broadcast %add3A_1731 : f32 to vector<16xf32>
      %add3A_1733 = arith.addf %mul3A_1730, %add3A_1732 : vector<16xf32>
      %mul3A_1734 = arith.mulf %add3A_1733, %mul3A_1727 : vector<16xf32>
      %add3A_1735 = arith.constant 64.6735916 : f32
      %add3A_1736 = vector.broadcast %add3A_1735 : f32 to vector<16xf32>
      %add3A_1737 = arith.addf %mul3A_1734, %add3A_1736 : vector<16xf32>
      %mul3A_1738 = arith.mulf %add3A_1737, %mul3A_1727 : vector<16xf32>
      %add3A_1739 = arith.constant -19.7311802 : f32
      %add3A_1740 = vector.broadcast %add3A_1739 : f32 to vector<16xf32>
      %add3A_1741 = arith.addf %mul3A_1738, %add3A_1740 : vector<16xf32>
      %mul3A_1742 = arith.mulf %add3A_1741, %mul3A_1727 : vector<16xf32>
      %add3A_1743 = arith.constant 0.999961614 : f32
      %add3A_1744 = vector.broadcast %add3A_1743 : f32 to vector<16xf32>
      %add3A_1745 = arith.addf %mul3A_1742, %add3A_1744 : vector<16xf32>
      %mul3A_1746 = arith.mulf %add3A_1745, %gather3A_1657 : vector<16xf32>
      %add3A_1747 = arith.addf %add3A_1591, %mul3A_1746 : vector<16xf32>
      %mul3A_1748 = arith.mulf %div3A_146, %gather3A_1633 : vector<16xf32>
      %add3A_1749 = arith.addf %mul3A_1748, %gather3A_1645 : vector<16xf32>
      %add3A_1750 = arith.constant 0x4B400000 : f32
      %add3A_1751 = vector.broadcast %add3A_1750 : f32 to vector<16xf32>
      %add3A_1752 = arith.addf %add3A_1749, %add3A_1751 : vector<16xf32>
      %sub3A_1753 = arith.constant 0x4B400000 : f32
      %sub3A_1754 = vector.broadcast %sub3A_1753 : f32 to vector<16xf32>
      %sub3A_1755 = arith.subf %add3A_1752, %sub3A_1754 : vector<16xf32>
      %sub3A_1756 = arith.subf %add3A_1749, %sub3A_1755 : vector<16xf32>
      %mul3A_1757 = arith.mulf %sub3A_1756, %sub3A_1756 : vector<16xf32>
      %broadcast_in_dim3A_1758 = arith.constant 45.5641251 : f32
      %broadcast_in_dim3A_1759 = vector.broadcast %broadcast_in_dim3A_1758 : f32 to vector<16xf32>
      %mul3A_1760 = arith.mulf %broadcast_in_dim3A_1759, %mul3A_1757 : vector<16xf32>
      %add3A_1761 = arith.constant -82.3847046 : f32
      %add3A_1762 = vector.broadcast %add3A_1761 : f32 to vector<16xf32>
      %add3A_1763 = arith.addf %mul3A_1760, %add3A_1762 : vector<16xf32>
      %mul3A_1764 = arith.mulf %add3A_1763, %mul3A_1757 : vector<16xf32>
      %add3A_1765 = arith.constant 64.6735916 : f32
      %add3A_1766 = vector.broadcast %add3A_1765 : f32 to vector<16xf32>
      %add3A_1767 = arith.addf %mul3A_1764, %add3A_1766 : vector<16xf32>
      %mul3A_1768 = arith.mulf %add3A_1767, %mul3A_1757 : vector<16xf32>
      %add3A_1769 = arith.constant -19.7311802 : f32
      %add3A_1770 = vector.broadcast %add3A_1769 : f32 to vector<16xf32>
      %add3A_1771 = arith.addf %mul3A_1768, %add3A_1770 : vector<16xf32>
      %mul3A_1772 = arith.mulf %add3A_1771, %mul3A_1757 : vector<16xf32>
      %add3A_1773 = arith.constant 0.999961614 : f32
      %add3A_1774 = vector.broadcast %add3A_1773 : f32 to vector<16xf32>
      %add3A_1775 = arith.addf %mul3A_1772, %add3A_1774 : vector<16xf32>
      %mul3A_1776 = arith.mulf %add3A_1775, %gather3A_1657 : vector<16xf32>
      %add3A_1777 = arith.addf %add3A_1621, %mul3A_1776 : vector<16xf32>
      %broadcast_in_dim3A_1778 = arith.constant 7 : i32
      %broadcast_in_dim3A_1779 = vector.broadcast %broadcast_in_dim3A_1778 : i32 to vector<16xi32>
      %lt3A_1780 = arith.constant 0 : i32
      %lt3A_1781 = vector.broadcast %lt3A_1780 : i32 to vector<16xi32>
      %lt3A_1782 = arith.cmpi slt, %broadcast_in_dim3A_1779, %lt3A_1781 : vector<16xi32>
      %add3A_1783 = arith.constant 16 : i32
      %add3A_1784 = vector.broadcast %add3A_1783 : i32 to vector<16xi32>
      %add3A_1785 = arith.addi %broadcast_in_dim3A_1779, %add3A_1784 : vector<16xi32>
      %select_n3A_1786 = arith.select %lt3A_1782, %add3A_1785, %broadcast_in_dim3A_1779 : vector<16xi1>, vector<16xi32>
      %reshape3A_1787 = vector.shape_cast %select_n3A_1786 : vector<16xi32> to vector<16x1xi32>
      %gather3A_1788 = vector.shape_cast %reshape3A_1787 : vector<16x1xi32> to vector<16xi32>
      %gather3A_1789 = tpu.dynamic_gather %mul3A_678[%gather3A_1788] in [0] : vector<16xf32>, vector<16xi32> -> vector<16xf32>
      %broadcast_in_dim3A_1790 = arith.constant 7 : i32
      %broadcast_in_dim3A_1791 = vector.broadcast %broadcast_in_dim3A_1790 : i32 to vector<16xi32>
      %lt3A_1792 = arith.constant 0 : i32
      %lt3A_1793 = vector.broadcast %lt3A_1792 : i32 to vector<16xi32>
      %lt3A_1794 = arith.cmpi slt, %broadcast_in_dim3A_1791, %lt3A_1793 : vector<16xi32>
      %add3A_1795 = arith.constant 16 : i32
      %add3A_1796 = vector.broadcast %add3A_1795 : i32 to vector<16xi32>
      %add3A_1797 = arith.addi %broadcast_in_dim3A_1791, %add3A_1796 : vector<16xi32>
      %select_n3A_1798 = arith.select %lt3A_1794, %add3A_1797, %broadcast_in_dim3A_1791 : vector<16xi1>, vector<16xi32>
      %reshape3A_1799 = vector.shape_cast %select_n3A_1798 : vector<16xi32> to vector<16x1xi32>
      %gather3A_1800 = vector.shape_cast %reshape3A_1799 : vector<16x1xi32> to vector<16xi32>
      %gather3A_1801 = tpu.dynamic_gather %mul3A_683[%gather3A_1800] in [0] : vector<16xf32>, vector<16xi32> -> vector<16xf32>
      %broadcast_in_dim3A_1802 = arith.constant 7 : i32
      %broadcast_in_dim3A_1803 = vector.broadcast %broadcast_in_dim3A_1802 : i32 to vector<16xi32>
      %lt3A_1804 = arith.constant 0 : i32
      %lt3A_1805 = vector.broadcast %lt3A_1804 : i32 to vector<16xi32>
      %lt3A_1806 = arith.cmpi slt, %broadcast_in_dim3A_1803, %lt3A_1805 : vector<16xi32>
      %add3A_1807 = arith.constant 16 : i32
      %add3A_1808 = vector.broadcast %add3A_1807 : i32 to vector<16xi32>
      %add3A_1809 = arith.addi %broadcast_in_dim3A_1803, %add3A_1808 : vector<16xi32>
      %select_n3A_1810 = arith.select %lt3A_1806, %add3A_1809, %broadcast_in_dim3A_1803 : vector<16xi1>, vector<16xi32>
      %reshape3A_1811 = vector.shape_cast %select_n3A_1810 : vector<16xi32> to vector<16x1xi32>
      %gather3A_1812 = vector.shape_cast %reshape3A_1811 : vector<16x1xi32> to vector<16xi32>
      %gather3A_1813 = tpu.dynamic_gather %get3A_685[%gather3A_1812] in [0] : vector<16xf32>, vector<16xi32> -> vector<16xf32>
      %mul3A_1814 = arith.mulf %div3A_134, %gather3A_1789 : vector<16xf32>
      %add3A_1815 = arith.addf %mul3A_1814, %gather3A_1801 : vector<16xf32>
      %add3A_1816 = arith.constant 0x4B400000 : f32
      %add3A_1817 = vector.broadcast %add3A_1816 : f32 to vector<16xf32>
      %add3A_1818 = arith.addf %add3A_1815, %add3A_1817 : vector<16xf32>
      %sub3A_1819 = arith.constant 0x4B400000 : f32
      %sub3A_1820 = vector.broadcast %sub3A_1819 : f32 to vector<16xf32>
      %sub3A_1821 = arith.subf %add3A_1818, %sub3A_1820 : vector<16xf32>
      %sub3A_1822 = arith.subf %add3A_1815, %sub3A_1821 : vector<16xf32>
      %mul3A_1823 = arith.mulf %sub3A_1822, %sub3A_1822 : vector<16xf32>
      %broadcast_in_dim3A_1824 = arith.constant 45.5641251 : f32
      %broadcast_in_dim3A_1825 = vector.broadcast %broadcast_in_dim3A_1824 : f32 to vector<16xf32>
      %mul3A_1826 = arith.mulf %broadcast_in_dim3A_1825, %mul3A_1823 : vector<16xf32>
      %add3A_1827 = arith.constant -82.3847046 : f32
      %add3A_1828 = vector.broadcast %add3A_1827 : f32 to vector<16xf32>
      %add3A_1829 = arith.addf %mul3A_1826, %add3A_1828 : vector<16xf32>
      %mul3A_1830 = arith.mulf %add3A_1829, %mul3A_1823 : vector<16xf32>
      %add3A_1831 = arith.constant 64.6735916 : f32
      %add3A_1832 = vector.broadcast %add3A_1831 : f32 to vector<16xf32>
      %add3A_1833 = arith.addf %mul3A_1830, %add3A_1832 : vector<16xf32>
      %mul3A_1834 = arith.mulf %add3A_1833, %mul3A_1823 : vector<16xf32>
      %add3A_1835 = arith.constant -19.7311802 : f32
      %add3A_1836 = vector.broadcast %add3A_1835 : f32 to vector<16xf32>
      %add3A_1837 = arith.addf %mul3A_1834, %add3A_1836 : vector<16xf32>
      %mul3A_1838 = arith.mulf %add3A_1837, %mul3A_1823 : vector<16xf32>
      %add3A_1839 = arith.constant 0.999961614 : f32
      %add3A_1840 = vector.broadcast %add3A_1839 : f32 to vector<16xf32>
      %add3A_1841 = arith.addf %mul3A_1838, %add3A_1840 : vector<16xf32>
      %mul3A_1842 = arith.mulf %add3A_1841, %gather3A_1813 : vector<16xf32>
      %add3A_1843 = arith.addf %add3A_1687, %mul3A_1842 : vector<16xf32>
      %mul3A_1844 = arith.mulf %div3A_138, %gather3A_1789 : vector<16xf32>
      %add3A_1845 = arith.addf %mul3A_1844, %gather3A_1801 : vector<16xf32>
      %add3A_1846 = arith.constant 0x4B400000 : f32
      %add3A_1847 = vector.broadcast %add3A_1846 : f32 to vector<16xf32>
      %add3A_1848 = arith.addf %add3A_1845, %add3A_1847 : vector<16xf32>
      %sub3A_1849 = arith.constant 0x4B400000 : f32
      %sub3A_1850 = vector.broadcast %sub3A_1849 : f32 to vector<16xf32>
      %sub3A_1851 = arith.subf %add3A_1848, %sub3A_1850 : vector<16xf32>
      %sub3A_1852 = arith.subf %add3A_1845, %sub3A_1851 : vector<16xf32>
      %mul3A_1853 = arith.mulf %sub3A_1852, %sub3A_1852 : vector<16xf32>
      %broadcast_in_dim3A_1854 = arith.constant 45.5641251 : f32
      %broadcast_in_dim3A_1855 = vector.broadcast %broadcast_in_dim3A_1854 : f32 to vector<16xf32>
      %mul3A_1856 = arith.mulf %broadcast_in_dim3A_1855, %mul3A_1853 : vector<16xf32>
      %add3A_1857 = arith.constant -82.3847046 : f32
      %add3A_1858 = vector.broadcast %add3A_1857 : f32 to vector<16xf32>
      %add3A_1859 = arith.addf %mul3A_1856, %add3A_1858 : vector<16xf32>
      %mul3A_1860 = arith.mulf %add3A_1859, %mul3A_1853 : vector<16xf32>
      %add3A_1861 = arith.constant 64.6735916 : f32
      %add3A_1862 = vector.broadcast %add3A_1861 : f32 to vector<16xf32>
      %add3A_1863 = arith.addf %mul3A_1860, %add3A_1862 : vector<16xf32>
      %mul3A_1864 = arith.mulf %add3A_1863, %mul3A_1853 : vector<16xf32>
      %add3A_1865 = arith.constant -19.7311802 : f32
      %add3A_1866 = vector.broadcast %add3A_1865 : f32 to vector<16xf32>
      %add3A_1867 = arith.addf %mul3A_1864, %add3A_1866 : vector<16xf32>
      %mul3A_1868 = arith.mulf %add3A_1867, %mul3A_1853 : vector<16xf32>
      %add3A_1869 = arith.constant 0.999961614 : f32
      %add3A_1870 = vector.broadcast %add3A_1869 : f32 to vector<16xf32>
      %add3A_1871 = arith.addf %mul3A_1868, %add3A_1870 : vector<16xf32>
      %mul3A_1872 = arith.mulf %add3A_1871, %gather3A_1813 : vector<16xf32>
      %add3A_1873 = arith.addf %add3A_1717, %mul3A_1872 : vector<16xf32>
      %mul3A_1874 = arith.mulf %div3A_142, %gather3A_1789 : vector<16xf32>
      %add3A_1875 = arith.addf %mul3A_1874, %gather3A_1801 : vector<16xf32>
      %add3A_1876 = arith.constant 0x4B400000 : f32
      %add3A_1877 = vector.broadcast %add3A_1876 : f32 to vector<16xf32>
      %add3A_1878 = arith.addf %add3A_1875, %add3A_1877 : vector<16xf32>
      %sub3A_1879 = arith.constant 0x4B400000 : f32
      %sub3A_1880 = vector.broadcast %sub3A_1879 : f32 to vector<16xf32>
      %sub3A_1881 = arith.subf %add3A_1878, %sub3A_1880 : vector<16xf32>
      %sub3A_1882 = arith.subf %add3A_1875, %sub3A_1881 : vector<16xf32>
      %mul3A_1883 = arith.mulf %sub3A_1882, %sub3A_1882 : vector<16xf32>
      %broadcast_in_dim3A_1884 = arith.constant 45.5641251 : f32
      %broadcast_in_dim3A_1885 = vector.broadcast %broadcast_in_dim3A_1884 : f32 to vector<16xf32>
      %mul3A_1886 = arith.mulf %broadcast_in_dim3A_1885, %mul3A_1883 : vector<16xf32>
      %add3A_1887 = arith.constant -82.3847046 : f32
      %add3A_1888 = vector.broadcast %add3A_1887 : f32 to vector<16xf32>
      %add3A_1889 = arith.addf %mul3A_1886, %add3A_1888 : vector<16xf32>
      %mul3A_1890 = arith.mulf %add3A_1889, %mul3A_1883 : vector<16xf32>
      %add3A_1891 = arith.constant 64.6735916 : f32
      %add3A_1892 = vector.broadcast %add3A_1891 : f32 to vector<16xf32>
      %add3A_1893 = arith.addf %mul3A_1890, %add3A_1892 : vector<16xf32>
      %mul3A_1894 = arith.mulf %add3A_1893, %mul3A_1883 : vector<16xf32>
      %add3A_1895 = arith.constant -19.7311802 : f32
      %add3A_1896 = vector.broadcast %add3A_1895 : f32 to vector<16xf32>
      %add3A_1897 = arith.addf %mul3A_1894, %add3A_1896 : vector<16xf32>
      %mul3A_1898 = arith.mulf %add3A_1897, %mul3A_1883 : vector<16xf32>
      %add3A_1899 = arith.constant 0.999961614 : f32
      %add3A_1900 = vector.broadcast %add3A_1899 : f32 to vector<16xf32>
      %add3A_1901 = arith.addf %mul3A_1898, %add3A_1900 : vector<16xf32>
      %mul3A_1902 = arith.mulf %add3A_1901, %gather3A_1813 : vector<16xf32>
      %add3A_1903 = arith.addf %add3A_1747, %mul3A_1902 : vector<16xf32>
      %mul3A_1904 = arith.mulf %div3A_146, %gather3A_1789 : vector<16xf32>
      %add3A_1905 = arith.addf %mul3A_1904, %gather3A_1801 : vector<16xf32>
      %add3A_1906 = arith.constant 0x4B400000 : f32
      %add3A_1907 = vector.broadcast %add3A_1906 : f32 to vector<16xf32>
      %add3A_1908 = arith.addf %add3A_1905, %add3A_1907 : vector<16xf32>
      %sub3A_1909 = arith.constant 0x4B400000 : f32
      %sub3A_1910 = vector.broadcast %sub3A_1909 : f32 to vector<16xf32>
      %sub3A_1911 = arith.subf %add3A_1908, %sub3A_1910 : vector<16xf32>
      %sub3A_1912 = arith.subf %add3A_1905, %sub3A_1911 : vector<16xf32>
      %mul3A_1913 = arith.mulf %sub3A_1912, %sub3A_1912 : vector<16xf32>
      %broadcast_in_dim3A_1914 = arith.constant 45.5641251 : f32
      %broadcast_in_dim3A_1915 = vector.broadcast %broadcast_in_dim3A_1914 : f32 to vector<16xf32>
      %mul3A_1916 = arith.mulf %broadcast_in_dim3A_1915, %mul3A_1913 : vector<16xf32>
      %add3A_1917 = arith.constant -82.3847046 : f32
      %add3A_1918 = vector.broadcast %add3A_1917 : f32 to vector<16xf32>
      %add3A_1919 = arith.addf %mul3A_1916, %add3A_1918 : vector<16xf32>
      %mul3A_1920 = arith.mulf %add3A_1919, %mul3A_1913 : vector<16xf32>
      %add3A_1921 = arith.constant 64.6735916 : f32
      %add3A_1922 = vector.broadcast %add3A_1921 : f32 to vector<16xf32>
      %add3A_1923 = arith.addf %mul3A_1920, %add3A_1922 : vector<16xf32>
      %mul3A_1924 = arith.mulf %add3A_1923, %mul3A_1913 : vector<16xf32>
      %add3A_1925 = arith.constant -19.7311802 : f32
      %add3A_1926 = vector.broadcast %add3A_1925 : f32 to vector<16xf32>
      %add3A_1927 = arith.addf %mul3A_1924, %add3A_1926 : vector<16xf32>
      %mul3A_1928 = arith.mulf %add3A_1927, %mul3A_1913 : vector<16xf32>
      %add3A_1929 = arith.constant 0.999961614 : f32
      %add3A_1930 = vector.broadcast %add3A_1929 : f32 to vector<16xf32>
      %add3A_1931 = arith.addf %mul3A_1928, %add3A_1930 : vector<16xf32>
      %mul3A_1932 = arith.mulf %add3A_1931, %gather3A_1813 : vector<16xf32>
      %add3A_1933 = arith.addf %add3A_1777, %mul3A_1932 : vector<16xf32>
      %broadcast_in_dim3A_1934 = arith.constant 8 : i32
      %broadcast_in_dim3A_1935 = vector.broadcast %broadcast_in_dim3A_1934 : i32 to vector<16xi32>
      %lt3A_1936 = arith.constant 0 : i32
      %lt3A_1937 = vector.broadcast %lt3A_1936 : i32 to vector<16xi32>
      %lt3A_1938 = arith.cmpi slt, %broadcast_in_dim3A_1935, %lt3A_1937 : vector<16xi32>
      %add3A_1939 = arith.constant 16 : i32
      %add3A_1940 = vector.broadcast %add3A_1939 : i32 to vector<16xi32>
      %add3A_1941 = arith.addi %broadcast_in_dim3A_1935, %add3A_1940 : vector<16xi32>
      %select_n3A_1942 = arith.select %lt3A_1938, %add3A_1941, %broadcast_in_dim3A_1935 : vector<16xi1>, vector<16xi32>
      %reshape3A_1943 = vector.shape_cast %select_n3A_1942 : vector<16xi32> to vector<16x1xi32>
      %gather3A_1944 = vector.shape_cast %reshape3A_1943 : vector<16x1xi32> to vector<16xi32>
      %gather3A_1945 = tpu.dynamic_gather %mul3A_678[%gather3A_1944] in [0] : vector<16xf32>, vector<16xi32> -> vector<16xf32>
      %broadcast_in_dim3A_1946 = arith.constant 8 : i32
      %broadcast_in_dim3A_1947 = vector.broadcast %broadcast_in_dim3A_1946 : i32 to vector<16xi32>
      %lt3A_1948 = arith.constant 0 : i32
      %lt3A_1949 = vector.broadcast %lt3A_1948 : i32 to vector<16xi32>
      %lt3A_1950 = arith.cmpi slt, %broadcast_in_dim3A_1947, %lt3A_1949 : vector<16xi32>
      %add3A_1951 = arith.constant 16 : i32
      %add3A_1952 = vector.broadcast %add3A_1951 : i32 to vector<16xi32>
      %add3A_1953 = arith.addi %broadcast_in_dim3A_1947, %add3A_1952 : vector<16xi32>
      %select_n3A_1954 = arith.select %lt3A_1950, %add3A_1953, %broadcast_in_dim3A_1947 : vector<16xi1>, vector<16xi32>
      %reshape3A_1955 = vector.shape_cast %select_n3A_1954 : vector<16xi32> to vector<16x1xi32>
      %gather3A_1956 = vector.shape_cast %reshape3A_1955 : vector<16x1xi32> to vector<16xi32>
      %gather3A_1957 = tpu.dynamic_gather %mul3A_683[%gather3A_1956] in [0] : vector<16xf32>, vector<16xi32> -> vector<16xf32>
      %broadcast_in_dim3A_1958 = arith.constant 8 : i32
      %broadcast_in_dim3A_1959 = vector.broadcast %broadcast_in_dim3A_1958 : i32 to vector<16xi32>
      %lt3A_1960 = arith.constant 0 : i32
      %lt3A_1961 = vector.broadcast %lt3A_1960 : i32 to vector<16xi32>
      %lt3A_1962 = arith.cmpi slt, %broadcast_in_dim3A_1959, %lt3A_1961 : vector<16xi32>
      %add3A_1963 = arith.constant 16 : i32
      %add3A_1964 = vector.broadcast %add3A_1963 : i32 to vector<16xi32>
      %add3A_1965 = arith.addi %broadcast_in_dim3A_1959, %add3A_1964 : vector<16xi32>
      %select_n3A_1966 = arith.select %lt3A_1962, %add3A_1965, %broadcast_in_dim3A_1959 : vector<16xi1>, vector<16xi32>
      %reshape3A_1967 = vector.shape_cast %select_n3A_1966 : vector<16xi32> to vector<16x1xi32>
      %gather3A_1968 = vector.shape_cast %reshape3A_1967 : vector<16x1xi32> to vector<16xi32>
      %gather3A_1969 = tpu.dynamic_gather %get3A_685[%gather3A_1968] in [0] : vector<16xf32>, vector<16xi32> -> vector<16xf32>
      %mul3A_1970 = arith.mulf %div3A_134, %gather3A_1945 : vector<16xf32>
      %add3A_1971 = arith.addf %mul3A_1970, %gather3A_1957 : vector<16xf32>
      %add3A_1972 = arith.constant 0x4B400000 : f32
      %add3A_1973 = vector.broadcast %add3A_1972 : f32 to vector<16xf32>
      %add3A_1974 = arith.addf %add3A_1971, %add3A_1973 : vector<16xf32>
      %sub3A_1975 = arith.constant 0x4B400000 : f32
      %sub3A_1976 = vector.broadcast %sub3A_1975 : f32 to vector<16xf32>
      %sub3A_1977 = arith.subf %add3A_1974, %sub3A_1976 : vector<16xf32>
      %sub3A_1978 = arith.subf %add3A_1971, %sub3A_1977 : vector<16xf32>
      %mul3A_1979 = arith.mulf %sub3A_1978, %sub3A_1978 : vector<16xf32>
      %broadcast_in_dim3A_1980 = arith.constant 45.5641251 : f32
      %broadcast_in_dim3A_1981 = vector.broadcast %broadcast_in_dim3A_1980 : f32 to vector<16xf32>
      %mul3A_1982 = arith.mulf %broadcast_in_dim3A_1981, %mul3A_1979 : vector<16xf32>
      %add3A_1983 = arith.constant -82.3847046 : f32
      %add3A_1984 = vector.broadcast %add3A_1983 : f32 to vector<16xf32>
      %add3A_1985 = arith.addf %mul3A_1982, %add3A_1984 : vector<16xf32>
      %mul3A_1986 = arith.mulf %add3A_1985, %mul3A_1979 : vector<16xf32>
      %add3A_1987 = arith.constant 64.6735916 : f32
      %add3A_1988 = vector.broadcast %add3A_1987 : f32 to vector<16xf32>
      %add3A_1989 = arith.addf %mul3A_1986, %add3A_1988 : vector<16xf32>
      %mul3A_1990 = arith.mulf %add3A_1989, %mul3A_1979 : vector<16xf32>
      %add3A_1991 = arith.constant -19.7311802 : f32
      %add3A_1992 = vector.broadcast %add3A_1991 : f32 to vector<16xf32>
      %add3A_1993 = arith.addf %mul3A_1990, %add3A_1992 : vector<16xf32>
      %mul3A_1994 = arith.mulf %add3A_1993, %mul3A_1979 : vector<16xf32>
      %add3A_1995 = arith.constant 0.999961614 : f32
      %add3A_1996 = vector.broadcast %add3A_1995 : f32 to vector<16xf32>
      %add3A_1997 = arith.addf %mul3A_1994, %add3A_1996 : vector<16xf32>
      %mul3A_1998 = arith.mulf %add3A_1997, %gather3A_1969 : vector<16xf32>
      %add3A_1999 = arith.addf %add3A_1843, %mul3A_1998 : vector<16xf32>
      %mul3A_2000 = arith.mulf %div3A_138, %gather3A_1945 : vector<16xf32>
      %add3A_2001 = arith.addf %mul3A_2000, %gather3A_1957 : vector<16xf32>
      %add3A_2002 = arith.constant 0x4B400000 : f32
      %add3A_2003 = vector.broadcast %add3A_2002 : f32 to vector<16xf32>
      %add3A_2004 = arith.addf %add3A_2001, %add3A_2003 : vector<16xf32>
      %sub3A_2005 = arith.constant 0x4B400000 : f32
      %sub3A_2006 = vector.broadcast %sub3A_2005 : f32 to vector<16xf32>
      %sub3A_2007 = arith.subf %add3A_2004, %sub3A_2006 : vector<16xf32>
      %sub3A_2008 = arith.subf %add3A_2001, %sub3A_2007 : vector<16xf32>
      %mul3A_2009 = arith.mulf %sub3A_2008, %sub3A_2008 : vector<16xf32>
      %broadcast_in_dim3A_2010 = arith.constant 45.5641251 : f32
      %broadcast_in_dim3A_2011 = vector.broadcast %broadcast_in_dim3A_2010 : f32 to vector<16xf32>
      %mul3A_2012 = arith.mulf %broadcast_in_dim3A_2011, %mul3A_2009 : vector<16xf32>
      %add3A_2013 = arith.constant -82.3847046 : f32
      %add3A_2014 = vector.broadcast %add3A_2013 : f32 to vector<16xf32>
      %add3A_2015 = arith.addf %mul3A_2012, %add3A_2014 : vector<16xf32>
      %mul3A_2016 = arith.mulf %add3A_2015, %mul3A_2009 : vector<16xf32>
      %add3A_2017 = arith.constant 64.6735916 : f32
      %add3A_2018 = vector.broadcast %add3A_2017 : f32 to vector<16xf32>
      %add3A_2019 = arith.addf %mul3A_2016, %add3A_2018 : vector<16xf32>
      %mul3A_2020 = arith.mulf %add3A_2019, %mul3A_2009 : vector<16xf32>
      %add3A_2021 = arith.constant -19.7311802 : f32
      %add3A_2022 = vector.broadcast %add3A_2021 : f32 to vector<16xf32>
      %add3A_2023 = arith.addf %mul3A_2020, %add3A_2022 : vector<16xf32>
      %mul3A_2024 = arith.mulf %add3A_2023, %mul3A_2009 : vector<16xf32>
      %add3A_2025 = arith.constant 0.999961614 : f32
      %add3A_2026 = vector.broadcast %add3A_2025 : f32 to vector<16xf32>
      %add3A_2027 = arith.addf %mul3A_2024, %add3A_2026 : vector<16xf32>
      %mul3A_2028 = arith.mulf %add3A_2027, %gather3A_1969 : vector<16xf32>
      %add3A_2029 = arith.addf %add3A_1873, %mul3A_2028 : vector<16xf32>
      %mul3A_2030 = arith.mulf %div3A_142, %gather3A_1945 : vector<16xf32>
      %add3A_2031 = arith.addf %mul3A_2030, %gather3A_1957 : vector<16xf32>
      %add3A_2032 = arith.constant 0x4B400000 : f32
      %add3A_2033 = vector.broadcast %add3A_2032 : f32 to vector<16xf32>
      %add3A_2034 = arith.addf %add3A_2031, %add3A_2033 : vector<16xf32>
      %sub3A_2035 = arith.constant 0x4B400000 : f32
      %sub3A_2036 = vector.broadcast %sub3A_2035 : f32 to vector<16xf32>
      %sub3A_2037 = arith.subf %add3A_2034, %sub3A_2036 : vector<16xf32>
      %sub3A_2038 = arith.subf %add3A_2031, %sub3A_2037 : vector<16xf32>
      %mul3A_2039 = arith.mulf %sub3A_2038, %sub3A_2038 : vector<16xf32>
      %broadcast_in_dim3A_2040 = arith.constant 45.5641251 : f32
      %broadcast_in_dim3A_2041 = vector.broadcast %broadcast_in_dim3A_2040 : f32 to vector<16xf32>
      %mul3A_2042 = arith.mulf %broadcast_in_dim3A_2041, %mul3A_2039 : vector<16xf32>
      %add3A_2043 = arith.constant -82.3847046 : f32
      %add3A_2044 = vector.broadcast %add3A_2043 : f32 to vector<16xf32>
      %add3A_2045 = arith.addf %mul3A_2042, %add3A_2044 : vector<16xf32>
      %mul3A_2046 = arith.mulf %add3A_2045, %mul3A_2039 : vector<16xf32>
      %add3A_2047 = arith.constant 64.6735916 : f32
      %add3A_2048 = vector.broadcast %add3A_2047 : f32 to vector<16xf32>
      %add3A_2049 = arith.addf %mul3A_2046, %add3A_2048 : vector<16xf32>
      %mul3A_2050 = arith.mulf %add3A_2049, %mul3A_2039 : vector<16xf32>
      %add3A_2051 = arith.constant -19.7311802 : f32
      %add3A_2052 = vector.broadcast %add3A_2051 : f32 to vector<16xf32>
      %add3A_2053 = arith.addf %mul3A_2050, %add3A_2052 : vector<16xf32>
      %mul3A_2054 = arith.mulf %add3A_2053, %mul3A_2039 : vector<16xf32>
      %add3A_2055 = arith.constant 0.999961614 : f32
      %add3A_2056 = vector.broadcast %add3A_2055 : f32 to vector<16xf32>
      %add3A_2057 = arith.addf %mul3A_2054, %add3A_2056 : vector<16xf32>
      %mul3A_2058 = arith.mulf %add3A_2057, %gather3A_1969 : vector<16xf32>
      %add3A_2059 = arith.addf %add3A_1903, %mul3A_2058 : vector<16xf32>
      %mul3A_2060 = arith.mulf %div3A_146, %gather3A_1945 : vector<16xf32>
      %add3A_2061 = arith.addf %mul3A_2060, %gather3A_1957 : vector<16xf32>
      %add3A_2062 = arith.constant 0x4B400000 : f32
      %add3A_2063 = vector.broadcast %add3A_2062 : f32 to vector<16xf32>
      %add3A_2064 = arith.addf %add3A_2061, %add3A_2063 : vector<16xf32>
      %sub3A_2065 = arith.constant 0x4B400000 : f32
      %sub3A_2066 = vector.broadcast %sub3A_2065 : f32 to vector<16xf32>
      %sub3A_2067 = arith.subf %add3A_2064, %sub3A_2066 : vector<16xf32>
      %sub3A_2068 = arith.subf %add3A_2061, %sub3A_2067 : vector<16xf32>
      %mul3A_2069 = arith.mulf %sub3A_2068, %sub3A_2068 : vector<16xf32>
      %broadcast_in_dim3A_2070 = arith.constant 45.5641251 : f32
      %broadcast_in_dim3A_2071 = vector.broadcast %broadcast_in_dim3A_2070 : f32 to vector<16xf32>
      %mul3A_2072 = arith.mulf %broadcast_in_dim3A_2071, %mul3A_2069 : vector<16xf32>
      %add3A_2073 = arith.constant -82.3847046 : f32
      %add3A_2074 = vector.broadcast %add3A_2073 : f32 to vector<16xf32>
      %add3A_2075 = arith.addf %mul3A_2072, %add3A_2074 : vector<16xf32>
      %mul3A_2076 = arith.mulf %add3A_2075, %mul3A_2069 : vector<16xf32>
      %add3A_2077 = arith.constant 64.6735916 : f32
      %add3A_2078 = vector.broadcast %add3A_2077 : f32 to vector<16xf32>
      %add3A_2079 = arith.addf %mul3A_2076, %add3A_2078 : vector<16xf32>
      %mul3A_2080 = arith.mulf %add3A_2079, %mul3A_2069 : vector<16xf32>
      %add3A_2081 = arith.constant -19.7311802 : f32
      %add3A_2082 = vector.broadcast %add3A_2081 : f32 to vector<16xf32>
      %add3A_2083 = arith.addf %mul3A_2080, %add3A_2082 : vector<16xf32>
      %mul3A_2084 = arith.mulf %add3A_2083, %mul3A_2069 : vector<16xf32>
      %add3A_2085 = arith.constant 0.999961614 : f32
      %add3A_2086 = vector.broadcast %add3A_2085 : f32 to vector<16xf32>
      %add3A_2087 = arith.addf %mul3A_2084, %add3A_2086 : vector<16xf32>
      %mul3A_2088 = arith.mulf %add3A_2087, %gather3A_1969 : vector<16xf32>
      %add3A_2089 = arith.addf %add3A_1933, %mul3A_2088 : vector<16xf32>
      %broadcast_in_dim3A_2090 = arith.constant 9 : i32
      %broadcast_in_dim3A_2091 = vector.broadcast %broadcast_in_dim3A_2090 : i32 to vector<16xi32>
      %lt3A_2092 = arith.constant 0 : i32
      %lt3A_2093 = vector.broadcast %lt3A_2092 : i32 to vector<16xi32>
      %lt3A_2094 = arith.cmpi slt, %broadcast_in_dim3A_2091, %lt3A_2093 : vector<16xi32>
      %add3A_2095 = arith.constant 16 : i32
      %add3A_2096 = vector.broadcast %add3A_2095 : i32 to vector<16xi32>
      %add3A_2097 = arith.addi %broadcast_in_dim3A_2091, %add3A_2096 : vector<16xi32>
      %select_n3A_2098 = arith.select %lt3A_2094, %add3A_2097, %broadcast_in_dim3A_2091 : vector<16xi1>, vector<16xi32>
      %reshape3A_2099 = vector.shape_cast %select_n3A_2098 : vector<16xi32> to vector<16x1xi32>
      %gather3A_2100 = vector.shape_cast %reshape3A_2099 : vector<16x1xi32> to vector<16xi32>
      %gather3A_2101 = tpu.dynamic_gather %mul3A_678[%gather3A_2100] in [0] : vector<16xf32>, vector<16xi32> -> vector<16xf32>
      %broadcast_in_dim3A_2102 = arith.constant 9 : i32
      %broadcast_in_dim3A_2103 = vector.broadcast %broadcast_in_dim3A_2102 : i32 to vector<16xi32>
      %lt3A_2104 = arith.constant 0 : i32
      %lt3A_2105 = vector.broadcast %lt3A_2104 : i32 to vector<16xi32>
      %lt3A_2106 = arith.cmpi slt, %broadcast_in_dim3A_2103, %lt3A_2105 : vector<16xi32>
      %add3A_2107 = arith.constant 16 : i32
      %add3A_2108 = vector.broadcast %add3A_2107 : i32 to vector<16xi32>
      %add3A_2109 = arith.addi %broadcast_in_dim3A_2103, %add3A_2108 : vector<16xi32>
      %select_n3A_2110 = arith.select %lt3A_2106, %add3A_2109, %broadcast_in_dim3A_2103 : vector<16xi1>, vector<16xi32>
      %reshape3A_2111 = vector.shape_cast %select_n3A_2110 : vector<16xi32> to vector<16x1xi32>
      %gather3A_2112 = vector.shape_cast %reshape3A_2111 : vector<16x1xi32> to vector<16xi32>
      %gather3A_2113 = tpu.dynamic_gather %mul3A_683[%gather3A_2112] in [0] : vector<16xf32>, vector<16xi32> -> vector<16xf32>
      %broadcast_in_dim3A_2114 = arith.constant 9 : i32
      %broadcast_in_dim3A_2115 = vector.broadcast %broadcast_in_dim3A_2114 : i32 to vector<16xi32>
      %lt3A_2116 = arith.constant 0 : i32
      %lt3A_2117 = vector.broadcast %lt3A_2116 : i32 to vector<16xi32>
      %lt3A_2118 = arith.cmpi slt, %broadcast_in_dim3A_2115, %lt3A_2117 : vector<16xi32>
      %add3A_2119 = arith.constant 16 : i32
      %add3A_2120 = vector.broadcast %add3A_2119 : i32 to vector<16xi32>
      %add3A_2121 = arith.addi %broadcast_in_dim3A_2115, %add3A_2120 : vector<16xi32>
      %select_n3A_2122 = arith.select %lt3A_2118, %add3A_2121, %broadcast_in_dim3A_2115 : vector<16xi1>, vector<16xi32>
      %reshape3A_2123 = vector.shape_cast %select_n3A_2122 : vector<16xi32> to vector<16x1xi32>
      %gather3A_2124 = vector.shape_cast %reshape3A_2123 : vector<16x1xi32> to vector<16xi32>
      %gather3A_2125 = tpu.dynamic_gather %get3A_685[%gather3A_2124] in [0] : vector<16xf32>, vector<16xi32> -> vector<16xf32>
      %mul3A_2126 = arith.mulf %div3A_134, %gather3A_2101 : vector<16xf32>
      %add3A_2127 = arith.addf %mul3A_2126, %gather3A_2113 : vector<16xf32>
      %add3A_2128 = arith.constant 0x4B400000 : f32
      %add3A_2129 = vector.broadcast %add3A_2128 : f32 to vector<16xf32>
      %add3A_2130 = arith.addf %add3A_2127, %add3A_2129 : vector<16xf32>
      %sub3A_2131 = arith.constant 0x4B400000 : f32
      %sub3A_2132 = vector.broadcast %sub3A_2131 : f32 to vector<16xf32>
      %sub3A_2133 = arith.subf %add3A_2130, %sub3A_2132 : vector<16xf32>
      %sub3A_2134 = arith.subf %add3A_2127, %sub3A_2133 : vector<16xf32>
      %mul3A_2135 = arith.mulf %sub3A_2134, %sub3A_2134 : vector<16xf32>
      %broadcast_in_dim3A_2136 = arith.constant 45.5641251 : f32
      %broadcast_in_dim3A_2137 = vector.broadcast %broadcast_in_dim3A_2136 : f32 to vector<16xf32>
      %mul3A_2138 = arith.mulf %broadcast_in_dim3A_2137, %mul3A_2135 : vector<16xf32>
      %add3A_2139 = arith.constant -82.3847046 : f32
      %add3A_2140 = vector.broadcast %add3A_2139 : f32 to vector<16xf32>
      %add3A_2141 = arith.addf %mul3A_2138, %add3A_2140 : vector<16xf32>
      %mul3A_2142 = arith.mulf %add3A_2141, %mul3A_2135 : vector<16xf32>
      %add3A_2143 = arith.constant 64.6735916 : f32
      %add3A_2144 = vector.broadcast %add3A_2143 : f32 to vector<16xf32>
      %add3A_2145 = arith.addf %mul3A_2142, %add3A_2144 : vector<16xf32>
      %mul3A_2146 = arith.mulf %add3A_2145, %mul3A_2135 : vector<16xf32>
      %add3A_2147 = arith.constant -19.7311802 : f32
      %add3A_2148 = vector.broadcast %add3A_2147 : f32 to vector<16xf32>
      %add3A_2149 = arith.addf %mul3A_2146, %add3A_2148 : vector<16xf32>
      %mul3A_2150 = arith.mulf %add3A_2149, %mul3A_2135 : vector<16xf32>
      %add3A_2151 = arith.constant 0.999961614 : f32
      %add3A_2152 = vector.broadcast %add3A_2151 : f32 to vector<16xf32>
      %add3A_2153 = arith.addf %mul3A_2150, %add3A_2152 : vector<16xf32>
      %mul3A_2154 = arith.mulf %add3A_2153, %gather3A_2125 : vector<16xf32>
      %add3A_2155 = arith.addf %add3A_1999, %mul3A_2154 : vector<16xf32>
      %mul3A_2156 = arith.mulf %div3A_138, %gather3A_2101 : vector<16xf32>
      %add3A_2157 = arith.addf %mul3A_2156, %gather3A_2113 : vector<16xf32>
      %add3A_2158 = arith.constant 0x4B400000 : f32
      %add3A_2159 = vector.broadcast %add3A_2158 : f32 to vector<16xf32>
      %add3A_2160 = arith.addf %add3A_2157, %add3A_2159 : vector<16xf32>
      %sub3A_2161 = arith.constant 0x4B400000 : f32
      %sub3A_2162 = vector.broadcast %sub3A_2161 : f32 to vector<16xf32>
      %sub3A_2163 = arith.subf %add3A_2160, %sub3A_2162 : vector<16xf32>
      %sub3A_2164 = arith.subf %add3A_2157, %sub3A_2163 : vector<16xf32>
      %mul3A_2165 = arith.mulf %sub3A_2164, %sub3A_2164 : vector<16xf32>
      %broadcast_in_dim3A_2166 = arith.constant 45.5641251 : f32
      %broadcast_in_dim3A_2167 = vector.broadcast %broadcast_in_dim3A_2166 : f32 to vector<16xf32>
      %mul3A_2168 = arith.mulf %broadcast_in_dim3A_2167, %mul3A_2165 : vector<16xf32>
      %add3A_2169 = arith.constant -82.3847046 : f32
      %add3A_2170 = vector.broadcast %add3A_2169 : f32 to vector<16xf32>
      %add3A_2171 = arith.addf %mul3A_2168, %add3A_2170 : vector<16xf32>
      %mul3A_2172 = arith.mulf %add3A_2171, %mul3A_2165 : vector<16xf32>
      %add3A_2173 = arith.constant 64.6735916 : f32
      %add3A_2174 = vector.broadcast %add3A_2173 : f32 to vector<16xf32>
      %add3A_2175 = arith.addf %mul3A_2172, %add3A_2174 : vector<16xf32>
      %mul3A_2176 = arith.mulf %add3A_2175, %mul3A_2165 : vector<16xf32>
      %add3A_2177 = arith.constant -19.7311802 : f32
      %add3A_2178 = vector.broadcast %add3A_2177 : f32 to vector<16xf32>
      %add3A_2179 = arith.addf %mul3A_2176, %add3A_2178 : vector<16xf32>
      %mul3A_2180 = arith.mulf %add3A_2179, %mul3A_2165 : vector<16xf32>
      %add3A_2181 = arith.constant 0.999961614 : f32
      %add3A_2182 = vector.broadcast %add3A_2181 : f32 to vector<16xf32>
      %add3A_2183 = arith.addf %mul3A_2180, %add3A_2182 : vector<16xf32>
      %mul3A_2184 = arith.mulf %add3A_2183, %gather3A_2125 : vector<16xf32>
      %add3A_2185 = arith.addf %add3A_2029, %mul3A_2184 : vector<16xf32>
      %mul3A_2186 = arith.mulf %div3A_142, %gather3A_2101 : vector<16xf32>
      %add3A_2187 = arith.addf %mul3A_2186, %gather3A_2113 : vector<16xf32>
      %add3A_2188 = arith.constant 0x4B400000 : f32
      %add3A_2189 = vector.broadcast %add3A_2188 : f32 to vector<16xf32>
      %add3A_2190 = arith.addf %add3A_2187, %add3A_2189 : vector<16xf32>
      %sub3A_2191 = arith.constant 0x4B400000 : f32
      %sub3A_2192 = vector.broadcast %sub3A_2191 : f32 to vector<16xf32>
      %sub3A_2193 = arith.subf %add3A_2190, %sub3A_2192 : vector<16xf32>
      %sub3A_2194 = arith.subf %add3A_2187, %sub3A_2193 : vector<16xf32>
      %mul3A_2195 = arith.mulf %sub3A_2194, %sub3A_2194 : vector<16xf32>
      %broadcast_in_dim3A_2196 = arith.constant 45.5641251 : f32
      %broadcast_in_dim3A_2197 = vector.broadcast %broadcast_in_dim3A_2196 : f32 to vector<16xf32>
      %mul3A_2198 = arith.mulf %broadcast_in_dim3A_2197, %mul3A_2195 : vector<16xf32>
      %add3A_2199 = arith.constant -82.3847046 : f32
      %add3A_2200 = vector.broadcast %add3A_2199 : f32 to vector<16xf32>
      %add3A_2201 = arith.addf %mul3A_2198, %add3A_2200 : vector<16xf32>
      %mul3A_2202 = arith.mulf %add3A_2201, %mul3A_2195 : vector<16xf32>
      %add3A_2203 = arith.constant 64.6735916 : f32
      %add3A_2204 = vector.broadcast %add3A_2203 : f32 to vector<16xf32>
      %add3A_2205 = arith.addf %mul3A_2202, %add3A_2204 : vector<16xf32>
      %mul3A_2206 = arith.mulf %add3A_2205, %mul3A_2195 : vector<16xf32>
      %add3A_2207 = arith.constant -19.7311802 : f32
      %add3A_2208 = vector.broadcast %add3A_2207 : f32 to vector<16xf32>
      %add3A_2209 = arith.addf %mul3A_2206, %add3A_2208 : vector<16xf32>
      %mul3A_2210 = arith.mulf %add3A_2209, %mul3A_2195 : vector<16xf32>
      %add3A_2211 = arith.constant 0.999961614 : f32
      %add3A_2212 = vector.broadcast %add3A_2211 : f32 to vector<16xf32>
      %add3A_2213 = arith.addf %mul3A_2210, %add3A_2212 : vector<16xf32>
      %mul3A_2214 = arith.mulf %add3A_2213, %gather3A_2125 : vector<16xf32>
      %add3A_2215 = arith.addf %add3A_2059, %mul3A_2214 : vector<16xf32>
      %mul3A_2216 = arith.mulf %div3A_146, %gather3A_2101 : vector<16xf32>
      %add3A_2217 = arith.addf %mul3A_2216, %gather3A_2113 : vector<16xf32>
      %add3A_2218 = arith.constant 0x4B400000 : f32
      %add3A_2219 = vector.broadcast %add3A_2218 : f32 to vector<16xf32>
      %add3A_2220 = arith.addf %add3A_2217, %add3A_2219 : vector<16xf32>
      %sub3A_2221 = arith.constant 0x4B400000 : f32
      %sub3A_2222 = vector.broadcast %sub3A_2221 : f32 to vector<16xf32>
      %sub3A_2223 = arith.subf %add3A_2220, %sub3A_2222 : vector<16xf32>
      %sub3A_2224 = arith.subf %add3A_2217, %sub3A_2223 : vector<16xf32>
      %mul3A_2225 = arith.mulf %sub3A_2224, %sub3A_2224 : vector<16xf32>
      %broadcast_in_dim3A_2226 = arith.constant 45.5641251 : f32
      %broadcast_in_dim3A_2227 = vector.broadcast %broadcast_in_dim3A_2226 : f32 to vector<16xf32>
      %mul3A_2228 = arith.mulf %broadcast_in_dim3A_2227, %mul3A_2225 : vector<16xf32>
      %add3A_2229 = arith.constant -82.3847046 : f32
      %add3A_2230 = vector.broadcast %add3A_2229 : f32 to vector<16xf32>
      %add3A_2231 = arith.addf %mul3A_2228, %add3A_2230 : vector<16xf32>
      %mul3A_2232 = arith.mulf %add3A_2231, %mul3A_2225 : vector<16xf32>
      %add3A_2233 = arith.constant 64.6735916 : f32
      %add3A_2234 = vector.broadcast %add3A_2233 : f32 to vector<16xf32>
      %add3A_2235 = arith.addf %mul3A_2232, %add3A_2234 : vector<16xf32>
      %mul3A_2236 = arith.mulf %add3A_2235, %mul3A_2225 : vector<16xf32>
      %add3A_2237 = arith.constant -19.7311802 : f32
      %add3A_2238 = vector.broadcast %add3A_2237 : f32 to vector<16xf32>
      %add3A_2239 = arith.addf %mul3A_2236, %add3A_2238 : vector<16xf32>
      %mul3A_2240 = arith.mulf %add3A_2239, %mul3A_2225 : vector<16xf32>
      %add3A_2241 = arith.constant 0.999961614 : f32
      %add3A_2242 = vector.broadcast %add3A_2241 : f32 to vector<16xf32>
      %add3A_2243 = arith.addf %mul3A_2240, %add3A_2242 : vector<16xf32>
      %mul3A_2244 = arith.mulf %add3A_2243, %gather3A_2125 : vector<16xf32>
      %add3A_2245 = arith.addf %add3A_2089, %mul3A_2244 : vector<16xf32>
      %broadcast_in_dim3A_2246 = arith.constant 10 : i32
      %broadcast_in_dim3A_2247 = vector.broadcast %broadcast_in_dim3A_2246 : i32 to vector<16xi32>
      %lt3A_2248 = arith.constant 0 : i32
      %lt3A_2249 = vector.broadcast %lt3A_2248 : i32 to vector<16xi32>
      %lt3A_2250 = arith.cmpi slt, %broadcast_in_dim3A_2247, %lt3A_2249 : vector<16xi32>
      %add3A_2251 = arith.constant 16 : i32
      %add3A_2252 = vector.broadcast %add3A_2251 : i32 to vector<16xi32>
      %add3A_2253 = arith.addi %broadcast_in_dim3A_2247, %add3A_2252 : vector<16xi32>
      %select_n3A_2254 = arith.select %lt3A_2250, %add3A_2253, %broadcast_in_dim3A_2247 : vector<16xi1>, vector<16xi32>
      %reshape3A_2255 = vector.shape_cast %select_n3A_2254 : vector<16xi32> to vector<16x1xi32>
      %gather3A_2256 = vector.shape_cast %reshape3A_2255 : vector<16x1xi32> to vector<16xi32>
      %gather3A_2257 = tpu.dynamic_gather %mul3A_678[%gather3A_2256] in [0] : vector<16xf32>, vector<16xi32> -> vector<16xf32>
      %broadcast_in_dim3A_2258 = arith.constant 10 : i32
      %broadcast_in_dim3A_2259 = vector.broadcast %broadcast_in_dim3A_2258 : i32 to vector<16xi32>
      %lt3A_2260 = arith.constant 0 : i32
      %lt3A_2261 = vector.broadcast %lt3A_2260 : i32 to vector<16xi32>
      %lt3A_2262 = arith.cmpi slt, %broadcast_in_dim3A_2259, %lt3A_2261 : vector<16xi32>
      %add3A_2263 = arith.constant 16 : i32
      %add3A_2264 = vector.broadcast %add3A_2263 : i32 to vector<16xi32>
      %add3A_2265 = arith.addi %broadcast_in_dim3A_2259, %add3A_2264 : vector<16xi32>
      %select_n3A_2266 = arith.select %lt3A_2262, %add3A_2265, %broadcast_in_dim3A_2259 : vector<16xi1>, vector<16xi32>
      %reshape3A_2267 = vector.shape_cast %select_n3A_2266 : vector<16xi32> to vector<16x1xi32>
      %gather3A_2268 = vector.shape_cast %reshape3A_2267 : vector<16x1xi32> to vector<16xi32>
      %gather3A_2269 = tpu.dynamic_gather %mul3A_683[%gather3A_2268] in [0] : vector<16xf32>, vector<16xi32> -> vector<16xf32>
      %broadcast_in_dim3A_2270 = arith.constant 10 : i32
      %broadcast_in_dim3A_2271 = vector.broadcast %broadcast_in_dim3A_2270 : i32 to vector<16xi32>
      %lt3A_2272 = arith.constant 0 : i32
      %lt3A_2273 = vector.broadcast %lt3A_2272 : i32 to vector<16xi32>
      %lt3A_2274 = arith.cmpi slt, %broadcast_in_dim3A_2271, %lt3A_2273 : vector<16xi32>
      %add3A_2275 = arith.constant 16 : i32
      %add3A_2276 = vector.broadcast %add3A_2275 : i32 to vector<16xi32>
      %add3A_2277 = arith.addi %broadcast_in_dim3A_2271, %add3A_2276 : vector<16xi32>
      %select_n3A_2278 = arith.select %lt3A_2274, %add3A_2277, %broadcast_in_dim3A_2271 : vector<16xi1>, vector<16xi32>
      %reshape3A_2279 = vector.shape_cast %select_n3A_2278 : vector<16xi32> to vector<16x1xi32>
      %gather3A_2280 = vector.shape_cast %reshape3A_2279 : vector<16x1xi32> to vector<16xi32>
      %gather3A_2281 = tpu.dynamic_gather %get3A_685[%gather3A_2280] in [0] : vector<16xf32>, vector<16xi32> -> vector<16xf32>
      %mul3A_2282 = arith.mulf %div3A_134, %gather3A_2257 : vector<16xf32>
      %add3A_2283 = arith.addf %mul3A_2282, %gather3A_2269 : vector<16xf32>
      %add3A_2284 = arith.constant 0x4B400000 : f32
      %add3A_2285 = vector.broadcast %add3A_2284 : f32 to vector<16xf32>
      %add3A_2286 = arith.addf %add3A_2283, %add3A_2285 : vector<16xf32>
      %sub3A_2287 = arith.constant 0x4B400000 : f32
      %sub3A_2288 = vector.broadcast %sub3A_2287 : f32 to vector<16xf32>
      %sub3A_2289 = arith.subf %add3A_2286, %sub3A_2288 : vector<16xf32>
      %sub3A_2290 = arith.subf %add3A_2283, %sub3A_2289 : vector<16xf32>
      %mul3A_2291 = arith.mulf %sub3A_2290, %sub3A_2290 : vector<16xf32>
      %broadcast_in_dim3A_2292 = arith.constant 45.5641251 : f32
      %broadcast_in_dim3A_2293 = vector.broadcast %broadcast_in_dim3A_2292 : f32 to vector<16xf32>
      %mul3A_2294 = arith.mulf %broadcast_in_dim3A_2293, %mul3A_2291 : vector<16xf32>
      %add3A_2295 = arith.constant -82.3847046 : f32
      %add3A_2296 = vector.broadcast %add3A_2295 : f32 to vector<16xf32>
      %add3A_2297 = arith.addf %mul3A_2294, %add3A_2296 : vector<16xf32>
      %mul3A_2298 = arith.mulf %add3A_2297, %mul3A_2291 : vector<16xf32>
      %add3A_2299 = arith.constant 64.6735916 : f32
      %add3A_2300 = vector.broadcast %add3A_2299 : f32 to vector<16xf32>
      %add3A_2301 = arith.addf %mul3A_2298, %add3A_2300 : vector<16xf32>
      %mul3A_2302 = arith.mulf %add3A_2301, %mul3A_2291 : vector<16xf32>
      %add3A_2303 = arith.constant -19.7311802 : f32
      %add3A_2304 = vector.broadcast %add3A_2303 : f32 to vector<16xf32>
      %add3A_2305 = arith.addf %mul3A_2302, %add3A_2304 : vector<16xf32>
      %mul3A_2306 = arith.mulf %add3A_2305, %mul3A_2291 : vector<16xf32>
      %add3A_2307 = arith.constant 0.999961614 : f32
      %add3A_2308 = vector.broadcast %add3A_2307 : f32 to vector<16xf32>
      %add3A_2309 = arith.addf %mul3A_2306, %add3A_2308 : vector<16xf32>
      %mul3A_2310 = arith.mulf %add3A_2309, %gather3A_2281 : vector<16xf32>
      %add3A_2311 = arith.addf %add3A_2155, %mul3A_2310 : vector<16xf32>
      %mul3A_2312 = arith.mulf %div3A_138, %gather3A_2257 : vector<16xf32>
      %add3A_2313 = arith.addf %mul3A_2312, %gather3A_2269 : vector<16xf32>
      %add3A_2314 = arith.constant 0x4B400000 : f32
      %add3A_2315 = vector.broadcast %add3A_2314 : f32 to vector<16xf32>
      %add3A_2316 = arith.addf %add3A_2313, %add3A_2315 : vector<16xf32>
      %sub3A_2317 = arith.constant 0x4B400000 : f32
      %sub3A_2318 = vector.broadcast %sub3A_2317 : f32 to vector<16xf32>
      %sub3A_2319 = arith.subf %add3A_2316, %sub3A_2318 : vector<16xf32>
      %sub3A_2320 = arith.subf %add3A_2313, %sub3A_2319 : vector<16xf32>
      %mul3A_2321 = arith.mulf %sub3A_2320, %sub3A_2320 : vector<16xf32>
      %broadcast_in_dim3A_2322 = arith.constant 45.5641251 : f32
      %broadcast_in_dim3A_2323 = vector.broadcast %broadcast_in_dim3A_2322 : f32 to vector<16xf32>
      %mul3A_2324 = arith.mulf %broadcast_in_dim3A_2323, %mul3A_2321 : vector<16xf32>
      %add3A_2325 = arith.constant -82.3847046 : f32
      %add3A_2326 = vector.broadcast %add3A_2325 : f32 to vector<16xf32>
      %add3A_2327 = arith.addf %mul3A_2324, %add3A_2326 : vector<16xf32>
      %mul3A_2328 = arith.mulf %add3A_2327, %mul3A_2321 : vector<16xf32>
      %add3A_2329 = arith.constant 64.6735916 : f32
      %add3A_2330 = vector.broadcast %add3A_2329 : f32 to vector<16xf32>
      %add3A_2331 = arith.addf %mul3A_2328, %add3A_2330 : vector<16xf32>
      %mul3A_2332 = arith.mulf %add3A_2331, %mul3A_2321 : vector<16xf32>
      %add3A_2333 = arith.constant -19.7311802 : f32
      %add3A_2334 = vector.broadcast %add3A_2333 : f32 to vector<16xf32>
      %add3A_2335 = arith.addf %mul3A_2332, %add3A_2334 : vector<16xf32>
      %mul3A_2336 = arith.mulf %add3A_2335, %mul3A_2321 : vector<16xf32>
      %add3A_2337 = arith.constant 0.999961614 : f32
      %add3A_2338 = vector.broadcast %add3A_2337 : f32 to vector<16xf32>
      %add3A_2339 = arith.addf %mul3A_2336, %add3A_2338 : vector<16xf32>
      %mul3A_2340 = arith.mulf %add3A_2339, %gather3A_2281 : vector<16xf32>
      %add3A_2341 = arith.addf %add3A_2185, %mul3A_2340 : vector<16xf32>
      %mul3A_2342 = arith.mulf %div3A_142, %gather3A_2257 : vector<16xf32>
      %add3A_2343 = arith.addf %mul3A_2342, %gather3A_2269 : vector<16xf32>
      %add3A_2344 = arith.constant 0x4B400000 : f32
      %add3A_2345 = vector.broadcast %add3A_2344 : f32 to vector<16xf32>
      %add3A_2346 = arith.addf %add3A_2343, %add3A_2345 : vector<16xf32>
      %sub3A_2347 = arith.constant 0x4B400000 : f32
      %sub3A_2348 = vector.broadcast %sub3A_2347 : f32 to vector<16xf32>
      %sub3A_2349 = arith.subf %add3A_2346, %sub3A_2348 : vector<16xf32>
      %sub3A_2350 = arith.subf %add3A_2343, %sub3A_2349 : vector<16xf32>
      %mul3A_2351 = arith.mulf %sub3A_2350, %sub3A_2350 : vector<16xf32>
      %broadcast_in_dim3A_2352 = arith.constant 45.5641251 : f32
      %broadcast_in_dim3A_2353 = vector.broadcast %broadcast_in_dim3A_2352 : f32 to vector<16xf32>
      %mul3A_2354 = arith.mulf %broadcast_in_dim3A_2353, %mul3A_2351 : vector<16xf32>
      %add3A_2355 = arith.constant -82.3847046 : f32
      %add3A_2356 = vector.broadcast %add3A_2355 : f32 to vector<16xf32>
      %add3A_2357 = arith.addf %mul3A_2354, %add3A_2356 : vector<16xf32>
      %mul3A_2358 = arith.mulf %add3A_2357, %mul3A_2351 : vector<16xf32>
      %add3A_2359 = arith.constant 64.6735916 : f32
      %add3A_2360 = vector.broadcast %add3A_2359 : f32 to vector<16xf32>
      %add3A_2361 = arith.addf %mul3A_2358, %add3A_2360 : vector<16xf32>
      %mul3A_2362 = arith.mulf %add3A_2361, %mul3A_2351 : vector<16xf32>
      %add3A_2363 = arith.constant -19.7311802 : f32
      %add3A_2364 = vector.broadcast %add3A_2363 : f32 to vector<16xf32>
      %add3A_2365 = arith.addf %mul3A_2362, %add3A_2364 : vector<16xf32>
      %mul3A_2366 = arith.mulf %add3A_2365, %mul3A_2351 : vector<16xf32>
      %add3A_2367 = arith.constant 0.999961614 : f32
      %add3A_2368 = vector.broadcast %add3A_2367 : f32 to vector<16xf32>
      %add3A_2369 = arith.addf %mul3A_2366, %add3A_2368 : vector<16xf32>
      %mul3A_2370 = arith.mulf %add3A_2369, %gather3A_2281 : vector<16xf32>
      %add3A_2371 = arith.addf %add3A_2215, %mul3A_2370 : vector<16xf32>
      %mul3A_2372 = arith.mulf %div3A_146, %gather3A_2257 : vector<16xf32>
      %add3A_2373 = arith.addf %mul3A_2372, %gather3A_2269 : vector<16xf32>
      %add3A_2374 = arith.constant 0x4B400000 : f32
      %add3A_2375 = vector.broadcast %add3A_2374 : f32 to vector<16xf32>
      %add3A_2376 = arith.addf %add3A_2373, %add3A_2375 : vector<16xf32>
      %sub3A_2377 = arith.constant 0x4B400000 : f32
      %sub3A_2378 = vector.broadcast %sub3A_2377 : f32 to vector<16xf32>
      %sub3A_2379 = arith.subf %add3A_2376, %sub3A_2378 : vector<16xf32>
      %sub3A_2380 = arith.subf %add3A_2373, %sub3A_2379 : vector<16xf32>
      %mul3A_2381 = arith.mulf %sub3A_2380, %sub3A_2380 : vector<16xf32>
      %broadcast_in_dim3A_2382 = arith.constant 45.5641251 : f32
      %broadcast_in_dim3A_2383 = vector.broadcast %broadcast_in_dim3A_2382 : f32 to vector<16xf32>
      %mul3A_2384 = arith.mulf %broadcast_in_dim3A_2383, %mul3A_2381 : vector<16xf32>
      %add3A_2385 = arith.constant -82.3847046 : f32
      %add3A_2386 = vector.broadcast %add3A_2385 : f32 to vector<16xf32>
      %add3A_2387 = arith.addf %mul3A_2384, %add3A_2386 : vector<16xf32>
      %mul3A_2388 = arith.mulf %add3A_2387, %mul3A_2381 : vector<16xf32>
      %add3A_2389 = arith.constant 64.6735916 : f32
      %add3A_2390 = vector.broadcast %add3A_2389 : f32 to vector<16xf32>
      %add3A_2391 = arith.addf %mul3A_2388, %add3A_2390 : vector<16xf32>
      %mul3A_2392 = arith.mulf %add3A_2391, %mul3A_2381 : vector<16xf32>
      %add3A_2393 = arith.constant -19.7311802 : f32
      %add3A_2394 = vector.broadcast %add3A_2393 : f32 to vector<16xf32>
      %add3A_2395 = arith.addf %mul3A_2392, %add3A_2394 : vector<16xf32>
      %mul3A_2396 = arith.mulf %add3A_2395, %mul3A_2381 : vector<16xf32>
      %add3A_2397 = arith.constant 0.999961614 : f32
      %add3A_2398 = vector.broadcast %add3A_2397 : f32 to vector<16xf32>
      %add3A_2399 = arith.addf %mul3A_2396, %add3A_2398 : vector<16xf32>
      %mul3A_2400 = arith.mulf %add3A_2399, %gather3A_2281 : vector<16xf32>
      %add3A_2401 = arith.addf %add3A_2245, %mul3A_2400 : vector<16xf32>
      %broadcast_in_dim3A_2402 = arith.constant 11 : i32
      %broadcast_in_dim3A_2403 = vector.broadcast %broadcast_in_dim3A_2402 : i32 to vector<16xi32>
      %lt3A_2404 = arith.constant 0 : i32
      %lt3A_2405 = vector.broadcast %lt3A_2404 : i32 to vector<16xi32>
      %lt3A_2406 = arith.cmpi slt, %broadcast_in_dim3A_2403, %lt3A_2405 : vector<16xi32>
      %add3A_2407 = arith.constant 16 : i32
      %add3A_2408 = vector.broadcast %add3A_2407 : i32 to vector<16xi32>
      %add3A_2409 = arith.addi %broadcast_in_dim3A_2403, %add3A_2408 : vector<16xi32>
      %select_n3A_2410 = arith.select %lt3A_2406, %add3A_2409, %broadcast_in_dim3A_2403 : vector<16xi1>, vector<16xi32>
      %reshape3A_2411 = vector.shape_cast %select_n3A_2410 : vector<16xi32> to vector<16x1xi32>
      %gather3A_2412 = vector.shape_cast %reshape3A_2411 : vector<16x1xi32> to vector<16xi32>
      %gather3A_2413 = tpu.dynamic_gather %mul3A_678[%gather3A_2412] in [0] : vector<16xf32>, vector<16xi32> -> vector<16xf32>
      %broadcast_in_dim3A_2414 = arith.constant 11 : i32
      %broadcast_in_dim3A_2415 = vector.broadcast %broadcast_in_dim3A_2414 : i32 to vector<16xi32>
      %lt3A_2416 = arith.constant 0 : i32
      %lt3A_2417 = vector.broadcast %lt3A_2416 : i32 to vector<16xi32>
      %lt3A_2418 = arith.cmpi slt, %broadcast_in_dim3A_2415, %lt3A_2417 : vector<16xi32>
      %add3A_2419 = arith.constant 16 : i32
      %add3A_2420 = vector.broadcast %add3A_2419 : i32 to vector<16xi32>
      %add3A_2421 = arith.addi %broadcast_in_dim3A_2415, %add3A_2420 : vector<16xi32>
      %select_n3A_2422 = arith.select %lt3A_2418, %add3A_2421, %broadcast_in_dim3A_2415 : vector<16xi1>, vector<16xi32>
      %reshape3A_2423 = vector.shape_cast %select_n3A_2422 : vector<16xi32> to vector<16x1xi32>
      %gather3A_2424 = vector.shape_cast %reshape3A_2423 : vector<16x1xi32> to vector<16xi32>
      %gather3A_2425 = tpu.dynamic_gather %mul3A_683[%gather3A_2424] in [0] : vector<16xf32>, vector<16xi32> -> vector<16xf32>
      %broadcast_in_dim3A_2426 = arith.constant 11 : i32
      %broadcast_in_dim3A_2427 = vector.broadcast %broadcast_in_dim3A_2426 : i32 to vector<16xi32>
      %lt3A_2428 = arith.constant 0 : i32
      %lt3A_2429 = vector.broadcast %lt3A_2428 : i32 to vector<16xi32>
      %lt3A_2430 = arith.cmpi slt, %broadcast_in_dim3A_2427, %lt3A_2429 : vector<16xi32>
      %add3A_2431 = arith.constant 16 : i32
      %add3A_2432 = vector.broadcast %add3A_2431 : i32 to vector<16xi32>
      %add3A_2433 = arith.addi %broadcast_in_dim3A_2427, %add3A_2432 : vector<16xi32>
      %select_n3A_2434 = arith.select %lt3A_2430, %add3A_2433, %broadcast_in_dim3A_2427 : vector<16xi1>, vector<16xi32>
      %reshape3A_2435 = vector.shape_cast %select_n3A_2434 : vector<16xi32> to vector<16x1xi32>
      %gather3A_2436 = vector.shape_cast %reshape3A_2435 : vector<16x1xi32> to vector<16xi32>
      %gather3A_2437 = tpu.dynamic_gather %get3A_685[%gather3A_2436] in [0] : vector<16xf32>, vector<16xi32> -> vector<16xf32>
      %mul3A_2438 = arith.mulf %div3A_134, %gather3A_2413 : vector<16xf32>
      %add3A_2439 = arith.addf %mul3A_2438, %gather3A_2425 : vector<16xf32>
      %add3A_2440 = arith.constant 0x4B400000 : f32
      %add3A_2441 = vector.broadcast %add3A_2440 : f32 to vector<16xf32>
      %add3A_2442 = arith.addf %add3A_2439, %add3A_2441 : vector<16xf32>
      %sub3A_2443 = arith.constant 0x4B400000 : f32
      %sub3A_2444 = vector.broadcast %sub3A_2443 : f32 to vector<16xf32>
      %sub3A_2445 = arith.subf %add3A_2442, %sub3A_2444 : vector<16xf32>
      %sub3A_2446 = arith.subf %add3A_2439, %sub3A_2445 : vector<16xf32>
      %mul3A_2447 = arith.mulf %sub3A_2446, %sub3A_2446 : vector<16xf32>
      %broadcast_in_dim3A_2448 = arith.constant 45.5641251 : f32
      %broadcast_in_dim3A_2449 = vector.broadcast %broadcast_in_dim3A_2448 : f32 to vector<16xf32>
      %mul3A_2450 = arith.mulf %broadcast_in_dim3A_2449, %mul3A_2447 : vector<16xf32>
      %add3A_2451 = arith.constant -82.3847046 : f32
      %add3A_2452 = vector.broadcast %add3A_2451 : f32 to vector<16xf32>
      %add3A_2453 = arith.addf %mul3A_2450, %add3A_2452 : vector<16xf32>
      %mul3A_2454 = arith.mulf %add3A_2453, %mul3A_2447 : vector<16xf32>
      %add3A_2455 = arith.constant 64.6735916 : f32
      %add3A_2456 = vector.broadcast %add3A_2455 : f32 to vector<16xf32>
      %add3A_2457 = arith.addf %mul3A_2454, %add3A_2456 : vector<16xf32>
      %mul3A_2458 = arith.mulf %add3A_2457, %mul3A_2447 : vector<16xf32>
      %add3A_2459 = arith.constant -19.7311802 : f32
      %add3A_2460 = vector.broadcast %add3A_2459 : f32 to vector<16xf32>
      %add3A_2461 = arith.addf %mul3A_2458, %add3A_2460 : vector<16xf32>
      %mul3A_2462 = arith.mulf %add3A_2461, %mul3A_2447 : vector<16xf32>
      %add3A_2463 = arith.constant 0.999961614 : f32
      %add3A_2464 = vector.broadcast %add3A_2463 : f32 to vector<16xf32>
      %add3A_2465 = arith.addf %mul3A_2462, %add3A_2464 : vector<16xf32>
      %mul3A_2466 = arith.mulf %add3A_2465, %gather3A_2437 : vector<16xf32>
      %add3A_2467 = arith.addf %add3A_2311, %mul3A_2466 : vector<16xf32>
      %mul3A_2468 = arith.mulf %div3A_138, %gather3A_2413 : vector<16xf32>
      %add3A_2469 = arith.addf %mul3A_2468, %gather3A_2425 : vector<16xf32>
      %add3A_2470 = arith.constant 0x4B400000 : f32
      %add3A_2471 = vector.broadcast %add3A_2470 : f32 to vector<16xf32>
      %add3A_2472 = arith.addf %add3A_2469, %add3A_2471 : vector<16xf32>
      %sub3A_2473 = arith.constant 0x4B400000 : f32
      %sub3A_2474 = vector.broadcast %sub3A_2473 : f32 to vector<16xf32>
      %sub3A_2475 = arith.subf %add3A_2472, %sub3A_2474 : vector<16xf32>
      %sub3A_2476 = arith.subf %add3A_2469, %sub3A_2475 : vector<16xf32>
      %mul3A_2477 = arith.mulf %sub3A_2476, %sub3A_2476 : vector<16xf32>
      %broadcast_in_dim3A_2478 = arith.constant 45.5641251 : f32
      %broadcast_in_dim3A_2479 = vector.broadcast %broadcast_in_dim3A_2478 : f32 to vector<16xf32>
      %mul3A_2480 = arith.mulf %broadcast_in_dim3A_2479, %mul3A_2477 : vector<16xf32>
      %add3A_2481 = arith.constant -82.3847046 : f32
      %add3A_2482 = vector.broadcast %add3A_2481 : f32 to vector<16xf32>
      %add3A_2483 = arith.addf %mul3A_2480, %add3A_2482 : vector<16xf32>
      %mul3A_2484 = arith.mulf %add3A_2483, %mul3A_2477 : vector<16xf32>
      %add3A_2485 = arith.constant 64.6735916 : f32
      %add3A_2486 = vector.broadcast %add3A_2485 : f32 to vector<16xf32>
      %add3A_2487 = arith.addf %mul3A_2484, %add3A_2486 : vector<16xf32>
      %mul3A_2488 = arith.mulf %add3A_2487, %mul3A_2477 : vector<16xf32>
      %add3A_2489 = arith.constant -19.7311802 : f32
      %add3A_2490 = vector.broadcast %add3A_2489 : f32 to vector<16xf32>
      %add3A_2491 = arith.addf %mul3A_2488, %add3A_2490 : vector<16xf32>
      %mul3A_2492 = arith.mulf %add3A_2491, %mul3A_2477 : vector<16xf32>
      %add3A_2493 = arith.constant 0.999961614 : f32
      %add3A_2494 = vector.broadcast %add3A_2493 : f32 to vector<16xf32>
      %add3A_2495 = arith.addf %mul3A_2492, %add3A_2494 : vector<16xf32>
      %mul3A_2496 = arith.mulf %add3A_2495, %gather3A_2437 : vector<16xf32>
      %add3A_2497 = arith.addf %add3A_2341, %mul3A_2496 : vector<16xf32>
      %mul3A_2498 = arith.mulf %div3A_142, %gather3A_2413 : vector<16xf32>
      %add3A_2499 = arith.addf %mul3A_2498, %gather3A_2425 : vector<16xf32>
      %add3A_2500 = arith.constant 0x4B400000 : f32
      %add3A_2501 = vector.broadcast %add3A_2500 : f32 to vector<16xf32>
      %add3A_2502 = arith.addf %add3A_2499, %add3A_2501 : vector<16xf32>
      %sub3A_2503 = arith.constant 0x4B400000 : f32
      %sub3A_2504 = vector.broadcast %sub3A_2503 : f32 to vector<16xf32>
      %sub3A_2505 = arith.subf %add3A_2502, %sub3A_2504 : vector<16xf32>
      %sub3A_2506 = arith.subf %add3A_2499, %sub3A_2505 : vector<16xf32>
      %mul3A_2507 = arith.mulf %sub3A_2506, %sub3A_2506 : vector<16xf32>
      %broadcast_in_dim3A_2508 = arith.constant 45.5641251 : f32
      %broadcast_in_dim3A_2509 = vector.broadcast %broadcast_in_dim3A_2508 : f32 to vector<16xf32>
      %mul3A_2510 = arith.mulf %broadcast_in_dim3A_2509, %mul3A_2507 : vector<16xf32>
      %add3A_2511 = arith.constant -82.3847046 : f32
      %add3A_2512 = vector.broadcast %add3A_2511 : f32 to vector<16xf32>
      %add3A_2513 = arith.addf %mul3A_2510, %add3A_2512 : vector<16xf32>
      %mul3A_2514 = arith.mulf %add3A_2513, %mul3A_2507 : vector<16xf32>
      %add3A_2515 = arith.constant 64.6735916 : f32
      %add3A_2516 = vector.broadcast %add3A_2515 : f32 to vector<16xf32>
      %add3A_2517 = arith.addf %mul3A_2514, %add3A_2516 : vector<16xf32>
      %mul3A_2518 = arith.mulf %add3A_2517, %mul3A_2507 : vector<16xf32>
      %add3A_2519 = arith.constant -19.7311802 : f32
      %add3A_2520 = vector.broadcast %add3A_2519 : f32 to vector<16xf32>
      %add3A_2521 = arith.addf %mul3A_2518, %add3A_2520 : vector<16xf32>
      %mul3A_2522 = arith.mulf %add3A_2521, %mul3A_2507 : vector<16xf32>
      %add3A_2523 = arith.constant 0.999961614 : f32
      %add3A_2524 = vector.broadcast %add3A_2523 : f32 to vector<16xf32>
      %add3A_2525 = arith.addf %mul3A_2522, %add3A_2524 : vector<16xf32>
      %mul3A_2526 = arith.mulf %add3A_2525, %gather3A_2437 : vector<16xf32>
      %add3A_2527 = arith.addf %add3A_2371, %mul3A_2526 : vector<16xf32>
      %mul3A_2528 = arith.mulf %div3A_146, %gather3A_2413 : vector<16xf32>
      %add3A_2529 = arith.addf %mul3A_2528, %gather3A_2425 : vector<16xf32>
      %add3A_2530 = arith.constant 0x4B400000 : f32
      %add3A_2531 = vector.broadcast %add3A_2530 : f32 to vector<16xf32>
      %add3A_2532 = arith.addf %add3A_2529, %add3A_2531 : vector<16xf32>
      %sub3A_2533 = arith.constant 0x4B400000 : f32
      %sub3A_2534 = vector.broadcast %sub3A_2533 : f32 to vector<16xf32>
      %sub3A_2535 = arith.subf %add3A_2532, %sub3A_2534 : vector<16xf32>
      %sub3A_2536 = arith.subf %add3A_2529, %sub3A_2535 : vector<16xf32>
      %mul3A_2537 = arith.mulf %sub3A_2536, %sub3A_2536 : vector<16xf32>
      %broadcast_in_dim3A_2538 = arith.constant 45.5641251 : f32
      %broadcast_in_dim3A_2539 = vector.broadcast %broadcast_in_dim3A_2538 : f32 to vector<16xf32>
      %mul3A_2540 = arith.mulf %broadcast_in_dim3A_2539, %mul3A_2537 : vector<16xf32>
      %add3A_2541 = arith.constant -82.3847046 : f32
      %add3A_2542 = vector.broadcast %add3A_2541 : f32 to vector<16xf32>
      %add3A_2543 = arith.addf %mul3A_2540, %add3A_2542 : vector<16xf32>
      %mul3A_2544 = arith.mulf %add3A_2543, %mul3A_2537 : vector<16xf32>
      %add3A_2545 = arith.constant 64.6735916 : f32
      %add3A_2546 = vector.broadcast %add3A_2545 : f32 to vector<16xf32>
      %add3A_2547 = arith.addf %mul3A_2544, %add3A_2546 : vector<16xf32>
      %mul3A_2548 = arith.mulf %add3A_2547, %mul3A_2537 : vector<16xf32>
      %add3A_2549 = arith.constant -19.7311802 : f32
      %add3A_2550 = vector.broadcast %add3A_2549 : f32 to vector<16xf32>
      %add3A_2551 = arith.addf %mul3A_2548, %add3A_2550 : vector<16xf32>
      %mul3A_2552 = arith.mulf %add3A_2551, %mul3A_2537 : vector<16xf32>
      %add3A_2553 = arith.constant 0.999961614 : f32
      %add3A_2554 = vector.broadcast %add3A_2553 : f32 to vector<16xf32>
      %add3A_2555 = arith.addf %mul3A_2552, %add3A_2554 : vector<16xf32>
      %mul3A_2556 = arith.mulf %add3A_2555, %gather3A_2437 : vector<16xf32>
      %add3A_2557 = arith.addf %add3A_2401, %mul3A_2556 : vector<16xf32>
      %broadcast_in_dim3A_2558 = arith.constant 12 : i32
      %broadcast_in_dim3A_2559 = vector.broadcast %broadcast_in_dim3A_2558 : i32 to vector<16xi32>
      %lt3A_2560 = arith.constant 0 : i32
      %lt3A_2561 = vector.broadcast %lt3A_2560 : i32 to vector<16xi32>
      %lt3A_2562 = arith.cmpi slt, %broadcast_in_dim3A_2559, %lt3A_2561 : vector<16xi32>
      %add3A_2563 = arith.constant 16 : i32
      %add3A_2564 = vector.broadcast %add3A_2563 : i32 to vector<16xi32>
      %add3A_2565 = arith.addi %broadcast_in_dim3A_2559, %add3A_2564 : vector<16xi32>
      %select_n3A_2566 = arith.select %lt3A_2562, %add3A_2565, %broadcast_in_dim3A_2559 : vector<16xi1>, vector<16xi32>
      %reshape3A_2567 = vector.shape_cast %select_n3A_2566 : vector<16xi32> to vector<16x1xi32>
      %gather3A_2568 = vector.shape_cast %reshape3A_2567 : vector<16x1xi32> to vector<16xi32>
      %gather3A_2569 = tpu.dynamic_gather %mul3A_678[%gather3A_2568] in [0] : vector<16xf32>, vector<16xi32> -> vector<16xf32>
      %broadcast_in_dim3A_2570 = arith.constant 12 : i32
      %broadcast_in_dim3A_2571 = vector.broadcast %broadcast_in_dim3A_2570 : i32 to vector<16xi32>
      %lt3A_2572 = arith.constant 0 : i32
      %lt3A_2573 = vector.broadcast %lt3A_2572 : i32 to vector<16xi32>
      %lt3A_2574 = arith.cmpi slt, %broadcast_in_dim3A_2571, %lt3A_2573 : vector<16xi32>
      %add3A_2575 = arith.constant 16 : i32
      %add3A_2576 = vector.broadcast %add3A_2575 : i32 to vector<16xi32>
      %add3A_2577 = arith.addi %broadcast_in_dim3A_2571, %add3A_2576 : vector<16xi32>
      %select_n3A_2578 = arith.select %lt3A_2574, %add3A_2577, %broadcast_in_dim3A_2571 : vector<16xi1>, vector<16xi32>
      %reshape3A_2579 = vector.shape_cast %select_n3A_2578 : vector<16xi32> to vector<16x1xi32>
      %gather3A_2580 = vector.shape_cast %reshape3A_2579 : vector<16x1xi32> to vector<16xi32>
      %gather3A_2581 = tpu.dynamic_gather %mul3A_683[%gather3A_2580] in [0] : vector<16xf32>, vector<16xi32> -> vector<16xf32>
      %broadcast_in_dim3A_2582 = arith.constant 12 : i32
      %broadcast_in_dim3A_2583 = vector.broadcast %broadcast_in_dim3A_2582 : i32 to vector<16xi32>
      %lt3A_2584 = arith.constant 0 : i32
      %lt3A_2585 = vector.broadcast %lt3A_2584 : i32 to vector<16xi32>
      %lt3A_2586 = arith.cmpi slt, %broadcast_in_dim3A_2583, %lt3A_2585 : vector<16xi32>
      %add3A_2587 = arith.constant 16 : i32
      %add3A_2588 = vector.broadcast %add3A_2587 : i32 to vector<16xi32>
      %add3A_2589 = arith.addi %broadcast_in_dim3A_2583, %add3A_2588 : vector<16xi32>
      %select_n3A_2590 = arith.select %lt3A_2586, %add3A_2589, %broadcast_in_dim3A_2583 : vector<16xi1>, vector<16xi32>
      %reshape3A_2591 = vector.shape_cast %select_n3A_2590 : vector<16xi32> to vector<16x1xi32>
      %gather3A_2592 = vector.shape_cast %reshape3A_2591 : vector<16x1xi32> to vector<16xi32>
      %gather3A_2593 = tpu.dynamic_gather %get3A_685[%gather3A_2592] in [0] : vector<16xf32>, vector<16xi32> -> vector<16xf32>
      %mul3A_2594 = arith.mulf %div3A_134, %gather3A_2569 : vector<16xf32>
      %add3A_2595 = arith.addf %mul3A_2594, %gather3A_2581 : vector<16xf32>
      %add3A_2596 = arith.constant 0x4B400000 : f32
      %add3A_2597 = vector.broadcast %add3A_2596 : f32 to vector<16xf32>
      %add3A_2598 = arith.addf %add3A_2595, %add3A_2597 : vector<16xf32>
      %sub3A_2599 = arith.constant 0x4B400000 : f32
      %sub3A_2600 = vector.broadcast %sub3A_2599 : f32 to vector<16xf32>
      %sub3A_2601 = arith.subf %add3A_2598, %sub3A_2600 : vector<16xf32>
      %sub3A_2602 = arith.subf %add3A_2595, %sub3A_2601 : vector<16xf32>
      %mul3A_2603 = arith.mulf %sub3A_2602, %sub3A_2602 : vector<16xf32>
      %broadcast_in_dim3A_2604 = arith.constant 45.5641251 : f32
      %broadcast_in_dim3A_2605 = vector.broadcast %broadcast_in_dim3A_2604 : f32 to vector<16xf32>
      %mul3A_2606 = arith.mulf %broadcast_in_dim3A_2605, %mul3A_2603 : vector<16xf32>
      %add3A_2607 = arith.constant -82.3847046 : f32
      %add3A_2608 = vector.broadcast %add3A_2607 : f32 to vector<16xf32>
      %add3A_2609 = arith.addf %mul3A_2606, %add3A_2608 : vector<16xf32>
      %mul3A_2610 = arith.mulf %add3A_2609, %mul3A_2603 : vector<16xf32>
      %add3A_2611 = arith.constant 64.6735916 : f32
      %add3A_2612 = vector.broadcast %add3A_2611 : f32 to vector<16xf32>
      %add3A_2613 = arith.addf %mul3A_2610, %add3A_2612 : vector<16xf32>
      %mul3A_2614 = arith.mulf %add3A_2613, %mul3A_2603 : vector<16xf32>
      %add3A_2615 = arith.constant -19.7311802 : f32
      %add3A_2616 = vector.broadcast %add3A_2615 : f32 to vector<16xf32>
      %add3A_2617 = arith.addf %mul3A_2614, %add3A_2616 : vector<16xf32>
      %mul3A_2618 = arith.mulf %add3A_2617, %mul3A_2603 : vector<16xf32>
      %add3A_2619 = arith.constant 0.999961614 : f32
      %add3A_2620 = vector.broadcast %add3A_2619 : f32 to vector<16xf32>
      %add3A_2621 = arith.addf %mul3A_2618, %add3A_2620 : vector<16xf32>
      %mul3A_2622 = arith.mulf %add3A_2621, %gather3A_2593 : vector<16xf32>
      %add3A_2623 = arith.addf %add3A_2467, %mul3A_2622 : vector<16xf32>
      %mul3A_2624 = arith.mulf %div3A_138, %gather3A_2569 : vector<16xf32>
      %add3A_2625 = arith.addf %mul3A_2624, %gather3A_2581 : vector<16xf32>
      %add3A_2626 = arith.constant 0x4B400000 : f32
      %add3A_2627 = vector.broadcast %add3A_2626 : f32 to vector<16xf32>
      %add3A_2628 = arith.addf %add3A_2625, %add3A_2627 : vector<16xf32>
      %sub3A_2629 = arith.constant 0x4B400000 : f32
      %sub3A_2630 = vector.broadcast %sub3A_2629 : f32 to vector<16xf32>
      %sub3A_2631 = arith.subf %add3A_2628, %sub3A_2630 : vector<16xf32>
      %sub3A_2632 = arith.subf %add3A_2625, %sub3A_2631 : vector<16xf32>
      %mul3A_2633 = arith.mulf %sub3A_2632, %sub3A_2632 : vector<16xf32>
      %broadcast_in_dim3A_2634 = arith.constant 45.5641251 : f32
      %broadcast_in_dim3A_2635 = vector.broadcast %broadcast_in_dim3A_2634 : f32 to vector<16xf32>
      %mul3A_2636 = arith.mulf %broadcast_in_dim3A_2635, %mul3A_2633 : vector<16xf32>
      %add3A_2637 = arith.constant -82.3847046 : f32
      %add3A_2638 = vector.broadcast %add3A_2637 : f32 to vector<16xf32>
      %add3A_2639 = arith.addf %mul3A_2636, %add3A_2638 : vector<16xf32>
      %mul3A_2640 = arith.mulf %add3A_2639, %mul3A_2633 : vector<16xf32>
      %add3A_2641 = arith.constant 64.6735916 : f32
      %add3A_2642 = vector.broadcast %add3A_2641 : f32 to vector<16xf32>
      %add3A_2643 = arith.addf %mul3A_2640, %add3A_2642 : vector<16xf32>
      %mul3A_2644 = arith.mulf %add3A_2643, %mul3A_2633 : vector<16xf32>
      %add3A_2645 = arith.constant -19.7311802 : f32
      %add3A_2646 = vector.broadcast %add3A_2645 : f32 to vector<16xf32>
      %add3A_2647 = arith.addf %mul3A_2644, %add3A_2646 : vector<16xf32>
      %mul3A_2648 = arith.mulf %add3A_2647, %mul3A_2633 : vector<16xf32>
      %add3A_2649 = arith.constant 0.999961614 : f32
      %add3A_2650 = vector.broadcast %add3A_2649 : f32 to vector<16xf32>
      %add3A_2651 = arith.addf %mul3A_2648, %add3A_2650 : vector<16xf32>
      %mul3A_2652 = arith.mulf %add3A_2651, %gather3A_2593 : vector<16xf32>
      %add3A_2653 = arith.addf %add3A_2497, %mul3A_2652 : vector<16xf32>
      %mul3A_2654 = arith.mulf %div3A_142, %gather3A_2569 : vector<16xf32>
      %add3A_2655 = arith.addf %mul3A_2654, %gather3A_2581 : vector<16xf32>
      %add3A_2656 = arith.constant 0x4B400000 : f32
      %add3A_2657 = vector.broadcast %add3A_2656 : f32 to vector<16xf32>
      %add3A_2658 = arith.addf %add3A_2655, %add3A_2657 : vector<16xf32>
      %sub3A_2659 = arith.constant 0x4B400000 : f32
      %sub3A_2660 = vector.broadcast %sub3A_2659 : f32 to vector<16xf32>
      %sub3A_2661 = arith.subf %add3A_2658, %sub3A_2660 : vector<16xf32>
      %sub3A_2662 = arith.subf %add3A_2655, %sub3A_2661 : vector<16xf32>
      %mul3A_2663 = arith.mulf %sub3A_2662, %sub3A_2662 : vector<16xf32>
      %broadcast_in_dim3A_2664 = arith.constant 45.5641251 : f32
      %broadcast_in_dim3A_2665 = vector.broadcast %broadcast_in_dim3A_2664 : f32 to vector<16xf32>
      %mul3A_2666 = arith.mulf %broadcast_in_dim3A_2665, %mul3A_2663 : vector<16xf32>
      %add3A_2667 = arith.constant -82.3847046 : f32
      %add3A_2668 = vector.broadcast %add3A_2667 : f32 to vector<16xf32>
      %add3A_2669 = arith.addf %mul3A_2666, %add3A_2668 : vector<16xf32>
      %mul3A_2670 = arith.mulf %add3A_2669, %mul3A_2663 : vector<16xf32>
      %add3A_2671 = arith.constant 64.6735916 : f32
      %add3A_2672 = vector.broadcast %add3A_2671 : f32 to vector<16xf32>
      %add3A_2673 = arith.addf %mul3A_2670, %add3A_2672 : vector<16xf32>
      %mul3A_2674 = arith.mulf %add3A_2673, %mul3A_2663 : vector<16xf32>
      %add3A_2675 = arith.constant -19.7311802 : f32
      %add3A_2676 = vector.broadcast %add3A_2675 : f32 to vector<16xf32>
      %add3A_2677 = arith.addf %mul3A_2674, %add3A_2676 : vector<16xf32>
      %mul3A_2678 = arith.mulf %add3A_2677, %mul3A_2663 : vector<16xf32>
      %add3A_2679 = arith.constant 0.999961614 : f32
      %add3A_2680 = vector.broadcast %add3A_2679 : f32 to vector<16xf32>
      %add3A_2681 = arith.addf %mul3A_2678, %add3A_2680 : vector<16xf32>
      %mul3A_2682 = arith.mulf %add3A_2681, %gather3A_2593 : vector<16xf32>
      %add3A_2683 = arith.addf %add3A_2527, %mul3A_2682 : vector<16xf32>
      %mul3A_2684 = arith.mulf %div3A_146, %gather3A_2569 : vector<16xf32>
      %add3A_2685 = arith.addf %mul3A_2684, %gather3A_2581 : vector<16xf32>
      %add3A_2686 = arith.constant 0x4B400000 : f32
      %add3A_2687 = vector.broadcast %add3A_2686 : f32 to vector<16xf32>
      %add3A_2688 = arith.addf %add3A_2685, %add3A_2687 : vector<16xf32>
      %sub3A_2689 = arith.constant 0x4B400000 : f32
      %sub3A_2690 = vector.broadcast %sub3A_2689 : f32 to vector<16xf32>
      %sub3A_2691 = arith.subf %add3A_2688, %sub3A_2690 : vector<16xf32>
      %sub3A_2692 = arith.subf %add3A_2685, %sub3A_2691 : vector<16xf32>
      %mul3A_2693 = arith.mulf %sub3A_2692, %sub3A_2692 : vector<16xf32>
      %broadcast_in_dim3A_2694 = arith.constant 45.5641251 : f32
      %broadcast_in_dim3A_2695 = vector.broadcast %broadcast_in_dim3A_2694 : f32 to vector<16xf32>
      %mul3A_2696 = arith.mulf %broadcast_in_dim3A_2695, %mul3A_2693 : vector<16xf32>
      %add3A_2697 = arith.constant -82.3847046 : f32
      %add3A_2698 = vector.broadcast %add3A_2697 : f32 to vector<16xf32>
      %add3A_2699 = arith.addf %mul3A_2696, %add3A_2698 : vector<16xf32>
      %mul3A_2700 = arith.mulf %add3A_2699, %mul3A_2693 : vector<16xf32>
      %add3A_2701 = arith.constant 64.6735916 : f32
      %add3A_2702 = vector.broadcast %add3A_2701 : f32 to vector<16xf32>
      %add3A_2703 = arith.addf %mul3A_2700, %add3A_2702 : vector<16xf32>
      %mul3A_2704 = arith.mulf %add3A_2703, %mul3A_2693 : vector<16xf32>
      %add3A_2705 = arith.constant -19.7311802 : f32
      %add3A_2706 = vector.broadcast %add3A_2705 : f32 to vector<16xf32>
      %add3A_2707 = arith.addf %mul3A_2704, %add3A_2706 : vector<16xf32>
      %mul3A_2708 = arith.mulf %add3A_2707, %mul3A_2693 : vector<16xf32>
      %add3A_2709 = arith.constant 0.999961614 : f32
      %add3A_2710 = vector.broadcast %add3A_2709 : f32 to vector<16xf32>
      %add3A_2711 = arith.addf %mul3A_2708, %add3A_2710 : vector<16xf32>
      %mul3A_2712 = arith.mulf %add3A_2711, %gather3A_2593 : vector<16xf32>
      %add3A_2713 = arith.addf %add3A_2557, %mul3A_2712 : vector<16xf32>
      %broadcast_in_dim3A_2714 = arith.constant 13 : i32
      %broadcast_in_dim3A_2715 = vector.broadcast %broadcast_in_dim3A_2714 : i32 to vector<16xi32>
      %lt3A_2716 = arith.constant 0 : i32
      %lt3A_2717 = vector.broadcast %lt3A_2716 : i32 to vector<16xi32>
      %lt3A_2718 = arith.cmpi slt, %broadcast_in_dim3A_2715, %lt3A_2717 : vector<16xi32>
      %add3A_2719 = arith.constant 16 : i32
      %add3A_2720 = vector.broadcast %add3A_2719 : i32 to vector<16xi32>
      %add3A_2721 = arith.addi %broadcast_in_dim3A_2715, %add3A_2720 : vector<16xi32>
      %select_n3A_2722 = arith.select %lt3A_2718, %add3A_2721, %broadcast_in_dim3A_2715 : vector<16xi1>, vector<16xi32>
      %reshape3A_2723 = vector.shape_cast %select_n3A_2722 : vector<16xi32> to vector<16x1xi32>
      %gather3A_2724 = vector.shape_cast %reshape3A_2723 : vector<16x1xi32> to vector<16xi32>
      %gather3A_2725 = tpu.dynamic_gather %mul3A_678[%gather3A_2724] in [0] : vector<16xf32>, vector<16xi32> -> vector<16xf32>
      %broadcast_in_dim3A_2726 = arith.constant 13 : i32
      %broadcast_in_dim3A_2727 = vector.broadcast %broadcast_in_dim3A_2726 : i32 to vector<16xi32>
      %lt3A_2728 = arith.constant 0 : i32
      %lt3A_2729 = vector.broadcast %lt3A_2728 : i32 to vector<16xi32>
      %lt3A_2730 = arith.cmpi slt, %broadcast_in_dim3A_2727, %lt3A_2729 : vector<16xi32>
      %add3A_2731 = arith.constant 16 : i32
      %add3A_2732 = vector.broadcast %add3A_2731 : i32 to vector<16xi32>
      %add3A_2733 = arith.addi %broadcast_in_dim3A_2727, %add3A_2732 : vector<16xi32>
      %select_n3A_2734 = arith.select %lt3A_2730, %add3A_2733, %broadcast_in_dim3A_2727 : vector<16xi1>, vector<16xi32>
      %reshape3A_2735 = vector.shape_cast %select_n3A_2734 : vector<16xi32> to vector<16x1xi32>
      %gather3A_2736 = vector.shape_cast %reshape3A_2735 : vector<16x1xi32> to vector<16xi32>
      %gather3A_2737 = tpu.dynamic_gather %mul3A_683[%gather3A_2736] in [0] : vector<16xf32>, vector<16xi32> -> vector<16xf32>
      %broadcast_in_dim3A_2738 = arith.constant 13 : i32
      %broadcast_in_dim3A_2739 = vector.broadcast %broadcast_in_dim3A_2738 : i32 to vector<16xi32>
      %lt3A_2740 = arith.constant 0 : i32
      %lt3A_2741 = vector.broadcast %lt3A_2740 : i32 to vector<16xi32>
      %lt3A_2742 = arith.cmpi slt, %broadcast_in_dim3A_2739, %lt3A_2741 : vector<16xi32>
      %add3A_2743 = arith.constant 16 : i32
      %add3A_2744 = vector.broadcast %add3A_2743 : i32 to vector<16xi32>
      %add3A_2745 = arith.addi %broadcast_in_dim3A_2739, %add3A_2744 : vector<16xi32>
      %select_n3A_2746 = arith.select %lt3A_2742, %add3A_2745, %broadcast_in_dim3A_2739 : vector<16xi1>, vector<16xi32>
      %reshape3A_2747 = vector.shape_cast %select_n3A_2746 : vector<16xi32> to vector<16x1xi32>
      %gather3A_2748 = vector.shape_cast %reshape3A_2747 : vector<16x1xi32> to vector<16xi32>
      %gather3A_2749 = tpu.dynamic_gather %get3A_685[%gather3A_2748] in [0] : vector<16xf32>, vector<16xi32> -> vector<16xf32>
      %mul3A_2750 = arith.mulf %div3A_134, %gather3A_2725 : vector<16xf32>
      %add3A_2751 = arith.addf %mul3A_2750, %gather3A_2737 : vector<16xf32>
      %add3A_2752 = arith.constant 0x4B400000 : f32
      %add3A_2753 = vector.broadcast %add3A_2752 : f32 to vector<16xf32>
      %add3A_2754 = arith.addf %add3A_2751, %add3A_2753 : vector<16xf32>
      %sub3A_2755 = arith.constant 0x4B400000 : f32
      %sub3A_2756 = vector.broadcast %sub3A_2755 : f32 to vector<16xf32>
      %sub3A_2757 = arith.subf %add3A_2754, %sub3A_2756 : vector<16xf32>
      %sub3A_2758 = arith.subf %add3A_2751, %sub3A_2757 : vector<16xf32>
      %mul3A_2759 = arith.mulf %sub3A_2758, %sub3A_2758 : vector<16xf32>
      %broadcast_in_dim3A_2760 = arith.constant 45.5641251 : f32
      %broadcast_in_dim3A_2761 = vector.broadcast %broadcast_in_dim3A_2760 : f32 to vector<16xf32>
      %mul3A_2762 = arith.mulf %broadcast_in_dim3A_2761, %mul3A_2759 : vector<16xf32>
      %add3A_2763 = arith.constant -82.3847046 : f32
      %add3A_2764 = vector.broadcast %add3A_2763 : f32 to vector<16xf32>
      %add3A_2765 = arith.addf %mul3A_2762, %add3A_2764 : vector<16xf32>
      %mul3A_2766 = arith.mulf %add3A_2765, %mul3A_2759 : vector<16xf32>
      %add3A_2767 = arith.constant 64.6735916 : f32
      %add3A_2768 = vector.broadcast %add3A_2767 : f32 to vector<16xf32>
      %add3A_2769 = arith.addf %mul3A_2766, %add3A_2768 : vector<16xf32>
      %mul3A_2770 = arith.mulf %add3A_2769, %mul3A_2759 : vector<16xf32>
      %add3A_2771 = arith.constant -19.7311802 : f32
      %add3A_2772 = vector.broadcast %add3A_2771 : f32 to vector<16xf32>
      %add3A_2773 = arith.addf %mul3A_2770, %add3A_2772 : vector<16xf32>
      %mul3A_2774 = arith.mulf %add3A_2773, %mul3A_2759 : vector<16xf32>
      %add3A_2775 = arith.constant 0.999961614 : f32
      %add3A_2776 = vector.broadcast %add3A_2775 : f32 to vector<16xf32>
      %add3A_2777 = arith.addf %mul3A_2774, %add3A_2776 : vector<16xf32>
      %mul3A_2778 = arith.mulf %add3A_2777, %gather3A_2749 : vector<16xf32>
      %add3A_2779 = arith.addf %add3A_2623, %mul3A_2778 : vector<16xf32>
      %mul3A_2780 = arith.mulf %div3A_138, %gather3A_2725 : vector<16xf32>
      %add3A_2781 = arith.addf %mul3A_2780, %gather3A_2737 : vector<16xf32>
      %add3A_2782 = arith.constant 0x4B400000 : f32
      %add3A_2783 = vector.broadcast %add3A_2782 : f32 to vector<16xf32>
      %add3A_2784 = arith.addf %add3A_2781, %add3A_2783 : vector<16xf32>
      %sub3A_2785 = arith.constant 0x4B400000 : f32
      %sub3A_2786 = vector.broadcast %sub3A_2785 : f32 to vector<16xf32>
      %sub3A_2787 = arith.subf %add3A_2784, %sub3A_2786 : vector<16xf32>
      %sub3A_2788 = arith.subf %add3A_2781, %sub3A_2787 : vector<16xf32>
      %mul3A_2789 = arith.mulf %sub3A_2788, %sub3A_2788 : vector<16xf32>
      %broadcast_in_dim3A_2790 = arith.constant 45.5641251 : f32
      %broadcast_in_dim3A_2791 = vector.broadcast %broadcast_in_dim3A_2790 : f32 to vector<16xf32>
      %mul3A_2792 = arith.mulf %broadcast_in_dim3A_2791, %mul3A_2789 : vector<16xf32>
      %add3A_2793 = arith.constant -82.3847046 : f32
      %add3A_2794 = vector.broadcast %add3A_2793 : f32 to vector<16xf32>
      %add3A_2795 = arith.addf %mul3A_2792, %add3A_2794 : vector<16xf32>
      %mul3A_2796 = arith.mulf %add3A_2795, %mul3A_2789 : vector<16xf32>
      %add3A_2797 = arith.constant 64.6735916 : f32
      %add3A_2798 = vector.broadcast %add3A_2797 : f32 to vector<16xf32>
      %add3A_2799 = arith.addf %mul3A_2796, %add3A_2798 : vector<16xf32>
      %mul3A_2800 = arith.mulf %add3A_2799, %mul3A_2789 : vector<16xf32>
      %add3A_2801 = arith.constant -19.7311802 : f32
      %add3A_2802 = vector.broadcast %add3A_2801 : f32 to vector<16xf32>
      %add3A_2803 = arith.addf %mul3A_2800, %add3A_2802 : vector<16xf32>
      %mul3A_2804 = arith.mulf %add3A_2803, %mul3A_2789 : vector<16xf32>
      %add3A_2805 = arith.constant 0.999961614 : f32
      %add3A_2806 = vector.broadcast %add3A_2805 : f32 to vector<16xf32>
      %add3A_2807 = arith.addf %mul3A_2804, %add3A_2806 : vector<16xf32>
      %mul3A_2808 = arith.mulf %add3A_2807, %gather3A_2749 : vector<16xf32>
      %add3A_2809 = arith.addf %add3A_2653, %mul3A_2808 : vector<16xf32>
      %mul3A_2810 = arith.mulf %div3A_142, %gather3A_2725 : vector<16xf32>
      %add3A_2811 = arith.addf %mul3A_2810, %gather3A_2737 : vector<16xf32>
      %add3A_2812 = arith.constant 0x4B400000 : f32
      %add3A_2813 = vector.broadcast %add3A_2812 : f32 to vector<16xf32>
      %add3A_2814 = arith.addf %add3A_2811, %add3A_2813 : vector<16xf32>
      %sub3A_2815 = arith.constant 0x4B400000 : f32
      %sub3A_2816 = vector.broadcast %sub3A_2815 : f32 to vector<16xf32>
      %sub3A_2817 = arith.subf %add3A_2814, %sub3A_2816 : vector<16xf32>
      %sub3A_2818 = arith.subf %add3A_2811, %sub3A_2817 : vector<16xf32>
      %mul3A_2819 = arith.mulf %sub3A_2818, %sub3A_2818 : vector<16xf32>
      %broadcast_in_dim3A_2820 = arith.constant 45.5641251 : f32
      %broadcast_in_dim3A_2821 = vector.broadcast %broadcast_in_dim3A_2820 : f32 to vector<16xf32>
      %mul3A_2822 = arith.mulf %broadcast_in_dim3A_2821, %mul3A_2819 : vector<16xf32>
      %add3A_2823 = arith.constant -82.3847046 : f32
      %add3A_2824 = vector.broadcast %add3A_2823 : f32 to vector<16xf32>
      %add3A_2825 = arith.addf %mul3A_2822, %add3A_2824 : vector<16xf32>
      %mul3A_2826 = arith.mulf %add3A_2825, %mul3A_2819 : vector<16xf32>
      %add3A_2827 = arith.constant 64.6735916 : f32
      %add3A_2828 = vector.broadcast %add3A_2827 : f32 to vector<16xf32>
      %add3A_2829 = arith.addf %mul3A_2826, %add3A_2828 : vector<16xf32>
      %mul3A_2830 = arith.mulf %add3A_2829, %mul3A_2819 : vector<16xf32>
      %add3A_2831 = arith.constant -19.7311802 : f32
      %add3A_2832 = vector.broadcast %add3A_2831 : f32 to vector<16xf32>
      %add3A_2833 = arith.addf %mul3A_2830, %add3A_2832 : vector<16xf32>
      %mul3A_2834 = arith.mulf %add3A_2833, %mul3A_2819 : vector<16xf32>
      %add3A_2835 = arith.constant 0.999961614 : f32
      %add3A_2836 = vector.broadcast %add3A_2835 : f32 to vector<16xf32>
      %add3A_2837 = arith.addf %mul3A_2834, %add3A_2836 : vector<16xf32>
      %mul3A_2838 = arith.mulf %add3A_2837, %gather3A_2749 : vector<16xf32>
      %add3A_2839 = arith.addf %add3A_2683, %mul3A_2838 : vector<16xf32>
      %mul3A_2840 = arith.mulf %div3A_146, %gather3A_2725 : vector<16xf32>
      %add3A_2841 = arith.addf %mul3A_2840, %gather3A_2737 : vector<16xf32>
      %add3A_2842 = arith.constant 0x4B400000 : f32
      %add3A_2843 = vector.broadcast %add3A_2842 : f32 to vector<16xf32>
      %add3A_2844 = arith.addf %add3A_2841, %add3A_2843 : vector<16xf32>
      %sub3A_2845 = arith.constant 0x4B400000 : f32
      %sub3A_2846 = vector.broadcast %sub3A_2845 : f32 to vector<16xf32>
      %sub3A_2847 = arith.subf %add3A_2844, %sub3A_2846 : vector<16xf32>
      %sub3A_2848 = arith.subf %add3A_2841, %sub3A_2847 : vector<16xf32>
      %mul3A_2849 = arith.mulf %sub3A_2848, %sub3A_2848 : vector<16xf32>
      %broadcast_in_dim3A_2850 = arith.constant 45.5641251 : f32
      %broadcast_in_dim3A_2851 = vector.broadcast %broadcast_in_dim3A_2850 : f32 to vector<16xf32>
      %mul3A_2852 = arith.mulf %broadcast_in_dim3A_2851, %mul3A_2849 : vector<16xf32>
      %add3A_2853 = arith.constant -82.3847046 : f32
      %add3A_2854 = vector.broadcast %add3A_2853 : f32 to vector<16xf32>
      %add3A_2855 = arith.addf %mul3A_2852, %add3A_2854 : vector<16xf32>
      %mul3A_2856 = arith.mulf %add3A_2855, %mul3A_2849 : vector<16xf32>
      %add3A_2857 = arith.constant 64.6735916 : f32
      %add3A_2858 = vector.broadcast %add3A_2857 : f32 to vector<16xf32>
      %add3A_2859 = arith.addf %mul3A_2856, %add3A_2858 : vector<16xf32>
      %mul3A_2860 = arith.mulf %add3A_2859, %mul3A_2849 : vector<16xf32>
      %add3A_2861 = arith.constant -19.7311802 : f32
      %add3A_2862 = vector.broadcast %add3A_2861 : f32 to vector<16xf32>
      %add3A_2863 = arith.addf %mul3A_2860, %add3A_2862 : vector<16xf32>
      %mul3A_2864 = arith.mulf %add3A_2863, %mul3A_2849 : vector<16xf32>
      %add3A_2865 = arith.constant 0.999961614 : f32
      %add3A_2866 = vector.broadcast %add3A_2865 : f32 to vector<16xf32>
      %add3A_2867 = arith.addf %mul3A_2864, %add3A_2866 : vector<16xf32>
      %mul3A_2868 = arith.mulf %add3A_2867, %gather3A_2749 : vector<16xf32>
      %add3A_2869 = arith.addf %add3A_2713, %mul3A_2868 : vector<16xf32>
      %broadcast_in_dim3A_2870 = arith.constant 14 : i32
      %broadcast_in_dim3A_2871 = vector.broadcast %broadcast_in_dim3A_2870 : i32 to vector<16xi32>
      %lt3A_2872 = arith.constant 0 : i32
      %lt3A_2873 = vector.broadcast %lt3A_2872 : i32 to vector<16xi32>
      %lt3A_2874 = arith.cmpi slt, %broadcast_in_dim3A_2871, %lt3A_2873 : vector<16xi32>
      %add3A_2875 = arith.constant 16 : i32
      %add3A_2876 = vector.broadcast %add3A_2875 : i32 to vector<16xi32>
      %add3A_2877 = arith.addi %broadcast_in_dim3A_2871, %add3A_2876 : vector<16xi32>
      %select_n3A_2878 = arith.select %lt3A_2874, %add3A_2877, %broadcast_in_dim3A_2871 : vector<16xi1>, vector<16xi32>
      %reshape3A_2879 = vector.shape_cast %select_n3A_2878 : vector<16xi32> to vector<16x1xi32>
      %gather3A_2880 = vector.shape_cast %reshape3A_2879 : vector<16x1xi32> to vector<16xi32>
      %gather3A_2881 = tpu.dynamic_gather %mul3A_678[%gather3A_2880] in [0] : vector<16xf32>, vector<16xi32> -> vector<16xf32>
      %broadcast_in_dim3A_2882 = arith.constant 14 : i32
      %broadcast_in_dim3A_2883 = vector.broadcast %broadcast_in_dim3A_2882 : i32 to vector<16xi32>
      %lt3A_2884 = arith.constant 0 : i32
      %lt3A_2885 = vector.broadcast %lt3A_2884 : i32 to vector<16xi32>
      %lt3A_2886 = arith.cmpi slt, %broadcast_in_dim3A_2883, %lt3A_2885 : vector<16xi32>
      %add3A_2887 = arith.constant 16 : i32
      %add3A_2888 = vector.broadcast %add3A_2887 : i32 to vector<16xi32>
      %add3A_2889 = arith.addi %broadcast_in_dim3A_2883, %add3A_2888 : vector<16xi32>
      %select_n3A_2890 = arith.select %lt3A_2886, %add3A_2889, %broadcast_in_dim3A_2883 : vector<16xi1>, vector<16xi32>
      %reshape3A_2891 = vector.shape_cast %select_n3A_2890 : vector<16xi32> to vector<16x1xi32>
      %gather3A_2892 = vector.shape_cast %reshape3A_2891 : vector<16x1xi32> to vector<16xi32>
      %gather3A_2893 = tpu.dynamic_gather %mul3A_683[%gather3A_2892] in [0] : vector<16xf32>, vector<16xi32> -> vector<16xf32>
      %broadcast_in_dim3A_2894 = arith.constant 14 : i32
      %broadcast_in_dim3A_2895 = vector.broadcast %broadcast_in_dim3A_2894 : i32 to vector<16xi32>
      %lt3A_2896 = arith.constant 0 : i32
      %lt3A_2897 = vector.broadcast %lt3A_2896 : i32 to vector<16xi32>
      %lt3A_2898 = arith.cmpi slt, %broadcast_in_dim3A_2895, %lt3A_2897 : vector<16xi32>
      %add3A_2899 = arith.constant 16 : i32
      %add3A_2900 = vector.broadcast %add3A_2899 : i32 to vector<16xi32>
      %add3A_2901 = arith.addi %broadcast_in_dim3A_2895, %add3A_2900 : vector<16xi32>
      %select_n3A_2902 = arith.select %lt3A_2898, %add3A_2901, %broadcast_in_dim3A_2895 : vector<16xi1>, vector<16xi32>
      %reshape3A_2903 = vector.shape_cast %select_n3A_2902 : vector<16xi32> to vector<16x1xi32>
      %gather3A_2904 = vector.shape_cast %reshape3A_2903 : vector<16x1xi32> to vector<16xi32>
      %gather3A_2905 = tpu.dynamic_gather %get3A_685[%gather3A_2904] in [0] : vector<16xf32>, vector<16xi32> -> vector<16xf32>
      %mul3A_2906 = arith.mulf %div3A_134, %gather3A_2881 : vector<16xf32>
      %add3A_2907 = arith.addf %mul3A_2906, %gather3A_2893 : vector<16xf32>
      %add3A_2908 = arith.constant 0x4B400000 : f32
      %add3A_2909 = vector.broadcast %add3A_2908 : f32 to vector<16xf32>
      %add3A_2910 = arith.addf %add3A_2907, %add3A_2909 : vector<16xf32>
      %sub3A_2911 = arith.constant 0x4B400000 : f32
      %sub3A_2912 = vector.broadcast %sub3A_2911 : f32 to vector<16xf32>
      %sub3A_2913 = arith.subf %add3A_2910, %sub3A_2912 : vector<16xf32>
      %sub3A_2914 = arith.subf %add3A_2907, %sub3A_2913 : vector<16xf32>
      %mul3A_2915 = arith.mulf %sub3A_2914, %sub3A_2914 : vector<16xf32>
      %broadcast_in_dim3A_2916 = arith.constant 45.5641251 : f32
      %broadcast_in_dim3A_2917 = vector.broadcast %broadcast_in_dim3A_2916 : f32 to vector<16xf32>
      %mul3A_2918 = arith.mulf %broadcast_in_dim3A_2917, %mul3A_2915 : vector<16xf32>
      %add3A_2919 = arith.constant -82.3847046 : f32
      %add3A_2920 = vector.broadcast %add3A_2919 : f32 to vector<16xf32>
      %add3A_2921 = arith.addf %mul3A_2918, %add3A_2920 : vector<16xf32>
      %mul3A_2922 = arith.mulf %add3A_2921, %mul3A_2915 : vector<16xf32>
      %add3A_2923 = arith.constant 64.6735916 : f32
      %add3A_2924 = vector.broadcast %add3A_2923 : f32 to vector<16xf32>
      %add3A_2925 = arith.addf %mul3A_2922, %add3A_2924 : vector<16xf32>
      %mul3A_2926 = arith.mulf %add3A_2925, %mul3A_2915 : vector<16xf32>
      %add3A_2927 = arith.constant -19.7311802 : f32
      %add3A_2928 = vector.broadcast %add3A_2927 : f32 to vector<16xf32>
      %add3A_2929 = arith.addf %mul3A_2926, %add3A_2928 : vector<16xf32>
      %mul3A_2930 = arith.mulf %add3A_2929, %mul3A_2915 : vector<16xf32>
      %add3A_2931 = arith.constant 0.999961614 : f32
      %add3A_2932 = vector.broadcast %add3A_2931 : f32 to vector<16xf32>
      %add3A_2933 = arith.addf %mul3A_2930, %add3A_2932 : vector<16xf32>
      %mul3A_2934 = arith.mulf %add3A_2933, %gather3A_2905 : vector<16xf32>
      %add3A_2935 = arith.addf %add3A_2779, %mul3A_2934 : vector<16xf32>
      %mul3A_2936 = arith.mulf %div3A_138, %gather3A_2881 : vector<16xf32>
      %add3A_2937 = arith.addf %mul3A_2936, %gather3A_2893 : vector<16xf32>
      %add3A_2938 = arith.constant 0x4B400000 : f32
      %add3A_2939 = vector.broadcast %add3A_2938 : f32 to vector<16xf32>
      %add3A_2940 = arith.addf %add3A_2937, %add3A_2939 : vector<16xf32>
      %sub3A_2941 = arith.constant 0x4B400000 : f32
      %sub3A_2942 = vector.broadcast %sub3A_2941 : f32 to vector<16xf32>
      %sub3A_2943 = arith.subf %add3A_2940, %sub3A_2942 : vector<16xf32>
      %sub3A_2944 = arith.subf %add3A_2937, %sub3A_2943 : vector<16xf32>
      %mul3A_2945 = arith.mulf %sub3A_2944, %sub3A_2944 : vector<16xf32>
      %broadcast_in_dim3A_2946 = arith.constant 45.5641251 : f32
      %broadcast_in_dim3A_2947 = vector.broadcast %broadcast_in_dim3A_2946 : f32 to vector<16xf32>
      %mul3A_2948 = arith.mulf %broadcast_in_dim3A_2947, %mul3A_2945 : vector<16xf32>
      %add3A_2949 = arith.constant -82.3847046 : f32
      %add3A_2950 = vector.broadcast %add3A_2949 : f32 to vector<16xf32>
      %add3A_2951 = arith.addf %mul3A_2948, %add3A_2950 : vector<16xf32>
      %mul3A_2952 = arith.mulf %add3A_2951, %mul3A_2945 : vector<16xf32>
      %add3A_2953 = arith.constant 64.6735916 : f32
      %add3A_2954 = vector.broadcast %add3A_2953 : f32 to vector<16xf32>
      %add3A_2955 = arith.addf %mul3A_2952, %add3A_2954 : vector<16xf32>
      %mul3A_2956 = arith.mulf %add3A_2955, %mul3A_2945 : vector<16xf32>
      %add3A_2957 = arith.constant -19.7311802 : f32
      %add3A_2958 = vector.broadcast %add3A_2957 : f32 to vector<16xf32>
      %add3A_2959 = arith.addf %mul3A_2956, %add3A_2958 : vector<16xf32>
      %mul3A_2960 = arith.mulf %add3A_2959, %mul3A_2945 : vector<16xf32>
      %add3A_2961 = arith.constant 0.999961614 : f32
      %add3A_2962 = vector.broadcast %add3A_2961 : f32 to vector<16xf32>
      %add3A_2963 = arith.addf %mul3A_2960, %add3A_2962 : vector<16xf32>
      %mul3A_2964 = arith.mulf %add3A_2963, %gather3A_2905 : vector<16xf32>
      %add3A_2965 = arith.addf %add3A_2809, %mul3A_2964 : vector<16xf32>
      %mul3A_2966 = arith.mulf %div3A_142, %gather3A_2881 : vector<16xf32>
      %add3A_2967 = arith.addf %mul3A_2966, %gather3A_2893 : vector<16xf32>
      %add3A_2968 = arith.constant 0x4B400000 : f32
      %add3A_2969 = vector.broadcast %add3A_2968 : f32 to vector<16xf32>
      %add3A_2970 = arith.addf %add3A_2967, %add3A_2969 : vector<16xf32>
      %sub3A_2971 = arith.constant 0x4B400000 : f32
      %sub3A_2972 = vector.broadcast %sub3A_2971 : f32 to vector<16xf32>
      %sub3A_2973 = arith.subf %add3A_2970, %sub3A_2972 : vector<16xf32>
      %sub3A_2974 = arith.subf %add3A_2967, %sub3A_2973 : vector<16xf32>
      %mul3A_2975 = arith.mulf %sub3A_2974, %sub3A_2974 : vector<16xf32>
      %broadcast_in_dim3A_2976 = arith.constant 45.5641251 : f32
      %broadcast_in_dim3A_2977 = vector.broadcast %broadcast_in_dim3A_2976 : f32 to vector<16xf32>
      %mul3A_2978 = arith.mulf %broadcast_in_dim3A_2977, %mul3A_2975 : vector<16xf32>
      %add3A_2979 = arith.constant -82.3847046 : f32
      %add3A_2980 = vector.broadcast %add3A_2979 : f32 to vector<16xf32>
      %add3A_2981 = arith.addf %mul3A_2978, %add3A_2980 : vector<16xf32>
      %mul3A_2982 = arith.mulf %add3A_2981, %mul3A_2975 : vector<16xf32>
      %add3A_2983 = arith.constant 64.6735916 : f32
      %add3A_2984 = vector.broadcast %add3A_2983 : f32 to vector<16xf32>
      %add3A_2985 = arith.addf %mul3A_2982, %add3A_2984 : vector<16xf32>
      %mul3A_2986 = arith.mulf %add3A_2985, %mul3A_2975 : vector<16xf32>
      %add3A_2987 = arith.constant -19.7311802 : f32
      %add3A_2988 = vector.broadcast %add3A_2987 : f32 to vector<16xf32>
      %add3A_2989 = arith.addf %mul3A_2986, %add3A_2988 : vector<16xf32>
      %mul3A_2990 = arith.mulf %add3A_2989, %mul3A_2975 : vector<16xf32>
      %add3A_2991 = arith.constant 0.999961614 : f32
      %add3A_2992 = vector.broadcast %add3A_2991 : f32 to vector<16xf32>
      %add3A_2993 = arith.addf %mul3A_2990, %add3A_2992 : vector<16xf32>
      %mul3A_2994 = arith.mulf %add3A_2993, %gather3A_2905 : vector<16xf32>
      %add3A_2995 = arith.addf %add3A_2839, %mul3A_2994 : vector<16xf32>
      %mul3A_2996 = arith.mulf %div3A_146, %gather3A_2881 : vector<16xf32>
      %add3A_2997 = arith.addf %mul3A_2996, %gather3A_2893 : vector<16xf32>
      %add3A_2998 = arith.constant 0x4B400000 : f32
      %add3A_2999 = vector.broadcast %add3A_2998 : f32 to vector<16xf32>
      %add3A_3000 = arith.addf %add3A_2997, %add3A_2999 : vector<16xf32>
      %sub3A_3001 = arith.constant 0x4B400000 : f32
      %sub3A_3002 = vector.broadcast %sub3A_3001 : f32 to vector<16xf32>
      %sub3A_3003 = arith.subf %add3A_3000, %sub3A_3002 : vector<16xf32>
      %sub3A_3004 = arith.subf %add3A_2997, %sub3A_3003 : vector<16xf32>
      %mul3A_3005 = arith.mulf %sub3A_3004, %sub3A_3004 : vector<16xf32>
      %broadcast_in_dim3A_3006 = arith.constant 45.5641251 : f32
      %broadcast_in_dim3A_3007 = vector.broadcast %broadcast_in_dim3A_3006 : f32 to vector<16xf32>
      %mul3A_3008 = arith.mulf %broadcast_in_dim3A_3007, %mul3A_3005 : vector<16xf32>
      %add3A_3009 = arith.constant -82.3847046 : f32
      %add3A_3010 = vector.broadcast %add3A_3009 : f32 to vector<16xf32>
      %add3A_3011 = arith.addf %mul3A_3008, %add3A_3010 : vector<16xf32>
      %mul3A_3012 = arith.mulf %add3A_3011, %mul3A_3005 : vector<16xf32>
      %add3A_3013 = arith.constant 64.6735916 : f32
      %add3A_3014 = vector.broadcast %add3A_3013 : f32 to vector<16xf32>
      %add3A_3015 = arith.addf %mul3A_3012, %add3A_3014 : vector<16xf32>
      %mul3A_3016 = arith.mulf %add3A_3015, %mul3A_3005 : vector<16xf32>
      %add3A_3017 = arith.constant -19.7311802 : f32
      %add3A_3018 = vector.broadcast %add3A_3017 : f32 to vector<16xf32>
      %add3A_3019 = arith.addf %mul3A_3016, %add3A_3018 : vector<16xf32>
      %mul3A_3020 = arith.mulf %add3A_3019, %mul3A_3005 : vector<16xf32>
      %add3A_3021 = arith.constant 0.999961614 : f32
      %add3A_3022 = vector.broadcast %add3A_3021 : f32 to vector<16xf32>
      %add3A_3023 = arith.addf %mul3A_3020, %add3A_3022 : vector<16xf32>
      %mul3A_3024 = arith.mulf %add3A_3023, %gather3A_2905 : vector<16xf32>
      %add3A_3025 = arith.addf %add3A_2869, %mul3A_3024 : vector<16xf32>
      %broadcast_in_dim3A_3026 = arith.constant 15 : i32
      %broadcast_in_dim3A_3027 = vector.broadcast %broadcast_in_dim3A_3026 : i32 to vector<16xi32>
      %lt3A_3028 = arith.constant 0 : i32
      %lt3A_3029 = vector.broadcast %lt3A_3028 : i32 to vector<16xi32>
      %lt3A_3030 = arith.cmpi slt, %broadcast_in_dim3A_3027, %lt3A_3029 : vector<16xi32>
      %add3A_3031 = arith.constant 16 : i32
      %add3A_3032 = vector.broadcast %add3A_3031 : i32 to vector<16xi32>
      %add3A_3033 = arith.addi %broadcast_in_dim3A_3027, %add3A_3032 : vector<16xi32>
      %select_n3A_3034 = arith.select %lt3A_3030, %add3A_3033, %broadcast_in_dim3A_3027 : vector<16xi1>, vector<16xi32>
      %reshape3A_3035 = vector.shape_cast %select_n3A_3034 : vector<16xi32> to vector<16x1xi32>
      %gather3A_3036 = vector.shape_cast %reshape3A_3035 : vector<16x1xi32> to vector<16xi32>
      %gather3A_3037 = tpu.dynamic_gather %mul3A_678[%gather3A_3036] in [0] : vector<16xf32>, vector<16xi32> -> vector<16xf32>
      %broadcast_in_dim3A_3038 = arith.constant 15 : i32
      %broadcast_in_dim3A_3039 = vector.broadcast %broadcast_in_dim3A_3038 : i32 to vector<16xi32>
      %lt3A_3040 = arith.constant 0 : i32
      %lt3A_3041 = vector.broadcast %lt3A_3040 : i32 to vector<16xi32>
      %lt3A_3042 = arith.cmpi slt, %broadcast_in_dim3A_3039, %lt3A_3041 : vector<16xi32>
      %add3A_3043 = arith.constant 16 : i32
      %add3A_3044 = vector.broadcast %add3A_3043 : i32 to vector<16xi32>
      %add3A_3045 = arith.addi %broadcast_in_dim3A_3039, %add3A_3044 : vector<16xi32>
      %select_n3A_3046 = arith.select %lt3A_3042, %add3A_3045, %broadcast_in_dim3A_3039 : vector<16xi1>, vector<16xi32>
      %reshape3A_3047 = vector.shape_cast %select_n3A_3046 : vector<16xi32> to vector<16x1xi32>
      %gather3A_3048 = vector.shape_cast %reshape3A_3047 : vector<16x1xi32> to vector<16xi32>
      %gather3A_3049 = tpu.dynamic_gather %mul3A_683[%gather3A_3048] in [0] : vector<16xf32>, vector<16xi32> -> vector<16xf32>
      %broadcast_in_dim3A_3050 = arith.constant 15 : i32
      %broadcast_in_dim3A_3051 = vector.broadcast %broadcast_in_dim3A_3050 : i32 to vector<16xi32>
      %lt3A_3052 = arith.constant 0 : i32
      %lt3A_3053 = vector.broadcast %lt3A_3052 : i32 to vector<16xi32>
      %lt3A_3054 = arith.cmpi slt, %broadcast_in_dim3A_3051, %lt3A_3053 : vector<16xi32>
      %add3A_3055 = arith.constant 16 : i32
      %add3A_3056 = vector.broadcast %add3A_3055 : i32 to vector<16xi32>
      %add3A_3057 = arith.addi %broadcast_in_dim3A_3051, %add3A_3056 : vector<16xi32>
      %select_n3A_3058 = arith.select %lt3A_3054, %add3A_3057, %broadcast_in_dim3A_3051 : vector<16xi1>, vector<16xi32>
      %reshape3A_3059 = vector.shape_cast %select_n3A_3058 : vector<16xi32> to vector<16x1xi32>
      %gather3A_3060 = vector.shape_cast %reshape3A_3059 : vector<16x1xi32> to vector<16xi32>
      %gather3A_3061 = tpu.dynamic_gather %get3A_685[%gather3A_3060] in [0] : vector<16xf32>, vector<16xi32> -> vector<16xf32>
      %mul3A_3062 = arith.mulf %div3A_134, %gather3A_3037 : vector<16xf32>
      %add3A_3063 = arith.addf %mul3A_3062, %gather3A_3049 : vector<16xf32>
      %add3A_3064 = arith.constant 0x4B400000 : f32
      %add3A_3065 = vector.broadcast %add3A_3064 : f32 to vector<16xf32>
      %add3A_3066 = arith.addf %add3A_3063, %add3A_3065 : vector<16xf32>
      %sub3A_3067 = arith.constant 0x4B400000 : f32
      %sub3A_3068 = vector.broadcast %sub3A_3067 : f32 to vector<16xf32>
      %sub3A_3069 = arith.subf %add3A_3066, %sub3A_3068 : vector<16xf32>
      %sub3A_3070 = arith.subf %add3A_3063, %sub3A_3069 : vector<16xf32>
      %mul3A_3071 = arith.mulf %sub3A_3070, %sub3A_3070 : vector<16xf32>
      %broadcast_in_dim3A_3072 = arith.constant 45.5641251 : f32
      %broadcast_in_dim3A_3073 = vector.broadcast %broadcast_in_dim3A_3072 : f32 to vector<16xf32>
      %mul3A_3074 = arith.mulf %broadcast_in_dim3A_3073, %mul3A_3071 : vector<16xf32>
      %add3A_3075 = arith.constant -82.3847046 : f32
      %add3A_3076 = vector.broadcast %add3A_3075 : f32 to vector<16xf32>
      %add3A_3077 = arith.addf %mul3A_3074, %add3A_3076 : vector<16xf32>
      %mul3A_3078 = arith.mulf %add3A_3077, %mul3A_3071 : vector<16xf32>
      %add3A_3079 = arith.constant 64.6735916 : f32
      %add3A_3080 = vector.broadcast %add3A_3079 : f32 to vector<16xf32>
      %add3A_3081 = arith.addf %mul3A_3078, %add3A_3080 : vector<16xf32>
      %mul3A_3082 = arith.mulf %add3A_3081, %mul3A_3071 : vector<16xf32>
      %add3A_3083 = arith.constant -19.7311802 : f32
      %add3A_3084 = vector.broadcast %add3A_3083 : f32 to vector<16xf32>
      %add3A_3085 = arith.addf %mul3A_3082, %add3A_3084 : vector<16xf32>
      %mul3A_3086 = arith.mulf %add3A_3085, %mul3A_3071 : vector<16xf32>
      %add3A_3087 = arith.constant 0.999961614 : f32
      %add3A_3088 = vector.broadcast %add3A_3087 : f32 to vector<16xf32>
      %add3A_3089 = arith.addf %mul3A_3086, %add3A_3088 : vector<16xf32>
      %mul3A_3090 = arith.mulf %add3A_3089, %gather3A_3061 : vector<16xf32>
      %add3A_3091 = arith.addf %add3A_2935, %mul3A_3090 : vector<16xf32>
      %mul3A_3092 = arith.mulf %div3A_138, %gather3A_3037 : vector<16xf32>
      %add3A_3093 = arith.addf %mul3A_3092, %gather3A_3049 : vector<16xf32>
      %add3A_3094 = arith.constant 0x4B400000 : f32
      %add3A_3095 = vector.broadcast %add3A_3094 : f32 to vector<16xf32>
      %add3A_3096 = arith.addf %add3A_3093, %add3A_3095 : vector<16xf32>
      %sub3A_3097 = arith.constant 0x4B400000 : f32
      %sub3A_3098 = vector.broadcast %sub3A_3097 : f32 to vector<16xf32>
      %sub3A_3099 = arith.subf %add3A_3096, %sub3A_3098 : vector<16xf32>
      %sub3A_3100 = arith.subf %add3A_3093, %sub3A_3099 : vector<16xf32>
      %mul3A_3101 = arith.mulf %sub3A_3100, %sub3A_3100 : vector<16xf32>
      %broadcast_in_dim3A_3102 = arith.constant 45.5641251 : f32
      %broadcast_in_dim3A_3103 = vector.broadcast %broadcast_in_dim3A_3102 : f32 to vector<16xf32>
      %mul3A_3104 = arith.mulf %broadcast_in_dim3A_3103, %mul3A_3101 : vector<16xf32>
      %add3A_3105 = arith.constant -82.3847046 : f32
      %add3A_3106 = vector.broadcast %add3A_3105 : f32 to vector<16xf32>
      %add3A_3107 = arith.addf %mul3A_3104, %add3A_3106 : vector<16xf32>
      %mul3A_3108 = arith.mulf %add3A_3107, %mul3A_3101 : vector<16xf32>
      %add3A_3109 = arith.constant 64.6735916 : f32
      %add3A_3110 = vector.broadcast %add3A_3109 : f32 to vector<16xf32>
      %add3A_3111 = arith.addf %mul3A_3108, %add3A_3110 : vector<16xf32>
      %mul3A_3112 = arith.mulf %add3A_3111, %mul3A_3101 : vector<16xf32>
      %add3A_3113 = arith.constant -19.7311802 : f32
      %add3A_3114 = vector.broadcast %add3A_3113 : f32 to vector<16xf32>
      %add3A_3115 = arith.addf %mul3A_3112, %add3A_3114 : vector<16xf32>
      %mul3A_3116 = arith.mulf %add3A_3115, %mul3A_3101 : vector<16xf32>
      %add3A_3117 = arith.constant 0.999961614 : f32
      %add3A_3118 = vector.broadcast %add3A_3117 : f32 to vector<16xf32>
      %add3A_3119 = arith.addf %mul3A_3116, %add3A_3118 : vector<16xf32>
      %mul3A_3120 = arith.mulf %add3A_3119, %gather3A_3061 : vector<16xf32>
      %add3A_3121 = arith.addf %add3A_2965, %mul3A_3120 : vector<16xf32>
      %mul3A_3122 = arith.mulf %div3A_142, %gather3A_3037 : vector<16xf32>
      %add3A_3123 = arith.addf %mul3A_3122, %gather3A_3049 : vector<16xf32>
      %add3A_3124 = arith.constant 0x4B400000 : f32
      %add3A_3125 = vector.broadcast %add3A_3124 : f32 to vector<16xf32>
      %add3A_3126 = arith.addf %add3A_3123, %add3A_3125 : vector<16xf32>
      %sub3A_3127 = arith.constant 0x4B400000 : f32
      %sub3A_3128 = vector.broadcast %sub3A_3127 : f32 to vector<16xf32>
      %sub3A_3129 = arith.subf %add3A_3126, %sub3A_3128 : vector<16xf32>
      %sub3A_3130 = arith.subf %add3A_3123, %sub3A_3129 : vector<16xf32>
      %mul3A_3131 = arith.mulf %sub3A_3130, %sub3A_3130 : vector<16xf32>
      %broadcast_in_dim3A_3132 = arith.constant 45.5641251 : f32
      %broadcast_in_dim3A_3133 = vector.broadcast %broadcast_in_dim3A_3132 : f32 to vector<16xf32>
      %mul3A_3134 = arith.mulf %broadcast_in_dim3A_3133, %mul3A_3131 : vector<16xf32>
      %add3A_3135 = arith.constant -82.3847046 : f32
      %add3A_3136 = vector.broadcast %add3A_3135 : f32 to vector<16xf32>
      %add3A_3137 = arith.addf %mul3A_3134, %add3A_3136 : vector<16xf32>
      %mul3A_3138 = arith.mulf %add3A_3137, %mul3A_3131 : vector<16xf32>
      %add3A_3139 = arith.constant 64.6735916 : f32
      %add3A_3140 = vector.broadcast %add3A_3139 : f32 to vector<16xf32>
      %add3A_3141 = arith.addf %mul3A_3138, %add3A_3140 : vector<16xf32>
      %mul3A_3142 = arith.mulf %add3A_3141, %mul3A_3131 : vector<16xf32>
      %add3A_3143 = arith.constant -19.7311802 : f32
      %add3A_3144 = vector.broadcast %add3A_3143 : f32 to vector<16xf32>
      %add3A_3145 = arith.addf %mul3A_3142, %add3A_3144 : vector<16xf32>
      %mul3A_3146 = arith.mulf %add3A_3145, %mul3A_3131 : vector<16xf32>
      %add3A_3147 = arith.constant 0.999961614 : f32
      %add3A_3148 = vector.broadcast %add3A_3147 : f32 to vector<16xf32>
      %add3A_3149 = arith.addf %mul3A_3146, %add3A_3148 : vector<16xf32>
      %mul3A_3150 = arith.mulf %add3A_3149, %gather3A_3061 : vector<16xf32>
      %add3A_3151 = arith.addf %add3A_2995, %mul3A_3150 : vector<16xf32>
      %mul3A_3152 = arith.mulf %div3A_146, %gather3A_3037 : vector<16xf32>
      %add3A_3153 = arith.addf %mul3A_3152, %gather3A_3049 : vector<16xf32>
      %add3A_3154 = arith.constant 0x4B400000 : f32
      %add3A_3155 = vector.broadcast %add3A_3154 : f32 to vector<16xf32>
      %add3A_3156 = arith.addf %add3A_3153, %add3A_3155 : vector<16xf32>
      %sub3A_3157 = arith.constant 0x4B400000 : f32
      %sub3A_3158 = vector.broadcast %sub3A_3157 : f32 to vector<16xf32>
      %sub3A_3159 = arith.subf %add3A_3156, %sub3A_3158 : vector<16xf32>
      %sub3A_3160 = arith.subf %add3A_3153, %sub3A_3159 : vector<16xf32>
      %mul3A_3161 = arith.mulf %sub3A_3160, %sub3A_3160 : vector<16xf32>
      %broadcast_in_dim3A_3162 = arith.constant 45.5641251 : f32
      %broadcast_in_dim3A_3163 = vector.broadcast %broadcast_in_dim3A_3162 : f32 to vector<16xf32>
      %mul3A_3164 = arith.mulf %broadcast_in_dim3A_3163, %mul3A_3161 : vector<16xf32>
      %add3A_3165 = arith.constant -82.3847046 : f32
      %add3A_3166 = vector.broadcast %add3A_3165 : f32 to vector<16xf32>
      %add3A_3167 = arith.addf %mul3A_3164, %add3A_3166 : vector<16xf32>
      %mul3A_3168 = arith.mulf %add3A_3167, %mul3A_3161 : vector<16xf32>
      %add3A_3169 = arith.constant 64.6735916 : f32
      %add3A_3170 = vector.broadcast %add3A_3169 : f32 to vector<16xf32>
      %add3A_3171 = arith.addf %mul3A_3168, %add3A_3170 : vector<16xf32>
      %mul3A_3172 = arith.mulf %add3A_3171, %mul3A_3161 : vector<16xf32>
      %add3A_3173 = arith.constant -19.7311802 : f32
      %add3A_3174 = vector.broadcast %add3A_3173 : f32 to vector<16xf32>
      %add3A_3175 = arith.addf %mul3A_3172, %add3A_3174 : vector<16xf32>
      %mul3A_3176 = arith.mulf %add3A_3175, %mul3A_3161 : vector<16xf32>
      %add3A_3177 = arith.constant 0.999961614 : f32
      %add3A_3178 = vector.broadcast %add3A_3177 : f32 to vector<16xf32>
      %add3A_3179 = arith.addf %mul3A_3176, %add3A_3178 : vector<16xf32>
      %mul3A_3180 = arith.mulf %add3A_3179, %gather3A_3061 : vector<16xf32>
      %add3A_3181 = arith.addf %add3A_3025, %mul3A_3180 : vector<16xf32>
      scf.yield %add3A_3091, %add3A_3121, %add3A_3151, %add3A_3181 : vector<16xf32>, vector<16xf32>, vector<16xf32>, vector<16xf32>
    }
    %scan3A_153 = arith.constant 8 : i32
    %dma_wait3A_154 = tpu.memref_slice %arg5[%min3A_5] : memref<1000xf32, #tpu.memory_space<hbm>> -> memref<64xf32, #tpu.memory_space<hbm>>
    %dma_wait3A_155 = tpu.memref_slice %arg5[%min3A_5] : memref<1000xf32, #tpu.memory_space<hbm>> -> memref<64xf32, #tpu.memory_space<hbm>>
    tpu.wait_dma2 semaphore(%arg37 : memref<!tpu.dma_semaphore, #tpu.memory_space<semaphore_mem>>) src(%dma_wait3A_155 : memref<64xf32, #tpu.memory_space<hbm>>) dst(%arg25 : memref<64xf32, #tpu.memory_space<vmem>>)
    %dma_wait3A_156 = tpu.memref_slice %arg6[%min3A_5] : memref<1000xf32, #tpu.memory_space<hbm>> -> memref<64xf32, #tpu.memory_space<hbm>>
    %dma_wait3A_157 = tpu.memref_slice %arg6[%min3A_5] : memref<1000xf32, #tpu.memory_space<hbm>> -> memref<64xf32, #tpu.memory_space<hbm>>
    tpu.wait_dma2 semaphore(%arg38 : memref<!tpu.dma_semaphore, #tpu.memory_space<semaphore_mem>>) src(%dma_wait3A_157 : memref<64xf32, #tpu.memory_space<hbm>>) dst(%arg26 : memref<64xf32, #tpu.memory_space<vmem>>)
    %mul3A_158 = arith.mulf %scan3A_152#0, %div3A_99 : vector<16xf32>
    %get3A_159 = arith.constant 0 : index
    %get3A_160 = tpu.vector_load %arg25[%get3A_159] {strides = array<i32>} : memref<64xf32, #tpu.memory_space<vmem>>, vector<16xf32>,
    %neg3A = arith.constant 0.000000e+00 : f32
    %neg3A_161 = vector.broadcast %neg3A : f32 to vector<16xf32>
    %neg3A_162 = arith.subf %neg3A_161, %mul3A_158 : vector<16xf32>
    %exp3A = math.exp %neg3A_162 : vector<16xf32>
    %mul3A_163 = arith.mulf %get3A_160, %exp3A : vector<16xf32>
    %swap3A = arith.constant 0 : index
    %swap3A_164 = tpu.vector_load %arg27[%swap3A] {strides = array<i32>} : memref<64xf32, #tpu.memory_space<vmem>>, vector<16xf32>,
    tpu.vector_store %arg27[%swap3A], %mul3A_163 {strides = array<i32>} : memref<64xf32, #tpu.memory_space<vmem>>, vector<16xf32>,
    %get3A_165 = arith.constant 0 : index
    %get3A_166 = tpu.vector_load %arg26[%get3A_165] {strides = array<i32>} : memref<64xf32, #tpu.memory_space<vmem>>, vector<16xf32>,
    %mul3A_167 = arith.mulf %get3A_166, %mul3A_158 : vector<16xf32>
    %swap3A_168 = arith.constant 0 : index
    %swap3A_169 = tpu.vector_load %arg28[%swap3A_168] {strides = array<i32>} : memref<64xf32, #tpu.memory_space<vmem>>, vector<16xf32>,
    tpu.vector_store %arg28[%swap3A_168], %mul3A_167 {strides = array<i32>} : memref<64xf32, #tpu.memory_space<vmem>>, vector<16xf32>,
    %mul3A_170 = arith.mulf %scan3A_152#1, %div3A_99 : vector<16xf32>
    %get3A_171 = arith.constant 16 : index
    %get3A_172 = tpu.vector_load %arg25[%get3A_171] {strides = array<i32>} : memref<64xf32, #tpu.memory_space<vmem>>, vector<16xf32>,
    %neg3A_173 = arith.constant 0.000000e+00 : f32
    %neg3A_174 = vector.broadcast %neg3A_173 : f32 to vector<16xf32>
    %neg3A_175 = arith.subf %neg3A_174, %mul3A_170 : vector<16xf32>
    %exp3A_176 = math.exp %neg3A_175 : vector<16xf32>
    %mul3A_177 = arith.mulf %get3A_172, %exp3A_176 : vector<16xf32>
    %swap3A_178 = arith.constant 16 : index
    %swap3A_179 = tpu.vector_load %arg27[%swap3A_178] {strides = array<i32>} : memref<64xf32, #tpu.memory_space<vmem>>, vector<16xf32>,
    tpu.vector_store %arg27[%swap3A_178], %mul3A_177 {strides = array<i32>} : memref<64xf32, #tpu.memory_space<vmem>>, vector<16xf32>,
    %get3A_180 = arith.constant 16 : index
    %get3A_181 = tpu.vector_load %arg26[%get3A_180] {strides = array<i32>} : memref<64xf32, #tpu.memory_space<vmem>>, vector<16xf32>,
    %mul3A_182 = arith.mulf %get3A_181, %mul3A_170 : vector<16xf32>
    %swap3A_183 = arith.constant 16 : index
    %swap3A_184 = tpu.vector_load %arg28[%swap3A_183] {strides = array<i32>} : memref<64xf32, #tpu.memory_space<vmem>>, vector<16xf32>,
    tpu.vector_store %arg28[%swap3A_183], %mul3A_182 {strides = array<i32>} : memref<64xf32, #tpu.memory_space<vmem>>, vector<16xf32>,
    %mul3A_185 = arith.mulf %scan3A_152#2, %div3A_99 : vector<16xf32>
    %get3A_186 = arith.constant 32 : index
    %get3A_187 = tpu.vector_load %arg25[%get3A_186] {strides = array<i32>} : memref<64xf32, #tpu.memory_space<vmem>>, vector<16xf32>,
    %neg3A_188 = arith.constant 0.000000e+00 : f32
    %neg3A_189 = vector.broadcast %neg3A_188 : f32 to vector<16xf32>
    %neg3A_190 = arith.subf %neg3A_189, %mul3A_185 : vector<16xf32>
    %exp3A_191 = math.exp %neg3A_190 : vector<16xf32>
    %mul3A_192 = arith.mulf %get3A_187, %exp3A_191 : vector<16xf32>
    %swap3A_193 = arith.constant 32 : index
    %swap3A_194 = tpu.vector_load %arg27[%swap3A_193] {strides = array<i32>} : memref<64xf32, #tpu.memory_space<vmem>>, vector<16xf32>,
    tpu.vector_store %arg27[%swap3A_193], %mul3A_192 {strides = array<i32>} : memref<64xf32, #tpu.memory_space<vmem>>, vector<16xf32>,
    %get3A_195 = arith.constant 32 : index
    %get3A_196 = tpu.vector_load %arg26[%get3A_195] {strides = array<i32>} : memref<64xf32, #tpu.memory_space<vmem>>, vector<16xf32>,
    %mul3A_197 = arith.mulf %get3A_196, %mul3A_185 : vector<16xf32>
    %swap3A_198 = arith.constant 32 : index
    %swap3A_199 = tpu.vector_load %arg28[%swap3A_198] {strides = array<i32>} : memref<64xf32, #tpu.memory_space<vmem>>, vector<16xf32>,
    tpu.vector_store %arg28[%swap3A_198], %mul3A_197 {strides = array<i32>} : memref<64xf32, #tpu.memory_space<vmem>>, vector<16xf32>,
    %mul3A_200 = arith.mulf %scan3A_152#3, %div3A_99 : vector<16xf32>
    %get3A_201 = arith.constant 48 : index
    %get3A_202 = tpu.vector_load %arg25[%get3A_201] {strides = array<i32>} : memref<64xf32, #tpu.memory_space<vmem>>, vector<16xf32>,
    %neg3A_203 = arith.constant 0.000000e+00 : f32
    %neg3A_204 = vector.broadcast %neg3A_203 : f32 to vector<16xf32>
    %neg3A_205 = arith.subf %neg3A_204, %mul3A_200 : vector<16xf32>
    %exp3A_206 = math.exp %neg3A_205 : vector<16xf32>
    %mul3A_207 = arith.mulf %get3A_202, %exp3A_206 : vector<16xf32>
    %swap3A_208 = arith.constant 48 : index
    %swap3A_209 = tpu.vector_load %arg27[%swap3A_208] {strides = array<i32>} : memref<64xf32, #tpu.memory_space<vmem>>, vector<16xf32>,
    tpu.vector_store %arg27[%swap3A_208], %mul3A_207 {strides = array<i32>} : memref<64xf32, #tpu.memory_space<vmem>>, vector<16xf32>,
    %get3A_210 = arith.constant 48 : index
    %get3A_211 = tpu.vector_load %arg26[%get3A_210] {strides = array<i32>} : memref<64xf32, #tpu.memory_space<vmem>>, vector<16xf32>,
    %mul3A_212 = arith.mulf %get3A_211, %mul3A_200 : vector<16xf32>
    %swap3A_213 = arith.constant 48 : index
    %swap3A_214 = tpu.vector_load %arg28[%swap3A_213] {strides = array<i32>} : memref<64xf32, #tpu.memory_space<vmem>>, vector<16xf32>,
    tpu.vector_store %arg28[%swap3A_213], %mul3A_212 {strides = array<i32>} : memref<64xf32, #tpu.memory_space<vmem>>, vector<16xf32>,
    "tpu.region"() ({
      %run_scoped3A = tpu.sem_alloc : memref<!tpu.dma_semaphore, #tpu.memory_space<semaphore_mem>>
      %dma_start3A_667 = tpu.memref_slice %arg29[%min3A_5] : memref<1000xf32, #tpu.memory_space<vmem_shared>> -> memref<64xf32, #tpu.memory_space<vmem_shared>>
      %dma_start3A_668 = tpu.memref_slice %arg29[%min3A_5] : memref<1000xf32, #tpu.memory_space<vmem_shared>> -> memref<64xf32, #tpu.memory_space<vmem_shared>>
      tpu.enqueue_dma source(%arg27 : memref<64xf32, #tpu.memory_space<vmem>>) target(%dma_start3A_668 : memref<64xf32, #tpu.memory_space<vmem_shared>>) target_semaphore(%run_scoped3A : memref<!tpu.dma_semaphore, #tpu.memory_space<semaphore_mem>>)
      %dma_wait3A_669 = tpu.memref_slice %arg29[%min3A_5] : memref<1000xf32, #tpu.memory_space<vmem_shared>> -> memref<64xf32, #tpu.memory_space<vmem_shared>>
      %dma_wait3A_670 = tpu.memref_slice %arg29[%min3A_5] : memref<1000xf32, #tpu.memory_space<vmem_shared>> -> memref<64xf32, #tpu.memory_space<vmem_shared>>
      tpu.wait_dma2 semaphore(%run_scoped3A : memref<!tpu.dma_semaphore, #tpu.memory_space<semaphore_mem>>) src(%arg27 : memref<64xf32, #tpu.memory_space<vmem>>) dst(%dma_wait3A_670 : memref<64xf32, #tpu.memory_space<vmem_shared>>)
      tpu.yield
    }) : () -> ()
    "tpu.region"() ({
      %run_scoped3A = tpu.sem_alloc : memref<!tpu.dma_semaphore, #tpu.memory_space<semaphore_mem>>
      %dma_start3A_667 = tpu.memref_slice %arg30[%min3A_5] : memref<1000xf32, #tpu.memory_space<vmem_shared>> -> memref<64xf32, #tpu.memory_space<vmem_shared>>
      %dma_start3A_668 = tpu.memref_slice %arg30[%min3A_5] : memref<1000xf32, #tpu.memory_space<vmem_shared>> -> memref<64xf32, #tpu.memory_space<vmem_shared>>
      tpu.enqueue_dma source(%arg28 : memref<64xf32, #tpu.memory_space<vmem>>) target(%dma_start3A_668 : memref<64xf32, #tpu.memory_space<vmem_shared>>) target_semaphore(%run_scoped3A : memref<!tpu.dma_semaphore, #tpu.memory_space<semaphore_mem>>)
      %dma_wait3A_669 = tpu.memref_slice %arg30[%min3A_5] : memref<1000xf32, #tpu.memory_space<vmem_shared>> -> memref<64xf32, #tpu.memory_space<vmem_shared>>
      %dma_wait3A_670 = tpu.memref_slice %arg30[%min3A_5] : memref<1000xf32, #tpu.memory_space<vmem_shared>> -> memref<64xf32, #tpu.memory_space<vmem_shared>>
      tpu.wait_dma2 semaphore(%run_scoped3A : memref<!tpu.dma_semaphore, #tpu.memory_space<semaphore_mem>>) src(%arg28 : memref<64xf32, #tpu.memory_space<vmem>>) dst(%dma_wait3A_670 : memref<64xf32, #tpu.memory_space<vmem_shared>>)
      tpu.yield
    }) : () -> ()
    %dma_wait3A_215 = tpu.memref_slice %arg2[%mul3A_2] : memref<16384xi32, #tpu.memory_space<hbm>> -> memref<512xi32, #tpu.memory_space<hbm>>
    %dma_wait3A_216 = tpu.memref_slice %arg2[%mul3A_2] : memref<16384xi32, #tpu.memory_space<hbm>> -> memref<512xi32, #tpu.memory_space<hbm>>
    tpu.wait_dma2 semaphore(%arg39 : memref<!tpu.dma_semaphore, #tpu.memory_space<semaphore_mem>>) src(%dma_wait3A_216 : memref<512xi32, #tpu.memory_space<hbm>>) dst(%arg14 : memref<512xi32, #tpu.memory_space<vmem>>)
    %barrier3A = arith.constant 0 : index
    tpu.barrier barrier_id(%barrier3A)
    %dma_start3A_217 = arith.constant 0 : i32
    %dma_start3A_218 = tpu.memref_slice %arg29[%dma_start3A_217] : memref<1000xf32, #tpu.memory_space<vmem_shared>> -> memref<1000xf32, #tpu.memory_space<vmem_shared>>
    tpu.enqueue_indirect_dma source(%dma_start3A_218 : memref<1000xf32, #tpu.memory_space<vmem_shared>>) target(%arg16 : memref<512xf32, #tpu.memory_space<vmem>>) offsets(%arg14 : memref<512xi32, #tpu.memory_space<vmem>>) semaphore(%arg41 : memref<!tpu.dma_semaphore, #tpu.memory_space<semaphore_mem>>)
    %dma_start3A_219 = arith.constant 0 : i32
    %dma_start3A_220 = tpu.memref_slice %arg30[%dma_start3A_219] : memref<1000xf32, #tpu.memory_space<vmem_shared>> -> memref<1000xf32, #tpu.memory_space<vmem_shared>>
    tpu.enqueue_indirect_dma source(%dma_start3A_220 : memref<1000xf32, #tpu.memory_space<vmem_shared>>) target(%arg17 : memref<512xf32, #tpu.memory_space<vmem>>) offsets(%arg14 : memref<512xi32, #tpu.memory_space<vmem>>) semaphore(%arg42 : memref<!tpu.dma_semaphore, #tpu.memory_space<semaphore_mem>>)
    %dma_wait3A_221 = tpu.memref_slice %arg3[%mul3A_2] : memref<16384xf32, #tpu.memory_space<hbm>> -> memref<512xf32, #tpu.memory_space<hbm>>
    %dma_wait3A_222 = tpu.memref_slice %arg3[%mul3A_2] : memref<16384xf32, #tpu.memory_space<hbm>> -> memref<512xf32, #tpu.memory_space<hbm>>
    tpu.wait_dma2 semaphore(%arg40 : memref<!tpu.dma_semaphore, #tpu.memory_space<semaphore_mem>>) src(%dma_wait3A_222 : memref<512xf32, #tpu.memory_space<hbm>>) dst(%arg15 : memref<512xf32, #tpu.memory_space<vmem>>)
    %dma_wait3A_223 = arith.constant 0 : i32
    %dma_wait3A_224 = tpu.memref_slice %arg29[%dma_wait3A_223] : memref<1000xf32, #tpu.memory_space<vmem_shared>> -> memref<1000xf32, #tpu.memory_space<vmem_shared>>
    tpu.wait_indirect_dma semaphore(%arg41 : memref<!tpu.dma_semaphore, #tpu.memory_space<semaphore_mem>>) src(%dma_wait3A_224 : memref<1000xf32, #tpu.memory_space<vmem_shared>>) dst(%arg16 : memref<512xf32, #tpu.memory_space<vmem>>)
    %dma_wait3A_225 = arith.constant 0 : i32
    %dma_wait3A_226 = tpu.memref_slice %arg30[%dma_wait3A_225] : memref<1000xf32, #tpu.memory_space<vmem_shared>> -> memref<1000xf32, #tpu.memory_space<vmem_shared>>
    tpu.wait_indirect_dma semaphore(%arg42 : memref<!tpu.dma_semaphore, #tpu.memory_space<semaphore_mem>>) src(%dma_wait3A_226 : memref<1000xf32, #tpu.memory_space<vmem_shared>>) dst(%arg17 : memref<512xf32, #tpu.memory_space<vmem>>)
    %get3A_227 = arith.constant 0 : index
    %get3A_228 = tpu.vector_load %arg15[%get3A_227] {strides = array<i32>} : memref<512xf32, #tpu.memory_space<vmem>>, vector<16xf32>,
    %get3A_229 = arith.constant 0 : index
    %get3A_230 = tpu.vector_load %arg16[%get3A_229] {strides = array<i32>} : memref<512xf32, #tpu.memory_space<vmem>>, vector<16xf32>,
    %mul3A_231 = arith.mulf %get3A_228, %get3A_230 : vector<16xf32>
    %swap3A_232 = arith.constant 0 : index
    %swap3A_233 = tpu.vector_load %arg19[%swap3A_232] {strides = array<i32>} : memref<512xf32, #tpu.memory_space<vmem>>, vector<16xf32>,
    tpu.vector_store %arg19[%swap3A_232], %mul3A_231 {strides = array<i32>} : memref<512xf32, #tpu.memory_space<vmem>>, vector<16xf32>,
    %get3A_234 = arith.constant 0 : index
    %get3A_235 = tpu.vector_load %arg17[%get3A_234] {strides = array<i32>} : memref<512xf32, #tpu.memory_space<vmem>>, vector<16xf32>,
    %add3A_236 = arith.addf %mul3A_231, %get3A_235 : vector<16xf32>
    %swap3A_237 = arith.constant 0 : index
    %swap3A_238 = tpu.vector_load %arg18[%swap3A_237] {strides = array<i32>} : memref<512xf32, #tpu.memory_space<vmem>>, vector<16xf32>,
    tpu.vector_store %arg18[%swap3A_237], %add3A_236 {strides = array<i32>} : memref<512xf32, #tpu.memory_space<vmem>>, vector<16xf32>,
    %get3A_239 = arith.constant 16 : index
    %get3A_240 = tpu.vector_load %arg15[%get3A_239] {strides = array<i32>} : memref<512xf32, #tpu.memory_space<vmem>>, vector<16xf32>,
    %get3A_241 = arith.constant 16 : index
    %get3A_242 = tpu.vector_load %arg16[%get3A_241] {strides = array<i32>} : memref<512xf32, #tpu.memory_space<vmem>>, vector<16xf32>,
    %mul3A_243 = arith.mulf %get3A_240, %get3A_242 : vector<16xf32>
    %swap3A_244 = arith.constant 16 : index
    %swap3A_245 = tpu.vector_load %arg19[%swap3A_244] {strides = array<i32>} : memref<512xf32, #tpu.memory_space<vmem>>, vector<16xf32>,
    tpu.vector_store %arg19[%swap3A_244], %mul3A_243 {strides = array<i32>} : memref<512xf32, #tpu.memory_space<vmem>>, vector<16xf32>,
    %get3A_246 = arith.constant 16 : index
    %get3A_247 = tpu.vector_load %arg17[%get3A_246] {strides = array<i32>} : memref<512xf32, #tpu.memory_space<vmem>>, vector<16xf32>,
    %add3A_248 = arith.addf %mul3A_243, %get3A_247 : vector<16xf32>
    %swap3A_249 = arith.constant 16 : index
    %swap3A_250 = tpu.vector_load %arg18[%swap3A_249] {strides = array<i32>} : memref<512xf32, #tpu.memory_space<vmem>>, vector<16xf32>,
    tpu.vector_store %arg18[%swap3A_249], %add3A_248 {strides = array<i32>} : memref<512xf32, #tpu.memory_space<vmem>>, vector<16xf32>,
    %get3A_251 = arith.constant 32 : index
    %get3A_252 = tpu.vector_load %arg15[%get3A_251] {strides = array<i32>} : memref<512xf32, #tpu.memory_space<vmem>>, vector<16xf32>,
    %get3A_253 = arith.constant 32 : index
    %get3A_254 = tpu.vector_load %arg16[%get3A_253] {strides = array<i32>} : memref<512xf32, #tpu.memory_space<vmem>>, vector<16xf32>,
    %mul3A_255 = arith.mulf %get3A_252, %get3A_254 : vector<16xf32>
    %swap3A_256 = arith.constant 32 : index
    %swap3A_257 = tpu.vector_load %arg19[%swap3A_256] {strides = array<i32>} : memref<512xf32, #tpu.memory_space<vmem>>, vector<16xf32>,
    tpu.vector_store %arg19[%swap3A_256], %mul3A_255 {strides = array<i32>} : memref<512xf32, #tpu.memory_space<vmem>>, vector<16xf32>,
    %get3A_258 = arith.constant 32 : index
    %get3A_259 = tpu.vector_load %arg17[%get3A_258] {strides = array<i32>} : memref<512xf32, #tpu.memory_space<vmem>>, vector<16xf32>,
    %add3A_260 = arith.addf %mul3A_255, %get3A_259 : vector<16xf32>
    %swap3A_261 = arith.constant 32 : index
    %swap3A_262 = tpu.vector_load %arg18[%swap3A_261] {strides = array<i32>} : memref<512xf32, #tpu.memory_space<vmem>>, vector<16xf32>,
    tpu.vector_store %arg18[%swap3A_261], %add3A_260 {strides = array<i32>} : memref<512xf32, #tpu.memory_space<vmem>>, vector<16xf32>,
    %get3A_263 = arith.constant 48 : index
    %get3A_264 = tpu.vector_load %arg15[%get3A_263] {strides = array<i32>} : memref<512xf32, #tpu.memory_space<vmem>>, vector<16xf32>,
    %get3A_265 = arith.constant 48 : index
    %get3A_266 = tpu.vector_load %arg16[%get3A_265] {strides = array<i32>} : memref<512xf32, #tpu.memory_space<vmem>>, vector<16xf32>,
    %mul3A_267 = arith.mulf %get3A_264, %get3A_266 : vector<16xf32>
    %swap3A_268 = arith.constant 48 : index
    %swap3A_269 = tpu.vector_load %arg19[%swap3A_268] {strides = array<i32>} : memref<512xf32, #tpu.memory_space<vmem>>, vector<16xf32>,
    tpu.vector_store %arg19[%swap3A_268], %mul3A_267 {strides = array<i32>} : memref<512xf32, #tpu.memory_space<vmem>>, vector<16xf32>,
    %get3A_270 = arith.constant 48 : index
    %get3A_271 = tpu.vector_load %arg17[%get3A_270] {strides = array<i32>} : memref<512xf32, #tpu.memory_space<vmem>>, vector<16xf32>,
    %add3A_272 = arith.addf %mul3A_267, %get3A_271 : vector<16xf32>
    %swap3A_273 = arith.constant 48 : index
    %swap3A_274 = tpu.vector_load %arg18[%swap3A_273] {strides = array<i32>} : memref<512xf32, #tpu.memory_space<vmem>>, vector<16xf32>,
    tpu.vector_store %arg18[%swap3A_273], %add3A_272 {strides = array<i32>} : memref<512xf32, #tpu.memory_space<vmem>>, vector<16xf32>,
    %get3A_275 = arith.constant 64 : index
    %get3A_276 = tpu.vector_load %arg15[%get3A_275] {strides = array<i32>} : memref<512xf32, #tpu.memory_space<vmem>>, vector<16xf32>,
    %get3A_277 = arith.constant 64 : index
    %get3A_278 = tpu.vector_load %arg16[%get3A_277] {strides = array<i32>} : memref<512xf32, #tpu.memory_space<vmem>>, vector<16xf32>,
    %mul3A_279 = arith.mulf %get3A_276, %get3A_278 : vector<16xf32>
    %swap3A_280 = arith.constant 64 : index
    %swap3A_281 = tpu.vector_load %arg19[%swap3A_280] {strides = array<i32>} : memref<512xf32, #tpu.memory_space<vmem>>, vector<16xf32>,
    tpu.vector_store %arg19[%swap3A_280], %mul3A_279 {strides = array<i32>} : memref<512xf32, #tpu.memory_space<vmem>>, vector<16xf32>,
    %get3A_282 = arith.constant 64 : index
    %get3A_283 = tpu.vector_load %arg17[%get3A_282] {strides = array<i32>} : memref<512xf32, #tpu.memory_space<vmem>>, vector<16xf32>,
    %add3A_284 = arith.addf %mul3A_279, %get3A_283 : vector<16xf32>
    %swap3A_285 = arith.constant 64 : index
    %swap3A_286 = tpu.vector_load %arg18[%swap3A_285] {strides = array<i32>} : memref<512xf32, #tpu.memory_space<vmem>>, vector<16xf32>,
    tpu.vector_store %arg18[%swap3A_285], %add3A_284 {strides = array<i32>} : memref<512xf32, #tpu.memory_space<vmem>>, vector<16xf32>,
    %get3A_287 = arith.constant 80 : index
    %get3A_288 = tpu.vector_load %arg15[%get3A_287] {strides = array<i32>} : memref<512xf32, #tpu.memory_space<vmem>>, vector<16xf32>,
    %get3A_289 = arith.constant 80 : index
    %get3A_290 = tpu.vector_load %arg16[%get3A_289] {strides = array<i32>} : memref<512xf32, #tpu.memory_space<vmem>>, vector<16xf32>,
    %mul3A_291 = arith.mulf %get3A_288, %get3A_290 : vector<16xf32>
    %swap3A_292 = arith.constant 80 : index
    %swap3A_293 = tpu.vector_load %arg19[%swap3A_292] {strides = array<i32>} : memref<512xf32, #tpu.memory_space<vmem>>, vector<16xf32>,
    tpu.vector_store %arg19[%swap3A_292], %mul3A_291 {strides = array<i32>} : memref<512xf32, #tpu.memory_space<vmem>>, vector<16xf32>,
    %get3A_294 = arith.constant 80 : index
    %get3A_295 = tpu.vector_load %arg17[%get3A_294] {strides = array<i32>} : memref<512xf32, #tpu.memory_space<vmem>>, vector<16xf32>,
    %add3A_296 = arith.addf %mul3A_291, %get3A_295 : vector<16xf32>
    %swap3A_297 = arith.constant 80 : index
    %swap3A_298 = tpu.vector_load %arg18[%swap3A_297] {strides = array<i32>} : memref<512xf32, #tpu.memory_space<vmem>>, vector<16xf32>,
    tpu.vector_store %arg18[%swap3A_297], %add3A_296 {strides = array<i32>} : memref<512xf32, #tpu.memory_space<vmem>>, vector<16xf32>,
    %get3A_299 = arith.constant 96 : index
    %get3A_300 = tpu.vector_load %arg15[%get3A_299] {strides = array<i32>} : memref<512xf32, #tpu.memory_space<vmem>>, vector<16xf32>,
    %get3A_301 = arith.constant 96 : index
    %get3A_302 = tpu.vector_load %arg16[%get3A_301] {strides = array<i32>} : memref<512xf32, #tpu.memory_space<vmem>>, vector<16xf32>,
    %mul3A_303 = arith.mulf %get3A_300, %get3A_302 : vector<16xf32>
    %swap3A_304 = arith.constant 96 : index
    %swap3A_305 = tpu.vector_load %arg19[%swap3A_304] {strides = array<i32>} : memref<512xf32, #tpu.memory_space<vmem>>, vector<16xf32>,
    tpu.vector_store %arg19[%swap3A_304], %mul3A_303 {strides = array<i32>} : memref<512xf32, #tpu.memory_space<vmem>>, vector<16xf32>,
    %get3A_306 = arith.constant 96 : index
    %get3A_307 = tpu.vector_load %arg17[%get3A_306] {strides = array<i32>} : memref<512xf32, #tpu.memory_space<vmem>>, vector<16xf32>,
    %add3A_308 = arith.addf %mul3A_303, %get3A_307 : vector<16xf32>
    %swap3A_309 = arith.constant 96 : index
    %swap3A_310 = tpu.vector_load %arg18[%swap3A_309] {strides = array<i32>} : memref<512xf32, #tpu.memory_space<vmem>>, vector<16xf32>,
    tpu.vector_store %arg18[%swap3A_309], %add3A_308 {strides = array<i32>} : memref<512xf32, #tpu.memory_space<vmem>>, vector<16xf32>,
    %get3A_311 = arith.constant 112 : index
    %get3A_312 = tpu.vector_load %arg15[%get3A_311] {strides = array<i32>} : memref<512xf32, #tpu.memory_space<vmem>>, vector<16xf32>,
    %get3A_313 = arith.constant 112 : index
    %get3A_314 = tpu.vector_load %arg16[%get3A_313] {strides = array<i32>} : memref<512xf32, #tpu.memory_space<vmem>>, vector<16xf32>,
    %mul3A_315 = arith.mulf %get3A_312, %get3A_314 : vector<16xf32>
    %swap3A_316 = arith.constant 112 : index
    %swap3A_317 = tpu.vector_load %arg19[%swap3A_316] {strides = array<i32>} : memref<512xf32, #tpu.memory_space<vmem>>, vector<16xf32>,
    tpu.vector_store %arg19[%swap3A_316], %mul3A_315 {strides = array<i32>} : memref<512xf32, #tpu.memory_space<vmem>>, vector<16xf32>,
    %get3A_318 = arith.constant 112 : index
    %get3A_319 = tpu.vector_load %arg17[%get3A_318] {strides = array<i32>} : memref<512xf32, #tpu.memory_space<vmem>>, vector<16xf32>,
    %add3A_320 = arith.addf %mul3A_315, %get3A_319 : vector<16xf32>
    %swap3A_321 = arith.constant 112 : index
    %swap3A_322 = tpu.vector_load %arg18[%swap3A_321] {strides = array<i32>} : memref<512xf32, #tpu.memory_space<vmem>>, vector<16xf32>,
    tpu.vector_store %arg18[%swap3A_321], %add3A_320 {strides = array<i32>} : memref<512xf32, #tpu.memory_space<vmem>>, vector<16xf32>,
    %get3A_323 = arith.constant 128 : index
    %get3A_324 = tpu.vector_load %arg15[%get3A_323] {strides = array<i32>} : memref<512xf32, #tpu.memory_space<vmem>>, vector<16xf32>,
    %get3A_325 = arith.constant 128 : index
    %get3A_326 = tpu.vector_load %arg16[%get3A_325] {strides = array<i32>} : memref<512xf32, #tpu.memory_space<vmem>>, vector<16xf32>,
    %mul3A_327 = arith.mulf %get3A_324, %get3A_326 : vector<16xf32>
    %swap3A_328 = arith.constant 128 : index
    %swap3A_329 = tpu.vector_load %arg19[%swap3A_328] {strides = array<i32>} : memref<512xf32, #tpu.memory_space<vmem>>, vector<16xf32>,
    tpu.vector_store %arg19[%swap3A_328], %mul3A_327 {strides = array<i32>} : memref<512xf32, #tpu.memory_space<vmem>>, vector<16xf32>,
    %get3A_330 = arith.constant 128 : index
    %get3A_331 = tpu.vector_load %arg17[%get3A_330] {strides = array<i32>} : memref<512xf32, #tpu.memory_space<vmem>>, vector<16xf32>,
    %add3A_332 = arith.addf %mul3A_327, %get3A_331 : vector<16xf32>
    %swap3A_333 = arith.constant 128 : index
    %swap3A_334 = tpu.vector_load %arg18[%swap3A_333] {strides = array<i32>} : memref<512xf32, #tpu.memory_space<vmem>>, vector<16xf32>,
    tpu.vector_store %arg18[%swap3A_333], %add3A_332 {strides = array<i32>} : memref<512xf32, #tpu.memory_space<vmem>>, vector<16xf32>,
    %get3A_335 = arith.constant 144 : index
    %get3A_336 = tpu.vector_load %arg15[%get3A_335] {strides = array<i32>} : memref<512xf32, #tpu.memory_space<vmem>>, vector<16xf32>,
    %get3A_337 = arith.constant 144 : index
    %get3A_338 = tpu.vector_load %arg16[%get3A_337] {strides = array<i32>} : memref<512xf32, #tpu.memory_space<vmem>>, vector<16xf32>,
    %mul3A_339 = arith.mulf %get3A_336, %get3A_338 : vector<16xf32>
    %swap3A_340 = arith.constant 144 : index
    %swap3A_341 = tpu.vector_load %arg19[%swap3A_340] {strides = array<i32>} : memref<512xf32, #tpu.memory_space<vmem>>, vector<16xf32>,
    tpu.vector_store %arg19[%swap3A_340], %mul3A_339 {strides = array<i32>} : memref<512xf32, #tpu.memory_space<vmem>>, vector<16xf32>,
    %get3A_342 = arith.constant 144 : index
    %get3A_343 = tpu.vector_load %arg17[%get3A_342] {strides = array<i32>} : memref<512xf32, #tpu.memory_space<vmem>>, vector<16xf32>,
    %add3A_344 = arith.addf %mul3A_339, %get3A_343 : vector<16xf32>
    %swap3A_345 = arith.constant 144 : index
    %swap3A_346 = tpu.vector_load %arg18[%swap3A_345] {strides = array<i32>} : memref<512xf32, #tpu.memory_space<vmem>>, vector<16xf32>,
    tpu.vector_store %arg18[%swap3A_345], %add3A_344 {strides = array<i32>} : memref<512xf32, #tpu.memory_space<vmem>>, vector<16xf32>,
    %get3A_347 = arith.constant 160 : index
    %get3A_348 = tpu.vector_load %arg15[%get3A_347] {strides = array<i32>} : memref<512xf32, #tpu.memory_space<vmem>>, vector<16xf32>,
    %get3A_349 = arith.constant 160 : index
    %get3A_350 = tpu.vector_load %arg16[%get3A_349] {strides = array<i32>} : memref<512xf32, #tpu.memory_space<vmem>>, vector<16xf32>,
    %mul3A_351 = arith.mulf %get3A_348, %get3A_350 : vector<16xf32>
    %swap3A_352 = arith.constant 160 : index
    %swap3A_353 = tpu.vector_load %arg19[%swap3A_352] {strides = array<i32>} : memref<512xf32, #tpu.memory_space<vmem>>, vector<16xf32>,
    tpu.vector_store %arg19[%swap3A_352], %mul3A_351 {strides = array<i32>} : memref<512xf32, #tpu.memory_space<vmem>>, vector<16xf32>,
    %get3A_354 = arith.constant 160 : index
    %get3A_355 = tpu.vector_load %arg17[%get3A_354] {strides = array<i32>} : memref<512xf32, #tpu.memory_space<vmem>>, vector<16xf32>,
    %add3A_356 = arith.addf %mul3A_351, %get3A_355 : vector<16xf32>
    %swap3A_357 = arith.constant 160 : index
    %swap3A_358 = tpu.vector_load %arg18[%swap3A_357] {strides = array<i32>} : memref<512xf32, #tpu.memory_space<vmem>>, vector<16xf32>,
    tpu.vector_store %arg18[%swap3A_357], %add3A_356 {strides = array<i32>} : memref<512xf32, #tpu.memory_space<vmem>>, vector<16xf32>,
    %get3A_359 = arith.constant 176 : index
    %get3A_360 = tpu.vector_load %arg15[%get3A_359] {strides = array<i32>} : memref<512xf32, #tpu.memory_space<vmem>>, vector<16xf32>,
    %get3A_361 = arith.constant 176 : index
    %get3A_362 = tpu.vector_load %arg16[%get3A_361] {strides = array<i32>} : memref<512xf32, #tpu.memory_space<vmem>>, vector<16xf32>,
    %mul3A_363 = arith.mulf %get3A_360, %get3A_362 : vector<16xf32>
    %swap3A_364 = arith.constant 176 : index
    %swap3A_365 = tpu.vector_load %arg19[%swap3A_364] {strides = array<i32>} : memref<512xf32, #tpu.memory_space<vmem>>, vector<16xf32>,
    tpu.vector_store %arg19[%swap3A_364], %mul3A_363 {strides = array<i32>} : memref<512xf32, #tpu.memory_space<vmem>>, vector<16xf32>,
    %get3A_366 = arith.constant 176 : index
    %get3A_367 = tpu.vector_load %arg17[%get3A_366] {strides = array<i32>} : memref<512xf32, #tpu.memory_space<vmem>>, vector<16xf32>,
    %add3A_368 = arith.addf %mul3A_363, %get3A_367 : vector<16xf32>
    %swap3A_369 = arith.constant 176 : index
    %swap3A_370 = tpu.vector_load %arg18[%swap3A_369] {strides = array<i32>} : memref<512xf32, #tpu.memory_space<vmem>>, vector<16xf32>,
    tpu.vector_store %arg18[%swap3A_369], %add3A_368 {strides = array<i32>} : memref<512xf32, #tpu.memory_space<vmem>>, vector<16xf32>,
    %get3A_371 = arith.constant 192 : index
    %get3A_372 = tpu.vector_load %arg15[%get3A_371] {strides = array<i32>} : memref<512xf32, #tpu.memory_space<vmem>>, vector<16xf32>,
    %get3A_373 = arith.constant 192 : index
    %get3A_374 = tpu.vector_load %arg16[%get3A_373] {strides = array<i32>} : memref<512xf32, #tpu.memory_space<vmem>>, vector<16xf32>,
    %mul3A_375 = arith.mulf %get3A_372, %get3A_374 : vector<16xf32>
    %swap3A_376 = arith.constant 192 : index
    %swap3A_377 = tpu.vector_load %arg19[%swap3A_376] {strides = array<i32>} : memref<512xf32, #tpu.memory_space<vmem>>, vector<16xf32>,
    tpu.vector_store %arg19[%swap3A_376], %mul3A_375 {strides = array<i32>} : memref<512xf32, #tpu.memory_space<vmem>>, vector<16xf32>,
    %get3A_378 = arith.constant 192 : index
    %get3A_379 = tpu.vector_load %arg17[%get3A_378] {strides = array<i32>} : memref<512xf32, #tpu.memory_space<vmem>>, vector<16xf32>,
    %add3A_380 = arith.addf %mul3A_375, %get3A_379 : vector<16xf32>
    %swap3A_381 = arith.constant 192 : index
    %swap3A_382 = tpu.vector_load %arg18[%swap3A_381] {strides = array<i32>} : memref<512xf32, #tpu.memory_space<vmem>>, vector<16xf32>,
    tpu.vector_store %arg18[%swap3A_381], %add3A_380 {strides = array<i32>} : memref<512xf32, #tpu.memory_space<vmem>>, vector<16xf32>,
    %get3A_383 = arith.constant 208 : index
    %get3A_384 = tpu.vector_load %arg15[%get3A_383] {strides = array<i32>} : memref<512xf32, #tpu.memory_space<vmem>>, vector<16xf32>,
    %get3A_385 = arith.constant 208 : index
    %get3A_386 = tpu.vector_load %arg16[%get3A_385] {strides = array<i32>} : memref<512xf32, #tpu.memory_space<vmem>>, vector<16xf32>,
    %mul3A_387 = arith.mulf %get3A_384, %get3A_386 : vector<16xf32>
    %swap3A_388 = arith.constant 208 : index
    %swap3A_389 = tpu.vector_load %arg19[%swap3A_388] {strides = array<i32>} : memref<512xf32, #tpu.memory_space<vmem>>, vector<16xf32>,
    tpu.vector_store %arg19[%swap3A_388], %mul3A_387 {strides = array<i32>} : memref<512xf32, #tpu.memory_space<vmem>>, vector<16xf32>,
    %get3A_390 = arith.constant 208 : index
    %get3A_391 = tpu.vector_load %arg17[%get3A_390] {strides = array<i32>} : memref<512xf32, #tpu.memory_space<vmem>>, vector<16xf32>,
    %add3A_392 = arith.addf %mul3A_387, %get3A_391 : vector<16xf32>
    %swap3A_393 = arith.constant 208 : index
    %swap3A_394 = tpu.vector_load %arg18[%swap3A_393] {strides = array<i32>} : memref<512xf32, #tpu.memory_space<vmem>>, vector<16xf32>,
    tpu.vector_store %arg18[%swap3A_393], %add3A_392 {strides = array<i32>} : memref<512xf32, #tpu.memory_space<vmem>>, vector<16xf32>,
    %get3A_395 = arith.constant 224 : index
    %get3A_396 = tpu.vector_load %arg15[%get3A_395] {strides = array<i32>} : memref<512xf32, #tpu.memory_space<vmem>>, vector<16xf32>,
    %get3A_397 = arith.constant 224 : index
    %get3A_398 = tpu.vector_load %arg16[%get3A_397] {strides = array<i32>} : memref<512xf32, #tpu.memory_space<vmem>>, vector<16xf32>,
    %mul3A_399 = arith.mulf %get3A_396, %get3A_398 : vector<16xf32>
    %swap3A_400 = arith.constant 224 : index
    %swap3A_401 = tpu.vector_load %arg19[%swap3A_400] {strides = array<i32>} : memref<512xf32, #tpu.memory_space<vmem>>, vector<16xf32>,
    tpu.vector_store %arg19[%swap3A_400], %mul3A_399 {strides = array<i32>} : memref<512xf32, #tpu.memory_space<vmem>>, vector<16xf32>,
    %get3A_402 = arith.constant 224 : index
    %get3A_403 = tpu.vector_load %arg17[%get3A_402] {strides = array<i32>} : memref<512xf32, #tpu.memory_space<vmem>>, vector<16xf32>,
    %add3A_404 = arith.addf %mul3A_399, %get3A_403 : vector<16xf32>
    %swap3A_405 = arith.constant 224 : index
    %swap3A_406 = tpu.vector_load %arg18[%swap3A_405] {strides = array<i32>} : memref<512xf32, #tpu.memory_space<vmem>>, vector<16xf32>,
    tpu.vector_store %arg18[%swap3A_405], %add3A_404 {strides = array<i32>} : memref<512xf32, #tpu.memory_space<vmem>>, vector<16xf32>,
    %get3A_407 = arith.constant 240 : index
    %get3A_408 = tpu.vector_load %arg15[%get3A_407] {strides = array<i32>} : memref<512xf32, #tpu.memory_space<vmem>>, vector<16xf32>,
    %get3A_409 = arith.constant 240 : index
    %get3A_410 = tpu.vector_load %arg16[%get3A_409] {strides = array<i32>} : memref<512xf32, #tpu.memory_space<vmem>>, vector<16xf32>,
    %mul3A_411 = arith.mulf %get3A_408, %get3A_410 : vector<16xf32>
    %swap3A_412 = arith.constant 240 : index
    %swap3A_413 = tpu.vector_load %arg19[%swap3A_412] {strides = array<i32>} : memref<512xf32, #tpu.memory_space<vmem>>, vector<16xf32>,
    tpu.vector_store %arg19[%swap3A_412], %mul3A_411 {strides = array<i32>} : memref<512xf32, #tpu.memory_space<vmem>>, vector<16xf32>,
    %get3A_414 = arith.constant 240 : index
    %get3A_415 = tpu.vector_load %arg17[%get3A_414] {strides = array<i32>} : memref<512xf32, #tpu.memory_space<vmem>>, vector<16xf32>,
    %add3A_416 = arith.addf %mul3A_411, %get3A_415 : vector<16xf32>
    %swap3A_417 = arith.constant 240 : index
    %swap3A_418 = tpu.vector_load %arg18[%swap3A_417] {strides = array<i32>} : memref<512xf32, #tpu.memory_space<vmem>>, vector<16xf32>,
    tpu.vector_store %arg18[%swap3A_417], %add3A_416 {strides = array<i32>} : memref<512xf32, #tpu.memory_space<vmem>>, vector<16xf32>,
    %add3A_419 = arith.constant 0 : i32
    %add3A_420 = arith.addi %mul3A_2, %add3A_419 : i32
    %dma_start3A_421 = arith.constant 0 : i32
    %dma_start3A_422 = tpu.memref_slice %arg18[%dma_start3A_421] : memref<512xf32, #tpu.memory_space<vmem>> -> memref<256xf32, #tpu.memory_space<vmem>>
    %dma_start3A_423 = tpu.memref_slice %arg12[%add3A_420] : memref<16384xf32, #tpu.memory_space<hbm>> -> memref<256xf32, #tpu.memory_space<hbm>>
    %dma_start3A_424 = tpu.memref_slice %arg12[%add3A_420] : memref<16384xf32, #tpu.memory_space<hbm>> -> memref<256xf32, #tpu.memory_space<hbm>>
    %dma_start3A_425 = arith.constant 0 : i32
    %dma_start3A_426 = tpu.memref_slice %arg18[%dma_start3A_425] : memref<512xf32, #tpu.memory_space<vmem>> -> memref<256xf32, #tpu.memory_space<vmem>>
    tpu.enqueue_dma source(%dma_start3A_426 : memref<256xf32, #tpu.memory_space<vmem>>) target(%dma_start3A_424 : memref<256xf32, #tpu.memory_space<hbm>>) target_semaphore(%arg43 : memref<!tpu.dma_semaphore, #tpu.memory_space<semaphore_mem>>)
    %add3A_427 = arith.constant 0 : i32
    %add3A_428 = arith.addi %mul3A_2, %add3A_427 : i32
    %dma_start3A_429 = arith.constant 0 : i32
    %dma_start3A_430 = tpu.memref_slice %arg19[%dma_start3A_429] : memref<512xf32, #tpu.memory_space<vmem>> -> memref<256xf32, #tpu.memory_space<vmem>>
    %dma_start3A_431 = tpu.memref_slice %arg13[%add3A_428] : memref<16384xf32, #tpu.memory_space<hbm>> -> memref<256xf32, #tpu.memory_space<hbm>>
    %dma_start3A_432 = tpu.memref_slice %arg13[%add3A_428] : memref<16384xf32, #tpu.memory_space<hbm>> -> memref<256xf32, #tpu.memory_space<hbm>>
    %dma_start3A_433 = arith.constant 0 : i32
    %dma_start3A_434 = tpu.memref_slice %arg19[%dma_start3A_433] : memref<512xf32, #tpu.memory_space<vmem>> -> memref<256xf32, #tpu.memory_space<vmem>>
    tpu.enqueue_dma source(%dma_start3A_434 : memref<256xf32, #tpu.memory_space<vmem>>) target(%dma_start3A_432 : memref<256xf32, #tpu.memory_space<hbm>>) target_semaphore(%arg45 : memref<!tpu.dma_semaphore, #tpu.memory_space<semaphore_mem>>)
    %get3A_435 = arith.constant 256 : index
    %get3A_436 = tpu.vector_load %arg15[%get3A_435] {strides = array<i32>} : memref<512xf32, #tpu.memory_space<vmem>>, vector<16xf32>,
    %get3A_437 = arith.constant 256 : index
    %get3A_438 = tpu.vector_load %arg16[%get3A_437] {strides = array<i32>} : memref<512xf32, #tpu.memory_space<vmem>>, vector<16xf32>,
    %mul3A_439 = arith.mulf %get3A_436, %get3A_438 : vector<16xf32>
    %swap3A_440 = arith.constant 256 : index
    %swap3A_441 = tpu.vector_load %arg19[%swap3A_440] {strides = array<i32>} : memref<512xf32, #tpu.memory_space<vmem>>, vector<16xf32>,
    tpu.vector_store %arg19[%swap3A_440], %mul3A_439 {strides = array<i32>} : memref<512xf32, #tpu.memory_space<vmem>>, vector<16xf32>,
    %get3A_442 = arith.constant 256 : index
    %get3A_443 = tpu.vector_load %arg17[%get3A_442] {strides = array<i32>} : memref<512xf32, #tpu.memory_space<vmem>>, vector<16xf32>,
    %add3A_444 = arith.addf %mul3A_439, %get3A_443 : vector<16xf32>
    %swap3A_445 = arith.constant 256 : index
    %swap3A_446 = tpu.vector_load %arg18[%swap3A_445] {strides = array<i32>} : memref<512xf32, #tpu.memory_space<vmem>>, vector<16xf32>,
    tpu.vector_store %arg18[%swap3A_445], %add3A_444 {strides = array<i32>} : memref<512xf32, #tpu.memory_space<vmem>>, vector<16xf32>,
    %get3A_447 = arith.constant 272 : index
    %get3A_448 = tpu.vector_load %arg15[%get3A_447] {strides = array<i32>} : memref<512xf32, #tpu.memory_space<vmem>>, vector<16xf32>,
    %get3A_449 = arith.constant 272 : index
    %get3A_450 = tpu.vector_load %arg16[%get3A_449] {strides = array<i32>} : memref<512xf32, #tpu.memory_space<vmem>>, vector<16xf32>,
    %mul3A_451 = arith.mulf %get3A_448, %get3A_450 : vector<16xf32>
    %swap3A_452 = arith.constant 272 : index
    %swap3A_453 = tpu.vector_load %arg19[%swap3A_452] {strides = array<i32>} : memref<512xf32, #tpu.memory_space<vmem>>, vector<16xf32>,
    tpu.vector_store %arg19[%swap3A_452], %mul3A_451 {strides = array<i32>} : memref<512xf32, #tpu.memory_space<vmem>>, vector<16xf32>,
    %get3A_454 = arith.constant 272 : index
    %get3A_455 = tpu.vector_load %arg17[%get3A_454] {strides = array<i32>} : memref<512xf32, #tpu.memory_space<vmem>>, vector<16xf32>,
    %add3A_456 = arith.addf %mul3A_451, %get3A_455 : vector<16xf32>
    %swap3A_457 = arith.constant 272 : index
    %swap3A_458 = tpu.vector_load %arg18[%swap3A_457] {strides = array<i32>} : memref<512xf32, #tpu.memory_space<vmem>>, vector<16xf32>,
    tpu.vector_store %arg18[%swap3A_457], %add3A_456 {strides = array<i32>} : memref<512xf32, #tpu.memory_space<vmem>>, vector<16xf32>,
    %get3A_459 = arith.constant 288 : index
    %get3A_460 = tpu.vector_load %arg15[%get3A_459] {strides = array<i32>} : memref<512xf32, #tpu.memory_space<vmem>>, vector<16xf32>,
    %get3A_461 = arith.constant 288 : index
    %get3A_462 = tpu.vector_load %arg16[%get3A_461] {strides = array<i32>} : memref<512xf32, #tpu.memory_space<vmem>>, vector<16xf32>,
    %mul3A_463 = arith.mulf %get3A_460, %get3A_462 : vector<16xf32>
    %swap3A_464 = arith.constant 288 : index
    %swap3A_465 = tpu.vector_load %arg19[%swap3A_464] {strides = array<i32>} : memref<512xf32, #tpu.memory_space<vmem>>, vector<16xf32>,
    tpu.vector_store %arg19[%swap3A_464], %mul3A_463 {strides = array<i32>} : memref<512xf32, #tpu.memory_space<vmem>>, vector<16xf32>,
    %get3A_466 = arith.constant 288 : index
    %get3A_467 = tpu.vector_load %arg17[%get3A_466] {strides = array<i32>} : memref<512xf32, #tpu.memory_space<vmem>>, vector<16xf32>,
    %add3A_468 = arith.addf %mul3A_463, %get3A_467 : vector<16xf32>
    %swap3A_469 = arith.constant 288 : index
    %swap3A_470 = tpu.vector_load %arg18[%swap3A_469] {strides = array<i32>} : memref<512xf32, #tpu.memory_space<vmem>>, vector<16xf32>,
    tpu.vector_store %arg18[%swap3A_469], %add3A_468 {strides = array<i32>} : memref<512xf32, #tpu.memory_space<vmem>>, vector<16xf32>,
    %get3A_471 = arith.constant 304 : index
    %get3A_472 = tpu.vector_load %arg15[%get3A_471] {strides = array<i32>} : memref<512xf32, #tpu.memory_space<vmem>>, vector<16xf32>,
    %get3A_473 = arith.constant 304 : index
    %get3A_474 = tpu.vector_load %arg16[%get3A_473] {strides = array<i32>} : memref<512xf32, #tpu.memory_space<vmem>>, vector<16xf32>,
    %mul3A_475 = arith.mulf %get3A_472, %get3A_474 : vector<16xf32>
    %swap3A_476 = arith.constant 304 : index
    %swap3A_477 = tpu.vector_load %arg19[%swap3A_476] {strides = array<i32>} : memref<512xf32, #tpu.memory_space<vmem>>, vector<16xf32>,
    tpu.vector_store %arg19[%swap3A_476], %mul3A_475 {strides = array<i32>} : memref<512xf32, #tpu.memory_space<vmem>>, vector<16xf32>,
    %get3A_478 = arith.constant 304 : index
    %get3A_479 = tpu.vector_load %arg17[%get3A_478] {strides = array<i32>} : memref<512xf32, #tpu.memory_space<vmem>>, vector<16xf32>,
    %add3A_480 = arith.addf %mul3A_475, %get3A_479 : vector<16xf32>
    %swap3A_481 = arith.constant 304 : index
    %swap3A_482 = tpu.vector_load %arg18[%swap3A_481] {strides = array<i32>} : memref<512xf32, #tpu.memory_space<vmem>>, vector<16xf32>,
    tpu.vector_store %arg18[%swap3A_481], %add3A_480 {strides = array<i32>} : memref<512xf32, #tpu.memory_space<vmem>>, vector<16xf32>,
    %get3A_483 = arith.constant 320 : index
    %get3A_484 = tpu.vector_load %arg15[%get3A_483] {strides = array<i32>} : memref<512xf32, #tpu.memory_space<vmem>>, vector<16xf32>,
    %get3A_485 = arith.constant 320 : index
    %get3A_486 = tpu.vector_load %arg16[%get3A_485] {strides = array<i32>} : memref<512xf32, #tpu.memory_space<vmem>>, vector<16xf32>,
    %mul3A_487 = arith.mulf %get3A_484, %get3A_486 : vector<16xf32>
    %swap3A_488 = arith.constant 320 : index
    %swap3A_489 = tpu.vector_load %arg19[%swap3A_488] {strides = array<i32>} : memref<512xf32, #tpu.memory_space<vmem>>, vector<16xf32>,
    tpu.vector_store %arg19[%swap3A_488], %mul3A_487 {strides = array<i32>} : memref<512xf32, #tpu.memory_space<vmem>>, vector<16xf32>,
    %get3A_490 = arith.constant 320 : index
    %get3A_491 = tpu.vector_load %arg17[%get3A_490] {strides = array<i32>} : memref<512xf32, #tpu.memory_space<vmem>>, vector<16xf32>,
    %add3A_492 = arith.addf %mul3A_487, %get3A_491 : vector<16xf32>
    %swap3A_493 = arith.constant 320 : index
    %swap3A_494 = tpu.vector_load %arg18[%swap3A_493] {strides = array<i32>} : memref<512xf32, #tpu.memory_space<vmem>>, vector<16xf32>,
    tpu.vector_store %arg18[%swap3A_493], %add3A_492 {strides = array<i32>} : memref<512xf32, #tpu.memory_space<vmem>>, vector<16xf32>,
    %get3A_495 = arith.constant 336 : index
    %get3A_496 = tpu.vector_load %arg15[%get3A_495] {strides = array<i32>} : memref<512xf32, #tpu.memory_space<vmem>>, vector<16xf32>,
    %get3A_497 = arith.constant 336 : index
    %get3A_498 = tpu.vector_load %arg16[%get3A_497] {strides = array<i32>} : memref<512xf32, #tpu.memory_space<vmem>>, vector<16xf32>,
    %mul3A_499 = arith.mulf %get3A_496, %get3A_498 : vector<16xf32>
    %swap3A_500 = arith.constant 336 : index
    %swap3A_501 = tpu.vector_load %arg19[%swap3A_500] {strides = array<i32>} : memref<512xf32, #tpu.memory_space<vmem>>, vector<16xf32>,
    tpu.vector_store %arg19[%swap3A_500], %mul3A_499 {strides = array<i32>} : memref<512xf32, #tpu.memory_space<vmem>>, vector<16xf32>,
    %get3A_502 = arith.constant 336 : index
    %get3A_503 = tpu.vector_load %arg17[%get3A_502] {strides = array<i32>} : memref<512xf32, #tpu.memory_space<vmem>>, vector<16xf32>,
    %add3A_504 = arith.addf %mul3A_499, %get3A_503 : vector<16xf32>
    %swap3A_505 = arith.constant 336 : index
    %swap3A_506 = tpu.vector_load %arg18[%swap3A_505] {strides = array<i32>} : memref<512xf32, #tpu.memory_space<vmem>>, vector<16xf32>,
    tpu.vector_store %arg18[%swap3A_505], %add3A_504 {strides = array<i32>} : memref<512xf32, #tpu.memory_space<vmem>>, vector<16xf32>,
    %get3A_507 = arith.constant 352 : index
    %get3A_508 = tpu.vector_load %arg15[%get3A_507] {strides = array<i32>} : memref<512xf32, #tpu.memory_space<vmem>>, vector<16xf32>,
    %get3A_509 = arith.constant 352 : index
    %get3A_510 = tpu.vector_load %arg16[%get3A_509] {strides = array<i32>} : memref<512xf32, #tpu.memory_space<vmem>>, vector<16xf32>,
    %mul3A_511 = arith.mulf %get3A_508, %get3A_510 : vector<16xf32>
    %swap3A_512 = arith.constant 352 : index
    %swap3A_513 = tpu.vector_load %arg19[%swap3A_512] {strides = array<i32>} : memref<512xf32, #tpu.memory_space<vmem>>, vector<16xf32>,
    tpu.vector_store %arg19[%swap3A_512], %mul3A_511 {strides = array<i32>} : memref<512xf32, #tpu.memory_space<vmem>>, vector<16xf32>,
    %get3A_514 = arith.constant 352 : index
    %get3A_515 = tpu.vector_load %arg17[%get3A_514] {strides = array<i32>} : memref<512xf32, #tpu.memory_space<vmem>>, vector<16xf32>,
    %add3A_516 = arith.addf %mul3A_511, %get3A_515 : vector<16xf32>
    %swap3A_517 = arith.constant 352 : index
    %swap3A_518 = tpu.vector_load %arg18[%swap3A_517] {strides = array<i32>} : memref<512xf32, #tpu.memory_space<vmem>>, vector<16xf32>,
    tpu.vector_store %arg18[%swap3A_517], %add3A_516 {strides = array<i32>} : memref<512xf32, #tpu.memory_space<vmem>>, vector<16xf32>,
    %get3A_519 = arith.constant 368 : index
    %get3A_520 = tpu.vector_load %arg15[%get3A_519] {strides = array<i32>} : memref<512xf32, #tpu.memory_space<vmem>>, vector<16xf32>,
    %get3A_521 = arith.constant 368 : index
    %get3A_522 = tpu.vector_load %arg16[%get3A_521] {strides = array<i32>} : memref<512xf32, #tpu.memory_space<vmem>>, vector<16xf32>,
    %mul3A_523 = arith.mulf %get3A_520, %get3A_522 : vector<16xf32>
    %swap3A_524 = arith.constant 368 : index
    %swap3A_525 = tpu.vector_load %arg19[%swap3A_524] {strides = array<i32>} : memref<512xf32, #tpu.memory_space<vmem>>, vector<16xf32>,
    tpu.vector_store %arg19[%swap3A_524], %mul3A_523 {strides = array<i32>} : memref<512xf32, #tpu.memory_space<vmem>>, vector<16xf32>,
    %get3A_526 = arith.constant 368 : index
    %get3A_527 = tpu.vector_load %arg17[%get3A_526] {strides = array<i32>} : memref<512xf32, #tpu.memory_space<vmem>>, vector<16xf32>,
    %add3A_528 = arith.addf %mul3A_523, %get3A_527 : vector<16xf32>
    %swap3A_529 = arith.constant 368 : index
    %swap3A_530 = tpu.vector_load %arg18[%swap3A_529] {strides = array<i32>} : memref<512xf32, #tpu.memory_space<vmem>>, vector<16xf32>,
    tpu.vector_store %arg18[%swap3A_529], %add3A_528 {strides = array<i32>} : memref<512xf32, #tpu.memory_space<vmem>>, vector<16xf32>,
    %get3A_531 = arith.constant 384 : index
    %get3A_532 = tpu.vector_load %arg15[%get3A_531] {strides = array<i32>} : memref<512xf32, #tpu.memory_space<vmem>>, vector<16xf32>,
    %get3A_533 = arith.constant 384 : index
    %get3A_534 = tpu.vector_load %arg16[%get3A_533] {strides = array<i32>} : memref<512xf32, #tpu.memory_space<vmem>>, vector<16xf32>,
    %mul3A_535 = arith.mulf %get3A_532, %get3A_534 : vector<16xf32>
    %swap3A_536 = arith.constant 384 : index
    %swap3A_537 = tpu.vector_load %arg19[%swap3A_536] {strides = array<i32>} : memref<512xf32, #tpu.memory_space<vmem>>, vector<16xf32>,
    tpu.vector_store %arg19[%swap3A_536], %mul3A_535 {strides = array<i32>} : memref<512xf32, #tpu.memory_space<vmem>>, vector<16xf32>,
    %get3A_538 = arith.constant 384 : index
    %get3A_539 = tpu.vector_load %arg17[%get3A_538] {strides = array<i32>} : memref<512xf32, #tpu.memory_space<vmem>>, vector<16xf32>,
    %add3A_540 = arith.addf %mul3A_535, %get3A_539 : vector<16xf32>
    %swap3A_541 = arith.constant 384 : index
    %swap3A_542 = tpu.vector_load %arg18[%swap3A_541] {strides = array<i32>} : memref<512xf32, #tpu.memory_space<vmem>>, vector<16xf32>,
    tpu.vector_store %arg18[%swap3A_541], %add3A_540 {strides = array<i32>} : memref<512xf32, #tpu.memory_space<vmem>>, vector<16xf32>,
    %get3A_543 = arith.constant 400 : index
    %get3A_544 = tpu.vector_load %arg15[%get3A_543] {strides = array<i32>} : memref<512xf32, #tpu.memory_space<vmem>>, vector<16xf32>,
    %get3A_545 = arith.constant 400 : index
    %get3A_546 = tpu.vector_load %arg16[%get3A_545] {strides = array<i32>} : memref<512xf32, #tpu.memory_space<vmem>>, vector<16xf32>,
    %mul3A_547 = arith.mulf %get3A_544, %get3A_546 : vector<16xf32>
    %swap3A_548 = arith.constant 400 : index
    %swap3A_549 = tpu.vector_load %arg19[%swap3A_548] {strides = array<i32>} : memref<512xf32, #tpu.memory_space<vmem>>, vector<16xf32>,
    tpu.vector_store %arg19[%swap3A_548], %mul3A_547 {strides = array<i32>} : memref<512xf32, #tpu.memory_space<vmem>>, vector<16xf32>,
    %get3A_550 = arith.constant 400 : index
    %get3A_551 = tpu.vector_load %arg17[%get3A_550] {strides = array<i32>} : memref<512xf32, #tpu.memory_space<vmem>>, vector<16xf32>,
    %add3A_552 = arith.addf %mul3A_547, %get3A_551 : vector<16xf32>
    %swap3A_553 = arith.constant 400 : index
    %swap3A_554 = tpu.vector_load %arg18[%swap3A_553] {strides = array<i32>} : memref<512xf32, #tpu.memory_space<vmem>>, vector<16xf32>,
    tpu.vector_store %arg18[%swap3A_553], %add3A_552 {strides = array<i32>} : memref<512xf32, #tpu.memory_space<vmem>>, vector<16xf32>,
    %get3A_555 = arith.constant 416 : index
    %get3A_556 = tpu.vector_load %arg15[%get3A_555] {strides = array<i32>} : memref<512xf32, #tpu.memory_space<vmem>>, vector<16xf32>,
    %get3A_557 = arith.constant 416 : index
    %get3A_558 = tpu.vector_load %arg16[%get3A_557] {strides = array<i32>} : memref<512xf32, #tpu.memory_space<vmem>>, vector<16xf32>,
    %mul3A_559 = arith.mulf %get3A_556, %get3A_558 : vector<16xf32>
    %swap3A_560 = arith.constant 416 : index
    %swap3A_561 = tpu.vector_load %arg19[%swap3A_560] {strides = array<i32>} : memref<512xf32, #tpu.memory_space<vmem>>, vector<16xf32>,
    tpu.vector_store %arg19[%swap3A_560], %mul3A_559 {strides = array<i32>} : memref<512xf32, #tpu.memory_space<vmem>>, vector<16xf32>,
    %get3A_562 = arith.constant 416 : index
    %get3A_563 = tpu.vector_load %arg17[%get3A_562] {strides = array<i32>} : memref<512xf32, #tpu.memory_space<vmem>>, vector<16xf32>,
    %add3A_564 = arith.addf %mul3A_559, %get3A_563 : vector<16xf32>
    %swap3A_565 = arith.constant 416 : index
    %swap3A_566 = tpu.vector_load %arg18[%swap3A_565] {strides = array<i32>} : memref<512xf32, #tpu.memory_space<vmem>>, vector<16xf32>,
    tpu.vector_store %arg18[%swap3A_565], %add3A_564 {strides = array<i32>} : memref<512xf32, #tpu.memory_space<vmem>>, vector<16xf32>,
    %get3A_567 = arith.constant 432 : index
    %get3A_568 = tpu.vector_load %arg15[%get3A_567] {strides = array<i32>} : memref<512xf32, #tpu.memory_space<vmem>>, vector<16xf32>,
    %get3A_569 = arith.constant 432 : index
    %get3A_570 = tpu.vector_load %arg16[%get3A_569] {strides = array<i32>} : memref<512xf32, #tpu.memory_space<vmem>>, vector<16xf32>,
    %mul3A_571 = arith.mulf %get3A_568, %get3A_570 : vector<16xf32>
    %swap3A_572 = arith.constant 432 : index
    %swap3A_573 = tpu.vector_load %arg19[%swap3A_572] {strides = array<i32>} : memref<512xf32, #tpu.memory_space<vmem>>, vector<16xf32>,
    tpu.vector_store %arg19[%swap3A_572], %mul3A_571 {strides = array<i32>} : memref<512xf32, #tpu.memory_space<vmem>>, vector<16xf32>,
    %get3A_574 = arith.constant 432 : index
    %get3A_575 = tpu.vector_load %arg17[%get3A_574] {strides = array<i32>} : memref<512xf32, #tpu.memory_space<vmem>>, vector<16xf32>,
    %add3A_576 = arith.addf %mul3A_571, %get3A_575 : vector<16xf32>
    %swap3A_577 = arith.constant 432 : index
    %swap3A_578 = tpu.vector_load %arg18[%swap3A_577] {strides = array<i32>} : memref<512xf32, #tpu.memory_space<vmem>>, vector<16xf32>,
    tpu.vector_store %arg18[%swap3A_577], %add3A_576 {strides = array<i32>} : memref<512xf32, #tpu.memory_space<vmem>>, vector<16xf32>,
    %get3A_579 = arith.constant 448 : index
    %get3A_580 = tpu.vector_load %arg15[%get3A_579] {strides = array<i32>} : memref<512xf32, #tpu.memory_space<vmem>>, vector<16xf32>,
    %get3A_581 = arith.constant 448 : index
    %get3A_582 = tpu.vector_load %arg16[%get3A_581] {strides = array<i32>} : memref<512xf32, #tpu.memory_space<vmem>>, vector<16xf32>,
    %mul3A_583 = arith.mulf %get3A_580, %get3A_582 : vector<16xf32>
    %swap3A_584 = arith.constant 448 : index
    %swap3A_585 = tpu.vector_load %arg19[%swap3A_584] {strides = array<i32>} : memref<512xf32, #tpu.memory_space<vmem>>, vector<16xf32>,
    tpu.vector_store %arg19[%swap3A_584], %mul3A_583 {strides = array<i32>} : memref<512xf32, #tpu.memory_space<vmem>>, vector<16xf32>,
    %get3A_586 = arith.constant 448 : index
    %get3A_587 = tpu.vector_load %arg17[%get3A_586] {strides = array<i32>} : memref<512xf32, #tpu.memory_space<vmem>>, vector<16xf32>,
    %add3A_588 = arith.addf %mul3A_583, %get3A_587 : vector<16xf32>
    %swap3A_589 = arith.constant 448 : index
    %swap3A_590 = tpu.vector_load %arg18[%swap3A_589] {strides = array<i32>} : memref<512xf32, #tpu.memory_space<vmem>>, vector<16xf32>,
    tpu.vector_store %arg18[%swap3A_589], %add3A_588 {strides = array<i32>} : memref<512xf32, #tpu.memory_space<vmem>>, vector<16xf32>,
    %get3A_591 = arith.constant 464 : index
    %get3A_592 = tpu.vector_load %arg15[%get3A_591] {strides = array<i32>} : memref<512xf32, #tpu.memory_space<vmem>>, vector<16xf32>,
    %get3A_593 = arith.constant 464 : index
    %get3A_594 = tpu.vector_load %arg16[%get3A_593] {strides = array<i32>} : memref<512xf32, #tpu.memory_space<vmem>>, vector<16xf32>,
    %mul3A_595 = arith.mulf %get3A_592, %get3A_594 : vector<16xf32>
    %swap3A_596 = arith.constant 464 : index
    %swap3A_597 = tpu.vector_load %arg19[%swap3A_596] {strides = array<i32>} : memref<512xf32, #tpu.memory_space<vmem>>, vector<16xf32>,
    tpu.vector_store %arg19[%swap3A_596], %mul3A_595 {strides = array<i32>} : memref<512xf32, #tpu.memory_space<vmem>>, vector<16xf32>,
    %get3A_598 = arith.constant 464 : index
    %get3A_599 = tpu.vector_load %arg17[%get3A_598] {strides = array<i32>} : memref<512xf32, #tpu.memory_space<vmem>>, vector<16xf32>,
    %add3A_600 = arith.addf %mul3A_595, %get3A_599 : vector<16xf32>
    %swap3A_601 = arith.constant 464 : index
    %swap3A_602 = tpu.vector_load %arg18[%swap3A_601] {strides = array<i32>} : memref<512xf32, #tpu.memory_space<vmem>>, vector<16xf32>,
    tpu.vector_store %arg18[%swap3A_601], %add3A_600 {strides = array<i32>} : memref<512xf32, #tpu.memory_space<vmem>>, vector<16xf32>,
    %get3A_603 = arith.constant 480 : index
    %get3A_604 = tpu.vector_load %arg15[%get3A_603] {strides = array<i32>} : memref<512xf32, #tpu.memory_space<vmem>>, vector<16xf32>,
    %get3A_605 = arith.constant 480 : index
    %get3A_606 = tpu.vector_load %arg16[%get3A_605] {strides = array<i32>} : memref<512xf32, #tpu.memory_space<vmem>>, vector<16xf32>,
    %mul3A_607 = arith.mulf %get3A_604, %get3A_606 : vector<16xf32>
    %swap3A_608 = arith.constant 480 : index
    %swap3A_609 = tpu.vector_load %arg19[%swap3A_608] {strides = array<i32>} : memref<512xf32, #tpu.memory_space<vmem>>, vector<16xf32>,
    tpu.vector_store %arg19[%swap3A_608], %mul3A_607 {strides = array<i32>} : memref<512xf32, #tpu.memory_space<vmem>>, vector<16xf32>,
    %get3A_610 = arith.constant 480 : index
    %get3A_611 = tpu.vector_load %arg17[%get3A_610] {strides = array<i32>} : memref<512xf32, #tpu.memory_space<vmem>>, vector<16xf32>,
    %add3A_612 = arith.addf %mul3A_607, %get3A_611 : vector<16xf32>
    %swap3A_613 = arith.constant 480 : index
    %swap3A_614 = tpu.vector_load %arg18[%swap3A_613] {strides = array<i32>} : memref<512xf32, #tpu.memory_space<vmem>>, vector<16xf32>,
    tpu.vector_store %arg18[%swap3A_613], %add3A_612 {strides = array<i32>} : memref<512xf32, #tpu.memory_space<vmem>>, vector<16xf32>,
    %get3A_615 = arith.constant 496 : index
    %get3A_616 = tpu.vector_load %arg15[%get3A_615] {strides = array<i32>} : memref<512xf32, #tpu.memory_space<vmem>>, vector<16xf32>,
    %get3A_617 = arith.constant 496 : index
    %get3A_618 = tpu.vector_load %arg16[%get3A_617] {strides = array<i32>} : memref<512xf32, #tpu.memory_space<vmem>>, vector<16xf32>,
    %mul3A_619 = arith.mulf %get3A_616, %get3A_618 : vector<16xf32>
    %swap3A_620 = arith.constant 496 : index
    %swap3A_621 = tpu.vector_load %arg19[%swap3A_620] {strides = array<i32>} : memref<512xf32, #tpu.memory_space<vmem>>, vector<16xf32>,
    tpu.vector_store %arg19[%swap3A_620], %mul3A_619 {strides = array<i32>} : memref<512xf32, #tpu.memory_space<vmem>>, vector<16xf32>,
    %get3A_622 = arith.constant 496 : index
    %get3A_623 = tpu.vector_load %arg17[%get3A_622] {strides = array<i32>} : memref<512xf32, #tpu.memory_space<vmem>>, vector<16xf32>,
    %add3A_624 = arith.addf %mul3A_619, %get3A_623 : vector<16xf32>
    %swap3A_625 = arith.constant 496 : index
    %swap3A_626 = tpu.vector_load %arg18[%swap3A_625] {strides = array<i32>} : memref<512xf32, #tpu.memory_space<vmem>>, vector<16xf32>,
    tpu.vector_store %arg18[%swap3A_625], %add3A_624 {strides = array<i32>} : memref<512xf32, #tpu.memory_space<vmem>>, vector<16xf32>,
    %add3A_627 = arith.constant 256 : i32
    %add3A_628 = arith.addi %mul3A_2, %add3A_627 : i32
    %dma_start3A_629 = arith.constant 256 : i32
    %dma_start3A_630 = tpu.memref_slice %arg18[%dma_start3A_629] : memref<512xf32, #tpu.memory_space<vmem>> -> memref<256xf32, #tpu.memory_space<vmem>>
    %dma_start3A_631 = tpu.memref_slice %arg12[%add3A_628] : memref<16384xf32, #tpu.memory_space<hbm>> -> memref<256xf32, #tpu.memory_space<hbm>>
    %dma_start3A_632 = tpu.memref_slice %arg12[%add3A_628] : memref<16384xf32, #tpu.memory_space<hbm>> -> memref<256xf32, #tpu.memory_space<hbm>>
    %dma_start3A_633 = arith.constant 256 : i32
    %dma_start3A_634 = tpu.memref_slice %arg18[%dma_start3A_633] : memref<512xf32, #tpu.memory_space<vmem>> -> memref<256xf32, #tpu.memory_space<vmem>>
    tpu.enqueue_dma source(%dma_start3A_634 : memref<256xf32, #tpu.memory_space<vmem>>) target(%dma_start3A_632 : memref<256xf32, #tpu.memory_space<hbm>>) target_semaphore(%arg44 : memref<!tpu.dma_semaphore, #tpu.memory_space<semaphore_mem>>)
    %add3A_635 = arith.constant 256 : i32
    %add3A_636 = arith.addi %mul3A_2, %add3A_635 : i32
    %dma_start3A_637 = arith.constant 256 : i32
    %dma_start3A_638 = tpu.memref_slice %arg19[%dma_start3A_637] : memref<512xf32, #tpu.memory_space<vmem>> -> memref<256xf32, #tpu.memory_space<vmem>>
    %dma_start3A_639 = tpu.memref_slice %arg13[%add3A_636] : memref<16384xf32, #tpu.memory_space<hbm>> -> memref<256xf32, #tpu.memory_space<hbm>>
    %dma_start3A_640 = tpu.memref_slice %arg13[%add3A_636] : memref<16384xf32, #tpu.memory_space<hbm>> -> memref<256xf32, #tpu.memory_space<hbm>>
    %dma_start3A_641 = arith.constant 256 : i32
    %dma_start3A_642 = tpu.memref_slice %arg19[%dma_start3A_641] : memref<512xf32, #tpu.memory_space<vmem>> -> memref<256xf32, #tpu.memory_space<vmem>>
    tpu.enqueue_dma source(%dma_start3A_642 : memref<256xf32, #tpu.memory_space<vmem>>) target(%dma_start3A_640 : memref<256xf32, #tpu.memory_space<hbm>>) target_semaphore(%arg46 : memref<!tpu.dma_semaphore, #tpu.memory_space<semaphore_mem>>)
    %dma_wait3A_643 = arith.constant 0 : i32
    %dma_wait3A_644 = tpu.memref_slice %arg18[%dma_wait3A_643] : memref<512xf32, #tpu.memory_space<vmem>> -> memref<256xf32, #tpu.memory_space<vmem>>
    %dma_wait3A_645 = tpu.memref_slice %arg12[%add3A_420] : memref<16384xf32, #tpu.memory_space<hbm>> -> memref<256xf32, #tpu.memory_space<hbm>>
    %dma_wait3A_646 = tpu.memref_slice %arg12[%add3A_420] : memref<16384xf32, #tpu.memory_space<hbm>> -> memref<256xf32, #tpu.memory_space<hbm>>
    %dma_wait3A_647 = arith.constant 0 : i32
    %dma_wait3A_648 = tpu.memref_slice %arg18[%dma_wait3A_647] : memref<512xf32, #tpu.memory_space<vmem>> -> memref<256xf32, #tpu.memory_space<vmem>>
    tpu.wait_dma2 semaphore(%arg43 : memref<!tpu.dma_semaphore, #tpu.memory_space<semaphore_mem>>) src(%dma_wait3A_648 : memref<256xf32, #tpu.memory_space<vmem>>) dst(%dma_wait3A_646 : memref<256xf32, #tpu.memory_space<hbm>>)
    %dma_wait3A_649 = arith.constant 0 : i32
    %dma_wait3A_650 = tpu.memref_slice %arg19[%dma_wait3A_649] : memref<512xf32, #tpu.memory_space<vmem>> -> memref<256xf32, #tpu.memory_space<vmem>>
    %dma_wait3A_651 = tpu.memref_slice %arg13[%add3A_428] : memref<16384xf32, #tpu.memory_space<hbm>> -> memref<256xf32, #tpu.memory_space<hbm>>
    %dma_wait3A_652 = tpu.memref_slice %arg13[%add3A_428] : memref<16384xf32, #tpu.memory_space<hbm>> -> memref<256xf32, #tpu.memory_space<hbm>>
    %dma_wait3A_653 = arith.constant 0 : i32
    %dma_wait3A_654 = tpu.memref_slice %arg19[%dma_wait3A_653] : memref<512xf32, #tpu.memory_space<vmem>> -> memref<256xf32, #tpu.memory_space<vmem>>
    tpu.wait_dma2 semaphore(%arg45 : memref<!tpu.dma_semaphore, #tpu.memory_space<semaphore_mem>>) src(%dma_wait3A_654 : memref<256xf32, #tpu.memory_space<vmem>>) dst(%dma_wait3A_652 : memref<256xf32, #tpu.memory_space<hbm>>)
    %dma_wait3A_655 = arith.constant 256 : i32
    %dma_wait3A_656 = tpu.memref_slice %arg18[%dma_wait3A_655] : memref<512xf32, #tpu.memory_space<vmem>> -> memref<256xf32, #tpu.memory_space<vmem>>
    %dma_wait3A_657 = tpu.memref_slice %arg12[%add3A_628] : memref<16384xf32, #tpu.memory_space<hbm>> -> memref<256xf32, #tpu.memory_space<hbm>>
    %dma_wait3A_658 = tpu.memref_slice %arg12[%add3A_628] : memref<16384xf32, #tpu.memory_space<hbm>> -> memref<256xf32, #tpu.memory_space<hbm>>
    %dma_wait3A_659 = arith.constant 256 : i32
    %dma_wait3A_660 = tpu.memref_slice %arg18[%dma_wait3A_659] : memref<512xf32, #tpu.memory_space<vmem>> -> memref<256xf32, #tpu.memory_space<vmem>>
    tpu.wait_dma2 semaphore(%arg44 : memref<!tpu.dma_semaphore, #tpu.memory_space<semaphore_mem>>) src(%dma_wait3A_660 : memref<256xf32, #tpu.memory_space<vmem>>) dst(%dma_wait3A_658 : memref<256xf32, #tpu.memory_space<hbm>>)
    %dma_wait3A_661 = arith.constant 256 : i32
    %dma_wait3A_662 = tpu.memref_slice %arg19[%dma_wait3A_661] : memref<512xf32, #tpu.memory_space<vmem>> -> memref<256xf32, #tpu.memory_space<vmem>>
    %dma_wait3A_663 = tpu.memref_slice %arg13[%add3A_636] : memref<16384xf32, #tpu.memory_space<hbm>> -> memref<256xf32, #tpu.memory_space<hbm>>
    %dma_wait3A_664 = tpu.memref_slice %arg13[%add3A_636] : memref<16384xf32, #tpu.memory_space<hbm>> -> memref<256xf32, #tpu.memory_space<hbm>>
    %dma_wait3A_665 = arith.constant 256 : i32
    %dma_wait3A_666 = tpu.memref_slice %arg19[%dma_wait3A_665] : memref<512xf32, #tpu.memory_space<vmem>> -> memref<256xf32, #tpu.memory_space<vmem>>
    tpu.wait_dma2 semaphore(%arg46 : memref<!tpu.dma_semaphore, #tpu.memory_space<semaphore_mem>>) src(%dma_wait3A_666 : memref<256xf32, #tpu.memory_space<vmem>>) dst(%dma_wait3A_664 : memref<256xf32, #tpu.memory_space<hbm>>)
    return
  }
}

</mosaic_0001>

<sc_bundles>
// kernel: kernel.3.cloned.1.call-start
scs
__scs_entry_jumppad:
0x0: {  	(pc) =	sbr.rel $0x88, $3  }
0x1: {  	(tag) =	ssettag $0x0;
	lr =	simm.s32 $0x1  }
0x2: {  	[smem:$0x3F97] =	sst lr;
	_ =	strace $0xD0000000  }
0x3: {  	_ = 	snop  }
0x4: {  	_ = 	snop  }
0x5: {  	_ = 	snop  }
0x6: {  	_ = 	snop  }
0x7: {  	_ = 	snop  }
__scs_overlays_trampoline_lowered:
0x8: {  	[smem:$0x3FA6] =	sst s0  }
0x9: {  	[smem:$0x3FA7] =	sst s1  }
0xa: {  	[smem:$0x3FA8] =	sst s2  }
0xb: {  	[smem:$0x3FA9] =	sst s3  }
0xc: {  	[smem:$0x3FAA] =	sst s4  }
0xd: {  	[smem:$0x3FAB] =	sst s5  }
0xe: {  	[smem:$0x3FAC] =	sst s6  }
0xf: {  	[smem:$0x3FAD] =	sst s7  }
0x10: {  	[smem:$0x3FAE] =	sst s8  }
0x11: {  	[smem:$0x3FAF] =	sst s9;
	s0 =	simm.s32 @!p0 $0x0  }
0x12: {  	s1 =	sld [smem:$0x3F95];
	s0 =	simm.s32 @p0 $0x1  }
0x13: {  	[smem:$0x3FB0] =	sst s0;
	s0 =	simm.s32 @!p1 $0x0  }
0x14: {  	s2 =	sld [smem:$0x3F94];
	s0 =	simm.s32 @p1 $0x1  }
0x15: {  	[smem:$0x3FB1] =	sst s0;
	s0 =	simm.s32 @!p2 $0x0  }
0x16: {  	s3 =	sld [smem:$0x3FDB];
	s0 =	simm.s32 @p2 $0x1  }
0x17: {  	s4 =	simm.s32 $0x1BF5;
	[smem:$0x3FB3] =	sst s0  }
0x18: {  	s0 =	sld [smem:$0x3F96];
	_ =	swait.ge [sflag:s4], $0x0  }
0x19: {  	s7 =	sld [smem:$0x3F97]  }
0x1a: {  	s8 =	sadd.s32 $0xFFFFE003, lr  }
0x1b: {  	s9 =	sadd.s32 $0xFFFFFEF7, lr;
	s5 =	simm.s32 $0xFFFFFFFF;
	p2 =	slt.u32 s8, $0xFFFFF086  }
0x1c: {  	p1 =	slt.u32 s9, $0xF7A;
	s5 =	simm.s32 @!p2 $0x0  }
0x1d: {  	s5 =	simm.s32 @p1 $0x1;
	p0 =	seq.s32 s7, s2  }
0x1e: {  	s7 =	smul.u32 @!p0 $0xF7A, s2;
	p2 =	seq.s32 @!p0 s5, $0x0  }
0x1f: {  	s9 =	smul.u32 $0xF7A, s1;
	s8 =	simm.s32 @!p0 $0x1BF5;
	p2 =	por !p2, p0  }
0x20: {  	[sflag:s8] =	ssyncset.s32 @!p0 $0xFFFFF086;
	s6 =	sadd.s32 @!p0 s3, s7;
	s7 =	simm.s32 @!p0 $0x108  }
0x21: {  	s3 =	sadd.s32 s3, s9;
	s6 =	sadd.s32 @!p0 $0x88, s6;
	s7 =	simm.s32 @p2 $0x1082  }
0x22: {  	[simem:s7], [sflag:s8] =	dma.local @!p0 [hbm:s6], $0xF7A  }
0x23: {  	s9 =	sor.u32 $0xD0000000, s2;
	s6 =	simm.s32 $0x108;
	_ =	swait.ge @!p0 [sflag:s8], $0x0  }
0x24: {  	s3 =	sadd.s32 $0x88, s3;
	s6 =	simm.s32 @!p1 $0x1082;
	[sflag:s4] =	ssyncset.s32 $0xFFFFF086  }
0x25: {  	[simem:s6], [sflag:s4] =	dma.local [hbm:s3], $0xF7A  }
0x26: {  	[smem:$0x3F97] =	sst s1;
	(tag) =	ssettag s2;
	_ =	strace s9  }
0x27: {  	s1 =	sld [smem:$0x3FA7]  }
0x28: {  	s2 =	sld [smem:$0x3FA8]  }
0x29: {  	s4 =	sld [smem:$0x3FAA]  }
0x2a: {  	p0 =	seq.s32 s5, $0x0;
	s5 =	sld [smem:$0x3FAB]  }
0x2b: {  	s6 =	sld [smem:$0x3FAC]  }
0x2c: {  	s7 =	sld [smem:$0x3FAD]  }
0x2d: {  	s3 =	simm.s32 $0x108;
	s8 =	sld [smem:$0x3FAE]  }
0x2e: {  	s3 =	simm.s32 @!p0 $0x1082;
	s9 =	sld [smem:$0x3FAF]  }
0x2f: {  	lr =	sadd.s32 s0, s3;
	s0 =	sld [smem:$0x3FA6]  }
0x30: {  	s3 =	sld [smem:$0x3FA9]  }
0x31: {  	[smem:$0x3FB2] =	sst s10  }
0x32: {  	s10 =	sld [smem:$0x3FB0];
	_ =	sdelay $0x3  }
0x33: {  	p0 =	seq.s32 s10, $0x1;
	s10 =	sld [smem:$0x3FB2];
	_ =	sdelay $0x3  }
0x34: {  	[smem:$0x3FB2] =	sst s10  }
0x35: {  	s10 =	sld [smem:$0x3FB1];
	_ =	sdelay $0x3  }
0x36: {  	p1 =	seq.s32 s10, $0x1;
	s10 =	sld [smem:$0x3FB2];
	_ =	sdelay $0x3  }
0x37: {  	[smem:$0x3FB2] =	sst s10  }
0x38: {  	s10 =	sld [smem:$0x3FB3]  }
0x39: {  	_ = 	snop;
	(pc) =	sbr.ind lr, $3  }
0x3a: {  	_ = 	snop  }
0x3b: {  	_ = 	snop  }
0x3c: {  	p2 =	seq.s32 s10, $0x1;
	s10 =	sld [smem:$0x3FB2]  }
0x3d: {  	_ =	shalt  }
0x3e: {  	_ =	shalt  }
0x3f: {  	_ =	shalt  }
0x40: {  	_ =	shalt  }
0x41: {  	_ =	shalt  }
0x42: {  	_ =	shalt  }
0x43: {  	_ =	shalt  }
0x44: {  	_ =	shalt  }
0x45: {  	_ =	shalt  }
0x46: {  	_ =	shalt  }
0x47: {  	_ =	shalt  }
0x48: {  	_ =	shalt  }
0x49: {  	_ =	shalt  }
0x4a: {  	_ =	shalt  }
0x4b: {  	_ =	shalt  }
0x4c: {  	_ =	shalt  }
0x4d: {  	_ =	shalt  }
0x4e: {  	_ =	shalt  }
0x4f: {  	_ =	shalt  }
0x50: {  	_ =	shalt  }
0x51: {  	_ =	shalt  }
0x52: {  	_ =	shalt  }
0x53: {  	_ =	shalt  }
0x54: {  	_ =	shalt  }
0x55: {  	_ =	shalt  }
0x56: {  	_ =	shalt  }
0x57: {  	_ =	shalt  }
0x58: {  	_ =	shalt  }
0x59: {  	_ =	shalt  }
0x5a: {  	_ =	shalt  }
0x5b: {  	_ =	shalt  }
0x5c: {  	_ =	shalt  }
0x5d: {  	_ =	shalt  }
0x5e: {  	_ =	shalt  }
0x5f: {  	_ =	shalt  }
0x60: {  	_ =	shalt  }
0x61: {  	_ =	shalt  }
0x62: {  	_ =	shalt  }
0x63: {  	_ =	shalt  }
0x64: {  	_ =	shalt  }
0x65: {  	_ =	shalt  }
0x66: {  	_ =	shalt  }
0x67: {  	_ =	shalt  }
0x68: {  	_ =	shalt  }
0x69: {  	_ =	shalt  }
0x6a: {  	_ =	shalt  }
0x6b: {  	_ =	shalt  }
0x6c: {  	_ =	shalt  }
0x6d: {  	_ =	shalt  }
0x6e: {  	_ =	shalt  }
0x6f: {  	_ =	shalt  }
0x70: {  	_ =	shalt  }
0x71: {  	_ =	shalt  }
0x72: {  	_ =	shalt  }
0x73: {  	_ =	shalt  }
0x74: {  	_ =	shalt  }
0x75: {  	_ =	shalt  }
0x76: {  	_ =	shalt  }
0x77: {  	_ =	shalt  }
0x78: {  	_ =	shalt  }
0x79: {  	_ =	shalt  }
0x7a: {  	_ =	shalt  }
0x7b: {  	_ =	shalt  }
0x7c: {  	_ =	shalt  }
0x7d: {  	_ =	shalt  }
0x7e: {  	_ =	shalt  }
0x7f: {  	_ =	shalt  }
0x80: {  	_ =	shalt  }
0x81: {  	_ =	shalt  }
0x82: {  	_ =	shalt  }
0x83: {  	_ =	shalt  }
0x84: {  	_ =	shalt  }
0x85: {  	_ =	shalt  }
0x86: {  	_ =	shalt  }
0x87: {  	_ =	shalt  }
.Lfunc_end0:
.L_simem_size_0:
called_computation_lowered:
.L_overlay_start_0:
0x88: {  	s2 =	sld [smem:$0x3FD9]  }
0x89: {  	s3 =	sld [smem:$0x3FFE];
	_ =	sdelay $0x1  }
0x8a: {  	s1 =	srdreg.scid  }
0x8b: {  	s0 =	sand.u32 $0x1, s1  }
0x8c: {  	s25 =	sshll.u32 s0, $0xA;
	s2 =	sadd.s32 s3, s2  }
0x8d: {  	s2 =	sadd.s32 s2, s25  }
0x8e: {  	[smem:$0x3FBE] =	sst s2  }
0x8f: {  	_ = 	snop  }
0x90: {  	s6 =	sld [smem:$0x3FC9]  }
0x91: {  	s8 =	sld [smem:$0x3FC8]  }
0x92: {  	s2 =	sld [smem:$0x3FC7]  }
0x93: {  	s3 =	sld [smem:$0x3FC6]  }
0x94: {  	s4 =	sld [smem:$0x3FC5]  }
0x95: {  	s9 =	sld [smem:$0x3FC4]  }
0x96: {  	s5 =	sld [smem:$0x3FC3]  }
0x97: {  	s12 =	sld [smem:$0x3FD0]  }
0x98: {  	s7 =	sld [smem:$0x3FC2]  }
0x99: {  	s10 =	sld [smem:$0x3FC1]  }
0x9a: {  	s13 =	simm.s32 $0xA;
	s14 =	simm.s32 $0x10;
	s11 =	sld [smem:$0x3FC0]  }
0x9b: {  	[smem:s14], [sflag:s13] =	dma.local [hbm:s12], $0x1  }
0x9c: {  	_ =	swait.eq [sflag:s13], $0x1  }
0x9d: {  	[sflag:s13] =	ssyncset.done $0x0  }
0x9e: {  	s12 =	sld [smem:$0x10];
	[sflag:s13] =	ssyncadd.s32 $0xFFFFFFFF  }
0x9f: {  	s13 =	sld [smem:$0x11];
	(tm) =	ssettm $0x1  }
0xa0: {  	s26 =	sld [smem:$0x3FFB];
	_ =	sdelay $0x3  }
0xa1: {  	_ =	strace s26  }
0xa2: {  	s14 =	sld [smem:$0x3FFC];
	_ =	sdelay $0x3  }
0xa3: {  	_ =	strace s14  }
0xa4: {  	s14 =	sld [smem:$0x3FFD];
	_ =	sdelay $0x3  }
0xa5: {  	_ =	strace s14  }
0xa6: {  	_ =	strace $0x8FFFFFFF  }
0xa7: {  	s28 =	sld [smem:$0x3FDB];
	_ =	sdelay $0x1  }
0xa8: {  	s15 =	simm.s32 $_scs_section_size  }
0xa9: {  	s16 =	simm.s32 $_size__tile_task_arg_handler_lowered;
	s17 =	simm.s32 $_tile_task_arg_handler_lowered  }
0xaa: {  	s31 =	simm.s32 $0x1BFF;
	s30 =	sshll.u32 s17, $0x1;
	s15 =	sadd.s32 s15, s28  }
0xab: {  	s18 =	simm.s32 $0x60;
	s29 =	sshll.u32 s16, $0x1;
	s16 =	sadd.s32 s30, s15  }
0xac: {  	[timem:s18], [sflag:s31] =	dma.local [hbm:s16], s29  }
0xad: {  	_ =	swait.ge [sflag:s31], s29  }
0xae: {  	s19 =	simm.s32 $_tile_overlayer_lowered;
	s14 =	ssub.s32 $0x0, s29;
	[sflag:s31] =	ssyncset.done $0x0  }
0xaf: {  	s20 =	simm.s32 $_size__tile_overlayer_lowered;
	s16 =	sshll.u32 s19, $0x1;
	[sflag:s31] =	ssyncadd.s32 s14  }
0xb0: {  	s22 =	simm.s32 $0x0;
	s21 =	sshll.u32 s20, $0x1;
	s16 =	sadd.s32 s16, s15  }
0xb1: {  	[timem:s22], [sflag:s31] =	dma.local [hbm:s16], s21  }
0xb2: {  	_ =	swait.ge [sflag:s31], s21  }
0xb3: {  	s23 =	ssub.s32 $0x0, s21;
	[sflag:s31] =	ssyncset.done $0x0  }
0xb4: {  	[sflag:s31] =	ssyncadd.s32 s23;
	_ =	sdelay $0x1  }
0xb5: {  	s24 =	simm.s32 $0x1B8B  }
0xb6: {  	_ =	swait.ge [sflag:s24], $0x1  }
0xb7: {  	[sflag:s24] =	ssyncset.done $0x0  }
0xb8: {  	s25 =	simm.s32 $0x1B8E;
	[sflag:s24] =	ssyncadd.s32 $0xFFFFFFFF  }
0xb9: {  	s26 =	simm.s32 $execute0_lowered;
	[smem:$0x3FD2] =	sst s25  }
0xba: {  	s16 =	sshll.u32 s26, $0x1;
	_ =	strace $0x80000046;
	[dreg:$0x1] =	wrdreg $0xFFFFFFFF  }
0xbb: {  	s28 =	simm.s32 $_size_execute0_lowered;
	s15 =	sadd.s32 s15, s16;
	[dreg:$0x0] =	wrdreg $0x0  }
0xbc: {  	s16 =	sshll.u32 s28, $0x1;
	[dreg:$0x2] =	wrdreg s15  }
0xbd: {  	[dreg:$0x3] =	wrdreg s16  }
0xbe: {  	[dreg:$0x4] =	wrdreg $0xC0  }
0xbf: {  	_ =	task [dreg:s22], $0x5FFFF  }
0xc0: {  	[dreg:$0x1] =	wrdreg $0xFFFFFFFF  }
0xc1: {  	[dreg:$0x0] =	wrdreg $0x30  }
0xc2: {  	[dreg:$0x2] =	wrdreg $0x0  }
0xc3: {  	[dreg:$0x3] =	wrdreg $0x9  }
0xc4: {  	_ =	task [dreg:s22], $0x4FFFF  }
0xc5: {  	[dreg:$0x1] =	wrdreg $0xFFFFFFFF  }
0xc6: {  	[dreg:$0x0] =	wrdreg $0x60  }
0xc7: {  	[dreg:$0x2] =	wrdreg s8  }
0xc8: {  	[dreg:$0x3] =	wrdreg s6  }
0xc9: {  	[dreg:$0x4] =	wrdreg s9  }
0xca: {  	[dreg:$0x5] =	wrdreg s10  }
0xcb: {  	[dreg:$0x6] =	wrdreg s11  }
0xcc: {  	[dreg:$0x7] =	wrdreg s2  }
0xcd: {  	[dreg:$0x8] =	wrdreg s3  }
0xce: {  	[dreg:$0x9] =	wrdreg s4  }
0xcf: {  	[dreg:$0xa] =	wrdreg s5  }
0xd0: {  	[dreg:$0xb] =	wrdreg s7  }
0xd1: {  	[dreg:$0xc] =	wrdreg s12  }
0xd2: {  	[dreg:$0xd] =	wrdreg s13  }
0xd3: {  	[dreg:$0xe] =	wrdreg $0x10800  }
0xd4: {  	[dreg:$0xf] =	wrdreg $0x10C00  }
0xd5: {  	_ =	task.clear_ibuf [dreg:s22], $0x10FFFF;
	_ =	strace $0x90000046  }
0xd6: {  	s29 =	simm.s32 $0x9;
	_ =	strace $0x80000048  }
0xd7: {  	_ =	swait.ge [sflag:s29], $0x1  }
0xd8: {  	[sflag:s29] =	ssyncadd.s32 $0xFFFFFFFF  }
0xd9: {  	_ =	strace $0x90000048  }
0xda: {  	_ =	sfence  }
0xdb: {  	s30 =	sld [smem:$0x0];
	_ =	sdelay $0x2  }
0xdc: {  	s31 =	sshll.u32 s1, $0xD;
	s1 =	sshrl.u32 s1, $0x2  }
0xdd: {  	s3 =	sand.u32 $0x4000, s31;
	s1 =	sadd.s32 s1, s30  }
0xde: {  	s0 =	sor.u32 s3, s0;
	s1 =	sshll.u32 s1, $0x11  }
0xdf: {  	s0 =	sor.u32 s1, s0  }
0xe0: {  	s0 =	sadd.s32 $0x8F2B, s0  }
0xe1: {  	[sflag:s0] =	ssyncadd.remote.s32 $0x1  }
0xe2: {  	_ =	sfence.sel $0xFFFF  }
0xe3: {  	[dreg:$0x0] =	wrdreg $0xFFFFFFFF;
	(pc) =	sbr.abs _section_cstart, $3  }
0xe4: {  	[dreg:$0x1] =	wrdreg $0xFFFFFFFF  }
0xe5: {  	_ =	task.clear_ibuf [dreg:s22], $0x2FFFF;
	_ =	strace $0x9FFFFFFF  }
0xe6: {  	(tm) =	ssettm $0x7FFFFFFF  }
0xe7: {  	_ =	shalt  }
tec
_tile_task_arg_handler_lowered:
.L_overlay_start_1:
0x0: {  	(tag) =	ssettag $0x1  }
0x1: {  	s0 =	rddreg [dreg:$0x0]  }
0x2: {  	s1 =	rddreg [dreg:$0x1]  }
0x3: {  	s2 =	rddreg [dreg:$0x2]  }
0x4: {  	s3 =	rddreg [dreg:$0x3]  }
0x5: {  	s4 =	rddreg [dreg:$0x4]  }
0x6: {  	s5 =	rddreg [dreg:$0x5]  }
0x7: {  	s6 =	rddreg [dreg:$0x6]  }
0x8: {  	s7 =	rddreg [dreg:$0x7]  }
0x9: {  	s8 =	rddreg [dreg:$0x8]  }
0xa: {  	s9 =	rddreg [dreg:$0x9]  }
0xb: {  	s10 =	rddreg [dreg:$0xa]  }
0xc: {  	s11 =	rddreg [dreg:$0xb]  }
0xd: {  	s12 =	rddreg [dreg:$0xc]  }
0xe: {  	s13 =	rddreg [dreg:$0xd]  }
0xf: {  	[smem:s0] =	sst s1  }
0x10: {  	[smem:s0+$0x1] =	sst s2  }
0x11: {  	[smem:s0+$0x2] =	sst s3  }
0x12: {  	[smem:s0+$0x3] =	sst s4  }
0x13: {  	[smem:s0+$0x4] =	sst s5  }
0x14: {  	[smem:s0+$0x5] =	sst s6  }
0x15: {  	[smem:s0+$0x6] =	sst s7  }
0x16: {  	[smem:s0+$0x7] =	sst s8  }
0x17: {  	[smem:s0+$0x8] =	sst s9  }
0x18: {  	[smem:s0+$0x9] =	sst s10  }
0x19: {  	[smem:s0+$0xA] =	sst s11  }
0x1a: {  	[smem:s0+$0xB] =	sst s12  }
0x1b: {  	[smem:s0+$0xC] =	sst s13;
	_ =	shalt  }
.Lfunc_end2:
execute0_lowered:
.L_overlay_start_2:
0x1c: {  	(tag) =	ssettag $0x2  }
0x1d: {  	s0 =	rddreg [dreg:$0x0]  }
0x1e: {  	s1 =	rddreg [dreg:$0x1]  }
0x1f: {  	s2 =	rddreg [dreg:$0x2]  }
0x20: {  	s3 =	rddreg [dreg:$0x3]  }
0x21: {  	s4 =	rddreg [dreg:$0x4]  }
0x22: {  	s5 =	rddreg [dreg:$0xa]  }
0x23: {  	s6 =	rddreg [dreg:$0xb]  }
0x24: {  	s15 =	rddreg [dreg:$0xc]  }
0x25: {  	s16 =	rddreg [dreg:$0xd];
	s8 =	simm.s32 $0x0  }
0x26: {  	s7 =	srdreg.scid;
	s12 =	stileid.u32;
	s31 =	simm.s32 $0x200  }
0x27: {  	s30 =	simm.s32 $0xA;
	s28 =	simm.s32 $0xE;
	s29 =	simm.s32 $0x10  }
0x28: {  	[smem:$0x7FF] =	sst s8;
	s7 =	sand.u32 $0x1, s7;
	s11 =	sshll.u32 s12, $0x6  }
0x29: {  	s12 =	sshll.u32 s12, $0x7;
	s9 =	sld [smem:$0x0];
	s22 =	ssub.s32 $0x2, s7  }
0x2a: {  	s7 =	sshll.u32 s7, $0x6;
	s11 =	smin.u32 s11, $0x3A8;
	s10 =	sshrl.u32 s22, $0x1  }
0x2b: {  	s7 =	sor.u32 s7, s12;
	s23 =	sshrl.u32 s11, $0x3;
	s15 =	sadd.s32 s11, s15  }
0x2c: {  	s16 =	sadd.s32 s11, s16;
	s2 =	sadd.s32 s2, s23;
	s24 =	sadd.s32 s3, s23  }
0x2d: {  	s25 =	sadd.s32 s4, s23;
	s13 =	sadd.s32 s0, s7;
	s14 =	sadd.s32 s1, s7  }
0x2e: {  	s17 =	sadd.s32 s5, s7;
	s26 =	sor.u32 $0x20, s7;
	s18 =	sadd.s32 s6, s7  }
0x2f: {  	s0 =	simm.s32 $0x5;
	s1 =	simm.s32 $0x6;
	s3 =	simm.s32 $0x2  }
0x30: {  	s4 =	simm.s32 $0x7;
	s7 =	simm.s32 $0xC;
	s23 =	simm.s32 $0xD  }
0x31: {  	v0 =	vimm.s32 $0x0;
	[dreg:$0xe] =	wrdreg s9;
	s9 =	ssub.s32 s22, s10;
	s19 =	sadd.s32 s5, s26  }
0x32: {  	v1 =	vimm.s32 $0x8;
	v2 =	vimm.s32 $0x1;
	v3 =	vimm.s32 $0x2;
	s20 =	sadd.s32 s6, s26;
	s5 =	simm.s32 $0x3;
	s22 =	simm.s32 $0x8  }
0x33: {  	v4 =	vimm.s32 $0x3;
	v5 =	vimm.s32 $0x4;
	v6 =	vimm.s32 $0x5;
	s26 =	simm.s32 $0x9;
	_ =	strace $0x80000047;
	[dreg:$0xf] =	wrdreg s2  }
0x34: {  	v7 =	vimm.s32 $0x6;
	v8 =	vimm.s32 $0x7;
	v9 =	vimm.s32 $0x9;
	s6 =	simm.s32 $0xB;
	s10 =	simm.s32 $0x0;
	[dreg:$0x10] =	wrdreg s24  }
0x35: {  	v10 =	vimm.s32 $0xA;
	v11 =	vimm.s32 $0xB;
	v12 =	vimm.s32 $0xC;
	[dreg:$0x11] =	wrdreg s25;
	s21 =	smax.u32 s9, $0x1;
	s9 =	simm.s32 $0x4  }
0x36: {  	v13 =	vimm.s32 $0xD;
	v14 =	vimm.s32 $0xE;
	v15 =	vimm.s32 $0xF;
	s2 =	simm.s32 $0x1;
	s24 =	simm.s32 $0x11;
	s25 =	simm.s32 $0xF  }
.LBB3_1:
0x37: {  	s11 =	rddreg [dreg:$0x5];
	s12 =	simm.s32 $0xC00  }
0x38: {  	[tilespmem:s12], [sflag:$0x1] =	stream.linear.gather [hbm4b:s11+s8], $0x80, $0x38;
	[tilespmem:$0x1100] =	vst v63  }
0x39: {  	s11 =	rddreg [dreg:$0x6];
	s12 =	simm.s32 $0xC80  }
0x3a: {  	[tilespmem:s12], [sflag:$0x2] =	stream.linear.gather [hbm4b:s11+s8], $0x80, $0x38;
	[tilespmem:$0x1100] =	vst v63  }
0x3b: {  	s11 =	rddreg [dreg:$0x7];
	s12 =	simm.s32 $0xD00  }
0x3c: {  	[tilespmem:s12], [sflag:$0x3] =	stream.linear.gather [hbm4b:s11+s8], $0x80, $0x38;
	[tilespmem:$0x1100] =	vst v63  }
0x3d: {  	s11 =	rddreg [dreg:$0x8];
	s12 =	simm.s32 $0xD80  }
0x3e: {  	[tilespmem:s12], [sflag:$0x4] =	stream.linear.gather [hbm4b:s11+s8], $0x1, $0x38;
	[tilespmem:$0x1100] =	vst v63  }
0x3f: {  	s11 =	rddreg [dreg:$0x9];
	s12 =	simm.s32 $0xD88  }
0x40: {  	[tilespmem:s12], [sflag:$0x5] =	stream.linear.gather [hbm4b:s11+s8], $0x1, $0x38;
	[tilespmem:$0x1100] =	vst v63  }
0x41: {  	s11 =	rddreg [dreg:$0xf];
	s12 =	simm.s32 $0xE00  }
0x42: {  	[tilespmem:s12], [sflag:$0x6] =	stream.linear.gather [hbm4b:s11+s8], $0x40, $0x38;
	[tilespmem:$0x1100] =	vst v63  }
0x43: {  	s11 =	rddreg [dreg:$0x10];
	s12 =	simm.s32 $0xE80  }
0x44: {  	[tilespmem:s12], [sflag:$0x7] =	stream.linear.gather [hbm4b:s11+s8], $0x40, $0x38;
	[tilespmem:$0x1100] =	vst v63  }
0x45: {  	s11 =	rddreg [dreg:$0x11];
	s12 =	simm.s32 $0xF00  }
0x46: {  	[tilespmem:s12], [sflag:$0x8] =	stream.linear.gather [hbm4b:s11+s8], $0x40, $0x38;
	[tilespmem:$0x1100] =	vst v63  }
0x47: {  	_ = 	snop  }
0x48: {  	[tilespmem:s8], [sflag:$0x9] =	stream.linear.gather [hbm4b:s13+s8], $0x200, $0x38;
	[tilespmem:$0x1100] =	vst v63  }
0x49: {  	_ = 	snop  }
0x4a: {  	[tilespmem:s31], [sflag:$0xA] =	stream.linear.gather [hbm4b:s14+s8], $0x200, $0x38;
	[tilespmem:$0x1100] =	vst v63  }
0x4b: {  	_ =	swait.ge [sflag:s5], $0x80  }
0x4c: {  	[sflag:s5] =	ssyncset.done $0x0  }
0x4d: {  	[sflag:s5] =	ssyncadd.s32 $0xFFFFFF80  }
0x4e: {  	v22 =	vld [tilespmem:$0xD00]  }
0x4f: {  	v23 =	vld [tilespmem:$0xD10]  }
0x50: {  	v21 =	vld [tilespmem:$0xD20]  }
0x51: {  	v20 =	vld [tilespmem:$0xD30]  }
0x52: {  	v19 =	vld [tilespmem:$0xD40]  }
0x53: {  	v18 =	vld [tilespmem:$0xD50]  }
0x54: {  	v17 =	vld [tilespmem:$0xD60]  }
0x55: {  	v16 =	vld [tilespmem:$0xD70];
	_ =	swait.ge [sflag:s9], $0x1  }
0x56: {  	[sflag:s9] =	ssyncset.done $0x0  }
0x57: {  	[sflag:s9] =	ssyncadd.s32 $0xFFFFFFFF  }
0x58: {  	_ =	swait.ge [sflag:s0], $0x1  }
0x59: {  	[sflag:s0] =	ssyncset.done $0x0  }
0x5a: {  	[sflag:s0] =	ssyncadd.s32 $0xFFFFFFFF  }
0x5b: {  	_ =	swait.ge [sflag:s1], $0x40  }
0x5c: {  	[sflag:s1] =	ssyncset.done $0x0  }
0x5d: {  	[sflag:s1] =	ssyncadd.s32 $0xFFFFFFC0  }
0x5e: {  	v24 =	vld [tilespmem:$0xD80];
	_ =	sdelay $0x4  }
0x5f: {  	v25 =	vperm.xlane v24, v1;
	_ =	sdelay $0x1  }
0x60: {  	(erf) = vrcp.f32 v25;
	_ =	sdelay $0x4  }
0x61: {  	v26 =	vld [tilespmem:$0xE10]  }
0x62: {  	v27 =	vld [tilespmem:$0xE20]  }
0x63: {  	v25 =	vld [tilespmem:$0xE00]  }
0x64: {  	v28 =	vld [tilespmem:$0xE30]  }
0x65: {  	v29 =	vpop (erf)  }
0x66: {  	v24 =	vperm.xlane v24, v0;
	_ =	swait.ge [sflag:s2], $0x80  }
0x67: {  	[sflag:s2] =	ssyncset.done $0x0  }
0x68: {  	v31 =	vimm.f32 $0.0e+00;
	v26 =	vsub.f32 v26, v24;
	v25 =	vsub.f32 v25, v24;
	[sflag:s2] =	ssyncadd.s32 $0xFFFFFF80  }
0x69: {  	v32 =	vimm.f32 $0.0e+00;
	v27 =	vsub.f32 v27, v24;
	v28 =	vsub.f32 v28, v24;
	_ =	swait.ge [sflag:s3], $0x80  }
0x6a: {  	v33 =	vimm.f32 $0.0e+00;
	v24 =	vmul.f32 v25, v29;
	v25 =	vmul.f32 v26, v29;
	[sflag:s3] =	ssyncset.done $0x0  }
0x6b: {  	v34 =	vimm.f32 $0.0e+00;
	s11 =	simm.s32 $0x0;
	v26 =	vmul.f32 v27, v29;
	v27 =	vmul.f32 v28, v29;
	[sflag:s3] =	ssyncadd.s32 $0xFFFFFF80  }
.LBB3_2:
0x6c: {  	s12 =	sshra.s32 s11, $0x2  }
0x6d: {  	v28 =	vld [tilespmem:s12+$0xC00];
	_ =	sdelay $0x1  }
0x6e: {  	v29 =	vld [tilespmem:s12+$0xC80];
	_ =	sdelay $0x2  }
0x6f: {  	v30 =	vmul.f32 $1.591549370e-01, v28;
	_ =	sdelay $0x1  }
0x70: {  	v29 =	vmul.f32 $1.591549370e-01, v29;
	v35 =	vperm.xlane v30, v0;
	_ =	sdelay $0x1  }
0x71: {  	v36 =	vperm.xlane v29, v0;
	v28 =	vmul.f32 v35, v24;
	_ =	sdelay $0x1  }
0x72: {  	v28 =	vadd.f32 v36, v28;
	_ =	sdelay $0x1  }
0x73: {  	v37 =	vadd.f32 $1.258291200e+07, v28;
	_ =	sdelay $0x1  }
0x74: {  	v37 =	vadd.f32 $-1.258291200e+07, v37;
	_ =	sdelay $0x1  }
0x75: {  	v53 =	vmul.f32 v35, v25;
	v28 =	vsub.f32 v28, v37;
	_ =	sdelay $0x1  }
0x76: {  	v38 =	vmul.f32 v28, v28;
	v28 =	vadd.f32 v36, v53  }
0x77: {  	v40 =	vmul.f32 v35, v26  }
0x78: {  	v39 =	vadd.f32 $1.258291200e+07, v28  }
0x79: {  	v40 =	vadd.f32 v36, v40  }
0x7a: {  	v58 =	vperm.xlane v30, v2;
	v54 =	vmul.f32 $4.556412510e+01, v38;
	v39 =	vadd.f32 $-1.258291200e+07, v39  }
0x7b: {  	v43 =	vperm.xlane v29, v2;
	v42 =	vadd.f32 $1.258291200e+07, v40  }
0x7c: {  	v44 =	vmul.f32 v58, v24;
	v37 =	vadd.f32 $-8.238470460e+01, v54;
	v28 =	vsub.f32 v28, v39  }
0x7d: {  	v35 =	vmul.f32 v35, v27;
	v61 =	vmul.f32 v58, v25;
	v56 =	vadd.f32 $-1.258291200e+07, v42  }
0x7e: {  	v60 =	vadd.f32 v43, v44;
	v37 =	vmul.f32 v37, v38;
	v39 =	vmul.f32 v28, v28  }
0x7f: {  	v47 =	vmul.f32 v58, v26;
	v44 =	vadd.f32 v43, v61;
	v40 =	vsub.f32 v40, v56  }
0x80: {  	v35 =	vadd.f32 v36, v35;
	v37 =	vadd.f32 $6.467359160e+01, v37;
	v41 =	vmul.f32 $4.556412510e+01, v39  }
0x81: {  	v51 =	vadd.f32 v43, v47;
	v48 =	vadd.f32 $1.258291200e+07, v44;
	v40 =	vmul.f32 v40, v40  }
0x82: {  	v59 =	vadd.f32 $1.258291200e+07, v35;
	v37 =	vmul.f32 v37, v38;
	v41 =	vadd.f32 $-8.238470460e+01, v41  }
0x83: {  	v63 =	vadd.f32 $1.258291200e+07, v60;
	v49 =	vadd.f32 $-1.258291200e+07, v48;
	v45 =	vmul.f32 $4.556412510e+01, v40;
	v28 =	vld [tilespmem:s12+$0xD00]  }
0x84: {  	v53 =	vadd.f32 $1.258291200e+07, v51;
	v37 =	vadd.f32 $-1.973118020e+01, v37;
	v55 =	vmul.f32 v41, v39  }
0x85: {  	v62 =	vadd.f32 $-8.238470460e+01, v45;
	v41 =	vadd.f32 $-1.258291200e+07, v59  }
0x86: {  	v45 =	vadd.f32 $-1.258291200e+07, v53;
	v37 =	vmul.f32 v37, v38;
	v38 =	vadd.f32 $6.467359160e+01, v55  }
0x87: {  	v35 =	vsub.f32 v35, v41;
	v41 =	vadd.f32 $-1.258291200e+07, v63  }
0x88: {  	v42 =	vperm.xlane v28, v0;
	v37 =	vadd.f32 $9.999616140e-01, v37;
	v38 =	vmul.f32 v38, v39  }
0x89: {  	v35 =	vmul.f32 v35, v35;
	v36 =	vsub.f32 v60, v41;
	v41 =	vsub.f32 v44, v49  }
0x8a: {  	v57 =	vmul.f32 v37, v42;
	v37 =	vmul.f32 v58, v27;
	v38 =	vadd.f32 $-1.973118020e+01, v38  }
0x8b: {  	v46 =	vmul.f32 $4.556412510e+01, v35;
	v41 =	vmul.f32 v41, v41  }
0x8c: {  	v45 =	vsub.f32 v51, v45;
	v38 =	vmul.f32 v38, v39;
	v39 =	vmul.f32 v62, v40  }
0x8d: {  	v34 =	vadd.f32 v57, v34;
	v36 =	vmul.f32 v36, v36;
	v50 =	vadd.f32 $-8.238470460e+01, v46  }
0x8e: {  	v55 =	vmul.f32 $4.556412510e+01, v41;
	v38 =	vadd.f32 $9.999616140e-01, v38;
	v39 =	vadd.f32 $6.467359160e+01, v39  }
0x8f: {  	v37 =	vadd.f32 v43, v37;
	v54 =	vmul.f32 $4.556412510e+01, v36;
	v52 =	vmul.f32 v50, v35  }
0x90: {  	v57 =	vadd.f32 $-8.238470460e+01, v55;
	v38 =	vmul.f32 v38, v42;
	v39 =	vmul.f32 v39, v40  }
0x91: {  	v58 =	vadd.f32 $1.258291200e+07, v37;
	v46 =	vperm.xlane v28, v2;
	v44 =	vadd.f32 $6.467359160e+01, v52  }
0x92: {  	v43 =	vmul.f32 v57, v41;
	v33 =	vadd.f32 v38, v33;
	v39 =	vadd.f32 $-1.973118020e+01, v39  }
0x93: {  	v38 =	vadd.f32 $-8.238470460e+01, v54;
	v56 =	vmul.f32 v44, v35;
	v44 =	vmul.f32 v45, v45  }
0x94: {  	v45 =	vadd.f32 $-1.258291200e+07, v58;
	v60 =	vadd.f32 $6.467359160e+01, v43;
	v39 =	vmul.f32 v39, v40  }
0x95: {  	v38 =	vmul.f32 v38, v36;
	v40 =	vadd.f32 $-1.973118020e+01, v56;
	v59 =	vmul.f32 $4.556412510e+01, v44  }
0x96: {  	v37 =	vsub.f32 v37, v45;
	v45 =	vperm.xlane v30, v3;
	v39 =	vadd.f32 $9.999616140e-01, v39  }
0x97: {  	v38 =	vadd.f32 $6.467359160e+01, v38;
	v35 =	vmul.f32 v40, v35;
	v40 =	vmul.f32 v60, v41  }
0x98: {  	v61 =	vadd.f32 $-8.238470460e+01, v59;
	v37 =	vmul.f32 v37, v37;
	v62 =	vmul.f32 v45, v24  }
0x99: {  	v59 =	vmul.f32 v45, v25;
	v39 =	vmul.f32 v39, v42  }
0x9a: {  	v38 =	vmul.f32 v38, v36;
	v35 =	vadd.f32 $9.999616140e-01, v35;
	v43 =	vmul.f32 v61, v44  }
0x9b: {  	v63 =	vadd.f32 $-1.973118020e+01, v40;
	v49 =	vmul.f32 $4.556412510e+01, v37;
	v61 =	vmul.f32 v45, v26  }
0x9c: {  	v38 =	vadd.f32 $-1.973118020e+01, v38;
	v32 =	vadd.f32 v39, v32;
	v39 =	vperm.xlane v29, v3  }
0x9d: {  	v35 =	vmul.f32 v35, v42;
	v48 =	vadd.f32 $6.467359160e+01, v43;
	v51 =	vadd.f32 $-8.238470460e+01, v49  }
0x9e: {  	v36 =	vmul.f32 v38, v36;
	v50 =	vadd.f32 v39, v62;
	v38 =	vmul.f32 v63, v41  }
0x9f: {  	v40 =	vmul.f32 v48, v44;
	v31 =	vadd.f32 v35, v31;
	v60 =	vadd.f32 v39, v59  }
0xa0: {  	v56 =	vmul.f32 v51, v37;
	v36 =	vadd.f32 $9.999616140e-01, v36;
	v52 =	vadd.f32 $1.258291200e+07, v50  }
0xa1: {  	v48 =	vmul.f32 v45, v27;
	v54 =	vadd.f32 $9.999616140e-01, v38;
	v55 =	vadd.f32 $-1.973118020e+01, v40  }
0xa2: {  	v40 =	vadd.f32 $6.467359160e+01, v56;
	v62 =	vadd.f32 $1.258291200e+07, v60;
	v53 =	vmul.f32 v36, v46  }
0xa3: {  	v57 =	vadd.f32 $-1.258291200e+07, v52;
	v38 =	vmul.f32 v55, v44;
	v36 =	vadd.f32 v39, v61  }
0xa4: {  	v40 =	vmul.f32 v40, v37;
	v42 =	vadd.f32 $-1.258291200e+07, v62;
	v39 =	vadd.f32 v39, v48  }
0xa5: {  	v43 =	vperm.xlane v29, v4;
	v34 =	vadd.f32 v53, v34;
	v41 =	vsub.f32 v50, v57  }
0xa6: {  	v44 =	vperm.xlane v30, v4;
	v38 =	vadd.f32 $9.999616140e-01, v38;
	v40 =	vadd.f32 $-1.973118020e+01, v40  }
0xa7: {  	v58 =	vmul.f32 v54, v46;
	v49 =	vadd.f32 $1.258291200e+07, v36;
	v35 =	vsub.f32 v60, v42  }
0xa8: {  	v52 =	vadd.f32 $1.258291200e+07, v39;
	v54 =	vmul.f32 v44, v24;
	v60 =	vmul.f32 v44, v25  }
0xa9: {  	v33 =	vadd.f32 v58, v33;
	v41 =	vmul.f32 v41, v41;
	v37 =	vmul.f32 v40, v37  }
0xaa: {  	v38 =	vmul.f32 v38, v46;
	v51 =	vadd.f32 $-1.258291200e+07, v49;
	v53 =	vadd.f32 $-1.258291200e+07, v52  }
0xab: {  	v35 =	vmul.f32 v35, v35;
	v56 =	vadd.f32 v43, v54;
	v42 =	vadd.f32 v43, v60  }
0xac: {  	v63 =	vmul.f32 $4.556412510e+01, v41;
	v37 =	vadd.f32 $9.999616140e-01, v37;
	v36 =	vsub.f32 v36, v51  }
0xad: {  	v32 =	vadd.f32 v38, v32;
	v39 =	vsub.f32 v39, v53  }
0xae: {  	v55 =	vmul.f32 $4.556412510e+01, v35;
	v48 =	vadd.f32 $1.258291200e+07, v42;
	v50 =	vadd.f32 $-8.238470460e+01, v63  }
0xaf: {  	v58 =	vadd.f32 $1.258291200e+07, v56;
	v36 =	vmul.f32 v36, v36;
	v37 =	vmul.f32 v37, v46  }
0xb0: {  	v38 =	vadd.f32 $-8.238470460e+01, v55;
	v54 =	vadd.f32 $-1.258291200e+07, v48;
	v40 =	vmul.f32 v50, v41  }
0xb1: {  	v57 =	vmul.f32 $4.556412510e+01, v36;
	v31 =	vadd.f32 v37, v31;
	v37 =	vmul.f32 v39, v39  }
0xb2: {  	v38 =	vmul.f32 v38, v35;
	v39 =	vadd.f32 $-1.258291200e+07, v58;
	v58 =	vmul.f32 v44, v26  }
0xb3: {  	v40 =	vadd.f32 $6.467359160e+01, v40;
	v45 =	vadd.f32 $-8.238470460e+01, v57;
	v59 =	vmul.f32 $4.556412510e+01, v37  }
0xb4: {  	v44 =	vmul.f32 v44, v27;
	v38 =	vadd.f32 $6.467359160e+01, v38;
	v39 =	vsub.f32 v56, v39  }
0xb5: {  	v40 =	vmul.f32 v40, v41;
	v45 =	vmul.f32 v45, v36;
	v47 =	vadd.f32 $-8.238470460e+01, v59  }
0xb6: {  	v57 =	vsub.f32 v42, v54;
	v38 =	vmul.f32 v38, v35;
	v39 =	vmul.f32 v39, v39  }
0xb7: {  	v40 =	vadd.f32 $-1.973118020e+01, v40;
	v61 =	vadd.f32 $6.467359160e+01, v45;
	v62 =	vmul.f32 v47, v37  }
0xb8: {  	v60 =	vadd.f32 v43, v58;
	v38 =	vadd.f32 $-1.973118020e+01, v38;
	v63 =	vmul.f32 $4.556412510e+01, v39  }
0xb9: {  	v40 =	vmul.f32 v40, v41;
	v41 =	vmul.f32 v61, v36;
	v45 =	vadd.f32 $6.467359160e+01, v62  }
0xba: {  	v35 =	vmul.f32 v38, v35;
	v53 =	vadd.f32 $-8.238470460e+01, v63;
	v61 =	vadd.f32 v43, v44  }
0xbb: {  	v46 =	vperm.xlane v28, v3;
	v63 =	vadd.f32 $1.258291200e+07, v60;
	v40 =	vadd.f32 $9.999616140e-01, v40  }
0xbc: {  	v51 =	vadd.f32 $-1.973118020e+01, v41;
	v52 =	vmul.f32 v45, v37;
	v35 =	vadd.f32 $9.999616140e-01, v35  }
0xbd: {  	v56 =	vmul.f32 v53, v39;
	v48 =	vadd.f32 $1.258291200e+07, v61;
	v44 =	vadd.f32 $-1.258291200e+07, v63  }
0xbe: {  	v40 =	vmul.f32 v40, v46;
	v36 =	vmul.f32 v51, v36;
	v55 =	vadd.f32 $-1.973118020e+01, v52  }
0xbf: {  	v59 =	vadd.f32 $6.467359160e+01, v56;
	v35 =	vmul.f32 v35, v46;
	v45 =	vadd.f32 $-1.258291200e+07, v48  }
0xc0: {  	v41 =	vsub.f32 v60, v44;
	v34 =	vadd.f32 v40, v34;
	v37 =	vmul.f32 v55, v37  }
0xc1: {  	v36 =	vadd.f32 $9.999616140e-01, v36;
	v40 =	vmul.f32 v57, v57;
	v38 =	vmul.f32 v59, v39  }
0xc2: {  	v33 =	vadd.f32 v35, v33;
	v42 =	vsub.f32 v61, v45;
	v52 =	vmul.f32 v41, v41  }
0xc3: {  	v62 =	vmul.f32 $4.556412510e+01, v40;
	v36 =	vmul.f32 v36, v46;
	v38 =	vadd.f32 $-1.973118020e+01, v38  }
0xc4: {  	v37 =	vadd.f32 $9.999616140e-01, v37;
	v53 =	vmul.f32 v42, v42;
	v56 =	vmul.f32 $4.556412510e+01, v52  }
0xc5: {  	v43 =	vadd.f32 $-8.238470460e+01, v62;
	v49 =	vmul.f32 v38, v39;
	v38 =	vperm.xlane v30, v5  }
0xc6: {  	v37 =	vmul.f32 v37, v46;
	v32 =	vadd.f32 v36, v32;
	v36 =	vperm.xlane v29, v5  }
0xc7: {  	v57 =	vmul.f32 $4.556412510e+01, v53;
	v44 =	vadd.f32 $-8.238470460e+01, v56;
	v51 =	vmul.f32 v38, v24  }
0xc8: {  	v50 =	vmul.f32 v43, v40;
	v31 =	vadd.f32 v37, v31;
	v55 =	vmul.f32 v38, v25  }
0xc9: {  	v45 =	vadd.f32 $-8.238470460e+01, v57;
	v54 =	vadd.f32 v36, v51  }
0xca: {  	v44 =	vmul.f32 v44, v52;
	v39 =	vadd.f32 $6.467359160e+01, v50;
	v43 =	vadd.f32 v36, v55  }
0xcb: {  	v35 =	vadd.f32 $9.999616140e-01, v49;
	v45 =	vmul.f32 v45, v53;
	v58 =	vadd.f32 $1.258291200e+07, v54  }
0xcc: {  	v62 =	vadd.f32 $6.467359160e+01, v44;
	v39 =	vmul.f32 v39, v40;
	v59 =	vadd.f32 $1.258291200e+07, v43  }
0xcd: {  	v60 =	vperm.xlane v28, v4;
	v63 =	vadd.f32 $6.467359160e+01, v45;
	v46 =	vadd.f32 $-1.258291200e+07, v58  }
0xce: {  	v39 =	vadd.f32 $-1.973118020e+01, v39;
	v61 =	vadd.f32 $-1.258291200e+07, v59  }
0xcf: {  	v35 =	vmul.f32 v35, v60;
	v44 =	vmul.f32 v63, v53;
	v42 =	vsub.f32 v54, v46  }
0xd0: {  	v50 =	vmul.f32 v38, v26;
	v39 =	vmul.f32 v39, v40;
	v43 =	vsub.f32 v43, v61  }
0xd1: {  	v40 =	vmul.f32 v62, v52;
	v44 =	vadd.f32 $-1.973118020e+01, v44;
	v42 =	vmul.f32 v42, v42  }
0xd2: {  	v38 =	vmul.f32 v38, v27;
	v39 =	vadd.f32 $9.999616140e-01, v39;
	v43 =	vmul.f32 v43, v43  }
0xd3: {  	v40 =	vadd.f32 $-1.973118020e+01, v40;
	v53 =	vmul.f32 v44, v53;
	v49 =	vmul.f32 $4.556412510e+01, v42  }
0xd4: {  	v34 =	vadd.f32 v35, v34;
	v39 =	vmul.f32 v39, v60;
	v51 =	vmul.f32 $4.556412510e+01, v43  }
0xd5: {  	v37 =	vmul.f32 v40, v52;
	v52 =	vadd.f32 v36, v50;
	v40 =	vadd.f32 $9.999616140e-01, v53  }
0xd6: {  	v36 =	vadd.f32 v36, v38;
	v35 =	vadd.f32 $-8.238470460e+01, v49  }
0xd7: {  	v33 =	vadd.f32 v39, v33;
	v54 =	vadd.f32 $-8.238470460e+01, v51  }
0xd8: {  	v37 =	vadd.f32 $9.999616140e-01, v37;
	v55 =	vadd.f32 $1.258291200e+07, v52  }
0xd9: {  	v56 =	vmul.f32 v40, v60;
	v58 =	vadd.f32 $1.258291200e+07, v36;
	v35 =	vmul.f32 v35, v42  }
0xda: {  	v41 =	vmul.f32 v54, v43;
	v44 =	vadd.f32 $-1.258291200e+07, v55;
	v37 =	vmul.f32 v37, v60  }
0xdb: {  	v60 =	vperm.xlane v30, v6;
	v31 =	vadd.f32 v56, v31;
	v55 =	vperm.xlane v28, v5  }
0xdc: {  	v35 =	vadd.f32 $6.467359160e+01, v35;
	v39 =	vsub.f32 v52, v44;
	v44 =	vperm.xlane v29, v6  }
0xdd: {  	v57 =	vadd.f32 $6.467359160e+01, v41;
	v61 =	vmul.f32 v60, v24;
	v51 =	vmul.f32 v60, v25  }
0xde: {  	v41 =	vadd.f32 $-1.258291200e+07, v58;
	v53 =	vmul.f32 v60, v26;
	v40 =	vmul.f32 v60, v27  }
0xdf: {  	v32 =	vadd.f32 v37, v32;
	v35 =	vmul.f32 v35, v42;
	v59 =	vmul.f32 v57, v43  }
0xe0: {  	v39 =	vmul.f32 v39, v39;
	v36 =	vsub.f32 v36, v41;
	v63 =	vadd.f32 v44, v61  }
0xe1: {  	v45 =	vadd.f32 v44, v53;
	v40 =	vadd.f32 v44, v40;
	v53 =	vperm.xlane v30, v7  }
0xe2: {  	v35 =	vadd.f32 $-1.973118020e+01, v35;
	v37 =	vadd.f32 $-1.973118020e+01, v59;
	v62 =	vmul.f32 $4.556412510e+01, v39  }
0xe3: {  	v36 =	vmul.f32 v36, v36;
	v52 =	vadd.f32 $1.258291200e+07, v63;
	v57 =	vadd.f32 $1.258291200e+07, v45  }
0xe4: {  	v35 =	vmul.f32 v35, v42;
	v37 =	vmul.f32 v37, v43;
	v38 =	vadd.f32 $-8.238470460e+01, v62  }
0xe5: {  	v54 =	vmul.f32 $4.556412510e+01, v36;
	v42 =	vadd.f32 v44, v51;
	v43 =	vadd.f32 $-1.258291200e+07, v52  }
0xe6: {  	v44 =	vperm.xlane v30, v8;
	v35 =	vadd.f32 $9.999616140e-01, v35;
	v37 =	vadd.f32 $9.999616140e-01, v37  }
0xe7: {  	v38 =	vmul.f32 v38, v39;
	v46 =	vadd.f32 $-8.238470460e+01, v54;
	v56 =	vadd.f32 $1.258291200e+07, v42  }
0xe8: {  	v41 =	vsub.f32 v63, v43;
	v43 =	vadd.f32 $-1.258291200e+07, v57;
	v57 =	vmul.f32 v53, v24  }
0xe9: {  	v35 =	vmul.f32 v35, v55;
	v38 =	vadd.f32 $6.467359160e+01, v38;
	v46 =	vmul.f32 v46, v36  }
0xea: {  	v48 =	vadd.f32 $-1.258291200e+07, v56;
	v41 =	vmul.f32 v41, v41;
	v37 =	vmul.f32 v37, v55  }
0xeb: {  	v43 =	vsub.f32 v45, v43;
	v56 =	vperm.xlane v29, v7;
	v38 =	vmul.f32 v38, v39  }
0xec: {  	v42 =	vsub.f32 v42, v48;
	v46 =	vadd.f32 $6.467359160e+01, v46;
	v58 =	vmul.f32 $4.556412510e+01, v41  }
0xed: {  	v34 =	vadd.f32 v35, v34;
	v33 =	vadd.f32 v37, v33;
	v60 =	vmul.f32 v43, v43  }
0xee: {  	v48 =	vadd.f32 $1.258291200e+07, v40;
	v35 =	vmul.f32 v42, v42;
	v59 =	vmul.f32 v46, v36  }
0xef: {  	v61 =	vadd.f32 $-8.238470460e+01, v58;
	v38 =	vadd.f32 $-1.973118020e+01, v38;
	v63 =	vmul.f32 $4.556412510e+01, v60  }
0xf0: {  	v52 =	vadd.f32 $-1.258291200e+07, v48;
	v62 =	vmul.f32 $4.556412510e+01, v35;
	v37 =	vadd.f32 $-1.973118020e+01, v59  }
0xf1: {  	v43 =	vmul.f32 v61, v41;
	v38 =	vmul.f32 v38, v39;
	v49 =	vadd.f32 $-8.238470460e+01, v63  }
0xf2: {  	v40 =	vsub.f32 v40, v52;
	v61 =	vmul.f32 v53, v25;
	v45 =	vadd.f32 $-8.238470460e+01, v62  }
0xf3: {  	v36 =	vmul.f32 v37, v36;
	v50 =	vadd.f32 $6.467359160e+01, v43;
	v37 =	vmul.f32 v49, v60  }
0xf4: {  	v38 =	vadd.f32 $9.999616140e-01, v38;
	v40 =	vmul.f32 v40, v40;
	v42 =	vadd.f32 v56, v61  }
0xf5: {  	v51 =	vmul.f32 v45, v35;
	v36 =	vadd.f32 $9.999616140e-01, v36;
	v37 =	vadd.f32 $6.467359160e+01, v37  }
0xf6: {  	v39 =	vmul.f32 v50, v41;
	v38 =	vmul.f32 v38, v55;
	v52 =	vadd.f32 $1.258291200e+07, v42  }
0xf7: {  	v43 =	vadd.f32 $6.467359160e+01, v51;
	v36 =	vmul.f32 v36, v55;
	v37 =	vmul.f32 v37, v60  }
0xf8: {  	v39 =	vadd.f32 $-1.973118020e+01, v39;
	v32 =	vadd.f32 v38, v32;
	v55 =	vmul.f32 $4.556412510e+01, v40  }
0xf9: {  	v38 =	vmul.f32 v53, v27;
	v43 =	vmul.f32 v43, v35;
	v37 =	vadd.f32 $-1.973118020e+01, v37  }
0xfa: {  	v39 =	vmul.f32 v39, v41;
	v31 =	vadd.f32 v36, v31;
	v59 =	vadd.f32 $-8.238470460e+01, v55  }
0xfb: {  	v62 =	vmul.f32 v53, v26;
	v38 =	vadd.f32 v56, v38;
	v54 =	vadd.f32 $-1.973118020e+01, v43  }
0xfc: {  	v58 =	vadd.f32 $9.999616140e-01, v39;
	v37 =	vmul.f32 v37, v60;
	v60 =	vadd.f32 v56, v57  }
0xfd: {  	v39 =	vmul.f32 v59, v40;
	v43 =	vadd.f32 v56, v62;
	v56 =	vadd.f32 $1.258291200e+07, v38  }
0xfe: {  	v63 =	vperm.xlane v28, v6;
	v37 =	vadd.f32 $9.999616140e-01, v37;
	v45 =	vadd.f32 $1.258291200e+07, v60  }
0xff: {  	v35 =	vmul.f32 v54, v35;
	v39 =	vadd.f32 $6.467359160e+01, v39;
	v53 =	vadd.f32 $1.258291200e+07, v43  }
0x100: {  	v36 =	vmul.f32 v58, v63;
	v54 =	vadd.f32 $-1.258291200e+07, v52;
	v58 =	vadd.f32 $-1.258291200e+07, v56  }
0x101: {  	v51 =	vmul.f32 v44, v24;
	v35 =	vadd.f32 $9.999616140e-01, v35;
	v45 =	vadd.f32 $-1.258291200e+07, v45  }
0x102: {  	v39 =	vmul.f32 v39, v40;
	v55 =	vadd.f32 $-1.258291200e+07, v53;
	v42 =	vsub.f32 v42, v54  }
0x103: {  	v37 =	vmul.f32 v37, v63;
	v38 =	vsub.f32 v38, v58;
	v41 =	vsub.f32 v60, v45  }
0x104: {  	v39 =	vadd.f32 $-1.973118020e+01, v39;
	v35 =	vmul.f32 v35, v63;
	v59 =	vmul.f32 v42, v42  }
0x105: {  	v43 =	vsub.f32 v43, v55;
	v38 =	vmul.f32 v38, v38;
	v45 =	vperm.xlane v29, v8  }
0x106: {  	v41 =	vmul.f32 v41, v41;
	v39 =	vmul.f32 v39, v40  }
0x107: {  	v32 =	vadd.f32 v37, v32;
	v42 =	vmul.f32 v43, v43;
	v50 =	vmul.f32 $4.556412510e+01, v38  }
0x108: {  	v60 =	vmul.f32 $4.556412510e+01, v59;
	v33 =	vadd.f32 v35, v33;
	v57 =	vmul.f32 $4.556412510e+01, v41  }
0x109: {  	v55 =	vadd.f32 v45, v51;
	v61 =	vmul.f32 $4.556412510e+01, v42;
	v37 =	vadd.f32 $-8.238470460e+01, v50  }
0x10a: {  	v56 =	vperm.xlane v28, v7;
	v39 =	vadd.f32 $9.999616140e-01, v39;
	v40 =	vadd.f32 $-8.238470460e+01, v57  }
0x10b: {  	v48 =	vadd.f32 $-8.238470460e+01, v60;
	v49 =	vadd.f32 $-8.238470460e+01, v61;
	v37 =	vmul.f32 v37, v38  }
0x10c: {  	v62 =	vmul.f32 v39, v63;
	v57 =	vadd.f32 $1.258291200e+07, v55;
	v63 =	vmul.f32 v40, v41  }
0x10d: {  	v40 =	vmul.f32 v48, v59;
	v43 =	vmul.f32 v49, v42;
	v37 =	vadd.f32 $6.467359160e+01, v37  }
0x10e: {  	v58 =	vmul.f32 v44, v25;
	v47 =	vadd.f32 $-1.258291200e+07, v57;
	v39 =	vadd.f32 $6.467359160e+01, v63  }
0x10f: {  	v49 =	vmul.f32 v44, v26;
	v53 =	vadd.f32 $6.467359160e+01, v40;
	v54 =	vadd.f32 $6.467359160e+01, v43  }
0x110: {  	v31 =	vadd.f32 v62, v31;
	v37 =	vmul.f32 v37, v38;
	v52 =	vmul.f32 v39, v41  }
0x111: {  	v60 =	vsub.f32 v55, v47;
	v39 =	vmul.f32 v53, v59;
	v40 =	vmul.f32 v54, v42  }
0x112: {  	v43 =	vperm.xlane v29, v1;
	v37 =	vadd.f32 $-1.973118020e+01, v37;
	v35 =	vadd.f32 $-1.973118020e+01, v52  }
0x113: {  	v62 =	vmul.f32 v60, v60;
	v39 =	vadd.f32 $-1.973118020e+01, v39;
	v40 =	vadd.f32 $-1.973118020e+01, v40  }
0x114: {  	v34 =	vadd.f32 v36, v34;
	v37 =	vmul.f32 v37, v38;
	v35 =	vmul.f32 v35, v41  }
0x115: {  	v36 =	vmul.f32 v39, v59;
	v59 =	vadd.f32 v45, v58;
	v40 =	vmul.f32 v40, v42  }
0x116: {  	v37 =	vadd.f32 $9.999616140e-01, v37;
	v39 =	vperm.xlane v30, v1;
	v35 =	vadd.f32 $9.999616140e-01, v35  }
0x117: {  	v41 =	vmul.f32 $4.556412510e+01, v62;
	v36 =	vadd.f32 $9.999616140e-01, v36;
	v61 =	vadd.f32 $1.258291200e+07, v59  }
0x118: {  	v40 =	vadd.f32 $9.999616140e-01, v40;
	v37 =	vmul.f32 v37, v56;
	v55 =	vmul.f32 v39, v24  }
0x119: {  	v50 =	vadd.f32 $-8.238470460e+01, v41;
	v58 =	vmul.f32 v39, v25;
	v35 =	vmul.f32 v35, v56  }
0x11a: {  	v63 =	vmul.f32 v36, v56;
	v47 =	vadd.f32 $-1.258291200e+07, v61;
	v36 =	vadd.f32 v45, v49  }
0x11b: {  	v51 =	vmul.f32 v44, v27;
	v31 =	vadd.f32 v37, v31;
	v44 =	vadd.f32 v43, v55  }
0x11c: {  	v40 =	vmul.f32 v40, v56;
	v46 =	vadd.f32 v43, v58;
	v34 =	vadd.f32 v35, v34  }
0x11d: {  	v52 =	vmul.f32 v50, v62;
	v33 =	vadd.f32 v63, v33;
	v48 =	vsub.f32 v59, v47  }
0x11e: {  	v55 =	vmul.f32 v39, v26;
	v32 =	vadd.f32 v40, v32;
	v54 =	vadd.f32 $1.258291200e+07, v36  }
0x11f: {  	v39 =	vmul.f32 v39, v27;
	v40 =	vadd.f32 v45, v51;
	v37 =	vadd.f32 $6.467359160e+01, v52  }
0x120: {  	v49 =	vperm.xlane v29, v9;
	v57 =	vadd.f32 $1.258291200e+07, v44;
	v61 =	vadd.f32 $1.258291200e+07, v46  }
0x121: {  	v35 =	vmul.f32 v48, v48;
	v42 =	vadd.f32 $-1.258291200e+07, v54;
	v45 =	vadd.f32 $1.258291200e+07, v40  }
0x122: {  	v39 =	vadd.f32 v43, v39;
	v37 =	vmul.f32 v37, v62;
	v48 =	vperm.xlane v30, v9  }
0x123: {  	v53 =	vmul.f32 $4.556412510e+01, v35;
	v36 =	vsub.f32 v36, v42;
	v56 =	vadd.f32 $-1.258291200e+07, v45  }
0x124: {  	v37 =	vadd.f32 $-1.973118020e+01, v37;
	v42 =	vperm.xlane v28, v8;
	v45 =	vadd.f32 $-1.258291200e+07, v57  }
0x125: {  	v50 =	vmul.f32 v48, v24;
	v41 =	vadd.f32 $-8.238470460e+01, v53;
	v36 =	vmul.f32 v36, v36  }
0x126: {  	v40 =	vsub.f32 v40, v56;
	v37 =	vmul.f32 v37, v62;
	v44 =	vsub.f32 v44, v45  }
0x127: {  	v45 =	vadd.f32 $-1.258291200e+07, v61;
	v51 =	vadd.f32 v49, v50;
	v41 =	vmul.f32 v41, v35  }
0x128: {  	v60 =	vmul.f32 $4.556412510e+01, v36;
	v40 =	vmul.f32 v40, v40;
	v37 =	vadd.f32 $9.999616140e-01, v37  }
0x129: {  	v44 =	vmul.f32 v44, v44;
	v45 =	vsub.f32 v46, v45;
	v46 =	vadd.f32 v43, v55  }
0x12a: {  	v59 =	vadd.f32 $6.467359160e+01, v41;
	v62 =	vmul.f32 $4.556412510e+01, v40;
	v37 =	vmul.f32 v37, v42  }
0x12b: {  	v41 =	vadd.f32 $-8.238470460e+01, v60;
	v63 =	vmul.f32 $4.556412510e+01, v44;
	v45 =	vmul.f32 v45, v45  }
0x12c: {  	v58 =	vadd.f32 $1.258291200e+07, v46;
	v38 =	vmul.f32 v59, v35;
	v47 =	vadd.f32 $-8.238470460e+01, v62  }
0x12d: {  	v41 =	vmul.f32 v41, v36;
	v34 =	vadd.f32 v37, v34;
	v54 =	vadd.f32 $-8.238470460e+01, v63  }
0x12e: {  	v56 =	vmul.f32 $4.556412510e+01, v45;
	v63 =	vadd.f32 $1.258291200e+07, v39;
	v38 =	vadd.f32 $-1.973118020e+01, v38  }
0x12f: {  	v52 =	vadd.f32 $6.467359160e+01, v41;
	v53 =	vmul.f32 v47, v40;
	v41 =	vmul.f32 v54, v44  }
0x130: {  	v47 =	vadd.f32 $-8.238470460e+01, v56;
	v54 =	vadd.f32 $1.258291200e+07, v51;
	v35 =	vmul.f32 v38, v35  }
0x131: {  	v37 =	vmul.f32 v52, v36;
	v38 =	vadd.f32 $6.467359160e+01, v53;
	v41 =	vadd.f32 $6.467359160e+01, v41  }
0x132: {  	v61 =	vmul.f32 v47, v45;
	v52 =	vmul.f32 v48, v25;
	v35 =	vadd.f32 $9.999616140e-01, v35  }
0x133: {  	v37 =	vadd.f32 $-1.973118020e+01, v37;
	v38 =	vmul.f32 v38, v40;
	v60 =	vmul.f32 v41, v44  }
0x134: {  	v62 =	vadd.f32 $6.467359160e+01, v61;
	v41 =	vadd.f32 $-1.258291200e+07, v63;
	v35 =	vmul.f32 v35, v42  }
0x135: {  	v57 =	vmul.f32 v37, v36;
	v59 =	vadd.f32 $-1.973118020e+01, v38;
	v36 =	vadd.f32 $-1.258291200e+07, v58  }
0x136: {  	v38 =	vadd.f32 $-1.973118020e+01, v60;
	v39 =	vsub.f32 v39, v41  }
0x137: {  	v41 =	vadd.f32 v49, v52;
	v33 =	vadd.f32 v35, v33  }
0x138: {  	v35 =	vadd.f32 $9.999616140e-01, v57;
	v37 =	vmul.f32 v59, v40;
	v38 =	vmul.f32 v38, v44  }
0x139: {  	v36 =	vsub.f32 v46, v36;
	v40 =	vmul.f32 v62, v45;
	v39 =	vmul.f32 v39, v39  }
0x13a: {  	v57 =	vadd.f32 $-1.258291200e+07, v54;
	v58 =	vadd.f32 $1.258291200e+07, v41;
	v59 =	vmul.f32 v48, v26  }
0x13b: {  	v35 =	vmul.f32 v35, v42;
	v37 =	vadd.f32 $9.999616140e-01, v37;
	v36 =	vmul.f32 v36, v36  }
0x13c: {  	v38 =	vadd.f32 $9.999616140e-01, v38;
	v40 =	vadd.f32 $-1.973118020e+01, v40;
	v53 =	vmul.f32 $4.556412510e+01, v39  }
0x13d: {  	v60 =	vadd.f32 $-1.258291200e+07, v58;
	v61 =	vadd.f32 v49, v59;
	v46 =	vmul.f32 $4.556412510e+01, v36  }
0x13e: {  	v37 =	vmul.f32 v37, v42;
	v42 =	vperm.xlane v28, v1;
	v32 =	vadd.f32 v35, v32  }
0x13f: {  	v40 =	vmul.f32 v40, v45;
	v35 =	vsub.f32 v51, v57;
	v43 =	vadd.f32 $-8.238470460e+01, v46  }
0x140: {  	v56 =	vadd.f32 $-8.238470460e+01, v53;
	v47 =	vmul.f32 v38, v42;
	v38 =	vmul.f32 v48, v27  }
0x141: {  	v62 =	vsub.f32 v41, v60;
	v35 =	vmul.f32 v35, v35;
	v43 =	vmul.f32 v43, v36  }
0x142: {  	v31 =	vadd.f32 v37, v31;
	v37 =	vadd.f32 v49, v38  }
0x143: {  	v40 =	vadd.f32 $9.999616140e-01, v40;
	v48 =	vmul.f32 $4.556412510e+01, v35;
	v43 =	vadd.f32 $6.467359160e+01, v43  }
0x144: {  	v60 =	vperm.xlane v28, v9;
	v34 =	vadd.f32 v47, v34;
	v49 =	vadd.f32 $1.258291200e+07, v37  }
0x145: {  	v40 =	vmul.f32 v40, v42;
	v38 =	vadd.f32 $-8.238470460e+01, v48;
	v55 =	vmul.f32 v43, v36  }
0x146: {  	v47 =	vadd.f32 $1.258291200e+07, v61;
	v43 =	vmul.f32 v56, v39;
	v44 =	vadd.f32 $-1.258291200e+07, v49  }
0x147: {  	v33 =	vadd.f32 v40, v33;
	v38 =	vmul.f32 v38, v35;
	v40 =	vadd.f32 $-1.973118020e+01, v55  }
0x148: {  	v43 =	vadd.f32 $6.467359160e+01, v43;
	v37 =	vsub.f32 v37, v44;
	v44 =	vperm.xlane v30, v10  }
0x149: {  	v38 =	vadd.f32 $6.467359160e+01, v38;
	v36 =	vmul.f32 v40, v36;
	v40 =	vmul.f32 v62, v62  }
0x14a: {  	v63 =	vmul.f32 v43, v39;
	v43 =	vadd.f32 $-1.258291200e+07, v47;
	v37 =	vmul.f32 v37, v37  }
0x14b: {  	v53 =	vmul.f32 v44, v24;
	v36 =	vadd.f32 $9.999616140e-01, v36;
	v50 =	vmul.f32 $4.556412510e+01, v40  }
0x14c: {  	v38 =	vmul.f32 v38, v35;
	v41 =	vadd.f32 $-1.973118020e+01, v63;
	v43 =	vsub.f32 v61, v43  }
0x14d: {  	v55 =	vmul.f32 $4.556412510e+01, v37;
	v36 =	vmul.f32 v36, v42;
	v51 =	vadd.f32 $-8.238470460e+01, v50  }
0x14e: {  	v38 =	vadd.f32 $-1.973118020e+01, v38;
	v39 =	vmul.f32 v41, v39;
	v43 =	vmul.f32 v43, v43  }
0x14f: {  	v41 =	vmul.f32 v51, v40;
	v32 =	vadd.f32 v36, v32;
	v36 =	vperm.xlane v29, v10  }
0x150: {  	v49 =	vmul.f32 v44, v25;
	v58 =	vadd.f32 $-8.238470460e+01, v55;
	v52 =	vmul.f32 $4.556412510e+01, v43  }
0x151: {  	v35 =	vmul.f32 v38, v35;
	v41 =	vadd.f32 $6.467359160e+01, v41;
	v46 =	vadd.f32 v36, v53  }
0x152: {  	v39 =	vadd.f32 $9.999616140e-01, v39;
	v63 =	vmul.f32 v58, v37;
	v54 =	vadd.f32 $-8.238470460e+01, v52  }
0x153: {  	v35 =	vadd.f32 $9.999616140e-01, v35;
	v56 =	vmul.f32 v41, v40;
	v59 =	vadd.f32 $1.258291200e+07, v46  }
0x154: {  	v39 =	vmul.f32 v39, v42;
	v57 =	vmul.f32 v54, v43;
	v41 =	vadd.f32 $6.467359160e+01, v63  }
0x155: {  	v35 =	vmul.f32 v35, v60;
	v61 =	vadd.f32 $-1.973118020e+01, v56;
	v48 =	vadd.f32 $-1.258291200e+07, v59  }
0x156: {  	v31 =	vadd.f32 v39, v31;
	v62 =	vadd.f32 $6.467359160e+01, v57;
	v41 =	vmul.f32 v41, v37  }
0x157: {  	v38 =	vmul.f32 v61, v40;
	v42 =	vsub.f32 v46, v48;
	v40 =	vadd.f32 v36, v49  }
0x158: {  	v34 =	vadd.f32 v35, v34;
	v54 =	vmul.f32 v44, v26;
	v41 =	vadd.f32 $-1.973118020e+01, v41  }
0x159: {  	v39 =	vmul.f32 v62, v43;
	v42 =	vmul.f32 v42, v42;
	v51 =	vadd.f32 $1.258291200e+07, v40  }
0x15a: {  	v56 =	vmul.f32 v44, v27;
	v38 =	vadd.f32 $9.999616140e-01, v38;
	v37 =	vmul.f32 v41, v37  }
0x15b: {  	v39 =	vadd.f32 $-1.973118020e+01, v39;
	v52 =	vmul.f32 $4.556412510e+01, v42;
	v53 =	vadd.f32 $-1.258291200e+07, v51  }
0x15c: {  	v50 =	vmul.f32 v38, v60;
	v38 =	vadd.f32 v36, v54;
	v37 =	vadd.f32 $9.999616140e-01, v37  }
0x15d: {  	v39 =	vmul.f32 v39, v43;
	v36 =	vadd.f32 v36, v56;
	v55 =	vadd.f32 $-8.238470460e+01, v52  }
0x15e: {  	v35 =	vsub.f32 v40, v53;
	v57 =	vadd.f32 $1.258291200e+07, v38  }
0x15f: {  	v33 =	vadd.f32 v50, v33;
	v39 =	vadd.f32 $9.999616140e-01, v39;
	v37 =	vmul.f32 v37, v60  }
0x160: {  	v41 =	vmul.f32 v55, v42;
	v35 =	vmul.f32 v35, v35;
	v43 =	vadd.f32 $-1.258291200e+07, v57  }
0x161: {  	v39 =	vmul.f32 v39, v60;
	v60 =	vadd.f32 $1.258291200e+07, v36;
	v31 =	vadd.f32 v37, v31  }
0x162: {  	v58 =	vadd.f32 $6.467359160e+01, v41;
	v41 =	vperm.xlane v30, v11;
	v59 =	vmul.f32 $4.556412510e+01, v35  }
0x163: {  	v32 =	vadd.f32 v39, v32;
	v39 =	vperm.xlane v29, v11;
	v38 =	vsub.f32 v38, v43  }
0x164: {  	v62 =	vadd.f32 $-1.258291200e+07, v60;
	v61 =	vmul.f32 v41, v24;
	v40 =	vmul.f32 v58, v42  }
0x165: {  	v44 =	vadd.f32 $-8.238470460e+01, v59;
	v51 =	vmul.f32 v41, v25;
	v38 =	vmul.f32 v38, v38  }
0x166: {  	v36 =	vsub.f32 v36, v62;
	v58 =	vperm.xlane v28, v10;
	v49 =	vmul.f32 v41, v26  }
0x167: {  	v41 =	vmul.f32 v41, v27;
	v63 =	vadd.f32 v39, v61;
	v46 =	vadd.f32 v39, v51  }
0x168: {  	v40 =	vadd.f32 $-1.973118020e+01, v40;
	v52 =	vmul.f32 v44, v35;
	v54 =	vmul.f32 $4.556412510e+01, v38  }
0x169: {  	v36 =	vmul.f32 v36, v36;
	v53 =	vadd.f32 $1.258291200e+07, v63;
	v56 =	vadd.f32 $1.258291200e+07, v46  }
0x16a: {  	v40 =	vmul.f32 v40, v42;
	v43 =	vadd.f32 $6.467359160e+01, v52;
	v37 =	vadd.f32 $-8.238470460e+01, v54  }
0x16b: {  	v57 =	vmul.f32 $4.556412510e+01, v36;
	v55 =	vadd.f32 $-1.258291200e+07, v53;
	v44 =	vadd.f32 $-1.258291200e+07, v56  }
0x16c: {  	v40 =	vadd.f32 $9.999616140e-01, v40;
	v43 =	vmul.f32 v43, v35;
	v37 =	vmul.f32 v37, v38  }
0x16d: {  	v59 =	vadd.f32 $-8.238470460e+01, v57;
	v56 =	vperm.xlane v30, v12;
	v57 =	vperm.xlane v29, v12  }
0x16e: {  	v42 =	vsub.f32 v63, v55;
	v44 =	vsub.f32 v46, v44;
	v40 =	vmul.f32 v40, v58  }
0x16f: {  	v43 =	vadd.f32 $-1.973118020e+01, v43;
	v45 =	vmul.f32 v59, v36;
	v37 =	vadd.f32 $6.467359160e+01, v37  }
0x170: {  	v46 =	vadd.f32 v39, v49;
	v39 =	vadd.f32 v39, v41;
	v42 =	vmul.f32 v42, v42  }
0x171: {  	v44 =	vmul.f32 v44, v44;
	v34 =	vadd.f32 v40, v34;
	v35 =	vmul.f32 v43, v35  }
0x172: {  	v61 =	vadd.f32 $6.467359160e+01, v45;
	v37 =	vmul.f32 v37, v38;
	v53 =	vadd.f32 $1.258291200e+07, v46  }
0x173: {  	v41 =	vadd.f32 $1.258291200e+07, v39;
	v60 =	vmul.f32 $4.556412510e+01, v42;
	v63 =	vmul.f32 $4.556412510e+01, v44  }
0x174: {  	v35 =	vadd.f32 $9.999616140e-01, v35;
	v40 =	vmul.f32 v61, v36;
	v37 =	vadd.f32 $-1.973118020e+01, v37  }
0x175: {  	v41 =	vadd.f32 $-1.258291200e+07, v41;
	v61 =	vmul.f32 v56, v25;
	v62 =	vadd.f32 $-8.238470460e+01, v60  }
0x176: {  	v45 =	vadd.f32 $-8.238470460e+01, v63;
	v35 =	vmul.f32 v35, v58;
	v40 =	vadd.f32 $-1.973118020e+01, v40  }
0x177: {  	v37 =	vmul.f32 v37, v38;
	v39 =	vsub.f32 v39, v41;
	v63 =	vmul.f32 v56, v26  }
0x178: {  	v41 =	vadd.f32 v57, v61;
	v43 =	vmul.f32 v62, v42;
	v51 =	vmul.f32 v45, v44  }
0x179: {  	v33 =	vadd.f32 v35, v33;
	v52 =	vmul.f32 v40, v36;
	v37 =	vadd.f32 $9.999616140e-01, v37  }
0x17a: {  	v36 =	vadd.f32 $-1.258291200e+07, v53;
	v62 =	vmul.f32 v39, v39;
	v39 =	vadd.f32 v57, v63  }
0x17b: {  	v49 =	vadd.f32 $1.258291200e+07, v41;
	v50 =	vadd.f32 $6.467359160e+01, v43  }
0x17c: {  	v54 =	vadd.f32 $6.467359160e+01, v51;
	v35 =	vadd.f32 $9.999616140e-01, v52;
	v37 =	vmul.f32 v37, v58  }
0x17d: {  	v36 =	vsub.f32 v46, v36;
	v48 =	vmul.f32 $4.556412510e+01, v62;
	v46 =	vperm.xlane v29, v13  }
0x17e: {  	v51 =	vadd.f32 $-1.258291200e+07, v49;
	v38 =	vmul.f32 v50, v42;
	v40 =	vmul.f32 v54, v44  }
0x17f: {  	v35 =	vmul.f32 v35, v58;
	v32 =	vadd.f32 v37, v32;
	v37 =	vperm.xlane v28, v11  }
0x180: {  	v36 =	vmul.f32 v36, v36;
	v45 =	vadd.f32 $-8.238470460e+01, v48;
	v50 =	vadd.f32 $1.258291200e+07, v39  }
0x181: {  	v58 =	vmul.f32 v56, v24;
	v41 =	vsub.f32 v41, v51;
	v38 =	vadd.f32 $-1.973118020e+01, v38  }
0x182: {  	v40 =	vadd.f32 $-1.973118020e+01, v40;
	v31 =	vadd.f32 v35, v31;
	v55 =	vmul.f32 $4.556412510e+01, v36  }
0x183: {  	v60 =	vadd.f32 v57, v58;
	v45 =	vmul.f32 v45, v62;
	v41 =	vmul.f32 v41, v41  }
0x184: {  	v52 =	vadd.f32 $-1.258291200e+07, v50;
	v38 =	vmul.f32 v38, v42;
	v40 =	vmul.f32 v40, v44  }
0x185: {  	v35 =	vadd.f32 $-8.238470460e+01, v55;
	v44 =	vadd.f32 $1.258291200e+07, v60;
	v42 =	vmul.f32 v56, v27  }
0x186: {  	v53 =	vadd.f32 $6.467359160e+01, v45;
	v39 =	vsub.f32 v39, v52;
	v56 =	vmul.f32 $4.556412510e+01, v41  }
0x187: {  	v40 =	vadd.f32 $9.999616140e-01, v40;
	v35 =	vmul.f32 v35, v36;
	v44 =	vadd.f32 $-1.258291200e+07, v44  }
0x188: {  	v38 =	vadd.f32 $9.999616140e-01, v38;
	v42 =	vadd.f32 v57, v42;
	v39 =	vmul.f32 v39, v39  }
0x189: {  	v59 =	vmul.f32 v40, v37;
	v35 =	vadd.f32 $6.467359160e+01, v35;
	v40 =	vsub.f32 v60, v44  }
0x18a: {  	v45 =	vadd.f32 $-8.238470460e+01, v56;
	v56 =	vperm.xlane v28, v12;
	v55 =	vadd.f32 $1.258291200e+07, v42  }
0x18b: {  	v35 =	vmul.f32 v35, v36;
	v40 =	vmul.f32 v40, v40  }
0x18c: {  	v38 =	vmul.f32 v38, v37;
	v57 =	vmul.f32 $4.556412510e+01, v39;
	v44 =	vadd.f32 $-1.258291200e+07, v55  }
0x18d: {  	v61 =	vmul.f32 v45, v41;
	v35 =	vadd.f32 $-1.973118020e+01, v35;
	v54 =	vmul.f32 $4.556412510e+01, v40  }
0x18e: {  	v34 =	vadd.f32 v38, v34;
	v42 =	vsub.f32 v42, v44;
	v44 =	vperm.xlane v30, v13  }
0x18f: {  	v35 =	vmul.f32 v35, v36;
	v36 =	vmul.f32 v53, v62;
	v43 =	vadd.f32 $-8.238470460e+01, v54  }
0x190: {  	v33 =	vadd.f32 v59, v33;
	v59 =	vadd.f32 $-8.238470460e+01, v57;
	v63 =	vmul.f32 v44, v24  }
0x191: {  	v35 =	vadd.f32 $9.999616140e-01, v35;
	v36 =	vadd.f32 $-1.973118020e+01, v36;
	v43 =	vmul.f32 v43, v40  }
0x192: {  	v42 =	vmul.f32 v42, v42;
	v47 =	vmul.f32 v44, v27;
	v51 =	vadd.f32 v46, v63  }
0x193: {  	v35 =	vmul.f32 v35, v37;
	v58 =	vmul.f32 v36, v62;
	v60 =	vadd.f32 $6.467359160e+01, v43  }
0x194: {  	v36 =	vmul.f32 v59, v39;
	v43 =	vadd.f32 $6.467359160e+01, v61;
	v55 =	vadd.f32 $1.258291200e+07, v51  }
0x195: {  	v62 =	vmul.f32 $4.556412510e+01, v42;
	v32 =	vadd.f32 v35, v32;
	v35 =	vadd.f32 $9.999616140e-01, v58  }
0x196: {  	v38 =	vmul.f32 v60, v40;
	v36 =	vadd.f32 $6.467359160e+01, v36;
	v49 =	vmul.f32 v43, v41  }
0x197: {  	v50 =	vadd.f32 $-8.238470460e+01, v62;
	v57 =	vadd.f32 $-1.258291200e+07, v55;
	v58 =	vmul.f32 v44, v25  }
0x198: {  	v62 =	vmul.f32 v44, v26;
	v35 =	vmul.f32 v35, v37;
	v48 =	vadd.f32 $-1.973118020e+01, v38  }
0x199: {  	v36 =	vmul.f32 v36, v39;
	v53 =	vadd.f32 $-1.973118020e+01, v49;
	v54 =	vmul.f32 v50, v42  }
0x19a: {  	v44 =	vperm.xlane v29, v14;
	v60 =	vadd.f32 v46, v58;
	v31 =	vadd.f32 v35, v31  }
0x19b: {  	v52 =	vmul.f32 v48, v40;
	v36 =	vadd.f32 $-1.973118020e+01, v36;
	v38 =	vadd.f32 $6.467359160e+01, v54  }
0x19c: {  	v37 =	vmul.f32 v53, v41;
	v61 =	vadd.f32 $1.258291200e+07, v60;
	v40 =	vadd.f32 v46, v62  }
0x19d: {  	v29 =	vperm.xlane v29, v15;
	v41 =	vadd.f32 v46, v47;
	v35 =	vadd.f32 $9.999616140e-01, v52  }
0x19e: {  	v36 =	vmul.f32 v36, v39;
	v37 =	vadd.f32 $9.999616140e-01, v37;
	v39 =	vsub.f32 v51, v57  }
0x19f: {  	v38 =	vmul.f32 v38, v42;
	v48 =	vadd.f32 $1.258291200e+07, v40;
	v49 =	vadd.f32 $1.258291200e+07, v41  }
0x1a0: {  	v35 =	vmul.f32 v35, v56;
	v36 =	vadd.f32 $9.999616140e-01, v36;
	v59 =	vmul.f32 v37, v56  }
0x1a1: {  	v38 =	vadd.f32 $-1.973118020e+01, v38;
	v39 =	vmul.f32 v39, v39;
	v37 =	vadd.f32 $-1.258291200e+07, v48  }
0x1a2: {  	v52 =	vadd.f32 $-1.258291200e+07, v49;
	v34 =	vadd.f32 v35, v34;
	v36 =	vmul.f32 v36, v56  }
0x1a3: {  	v63 =	vmul.f32 v38, v42;
	v45 =	vmul.f32 $4.556412510e+01, v39;
	v35 =	vadd.f32 $-1.258291200e+07, v61  }
0x1a4: {  	v42 =	vperm.xlane v30, v14;
	v37 =	vsub.f32 v40, v37;
	v40 =	vsub.f32 v41, v52  }
0x1a5: {  	v47 =	vperm.xlane v28, v13;
	v32 =	vadd.f32 v36, v32;
	v36 =	vadd.f32 $9.999616140e-01, v63  }
0x1a6: {  	v38 =	vadd.f32 $-8.238470460e+01, v45;
	v50 =	vmul.f32 v42, v24;
	v37 =	vmul.f32 v37, v37  }
0x1a7: {  	v35 =	vsub.f32 v60, v35;
	v57 =	vmul.f32 v42, v25;
	v40 =	vmul.f32 v40, v40  }
0x1a8: {  	v33 =	vadd.f32 v59, v33;
	v36 =	vmul.f32 v36, v56;
	v38 =	vmul.f32 v38, v39  }
0x1a9: {  	v35 =	vmul.f32 v35, v35;
	v53 =	vadd.f32 v44, v50;
	v58 =	vmul.f32 $4.556412510e+01, v37  }
0x1aa: {  	v59 =	vadd.f32 v44, v57;
	v61 =	vmul.f32 $4.556412510e+01, v40;
	v38 =	vadd.f32 $6.467359160e+01, v38  }
0x1ab: {  	v51 =	vmul.f32 $4.556412510e+01, v35;
	v31 =	vadd.f32 v36, v31;
	v56 =	vadd.f32 $1.258291200e+07, v53  }
0x1ac: {  	v30 =	vperm.xlane v30, v15;
	v60 =	vadd.f32 $-8.238470460e+01, v58;
	v46 =	vadd.f32 $-8.238470460e+01, v61  }
0x1ad: {  	v62 =	vadd.f32 $1.258291200e+07, v59;
	v54 =	vmul.f32 v38, v39;
	v55 =	vadd.f32 $-8.238470460e+01, v51  }
0x1ae: {  	v41 =	vadd.f32 $-1.258291200e+07, v56;
	v45 =	vmul.f32 v60, v37;
	v46 =	vmul.f32 v46, v40  }
0x1af: {  	v43 =	vadd.f32 $-1.258291200e+07, v62;
	v56 =	vmul.f32 v42, v26;
	v42 =	vmul.f32 v42, v27  }
0x1b0: {  	v36 =	vadd.f32 $-1.973118020e+01, v54;
	v38 =	vmul.f32 v55, v35;
	v41 =	vsub.f32 v53, v41  }
0x1b1: {  	v51 =	vmul.f32 v30, v24;
	v45 =	vadd.f32 $6.467359160e+01, v45;
	v54 =	vadd.f32 $6.467359160e+01, v46  }
0x1b2: {  	v36 =	vmul.f32 v36, v39;
	v38 =	vadd.f32 $6.467359160e+01, v38;
	v41 =	vmul.f32 v41, v41  }
0x1b3: {  	v52 =	vsub.f32 v59, v43;
	v53 =	vmul.f32 v45, v37;
	v43 =	vmul.f32 v54, v40  }
0x1b4: {  	v54 =	vadd.f32 v29, v51;
	v36 =	vadd.f32 $9.999616140e-01, v36;
	v38 =	vmul.f32 v38, v35  }
0x1b5: {  	v63 =	vmul.f32 $4.556412510e+01, v41;
	v39 =	vadd.f32 $-1.973118020e+01, v53;
	v43 =	vadd.f32 $-1.973118020e+01, v43  }
0x1b6: {  	v53 =	vmul.f32 v30, v26;
	v38 =	vadd.f32 $-1.973118020e+01, v38;
	v36 =	vmul.f32 v36, v47  }
0x1b7: {  	v55 =	vadd.f32 $-8.238470460e+01, v63;
	v37 =	vmul.f32 v39, v37;
	v60 =	vmul.f32 v43, v40  }
0x1b8: {  	v63 =	vadd.f32 v44, v42;
	v35 =	vmul.f32 v38, v35;
	v34 =	vadd.f32 v36, v34  }
0x1b9: {  	v36 =	vmul.f32 v52, v52;
	v45 =	vmul.f32 v55, v41;
	v38 =	vadd.f32 v44, v56  }
0x1ba: {  	v37 =	vadd.f32 $9.999616140e-01, v37;
	v48 =	vadd.f32 $1.258291200e+07, v63;
	v52 =	vmul.f32 v30, v25  }
0x1bb: {  	v30 =	vmul.f32 v30, v27;
	v56 =	vadd.f32 v29, v53;
	v35 =	vadd.f32 $9.999616140e-01, v35  }
0x1bc: {  	v57 =	vmul.f32 $4.556412510e+01, v36;
	v45 =	vadd.f32 $6.467359160e+01, v45;
	v59 =	vadd.f32 $1.258291200e+07, v38  }
0x1bd: {  	v37 =	vmul.f32 v37, v47;
	v55 =	vadd.f32 v29, v52;
	v29 =	vadd.f32 v29, v30  }
0x1be: {  	v35 =	vmul.f32 v35, v47;
	v58 =	vadd.f32 $-8.238470460e+01, v57;
	v62 =	vadd.f32 $-1.258291200e+07, v59  }
0x1bf: {  	v61 =	vmul.f32 v45, v41;
	v32 =	vadd.f32 v37, v32;
	v57 =	vadd.f32 $1.258291200e+07, v54  }
0x1c0: {  	v59 =	vadd.f32 $1.258291200e+07, v56;
	v33 =	vadd.f32 v35, v33  }
0x1c1: {  	v35 =	vadd.f32 $9.999616140e-01, v60;
	v40 =	vadd.f32 $-1.973118020e+01, v61  }
0x1c2: {  	v39 =	vmul.f32 v58, v36;
	v38 =	vsub.f32 v38, v62;
	v58 =	vadd.f32 $1.258291200e+07, v55  }
0x1c3: {  	v60 =	vadd.f32 $-1.258291200e+07, v57;
	v61 =	vadd.f32 $1.258291200e+07, v29  }
0x1c4: {  	v46 =	vadd.f32 $-1.258291200e+07, v59;
	v39 =	vadd.f32 $6.467359160e+01, v39  }
0x1c5: {  	v35 =	vmul.f32 v35, v47;
	v40 =	vmul.f32 v40, v41;
	v45 =	vadd.f32 $-1.258291200e+07, v58  }
0x1c6: {  	v38 =	vmul.f32 v38, v38;
	v62 =	vadd.f32 $-1.258291200e+07, v61;
	v43 =	vsub.f32 v56, v46  }
0x1c7: {  	v47 =	vmul.f32 v39, v36;
	v31 =	vadd.f32 v35, v31;
	v49 =	vadd.f32 $9.999616140e-01, v40  }
0x1c8: {  	v30 =	vperm.xlane v28, v14;
	v35 =	vadd.f32 $-1.258291200e+07, v48;
	v42 =	vsub.f32 v55, v45  }
0x1c9: {  	v50 =	vmul.f32 $4.556412510e+01, v38;
	v29 =	vsub.f32 v29, v62;
	v37 =	vadd.f32 $-1.973118020e+01, v47  }
0x1ca: {  	v35 =	vsub.f32 v63, v35;
	v39 =	vmul.f32 v49, v30;
	v48 =	vmul.f32 v42, v42  }
0x1cb: {  	v40 =	vadd.f32 $-8.238470460e+01, v50;
	v49 =	vmul.f32 v43, v43;
	v29 =	vmul.f32 v29, v29  }
0x1cc: {  	v36 =	vmul.f32 v37, v36;
	v35 =	vmul.f32 v35, v35;
	v37 =	vsub.f32 v54, v60  }
0x1cd: {  	v40 =	vmul.f32 v40, v38;
	v52 =	vmul.f32 $4.556412510e+01, v48  }
0x1ce: {  	v53 =	vmul.f32 $4.556412510e+01, v49;
	v37 =	vmul.f32 v37, v37  }
0x1cf: {  	v34 =	vadd.f32 v39, v34;
	v54 =	vmul.f32 $4.556412510e+01, v29;
	v63 =	vmul.f32 $4.556412510e+01, v35  }
0x1d0: {  	v40 =	vadd.f32 $6.467359160e+01, v40;
	v44 =	vadd.f32 $-8.238470460e+01, v52;
	v51 =	vmul.f32 $4.556412510e+01, v37  }
0x1d1: {  	v45 =	vadd.f32 $-8.238470460e+01, v53;
	v50 =	vadd.f32 $-8.238470460e+01, v63  }
0x1d2: {  	v46 =	vadd.f32 $-8.238470460e+01, v54;
	v40 =	vmul.f32 v40, v38;
	v43 =	vadd.f32 $-8.238470460e+01, v51  }
0x1d3: {  	v36 =	vadd.f32 $9.999616140e-01, v36;
	v44 =	vmul.f32 v44, v48;
	v42 =	vmul.f32 v50, v35  }
0x1d4: {  	v45 =	vmul.f32 v45, v49;
	v40 =	vadd.f32 $-1.973118020e+01, v40;
	v43 =	vmul.f32 v43, v37  }
0x1d5: {  	v46 =	vmul.f32 v46, v29;
	v55 =	vadd.f32 $6.467359160e+01, v44;
	v42 =	vadd.f32 $6.467359160e+01, v42  }
0x1d6: {  	v36 =	vmul.f32 v36, v30;
	v56 =	vadd.f32 $6.467359160e+01, v45;
	v43 =	vadd.f32 $6.467359160e+01, v43  }
0x1d7: {  	v57 =	vadd.f32 $6.467359160e+01, v46;
	v38 =	vmul.f32 v40, v38;
	v42 =	vmul.f32 v42, v35  }
0x1d8: {  	v33 =	vadd.f32 v36, v33;
	v40 =	vmul.f32 v55, v48;
	v43 =	vmul.f32 v43, v37  }
0x1d9: {  	v44 =	vmul.f32 v56, v49;
	v59 =	vmul.f32 v57, v29;
	v42 =	vadd.f32 $-1.973118020e+01, v42  }
0x1da: {  	v28 =	vperm.xlane v28, v15;
	v40 =	vadd.f32 $-1.973118020e+01, v40;
	v58 =	vadd.f32 $-1.973118020e+01, v43  }
0x1db: {  	v44 =	vadd.f32 $-1.973118020e+01, v44;
	v60 =	vadd.f32 $-1.973118020e+01, v59;
	v35 =	vmul.f32 v42, v35  }
0x1dc: {  	v38 =	vadd.f32 $9.999616140e-01, v38;
	v61 =	vmul.f32 v40, v48;
	v37 =	vmul.f32 v58, v37  }
0x1dd: {  	v62 =	vmul.f32 v44, v49;
	v29 =	vmul.f32 v60, v29;
	v35 =	vadd.f32 $9.999616140e-01, v35  }
0x1de: {  	p0 =	sne.s32 s11, $0x1C0;
	v38 =	vmul.f32 v38, v30;
	v36 =	vadd.f32 $9.999616140e-01, v61;
	v37 =	vadd.f32 $9.999616140e-01, v37  }
.Ltmp0:
0x1df: {  	v63 =	vadd.f32 $9.999616140e-01, v62;
	v29 =	vadd.f32 $9.999616140e-01, v29;
	v30 =	vmul.f32 v35, v30;
	(pc) =	sbr.rel @p0 .LBB3_2-.Ltmp0, $4  }
0x1e0: {  	v32 =	vadd.f32 v38, v32;
	v36 =	vmul.f32 v36, v28;
	v37 =	vmul.f32 v37, v28  }
0x1e1: {  	v30 =	vadd.f32 v30, v31;
	v31 =	vmul.f32 v63, v28;
	v28 =	vmul.f32 v29, v28  }
0x1e2: {  	v33 =	vadd.f32 v36, v33;
	v34 =	vadd.f32 v37, v34  }
0x1e3: {  	s11 =	sadd.s32 $0x40, s11;
	v32 =	vadd.f32 v31, v32;
	v31 =	vadd.f32 v28, v30  }
0x1e4: {  	v22 =	vmul.f32 v22, v22;
	v23 =	vmul.f32 v23, v23;
	_ =	sdelay $0x1  }
0x1e5: {  	v21 =	vmul.f32 v21, v21;
	v22 =	vadd.f32 v23, v22;
	_ =	sdelay $0x1  }
0x1e6: {  	v20 =	vmul.f32 v20, v20;
	v21 =	vadd.f32 v21, v22;
	_ =	sdelay $0x1  }
0x1e7: {  	v19 =	vmul.f32 v19, v19;
	v20 =	vadd.f32 v20, v21;
	_ =	sdelay $0x1  }
0x1e8: {  	v18 =	vmul.f32 v18, v18;
	v19 =	vadd.f32 v19, v20;
	_ =	sdelay $0x1  }
0x1e9: {  	v17 =	vmul.f32 v17, v17;
	v18 =	vadd.f32 v18, v19;
	_ =	sdelay $0x1  }
0x1ea: {  	v16 =	vmul.f32 v16, v16;
	v17 =	vadd.f32 v17, v18;
	_ =	sdelay $0x1  }
0x1eb: {  	v16 =	vadd.f32 v16, v17;
	_ =	sdelay $0x1  }
0x1ec: {  	(xrf2) =	vadd.scan.msk.f32 $0xffff, v16;
	_ =	sdelay $0x9  }
0x1ed: {  	v16, _, _ =	vpop (xrf2)  }
0x1ee: {  	v16 =	vadd.f32 $0.0e+00, v16;
	_ =	sdelay $0x1  }
0x1ef: {  	v16 =	vbroadcast v16, $0xF;
	_ =	sdelay $0x1  }
0x1f0: {  	v17 =	vshrl.u32 v16, $0x1;
	v29 =	vmul.f32 $5.000000000e-01, v16  }
0x1f1: {  	v17 =	vsub.s32 $0x5F3759DF, v17  }
0x1f2: {  	v30 =	vmul.f32 v17, v29;
	_ =	sdelay $0x1  }
0x1f3: {  	v19 =	vmul.f32 v17, v30;
	_ =	sdelay $0x1  }
0x1f4: {  	v19 =	vsub.f32 $1.500000000e+00, v19;
	_ =	sdelay $0x1  }
0x1f5: {  	v17 =	vmul.f32 v17, v19;
	_ =	sdelay $0x1  }
0x1f6: {  	v19 =	vmul.f32 v17, v29;
	_ =	sdelay $0x1  }
0x1f7: {  	v19 =	vmul.f32 v19, v17;
	_ =	sdelay $0x1  }
0x1f8: {  	v19 =	vsub.f32 $1.500000000e+00, v19;
	_ =	sdelay $0x1  }
0x1f9: {  	v17 =	vmul.f32 v19, v17;
	_ =	sdelay $0x1  }
0x1fa: {  	v18 =	vmul.f32 v17, v29;
	_ =	sdelay $0x1  }
0x1fb: {  	v18 =	vmul.f32 v18, v17;
	_ =	sdelay $0x1  }
0x1fc: {  	v18 =	vsub.f32 $1.500000000e+00, v18;
	_ =	sdelay $0x1  }
0x1fd: {  	v17 =	vmul.f32 v18, v17;
	_ =	sdelay $0x1  }
0x1fe: {  	v16 =	vmul.f32 v17, v16;
	_ =	sdelay $0x1  }
0x1ff: {  	v16 =	vadd.f32 $1.131370900e-03, v16;
	_ =	sdelay $0x1  }
0x200: {  	(erf) = vrcp.f32 v16;
	_ =	sdelay $0x8  }
0x201: {  	v16 =	vpop (erf)  }
0x202: {  	v16 =	vmul.f32 $1.414213540e+00, v16;
	_ =	sdelay $0x1  }
0x203: {  	_ =	swait.ge [sflag:s4], $0x40;
	v17 =	vmul.f32 v34, v16  }
0x204: {  	[sflag:s4] =	ssyncset.done $0x0;
	v35 =	vmul.f32 v33, v16  }
0x205: {  	[sflag:s4] =	ssyncadd.s32 $0xFFFFFFC0;
	v37 =	vmul.f32 v32, v16;
	v34 =	vsub.f32 $0.0e+00, v17  }
0x206: {  	v16 =	vmul.f32 v31, v16;
	_ =	swait.ge [sflag:s22], $0x40;
	v36 =	vsub.f32 $0.0e+00, v35  }
0x207: {  	v39 =	vsub.f32 $0.0e+00, v37;
	[sflag:s22] =	ssyncset.done $0x0;
	v18 =	vmul.f32 $1.442695020e+00, v34  }
0x208: {  	v41 =	vsub.f32 $0.0e+00, v16;
	[sflag:s22] =	ssyncadd.s32 $0xFFFFFFC0;
	v38 =	vmul.f32 $1.442695020e+00, v36  }
0x209: {  	v40 =	vmul.f32 $1.442695020e+00, v39;
	v44 =	vld [tilespmem:$0xF00];
	(erf) = vpow2.f32 v18  }
0x20a: {  	v42 =	vmul.f32 $1.442695020e+00, v41;
	(erf) = vpow2.f32 v38  }
0x20b: {  	v46 =	vld [tilespmem:$0xF10];
	(erf) = vpow2.f32 v40  }
0x20c: {  	v49 =	vld [tilespmem:$0xF30];
	(erf) = vpow2.f32 v42  }
0x20d: {  	v47 =	vld [tilespmem:$0xF20]  }
0x20e: {  	v43 =	vld [tilespmem:$0xE80];
	v17 =	vmul.f32 v44, v17  }
0x20f: {  	v45 =	vld [tilespmem:$0xE90]  }
0x210: {  	v25 =	vld [tilespmem:$0xEA0];
	[tilespmem:$0x1000] =	vst v17;
	v17 =	vmul.f32 v46, v35  }
0x211: {  	v48 =	vld [tilespmem:$0xEB0];
	v16 =	vmul.f32 v49, v16  }
0x212: {  	[tilespmem:$0x1010] =	vst v17;
	v17 =	vmul.f32 v47, v37;
	v24 =	vpop (erf)  }
0x213: {  	[tilespmem:$0x1030] =	vst v16;
	v20 =	vmul.f32 v43, v24;
	v26 =	vpop (erf)  }
0x214: {  	[tilespmem:$0x1020] =	vst v17;
	v18 =	vmul.f32 v45, v26;
	v50 =	vpop (erf)  }
0x215: {  	[tilespmem:$0xF80] =	vst v20;
	v51 =	vmul.f32 v25, v50;
	v52 =	vpop (erf)  }
0x216: {  	[tilespmem:$0xF90] =	vst v18;
	v53 =	vmul.f32 v48, v52  }
0x217: {  	[tilespmem:$0xFA0] =	vst v51  }
0x218: {  	s11 =	simm.s32 $0xF80;
	[tilespmem:$0xFB0] =	vst v53  }
0x219: {  	[spmem:s15] =	stream.linear.scatter [tilespmem:s11], [sflag:$0x11], $0x40, $0x38;
	[tilespmem:$0x1100] =	vst v63  }
0x21a: {  	_ =	swait.ge [sflag:s24], $0x40  }
0x21b: {  	[sflag:s24] =	ssyncset.done $0x0  }
0x21c: {  	s12 =	simm.s32 $0x1000;
	[sflag:s24] =	ssyncadd.s32 $0xFFFFFFC0  }
0x21d: {  	[spmem:s16] =	stream.linear.scatter [tilespmem:s12], [sflag:$0x11], $0x40, $0x38;
	[tilespmem:$0x1100] =	vst v63  }
0x21e: {  	_ =	swait.ge [sflag:s24], $0x40  }
0x21f: {  	[sflag:s24] =	ssyncset.done $0x0  }
0x220: {  	[sflag:s24] =	ssyncadd.s32 $0xFFFFFFC0  }
0x221: {  	_ =	swait.ge [sflag:s26], $0x200  }
0x222: {  	[sflag:s26] =	ssyncset.done $0x0  }
0x223: {  	[sflag:s26] =	ssyncadd.s32 $0xFFFFFE00  }
0x224: {  	[bflag:$0x0] =	sbarrier.arrive $0xFFFF  }
0x225: {  	s12 =	simm.s32 $0x400;
	s11 =	rddreg [dreg:$0xc]  }
0x226: {  	[tilespmem:s12], [sflag:$0xB] =	stream.indirect.gather [spmem:s11], $0x1, s8, s31, $0xb8;
	[tilespmem:$0x1100] =	vst v63  }
0x227: {  	s11 =	rddreg [dreg:$0xd];
	s12 =	simm.s32 $0x600  }
0x228: {  	[tilespmem:s12], [sflag:$0xC] =	stream.indirect.gather [spmem:s11], $0x1, s8, s31, $0xb8;
	[tilespmem:$0x1100] =	vst v63  }
0x229: {  	_ =	swait.ge [sflag:s30], $0x200  }
0x22a: {  	[sflag:s30] =	ssyncset.done $0x0  }
0x22b: {  	[sflag:s30] =	ssyncadd.s32 $0xFFFFFE00  }
0x22c: {  	_ =	swait.ge [sflag:s6], $0x200  }
0x22d: {  	[sflag:s6] =	ssyncset.done $0x0  }
0x22e: {  	[sflag:s6] =	ssyncadd.s32 $0xFFFFFE00  }
0x22f: {  	_ =	swait.ge [sflag:s7], $0x200  }
0x230: {  	[sflag:s7] =	ssyncset.done $0x0  }
0x231: {  	[sflag:s7] =	ssyncadd.s32 $0xFFFFFE00  }
0x232: {  	v16 =	vld [tilespmem:$0x200]  }
0x233: {  	v17 =	vld [tilespmem:$0x400]  }
0x234: {  	v54 =	vld [tilespmem:$0x600]  }
0x235: {  	v55 =	vld [tilespmem:$0x210]  }
0x236: {  	v56 =	vld [tilespmem:$0x410]  }
0x237: {  	v57 =	vld [tilespmem:$0x610]  }
0x238: {  	v58 =	vld [tilespmem:$0x220]  }
0x239: {  	v59 =	vld [tilespmem:$0x420]  }
0x23a: {  	v60 =	vld [tilespmem:$0x620]  }
0x23b: {  	v61 =	vld [tilespmem:$0x230]  }
0x23c: {  	v62 =	vld [tilespmem:$0x430]  }
0x23d: {  	v27 =	vld [tilespmem:$0x630]  }
0x23e: {  	v28 =	vld [tilespmem:$0x240]  }
0x23f: {  	v29 =	vld [tilespmem:$0x440]  }
0x240: {  	v30 =	vld [tilespmem:$0x640]  }
0x241: {  	v63 =	vld [tilespmem:$0x250]  }
0x242: {  	v40 =	vld [tilespmem:$0x450]  }
0x243: {  	v41 =	vld [tilespmem:$0x650]  }
0x244: {  	v42 =	vld [tilespmem:$0x260]  }
0x245: {  	v35 =	vld [tilespmem:$0x460]  }
0x246: {  	v36 =	vld [tilespmem:$0x660]  }
0x247: {  	v37 =	vld [tilespmem:$0x470]  }
0x248: {  	v50 =	vld [tilespmem:$0x290];
	v16 =	vmul.f32 v17, v16  }
0x249: {  	v51 =	vld [tilespmem:$0x490];
	v19 =	vmul.f32 v56, v55  }
0x24a: {  	v43 =	vld [tilespmem:$0x670];
	v45 =	vmul.f32 v59, v58;
	[tilespmem:$0xA00] =	vst v16  }
0x24b: {  	v46 =	vld [tilespmem:$0x480];
	v49 =	vmul.f32 v62, v61;
	[tilespmem:$0xA10] =	vst v19  }
0x24c: {  	v47 =	vld [tilespmem:$0x680];
	v53 =	vmul.f32 v29, v28;
	[tilespmem:$0xA20] =	vst v45  }
0x24d: {  	v34 =	vld [tilespmem:$0x6B0];
	v61 =	vmul.f32 v35, v42;
	[tilespmem:$0xA30] =	vst v49  }
0x24e: {  	v17 =	vld [tilespmem:$0x270];
	v39 =	vmul.f32 v51, v50;
	[tilespmem:$0xA40] =	vst v53  }
0x24f: {  	v55 =	vld [tilespmem:$0x2A0];
	v18 =	vadd.f32 v54, v16;
	[tilespmem:$0xA60] =	vst v61  }
0x250: {  	v58 =	vld [tilespmem:$0x4A0];
	v44 =	vadd.f32 v57, v19;
	[tilespmem:$0xA90] =	vst v39  }
0x251: {  	v59 =	vld [tilespmem:$0x6A0];
	v48 =	vadd.f32 v60, v45;
	[tilespmem:$0x800] =	vst v18  }
0x252: {  	v62 =	vld [tilespmem:$0x2B0];
	v52 =	vadd.f32 v27, v49;
	[tilespmem:$0x810] =	vst v44  }
0x253: {  	v35 =	vld [tilespmem:$0x2C0];
	v56 =	vadd.f32 v30, v53;
	[tilespmem:$0x820] =	vst v48  }
0x254: {  	v50 =	vld [tilespmem:$0x2F0];
	v57 =	vmul.f32 v40, v63;
	[tilespmem:$0x830] =	vst v52  }
0x255: {  	v16 =	vld [tilespmem:$0x280];
	v33 =	vadd.f32 v36, v61;
	[tilespmem:$0x840] =	vst v56  }
0x256: {  	v54 =	vld [tilespmem:$0x690];
	v60 =	vadd.f32 v41, v57;
	[tilespmem:$0xA50] =	vst v57  }
0x257: {  	v63 =	vld [tilespmem:$0x4B0];
	[tilespmem:$0x860] =	vst v33;
	v17 =	vmul.f32 v37, v17  }
0x258: {  	v40 =	vld [tilespmem:$0x2D0];
	v42 =	vmul.f32 v58, v55;
	[tilespmem:$0x850] =	vst v60  }
0x259: {  	v44 =	vld [tilespmem:$0x2E0];
	v36 =	vadd.f32 v43, v17;
	[tilespmem:$0xA70] =	vst v17  }
0x25a: {  	v37 =	vld [tilespmem:$0x4C0];
	v16 =	vmul.f32 v46, v16;
	[tilespmem:$0xAA0] =	vst v42  }
0x25b: {  	v17 =	vld [tilespmem:$0x6C0];
	v41 =	vadd.f32 v54, v39;
	[tilespmem:$0x870] =	vst v36  }
0x25c: {  	v45 =	vadd.f32 v59, v42;
	v38 =	vadd.f32 v47, v16;
	[tilespmem:$0xA80] =	vst v16;
	v16 =	vld [tilespmem:$0x4D0]  }
0x25d: {  	v43 =	vld [tilespmem:$0x6D0];
	v46 =	vmul.f32 v63, v62;
	[tilespmem:$0x890] =	vst v41  }
0x25e: {  	v47 =	vld [tilespmem:$0x4E0];
	[tilespmem:$0x8A0] =	vst v45  }
0x25f: {  	v51 =	vld [tilespmem:$0x4F0];
	v49 =	vadd.f32 v34, v46;
	[tilespmem:$0xAB0] =	vst v46;
	v20 =	vmul.f32 v37, v35  }
0x260: {  	v48 =	vld [tilespmem:$0x6E0];
	[tilespmem:$0x880] =	vst v38  }
0x261: {  	[tilespmem:$0x8B0] =	vst v49;
	v17 =	vadd.f32 v17, v20;
	v16 =	vmul.f32 v16, v40  }
0x262: {  	v52 =	vld [tilespmem:$0x6F0];
	[tilespmem:$0xAC0] =	vst v20  }
0x263: {  	[tilespmem:$0x8C0] =	vst v17;
	v19 =	vmul.f32 v47, v44;
	v17 =	vadd.f32 v43, v16  }
0x264: {  	[tilespmem:$0xAD0] =	vst v16  }
0x265: {  	v16 =	vadd.f32 v48, v19;
	[tilespmem:$0x8D0] =	vst v17;
	v17 =	vmul.f32 v51, v50  }
0x266: {  	[tilespmem:$0xAE0] =	vst v19  }
0x267: {  	[tilespmem:$0x8E0] =	vst v16;
	v16 =	vadd.f32 v52, v17  }
0x268: {  	[tilespmem:$0xAF0] =	vst v17  }
0x269: {  	s12 =	simm.s32 $0x800;
	[tilespmem:$0x8F0] =	vst v16  }
0x26a: {  	[hbm4b:s17+s8] =	stream.linear.scatter [tilespmem:s12], [sflag:$0xD], $0x100, $0x38;
	[tilespmem:$0x1100] =	vst v63  }
0x26b: {  	s12 =	simm.s32 $0xA00  }
0x26c: {  	[hbm4b:s18+s8] =	stream.linear.scatter [tilespmem:s12], [sflag:$0xF], $0x100, $0x38;
	[tilespmem:$0x1100] =	vst v63  }
0x26d: {  	v16 =	vld [tilespmem:$0x300]  }
0x26e: {  	v17 =	vld [tilespmem:$0x500]  }
0x26f: {  	v53 =	vld [tilespmem:$0x700]  }
0x270: {  	v54 =	vld [tilespmem:$0x310]  }
0x271: {  	v55 =	vld [tilespmem:$0x510]  }
0x272: {  	v56 =	vld [tilespmem:$0x710]  }
0x273: {  	v57 =	vld [tilespmem:$0x320]  }
0x274: {  	v58 =	vld [tilespmem:$0x520]  }
0x275: {  	v59 =	vld [tilespmem:$0x720]  }
0x276: {  	v60 =	vld [tilespmem:$0x330]  }
0x277: {  	v61 =	vld [tilespmem:$0x530]  }
0x278: {  	v62 =	vld [tilespmem:$0x730]  }
0x279: {  	v63 =	vld [tilespmem:$0x340]  }
0x27a: {  	v40 =	vld [tilespmem:$0x540]  }
0x27b: {  	v41 =	vld [tilespmem:$0x740]  }
0x27c: {  	v42 =	vld [tilespmem:$0x350]  }
0x27d: {  	v43 =	vld [tilespmem:$0x550]  }
0x27e: {  	v44 =	vld [tilespmem:$0x750]  }
0x27f: {  	v45 =	vld [tilespmem:$0x360]  }
0x280: {  	v46 =	vld [tilespmem:$0x560]  }
0x281: {  	v47 =	vld [tilespmem:$0x760]  }
0x282: {  	v48 =	vld [tilespmem:$0x570]  }
0x283: {  	v49 =	vld [tilespmem:$0x770];
	v16 =	vmul.f32 v17, v16  }
0x284: {  	v52 =	vld [tilespmem:$0x580];
	v19 =	vmul.f32 v55, v54  }
0x285: {  	v38 =	vld [tilespmem:$0x5A0];
	v51 =	vmul.f32 v58, v57;
	[tilespmem:$0xB00] =	vst v16  }
0x286: {  	v39 =	vld [tilespmem:$0x7A0];
	v55 =	vmul.f32 v61, v60;
	[tilespmem:$0xB10] =	vst v19  }
0x287: {  	v17 =	vld [tilespmem:$0x370];
	v18 =	vadd.f32 v53, v16;
	[tilespmem:$0xB20] =	vst v51  }
0x288: {  	v57 =	vld [tilespmem:$0x590];
	v50 =	vadd.f32 v56, v19;
	[tilespmem:$0xB30] =	vst v55  }
0x289: {  	v60 =	vld [tilespmem:$0x790];
	v54 =	vadd.f32 v59, v51;
	[tilespmem:$0x900] =	vst v18  }
0x28a: {  	v61 =	vld [tilespmem:$0x3A0];
	v58 =	vadd.f32 v62, v55;
	[tilespmem:$0x910] =	vst v50  }
0x28b: {  	v16 =	vld [tilespmem:$0x380];
	v59 =	vmul.f32 v40, v63;
	[tilespmem:$0x920] =	vst v54  }
0x28c: {  	v53 =	vld [tilespmem:$0x780];
	v63 =	vmul.f32 v43, v42;
	[tilespmem:$0x930] =	vst v58  }
0x28d: {  	v56 =	vld [tilespmem:$0x390];
	v62 =	vadd.f32 v41, v59;
	[tilespmem:$0xB40] =	vst v59  }
0x28e: {  	v42 =	vld [tilespmem:$0x3B0];
	v40 =	vadd.f32 v44, v63;
	[tilespmem:$0xB50] =	vst v63  }
0x28f: {  	v43 =	vld [tilespmem:$0x5B0];
	v41 =	vmul.f32 v46, v45;
	[tilespmem:$0x940] =	vst v62  }
0x290: {  	v51 =	vld [tilespmem:$0x3D0];
	v17 =	vmul.f32 v48, v17;
	[tilespmem:$0x950] =	vst v40  }
0x291: {  	v55 =	vld [tilespmem:$0x3E0];
	v44 =	vadd.f32 v47, v41;
	[tilespmem:$0xB60] =	vst v41  }
0x292: {  	v45 =	vld [tilespmem:$0x7B0];
	v47 =	vadd.f32 v49, v17;
	[tilespmem:$0xB70] =	vst v17  }
0x293: {  	v46 =	vld [tilespmem:$0x3C0];
	v16 =	vmul.f32 v52, v16;
	[tilespmem:$0x960] =	vst v44  }
0x294: {  	v58 =	vld [tilespmem:$0x5E0];
	v50 =	vmul.f32 v57, v56;
	[tilespmem:$0x970] =	vst v47  }
0x295: {  	v48 =	vld [tilespmem:$0x5C0];
	v57 =	vmul.f32 v43, v42;
	[tilespmem:$0xB80] =	vst v16  }
0x296: {  	v17 =	vld [tilespmem:$0x7C0];
	v49 =	vadd.f32 v53, v16;
	[tilespmem:$0xB90] =	vst v50  }
0x297: {  	v16 =	vld [tilespmem:$0x5D0];
	v52 =	vadd.f32 v60, v50;
	[tilespmem:$0xBB0] =	vst v57  }
0x298: {  	v54 =	vld [tilespmem:$0x7D0];
	v53 =	vmul.f32 v38, v61;
	[tilespmem:$0x980] =	vst v49  }
0x299: {  	v59 =	vld [tilespmem:$0x7E0];
	v60 =	vadd.f32 v45, v57;
	[tilespmem:$0x990] =	vst v52  }
0x29a: {  	v62 =	vld [tilespmem:$0x5F0];
	v19 =	vmul.f32 v58, v55;
	v20 =	vmul.f32 v48, v46;
	[tilespmem:$0xBA0] =	vst v53  }
0x29b: {  	v61 =	vld [tilespmem:$0x3F0];
	[tilespmem:$0x9B0] =	vst v60  }
0x29c: {  	[tilespmem:$0xBE0] =	vst v19;
	v17 =	vadd.f32 v17, v20;
	v16 =	vmul.f32 v16, v51  }
0x29d: {  	v63 =	vld [tilespmem:$0x7F0];
	[tilespmem:$0xBC0] =	vst v20  }
0x29e: {  	[tilespmem:$0x9C0] =	vst v17;
	v17 =	vadd.f32 v54, v16  }
0x29f: {  	v56 =	vadd.f32 v39, v53;
	[tilespmem:$0xBD0] =	vst v16  }
0x2a0: {  	v16 =	vadd.f32 v59, v19;
	[tilespmem:$0x9D0] =	vst v17;
	v17 =	vmul.f32 v62, v61  }
0x2a1: {  	[tilespmem:$0x9A0] =	vst v56  }
0x2a2: {  	[tilespmem:$0x9E0] =	vst v16;
	v16 =	vadd.f32 v63, v17  }
0x2a3: {  	[tilespmem:$0xBF0] =	vst v17  }
0x2a4: {  	s12 =	simm.s32 $0x900;
	[tilespmem:$0x9F0] =	vst v16  }
0x2a5: {  	[hbm4b:s19+s8] =	stream.linear.scatter [tilespmem:s12], [sflag:$0xE], $0x100, $0x38;
	[tilespmem:$0x1100] =	vst v63  }
0x2a6: {  	s12 =	simm.s32 $0xB00  }
0x2a7: {  	[hbm4b:s20+s8] =	stream.linear.scatter [tilespmem:s12], [sflag:$0x10], $0x100, $0x38;
	[tilespmem:$0x1100] =	vst v63  }
0x2a8: {  	_ =	swait.ge [sflag:s23], $0x100  }
0x2a9: {  	[sflag:s23] =	ssyncset.done $0x0  }
0x2aa: {  	[sflag:s23] =	ssyncadd.s32 $0xFFFFFF00  }
0x2ab: {  	_ =	swait.ge [sflag:s25], $0x100  }
0x2ac: {  	[sflag:s25] =	ssyncset.done $0x0  }
0x2ad: {  	s10 =	sadd.s32 $0x1, s10;
	[sflag:s25] =	ssyncadd.s32 $0xFFFFFF00  }
0x2ae: {  	p0 =	sne.s32 s10, s21;
	_ =	swait.ge [sflag:s28], $0x100  }
.Ltmp1:
0x2af: {  	[sflag:s28] =	ssyncset.done $0x0;
	(pc) =	sbr.rel @p0 .LBB3_1-.Ltmp1, $4  }
0x2b0: {  	[sflag:s28] =	ssyncadd.s32 $0xFFFFFF00  }
0x2b1: {  	_ =	swait.ge [sflag:s29], $0x100  }
0x2b2: {  	[sflag:s29] =	ssyncset.done $0x0  }
0x2b3: {  	[sflag:s29] =	ssyncadd.s32 $0xFFFFFF00  }
0x2b4: {  	_ =	sfence.sel $0x180000  }
0x2b5: {  	[bflag:$0x0] =	sbarrier.arrive $0xFFFF  }
0x2b6: {  	_ =	strace $0x90000047  }
0x2b7: {  	s0 =	stileid.u32;
	[bflag:$0x2] =	sbarrier.arrive $0xFFFF  }
0x2b8: {  	p0 =	sne.s32 s0, $0x0;
	s0 =	rddreg [dreg:$0xe]  }
0x2b9: {  	s0 =	sadd.s32 @!p0 $0x100000, s0  }
0x2ba: {  	[sflag:s0] =	ssyncadd.tile.s32 @!p0 $0x1;
	_ =	shalt  }
.Lfunc_end3:
_tile_overlayer_lowered:
.L_overlay_start_3:
0x2bb: {  	(tag) =	ssettag $0x3  }
0x2bc: {  	s0 =	rddreg [dreg:$0x0];
	s2 =	stileid.u32  }
0x2bd: {  	s1 =	rddreg [dreg:$0x1];
	p0 =	sne.s32 s2, $0x0  }
0x2be: {  	s3 =	rddreg [dreg:$0x2];
	[bflag:$0x3] =	sbarrier.arrive $0xFFFF;
	s2 =	simm.s32 @!p0 $0x1C11  }
0x2bf: {  	[timem:s3], [sflag:s2] =	dma.local @!p0 [hbm:s0], s1  }
0x2c0: {  	s0 =	simm.s32 @!p0 $0x11  }
0x2c1: {  	_ =	swait.ge @!p0 [sflag:s0], s1  }
0x2c2: {  	s1 =	ssub.s32 @!p0 $0x0, s1;
	[sflag:s0] =	ssyncset.done @!p0 $0x0  }
0x2c3: {  	[sflag:s0] =	ssyncadd.s32 @!p0 s1  }
0x2c4: {  	[bflag:$0x3] =	sbarrier.arrive $0xFFFF  }
0x2c5: {  	_ =	shalt  }

</sc_bundles>
